<compile_context>
chip_gen: v7x
topology: tpu7x:2x2x1
jax: 0.10.2.dev20260603
libtpu: 0.0.44.dev20260713+nightly
codegen_flags: <defaults>
</compile_context>

<pallas_src>
import jax
import jax.numpy as jnp
from jax import lax
from jax.experimental import pallas as pl
from jax.experimental.pallas import tpu as pltpu
from jax.experimental.pallas import tpu_sc as plsc

SEQ = 2048
BATCH = 16
D = 64
V = 100000
PV = 2049
L = 16
NC = 2
NS = 16
NW = NC * NS
SCALE = 8.0
VECS = SEQ // L
UNROLL = 4


def _emb_body(x_hbm, emb_hbm, pos_hbm, out_hbm,
              row_v, prow_v,
              idx0, pidx0, idx1, pidx1, acc0, acc1,
              xbuf_sh, posbuf_sh, sem_row, sem_in, sem_out):
    cid = lax.axis_index("c")
    sid = lax.axis_index("s")
    wid = cid * NS + sid

    def row_fetch(d):
        return (pltpu.async_copy(emb_hbm.at[d], row_v, sem_row),
                pltpu.async_copy(pos_hbm.at[d], prow_v, sem_row))

    row1 = row_fetch(wid)

    pltpu.sync_copy(x_hbm.at[sid], idx0.at[pl.ds(0, SEQ)])

    def scan_body(k, carry):
        v = idx0[pl.ds(k * L, L)]
        m = jnp.minimum(v, 1)
        cs = plsc.cumsum(m)
        pidx0[pl.ds(k * L, L)] = (cs + carry) * m
        return carry + jnp.max(cs)

    lax.fori_loop(0, VECS, scan_body, jnp.int32(0))
    pltpu.sync_copy(idx0.at[pl.ds(0, SEQ)], xbuf_sh.at[pl.ds(sid * SEQ, SEQ)])
    pltpu.sync_copy(pidx0.at[pl.ds(0, SEQ)],
                    posbuf_sh.at[pl.ds(sid * SEQ, SEQ)])
    plsc.subcore_barrier()

    ibufs = ((idx0, pidx0), (idx1, pidx1))
    abufs = (acc0, acc1)
    PB = 2 * SEQ
    steps = [(r, bp) for r in range(D // NW) for bp in range(BATCH // 2)]

    def prefetch(step, slot):
        _, bp = step
        return (pltpu.async_copy(xbuf_sh.at[pl.ds(bp * PB, PB)],
                                 ibufs[slot][0], sem_in),
                pltpu.async_copy(posbuf_sh.at[pl.ds(bp * PB, PB)],
                                 ibufs[slot][1], sem_in))

    pf = {0: prefetch(steps[0], 0)}
    store_h = {}
    for i, (r, bp) in enumerate(steps):
        p = i % 2
        d = wid + r * NW
        if bp == 0:
            for h in (row1 if r == 0 else row2):
                h.wait()
        for h in pf.pop(i):
            h.wait()
        if i + 1 < len(steps):
            pf[i + 1] = prefetch(steps[i + 1], 1 - p)
        for h in store_h.pop(p, ()):
            h.wait()
        idx_v, pidx_v = ibufs[p]
        acc_v = abufs[p]

        def gat_body(k, _):
            for u in range(UNROLL):
                o = (k * UNROLL + u) * L
                tok = idx_v[pl.ds(o, L)]
                pos = pidx_v[pl.ds(o, L)]
                e = plsc.load_gather(row_v, [tok])
                pe = plsc.load_gather(prow_v, [pos])
                acc_v[pl.ds(o, L)] = e * SCALE + pe
            return 0

        lax.fori_loop(0, 2 * VECS // UNROLL, gat_body, 0)
        store_h[p] = (
            pltpu.async_copy(acc_v.at[pl.ds(0, SEQ)],
                             out_hbm.at[2 * bp, d], sem_out),
            pltpu.async_copy(acc_v.at[pl.ds(SEQ, SEQ)],
                             out_hbm.at[2 * bp + 1, d], sem_out))
        if r == 0 and bp == BATCH // 2 - 1:
            row2 = row_fetch(wid + NW)
    for hs in store_h.values():
        for h in hs:
            h.wait()


def kernel(x, emb_table, pos_table):
    x_t = x.T
    emb_t = emb_table.T
    pos_t = pos_table.T
    mesh = plsc.VectorSubcoreMesh(core_axis_name="c", subcore_axis_name="s")
    out_t = pl.kernel(
        _emb_body,
        out_type=jax.ShapeDtypeStruct((BATCH, D, SEQ), jnp.float32),
        mesh=mesh,
        compiler_params=pltpu.CompilerParams(
            use_tc_tiling_on_sc=True, needs_layout_passes=False),
        scratch_types=[
            pltpu.VMEM((V,), jnp.float32),
            pltpu.VMEM((PV,), jnp.float32),
            pltpu.VMEM((2 * SEQ,), jnp.int32),
            pltpu.VMEM((2 * SEQ,), jnp.int32),
            pltpu.VMEM((2 * SEQ,), jnp.int32),
            pltpu.VMEM((2 * SEQ,), jnp.int32),
            pltpu.VMEM((2 * SEQ,), jnp.float32),
            pltpu.VMEM((2 * SEQ,), jnp.float32),
            pltpu.VMEM_SHARED((BATCH * SEQ,), jnp.int32),
            pltpu.VMEM_SHARED((BATCH * SEQ,), jnp.int32),
            pltpu.SemaphoreType.DMA,
            pltpu.SemaphoreType.DMA,
            pltpu.SemaphoreType.DMA,
        ],
    )(x_t, emb_t, pos_t)
    return out_t.transpose(2, 0, 1)

# --- scband reference (transcript-rebuilt; emitter-appended) ---
"""Pipeline reference for scband-embedding-72129680769524 (READ-ONLY COPY).

The authoritative reference and input builder live on the scoring server;
editing this copy changes nothing except your own understanding.
"""

import math
import jax, jax.numpy as jnp
import numpy as np

NUM_EMBEDDINGS = 100000
EMBEDDING_DIM = 64
MODEL_DIM = 64
PAD_TOKEN_ID = 0
MAX_NUM_EMBEDDINGS = 2048
POS_VOCAB = MAX_NUM_EMBEDDINGS + PAD_TOKEN_ID + 1  # 2049
SEQ_LEN = 2048
BATCH = 16


def setup_inputs(seed: int = 0) -> dict:
    key = jax.random.key(seed)
    k1, k2, k3 = jax.random.split(key, 3)
    x = jax.random.randint(k1, (SEQ_LEN, BATCH), 0, NUM_EMBEDDINGS, dtype=jnp.int64 if jax.config.jax_enable_x64 else jnp.int32).astype(jnp.int32)
    emb_table = jax.random.normal(k2, (NUM_EMBEDDINGS, EMBEDDING_DIM), dtype=jnp.float32) * (EMBEDDING_DIM ** -0.5)
    emb_table = emb_table.at[PAD_TOKEN_ID].set(0.0)
    pos_table = jax.random.normal(k3, (POS_VOCAB, MODEL_DIM), dtype=jnp.float32) * (MODEL_DIM ** -0.5)
    pos_table = pos_table.at[PAD_TOKEN_ID].set(0.0)
    return {"x": x, "emb_table": emb_table, "pos_table": pos_table}


def _make_positions(x, pad_token_id):
    mask = (x != pad_token_id).astype(jnp.int32)
    return (jnp.cumsum(mask, axis=0) * mask).astype(jnp.int32) + pad_token_id


def reference(x, emb_table, pos_table):
    # token embedding lookup (padding_idx row is zero in table) scaled by sqrt(embedding_dim)
    emb = jnp.take(emb_table, x, axis=0) * math.sqrt(EMBEDDING_DIM)
    # embedding_dim == model_dim, so proj_embedding is Identity
    positions = _make_positions(x, PAD_TOKEN_ID)
    pos_emb = jnp.take(pos_table, positions, axis=0)
    emb = emb + pos_emb
    # norm_embeddings=False, dropout=0.0 (eval) -> identity
    return emb

if __name__ == "__main__":
    import jax
    _d = setup_inputs()
    print(jax.jit(kernel)(*tuple(_d.values())))

</pallas_src>

<mosaic_0001>
#map = affine_map<(d0, d1) -> (0, 0)>
#map1 = affine_map<(d0, d1) -> (0, 0, 0)>
module attributes {stable_mosaic.version = 14 : i64} {
  func.func @_emb_body(%arg0: i32, %arg1: i32, %arg2: memref<16x2048xi32, #tpu.memory_space<hbm>>, %arg3: memref<64x100000xf32, #tpu.memory_space<hbm>>, %arg4: memref<64x2049xf32, #tpu.memory_space<hbm>>, %arg5: memref<16x64x2048xf32, #tpu.memory_space<hbm>>, %arg6: memref<100000xf32, #tpu.memory_space<vmem>>, %arg7: memref<2049xf32, #tpu.memory_space<vmem>>, %arg8: memref<4096xi32, #tpu.memory_space<vmem>>, %arg9: memref<4096xi32, #tpu.memory_space<vmem>>, %arg10: memref<4096xi32, #tpu.memory_space<vmem>>, %arg11: memref<4096xi32, #tpu.memory_space<vmem>>, %arg12: memref<4096xf32, #tpu.memory_space<vmem>>, %arg13: memref<4096xf32, #tpu.memory_space<vmem>>, %arg14: memref<32768xi32, #tpu.memory_space<vmem_shared>>, %arg15: memref<32768xi32, #tpu.memory_space<vmem_shared>>, %arg16: memref<!tpu.dma_semaphore, #tpu.memory_space<semaphore_mem>>, %arg17: memref<!tpu.dma_semaphore, #tpu.memory_space<semaphore_mem>>, %arg18: memref<!tpu.dma_semaphore, #tpu.memory_space<semaphore_mem>>) attributes {dimension_semantics = [#tpu.dimension_semantics<core_parallel>, #tpu.dimension_semantics<subcore_parallel>], iteration_bounds = array<i64: 2, 16>, scalar_prefetch = 0 : i64, scratch_operands = 13 : i64, tpu.core_type = #tpu.core_type<sc_vector_subcore>, window_params = [{transform_indices = #map}, {transform_indices = #map}, {transform_indices = #map}, {transform_indices = #map1}]} {
    %mul3A = arith.constant 16 : i32
    %mul3A_0 = arith.muli %arg0, %mul3A : i32
    %add3A = arith.addi %mul3A_0, %arg1 : i32
    %dma_start3A = arith.constant 0 : i32
    %dma_start3A_1 = tpu.memref_slice %arg3[%add3A, %dma_start3A] : memref<64x100000xf32, #tpu.memory_space<hbm>> -> memref<1x100000xf32, #tpu.memory_space<hbm>>
    %dma_start3A_2 = tpu.memref_squeeze %dma_start3A_1 : memref<1x100000xf32, #tpu.memory_space<hbm>> -> memref<100000xf32, #tpu.memory_space<hbm>>
    %dma_start3A_3 = arith.constant 0 : i32
    %dma_start3A_4 = tpu.memref_slice %arg3[%add3A, %dma_start3A_3] : memref<64x100000xf32, #tpu.memory_space<hbm>> -> memref<1x100000xf32, #tpu.memory_space<hbm>>
    %dma_start3A_5 = tpu.memref_squeeze %dma_start3A_4 : memref<1x100000xf32, #tpu.memory_space<hbm>> -> memref<100000xf32, #tpu.memory_space<hbm>>
    tpu.enqueue_dma source(%dma_start3A_5 : memref<100000xf32, #tpu.memory_space<hbm>>) target(%arg6 : memref<100000xf32, #tpu.memory_space<vmem>>) target_semaphore(%arg16 : memref<!tpu.dma_semaphore, #tpu.memory_space<semaphore_mem>>)
    %dma_start3A_6 = arith.constant 0 : i32
    %dma_start3A_7 = tpu.memref_slice %arg4[%add3A, %dma_start3A_6] : memref<64x2049xf32, #tpu.memory_space<hbm>> -> memref<1x2049xf32, #tpu.memory_space<hbm>>
    %dma_start3A_8 = tpu.memref_squeeze %dma_start3A_7 : memref<1x2049xf32, #tpu.memory_space<hbm>> -> memref<2049xf32, #tpu.memory_space<hbm>>
    %dma_start3A_9 = arith.constant 0 : i32
    %dma_start3A_10 = tpu.memref_slice %arg4[%add3A, %dma_start3A_9] : memref<64x2049xf32, #tpu.memory_space<hbm>> -> memref<1x2049xf32, #tpu.memory_space<hbm>>
    %dma_start3A_11 = tpu.memref_squeeze %dma_start3A_10 : memref<1x2049xf32, #tpu.memory_space<hbm>> -> memref<2049xf32, #tpu.memory_space<hbm>>
    tpu.enqueue_dma source(%dma_start3A_11 : memref<2049xf32, #tpu.memory_space<hbm>>) target(%arg7 : memref<2049xf32, #tpu.memory_space<vmem>>) target_semaphore(%arg16 : memref<!tpu.dma_semaphore, #tpu.memory_space<semaphore_mem>>)
    "tpu.region"() ({
      %run_scoped3A = tpu.sem_alloc : memref<!tpu.dma_semaphore, #tpu.memory_space<semaphore_mem>>
      %dma_start3A_1163 = arith.constant 0 : i32
      %dma_start3A_1164 = tpu.memref_slice %arg8[%dma_start3A_1163] : memref<4096xi32, #tpu.memory_space<vmem>> -> memref<2048xi32, #tpu.memory_space<vmem>>
      %dma_start3A_1165 = arith.constant 0 : i32
      %dma_start3A_1166 = tpu.memref_slice %arg2[%arg1, %dma_start3A_1165] : memref<16x2048xi32, #tpu.memory_space<hbm>> -> memref<1x2048xi32, #tpu.memory_space<hbm>>
      %dma_start3A_1167 = tpu.memref_squeeze %dma_start3A_1166 : memref<1x2048xi32, #tpu.memory_space<hbm>> -> memref<2048xi32, #tpu.memory_space<hbm>>
      %dma_start3A_1168 = arith.constant 0 : i32
      %dma_start3A_1169 = tpu.memref_slice %arg8[%dma_start3A_1168] : memref<4096xi32, #tpu.memory_space<vmem>> -> memref<2048xi32, #tpu.memory_space<vmem>>
      %dma_start3A_1170 = arith.constant 0 : i32
      %dma_start3A_1171 = tpu.memref_slice %arg2[%arg1, %dma_start3A_1170] : memref<16x2048xi32, #tpu.memory_space<hbm>> -> memref<1x2048xi32, #tpu.memory_space<hbm>>
      %dma_start3A_1172 = tpu.memref_squeeze %dma_start3A_1171 : memref<1x2048xi32, #tpu.memory_space<hbm>> -> memref<2048xi32, #tpu.memory_space<hbm>>
      tpu.enqueue_dma source(%dma_start3A_1172 : memref<2048xi32, #tpu.memory_space<hbm>>) target(%dma_start3A_1169 : memref<2048xi32, #tpu.memory_space<vmem>>) target_semaphore(%run_scoped3A : memref<!tpu.dma_semaphore, #tpu.memory_space<semaphore_mem>>)
      %dma_wait3A_1173 = arith.constant 0 : i32
      %dma_wait3A_1174 = tpu.memref_slice %arg8[%dma_wait3A_1173] : memref<4096xi32, #tpu.memory_space<vmem>> -> memref<2048xi32, #tpu.memory_space<vmem>>
      %dma_wait3A_1175 = arith.constant 0 : i32
      %dma_wait3A_1176 = tpu.memref_slice %arg2[%arg1, %dma_wait3A_1175] : memref<16x2048xi32, #tpu.memory_space<hbm>> -> memref<1x2048xi32, #tpu.memory_space<hbm>>
      %dma_wait3A_1177 = tpu.memref_squeeze %dma_wait3A_1176 : memref<1x2048xi32, #tpu.memory_space<hbm>> -> memref<2048xi32, #tpu.memory_space<hbm>>
      %dma_wait3A_1178 = arith.constant 0 : i32
      %dma_wait3A_1179 = tpu.memref_slice %arg8[%dma_wait3A_1178] : memref<4096xi32, #tpu.memory_space<vmem>> -> memref<2048xi32, #tpu.memory_space<vmem>>
      %dma_wait3A_1180 = arith.constant 0 : i32
      %dma_wait3A_1181 = tpu.memref_slice %arg2[%arg1, %dma_wait3A_1180] : memref<16x2048xi32, #tpu.memory_space<hbm>> -> memref<1x2048xi32, #tpu.memory_space<hbm>>
      %dma_wait3A_1182 = tpu.memref_squeeze %dma_wait3A_1181 : memref<1x2048xi32, #tpu.memory_space<hbm>> -> memref<2048xi32, #tpu.memory_space<hbm>>
      tpu.wait_dma2 semaphore(%run_scoped3A : memref<!tpu.dma_semaphore, #tpu.memory_space<semaphore_mem>>) src(%dma_wait3A_1182 : memref<2048xi32, #tpu.memory_space<hbm>>) dst(%dma_wait3A_1179 : memref<2048xi32, #tpu.memory_space<vmem>>)
      tpu.yield
    }) : () -> ()
    %scan3A = arith.constant 0 : i32
    %scan3A_12 = arith.constant 0 : i32
    %scan3A_13 = arith.constant 128 : i32
    %scan3A_14 = arith.addi %scan3A_12, %scan3A_13 : i32
    %scan3A_15 = arith.constant 1 : i32
    %scan3A_16 = scf.for %scan3A_1163 = %scan3A_12 to %scan3A_14 step %scan3A_15 iter_args(%scan3A_1164 = %scan3A) -> (i32)  : i32 {
      %mul3A_1165 = arith.constant 16 : i32
      %mul3A_1166 = arith.muli %scan3A_1163, %mul3A_1165 : i32
      %get3A = arith.index_cast %mul3A_1166 : i32 to index
      %get3A_1167 = tpu.vector_load %arg8[%get3A] {strides = array<i32>} : memref<4096xi32, #tpu.memory_space<vmem>>, vector<16xi32>,
      %min3A = arith.constant 1 : i32
      %min3A_1168 = vector.broadcast %min3A : i32 to vector<16xi32>
      %min3A_1169 = arith.minsi %get3A_1167, %min3A_1168 : vector<16xi32>
      %broadcast_in_dim3A = arith.constant true
      %broadcast_in_dim3A_1170 = vector.broadcast %broadcast_in_dim3A : i1 to vector<16xi1>
      %masked_cumsum3A = tpu.scan <sum>, %min3A_1169 masked %broadcast_in_dim3A_1170 : vector<16xi32>, vector<16xi1> -> vector<16xi32>
      %add3A_1171 = vector.broadcast %scan3A_1164 : i32 to vector<16xi32>
      %add3A_1172 = arith.addi %masked_cumsum3A, %add3A_1171 : vector<16xi32>
      %mul3A_1173 = arith.muli %add3A_1172, %min3A_1169 : vector<16xi32>
      %mul3A_1174 = arith.constant 16 : i32
      %mul3A_1175 = arith.muli %scan3A_1163, %mul3A_1174 : i32
      %swap3A = arith.index_cast %mul3A_1175 : i32 to index
      %swap3A_1176 = tpu.vector_load %arg9[%swap3A] {strides = array<i32>} : memref<4096xi32, #tpu.memory_space<vmem>>, vector<16xi32>,
      tpu.vector_store %arg9[%swap3A], %mul3A_1173 {strides = array<i32>} : memref<4096xi32, #tpu.memory_space<vmem>>, vector<16xi32>,
      %reduce_max3A = arith.constant true
      %reduce_max3A_1177 = vector.broadcast %reduce_max3A : i1 to vector<16xi1>
      %reduce_max3A_1178 = arith.constant -2147483648 : i32
      %reduce_max3A_1179 = vector.broadcast %reduce_max3A_1178 : i32 to vector<16xi32>
      %reduce_max3A_1180 = arith.xori %masked_cumsum3A, %reduce_max3A_1179 : vector<16xi32>
      %reduce_max3A_1181 = tpu.scan <max>, %reduce_max3A_1180 masked %reduce_max3A_1177 : vector<16xi32>, vector<16xi1> -> vector<16xi32>
      %reduce_max3A_1182 = arith.xori %reduce_max3A_1181, %reduce_max3A_1179 : vector<16xi32>
      %reduce_max3A_1183 = vector.extract %reduce_max3A_1182[15] : i32 from vector<16xi32>
      %add3A_1184 = arith.addi %scan3A_1164, %reduce_max3A_1183 : i32
      scf.yield %add3A_1184 : i32
    }
    %scan3A_17 = arith.constant 128 : i32
    %mul3A_18 = arith.constant 2048 : i32
    %mul3A_19 = arith.muli %arg1, %mul3A_18 : i32
    "tpu.region"() ({
      %run_scoped3A = tpu.sem_alloc : memref<!tpu.dma_semaphore, #tpu.memory_space<semaphore_mem>>
      %dma_start3A_1163 = arith.constant 0 : i32
      %dma_start3A_1164 = tpu.memref_slice %arg8[%dma_start3A_1163] : memref<4096xi32, #tpu.memory_space<vmem>> -> memref<2048xi32, #tpu.memory_space<vmem>>
      %dma_start3A_1165 = tpu.memref_slice %arg14[%mul3A_19] : memref<32768xi32, #tpu.memory_space<vmem_shared>> -> memref<2048xi32, #tpu.memory_space<vmem_shared>>
      %dma_start3A_1166 = tpu.memref_slice %arg14[%mul3A_19] : memref<32768xi32, #tpu.memory_space<vmem_shared>> -> memref<2048xi32, #tpu.memory_space<vmem_shared>>
      %dma_start3A_1167 = arith.constant 0 : i32
      %dma_start3A_1168 = tpu.memref_slice %arg8[%dma_start3A_1167] : memref<4096xi32, #tpu.memory_space<vmem>> -> memref<2048xi32, #tpu.memory_space<vmem>>
      tpu.enqueue_dma source(%dma_start3A_1168 : memref<2048xi32, #tpu.memory_space<vmem>>) target(%dma_start3A_1166 : memref<2048xi32, #tpu.memory_space<vmem_shared>>) target_semaphore(%run_scoped3A : memref<!tpu.dma_semaphore, #tpu.memory_space<semaphore_mem>>)
      %dma_wait3A_1169 = arith.constant 0 : i32
      %dma_wait3A_1170 = tpu.memref_slice %arg8[%dma_wait3A_1169] : memref<4096xi32, #tpu.memory_space<vmem>> -> memref<2048xi32, #tpu.memory_space<vmem>>
      %dma_wait3A_1171 = tpu.memref_slice %arg14[%mul3A_19] : memref<32768xi32, #tpu.memory_space<vmem_shared>> -> memref<2048xi32, #tpu.memory_space<vmem_shared>>
      %dma_wait3A_1172 = tpu.memref_slice %arg14[%mul3A_19] : memref<32768xi32, #tpu.memory_space<vmem_shared>> -> memref<2048xi32, #tpu.memory_space<vmem_shared>>
      %dma_wait3A_1173 = arith.constant 0 : i32
      %dma_wait3A_1174 = tpu.memref_slice %arg8[%dma_wait3A_1173] : memref<4096xi32, #tpu.memory_space<vmem>> -> memref<2048xi32, #tpu.memory_space<vmem>>
      tpu.wait_dma2 semaphore(%run_scoped3A : memref<!tpu.dma_semaphore, #tpu.memory_space<semaphore_mem>>) src(%dma_wait3A_1174 : memref<2048xi32, #tpu.memory_space<vmem>>) dst(%dma_wait3A_1172 : memref<2048xi32, #tpu.memory_space<vmem_shared>>)
      tpu.yield
    }) : () -> ()
    %mul3A_20 = arith.constant 2048 : i32
    %mul3A_21 = arith.muli %arg1, %mul3A_20 : i32
    "tpu.region"() ({
      %run_scoped3A = tpu.sem_alloc : memref<!tpu.dma_semaphore, #tpu.memory_space<semaphore_mem>>
      %dma_start3A_1163 = arith.constant 0 : i32
      %dma_start3A_1164 = tpu.memref_slice %arg9[%dma_start3A_1163] : memref<4096xi32, #tpu.memory_space<vmem>> -> memref<2048xi32, #tpu.memory_space<vmem>>
      %dma_start3A_1165 = tpu.memref_slice %arg15[%mul3A_21] : memref<32768xi32, #tpu.memory_space<vmem_shared>> -> memref<2048xi32, #tpu.memory_space<vmem_shared>>
      %dma_start3A_1166 = tpu.memref_slice %arg15[%mul3A_21] : memref<32768xi32, #tpu.memory_space<vmem_shared>> -> memref<2048xi32, #tpu.memory_space<vmem_shared>>
      %dma_start3A_1167 = arith.constant 0 : i32
      %dma_start3A_1168 = tpu.memref_slice %arg9[%dma_start3A_1167] : memref<4096xi32, #tpu.memory_space<vmem>> -> memref<2048xi32, #tpu.memory_space<vmem>>
      tpu.enqueue_dma source(%dma_start3A_1168 : memref<2048xi32, #tpu.memory_space<vmem>>) target(%dma_start3A_1166 : memref<2048xi32, #tpu.memory_space<vmem_shared>>) target_semaphore(%run_scoped3A : memref<!tpu.dma_semaphore, #tpu.memory_space<semaphore_mem>>)
      %dma_wait3A_1169 = arith.constant 0 : i32
      %dma_wait3A_1170 = tpu.memref_slice %arg9[%dma_wait3A_1169] : memref<4096xi32, #tpu.memory_space<vmem>> -> memref<2048xi32, #tpu.memory_space<vmem>>
      %dma_wait3A_1171 = tpu.memref_slice %arg15[%mul3A_21] : memref<32768xi32, #tpu.memory_space<vmem_shared>> -> memref<2048xi32, #tpu.memory_space<vmem_shared>>
      %dma_wait3A_1172 = tpu.memref_slice %arg15[%mul3A_21] : memref<32768xi32, #tpu.memory_space<vmem_shared>> -> memref<2048xi32, #tpu.memory_space<vmem_shared>>
      %dma_wait3A_1173 = arith.constant 0 : i32
      %dma_wait3A_1174 = tpu.memref_slice %arg9[%dma_wait3A_1173] : memref<4096xi32, #tpu.memory_space<vmem>> -> memref<2048xi32, #tpu.memory_space<vmem>>
      tpu.wait_dma2 semaphore(%run_scoped3A : memref<!tpu.dma_semaphore, #tpu.memory_space<semaphore_mem>>) src(%dma_wait3A_1174 : memref<2048xi32, #tpu.memory_space<vmem>>) dst(%dma_wait3A_1172 : memref<2048xi32, #tpu.memory_space<vmem_shared>>)
      tpu.yield
    }) : () -> ()
    %barrier3A = arith.constant 0 : index
    tpu.barrier barrier_id(%barrier3A)
    %dma_start3A_22 = arith.constant 0 : i32
    %dma_start3A_23 = tpu.memref_slice %arg14[%dma_start3A_22] : memref<32768xi32, #tpu.memory_space<vmem_shared>> -> memref<4096xi32, #tpu.memory_space<vmem_shared>>
    %dma_start3A_24 = arith.constant 0 : i32
    %dma_start3A_25 = tpu.memref_slice %arg14[%dma_start3A_24] : memref<32768xi32, #tpu.memory_space<vmem_shared>> -> memref<4096xi32, #tpu.memory_space<vmem_shared>>
    tpu.enqueue_dma source(%dma_start3A_25 : memref<4096xi32, #tpu.memory_space<vmem_shared>>) target(%arg8 : memref<4096xi32, #tpu.memory_space<vmem>>) target_semaphore(%arg17 : memref<!tpu.dma_semaphore, #tpu.memory_space<semaphore_mem>>)
    %dma_start3A_26 = arith.constant 0 : i32
    %dma_start3A_27 = tpu.memref_slice %arg15[%dma_start3A_26] : memref<32768xi32, #tpu.memory_space<vmem_shared>> -> memref<4096xi32, #tpu.memory_space<vmem_shared>>
    %dma_start3A_28 = arith.constant 0 : i32
    %dma_start3A_29 = tpu.memref_slice %arg15[%dma_start3A_28] : memref<32768xi32, #tpu.memory_space<vmem_shared>> -> memref<4096xi32, #tpu.memory_space<vmem_shared>>
    tpu.enqueue_dma source(%dma_start3A_29 : memref<4096xi32, #tpu.memory_space<vmem_shared>>) target(%arg9 : memref<4096xi32, #tpu.memory_space<vmem>>) target_semaphore(%arg17 : memref<!tpu.dma_semaphore, #tpu.memory_space<semaphore_mem>>)
    %add3A_30 = arith.constant 0 : i32
    %add3A_31 = arith.addi %add3A, %add3A_30 : i32
    %dma_wait3A = arith.constant 0 : i32
    %dma_wait3A_32 = tpu.memref_slice %arg3[%add3A, %dma_wait3A] : memref<64x100000xf32, #tpu.memory_space<hbm>> -> memref<1x100000xf32, #tpu.memory_space<hbm>>
    %dma_wait3A_33 = tpu.memref_squeeze %dma_wait3A_32 : memref<1x100000xf32, #tpu.memory_space<hbm>> -> memref<100000xf32, #tpu.memory_space<hbm>>
    %dma_wait3A_34 = arith.constant 0 : i32
    %dma_wait3A_35 = tpu.memref_slice %arg3[%add3A, %dma_wait3A_34] : memref<64x100000xf32, #tpu.memory_space<hbm>> -> memref<1x100000xf32, #tpu.memory_space<hbm>>
    %dma_wait3A_36 = tpu.memref_squeeze %dma_wait3A_35 : memref<1x100000xf32, #tpu.memory_space<hbm>> -> memref<100000xf32, #tpu.memory_space<hbm>>
    tpu.wait_dma2 semaphore(%arg16 : memref<!tpu.dma_semaphore, #tpu.memory_space<semaphore_mem>>) src(%dma_wait3A_36 : memref<100000xf32, #tpu.memory_space<hbm>>) dst(%arg6 : memref<100000xf32, #tpu.memory_space<vmem>>)
    %dma_wait3A_37 = arith.constant 0 : i32
    %dma_wait3A_38 = tpu.memref_slice %arg4[%add3A, %dma_wait3A_37] : memref<64x2049xf32, #tpu.memory_space<hbm>> -> memref<1x2049xf32, #tpu.memory_space<hbm>>
    %dma_wait3A_39 = tpu.memref_squeeze %dma_wait3A_38 : memref<1x2049xf32, #tpu.memory_space<hbm>> -> memref<2049xf32, #tpu.memory_space<hbm>>
    %dma_wait3A_40 = arith.constant 0 : i32
    %dma_wait3A_41 = tpu.memref_slice %arg4[%add3A, %dma_wait3A_40] : memref<64x2049xf32, #tpu.memory_space<hbm>> -> memref<1x2049xf32, #tpu.memory_space<hbm>>
    %dma_wait3A_42 = tpu.memref_squeeze %dma_wait3A_41 : memref<1x2049xf32, #tpu.memory_space<hbm>> -> memref<2049xf32, #tpu.memory_space<hbm>>
    tpu.wait_dma2 semaphore(%arg16 : memref<!tpu.dma_semaphore, #tpu.memory_space<semaphore_mem>>) src(%dma_wait3A_42 : memref<2049xf32, #tpu.memory_space<hbm>>) dst(%arg7 : memref<2049xf32, #tpu.memory_space<vmem>>)
    %dma_wait3A_43 = arith.constant 0 : i32
    %dma_wait3A_44 = tpu.memref_slice %arg14[%dma_wait3A_43] : memref<32768xi32, #tpu.memory_space<vmem_shared>> -> memref<4096xi32, #tpu.memory_space<vmem_shared>>
    %dma_wait3A_45 = arith.constant 0 : i32
    %dma_wait3A_46 = tpu.memref_slice %arg14[%dma_wait3A_45] : memref<32768xi32, #tpu.memory_space<vmem_shared>> -> memref<4096xi32, #tpu.memory_space<vmem_shared>>
    tpu.wait_dma2 semaphore(%arg17 : memref<!tpu.dma_semaphore, #tpu.memory_space<semaphore_mem>>) src(%dma_wait3A_46 : memref<4096xi32, #tpu.memory_space<vmem_shared>>) dst(%arg8 : memref<4096xi32, #tpu.memory_space<vmem>>)
    %dma_wait3A_47 = arith.constant 0 : i32
    %dma_wait3A_48 = tpu.memref_slice %arg15[%dma_wait3A_47] : memref<32768xi32, #tpu.memory_space<vmem_shared>> -> memref<4096xi32, #tpu.memory_space<vmem_shared>>
    %dma_wait3A_49 = arith.constant 0 : i32
    %dma_wait3A_50 = tpu.memref_slice %arg15[%dma_wait3A_49] : memref<32768xi32, #tpu.memory_space<vmem_shared>> -> memref<4096xi32, #tpu.memory_space<vmem_shared>>
    tpu.wait_dma2 semaphore(%arg17 : memref<!tpu.dma_semaphore, #tpu.memory_space<semaphore_mem>>) src(%dma_wait3A_50 : memref<4096xi32, #tpu.memory_space<vmem_shared>>) dst(%arg9 : memref<4096xi32, #tpu.memory_space<vmem>>)
    %dma_start3A_51 = arith.constant 4096 : i32
    %dma_start3A_52 = tpu.memref_slice %arg14[%dma_start3A_51] : memref<32768xi32, #tpu.memory_space<vmem_shared>> -> memref<4096xi32, #tpu.memory_space<vmem_shared>>
    %dma_start3A_53 = arith.constant 4096 : i32
    %dma_start3A_54 = tpu.memref_slice %arg14[%dma_start3A_53] : memref<32768xi32, #tpu.memory_space<vmem_shared>> -> memref<4096xi32, #tpu.memory_space<vmem_shared>>
    tpu.enqueue_dma source(%dma_start3A_54 : memref<4096xi32, #tpu.memory_space<vmem_shared>>) target(%arg10 : memref<4096xi32, #tpu.memory_space<vmem>>) target_semaphore(%arg17 : memref<!tpu.dma_semaphore, #tpu.memory_space<semaphore_mem>>)
    %dma_start3A_55 = arith.constant 4096 : i32
    %dma_start3A_56 = tpu.memref_slice %arg15[%dma_start3A_55] : memref<32768xi32, #tpu.memory_space<vmem_shared>> -> memref<4096xi32, #tpu.memory_space<vmem_shared>>
    %dma_start3A_57 = arith.constant 4096 : i32
    %dma_start3A_58 = tpu.memref_slice %arg15[%dma_start3A_57] : memref<32768xi32, #tpu.memory_space<vmem_shared>> -> memref<4096xi32, #tpu.memory_space<vmem_shared>>
    tpu.enqueue_dma source(%dma_start3A_58 : memref<4096xi32, #tpu.memory_space<vmem_shared>>) target(%arg11 : memref<4096xi32, #tpu.memory_space<vmem>>) target_semaphore(%arg17 : memref<!tpu.dma_semaphore, #tpu.memory_space<semaphore_mem>>)
    %scan3A_59 = arith.constant 0 : i32
    %scan3A_60 = arith.constant 0 : i32
    %scan3A_61 = arith.constant 64 : i32
    %scan3A_62 = arith.addi %scan3A_60, %scan3A_61 : i32
    %scan3A_63 = arith.constant 1 : i32
    %scan3A_64 = scf.for %scan3A_1163 = %scan3A_60 to %scan3A_62 step %scan3A_63 iter_args(%scan3A_1164 = %scan3A_59) -> (i32)  : i32 {
      %mul3A_1165 = arith.constant 4 : i32
      %mul3A_1166 = arith.muli %scan3A_1163, %mul3A_1165 : i32
      %add3A_1167 = arith.constant 0 : i32
      %add3A_1168 = arith.addi %mul3A_1166, %add3A_1167 : i32
      %mul3A_1169 = arith.constant 16 : i32
      %mul3A_1170 = arith.muli %add3A_1168, %mul3A_1169 : i32
      %get3A = arith.index_cast %mul3A_1170 : i32 to index
      %get3A_1171 = tpu.vector_load %arg8[%get3A] {strides = array<i32>} : memref<4096xi32, #tpu.memory_space<vmem>>, vector<16xi32>,
      %get3A_1172 = arith.index_cast %mul3A_1170 : i32 to index
      %get3A_1173 = tpu.vector_load %arg9[%get3A_1172] {strides = array<i32>} : memref<4096xi32, #tpu.memory_space<vmem>>, vector<16xi32>,
      %gather3A = tpu.vector_load_idx %arg6[%get3A_1171] : memref<100000xf32, #tpu.memory_space<vmem>>[vector<16xi32>], vector<16xf32>,
      %gather3A_1174 = tpu.vector_load_idx %arg7[%get3A_1173] : memref<2049xf32, #tpu.memory_space<vmem>>[vector<16xi32>], vector<16xf32>,
      %mul3A_1175 = arith.constant 8.000000e+00 : f32
      %mul3A_1176 = vector.broadcast %mul3A_1175 : f32 to vector<16xf32>
      %mul3A_1177 = arith.mulf %gather3A, %mul3A_1176 : vector<16xf32>
      %add3A_1178 = arith.addf %mul3A_1177, %gather3A_1174 : vector<16xf32>
      %swap3A = arith.index_cast %mul3A_1170 : i32 to index
      %swap3A_1179 = tpu.vector_load %arg12[%swap3A] {strides = array<i32>} : memref<4096xf32, #tpu.memory_space<vmem>>, vector<16xf32>,
      tpu.vector_store %arg12[%swap3A], %add3A_1178 {strides = array<i32>} : memref<4096xf32, #tpu.memory_space<vmem>>, vector<16xf32>,
      %mul3A_1180 = arith.constant 4 : i32
      %mul3A_1181 = arith.muli %scan3A_1163, %mul3A_1180 : i32
      %add3A_1182 = arith.constant 1 : i32
      %add3A_1183 = arith.addi %mul3A_1181, %add3A_1182 : i32
      %mul3A_1184 = arith.constant 16 : i32
      %mul3A_1185 = arith.muli %add3A_1183, %mul3A_1184 : i32
      %get3A_1186 = arith.index_cast %mul3A_1185 : i32 to index
      %get3A_1187 = tpu.vector_load %arg8[%get3A_1186] {strides = array<i32>} : memref<4096xi32, #tpu.memory_space<vmem>>, vector<16xi32>,
      %get3A_1188 = arith.index_cast %mul3A_1185 : i32 to index
      %get3A_1189 = tpu.vector_load %arg9[%get3A_1188] {strides = array<i32>} : memref<4096xi32, #tpu.memory_space<vmem>>, vector<16xi32>,
      %gather3A_1190 = tpu.vector_load_idx %arg6[%get3A_1187] : memref<100000xf32, #tpu.memory_space<vmem>>[vector<16xi32>], vector<16xf32>,
      %gather3A_1191 = tpu.vector_load_idx %arg7[%get3A_1189] : memref<2049xf32, #tpu.memory_space<vmem>>[vector<16xi32>], vector<16xf32>,
      %mul3A_1192 = arith.constant 8.000000e+00 : f32
      %mul3A_1193 = vector.broadcast %mul3A_1192 : f32 to vector<16xf32>
      %mul3A_1194 = arith.mulf %gather3A_1190, %mul3A_1193 : vector<16xf32>
      %add3A_1195 = arith.addf %mul3A_1194, %gather3A_1191 : vector<16xf32>
      %swap3A_1196 = arith.index_cast %mul3A_1185 : i32 to index
      %swap3A_1197 = tpu.vector_load %arg12[%swap3A_1196] {strides = array<i32>} : memref<4096xf32, #tpu.memory_space<vmem>>, vector<16xf32>,
      tpu.vector_store %arg12[%swap3A_1196], %add3A_1195 {strides = array<i32>} : memref<4096xf32, #tpu.memory_space<vmem>>, vector<16xf32>,
      %mul3A_1198 = arith.constant 4 : i32
      %mul3A_1199 = arith.muli %scan3A_1163, %mul3A_1198 : i32
      %add3A_1200 = arith.constant 2 : i32
      %add3A_1201 = arith.addi %mul3A_1199, %add3A_1200 : i32
      %mul3A_1202 = arith.constant 16 : i32
      %mul3A_1203 = arith.muli %add3A_1201, %mul3A_1202 : i32
      %get3A_1204 = arith.index_cast %mul3A_1203 : i32 to index
      %get3A_1205 = tpu.vector_load %arg8[%get3A_1204] {strides = array<i32>} : memref<4096xi32, #tpu.memory_space<vmem>>, vector<16xi32>,
      %get3A_1206 = arith.index_cast %mul3A_1203 : i32 to index
      %get3A_1207 = tpu.vector_load %arg9[%get3A_1206] {strides = array<i32>} : memref<4096xi32, #tpu.memory_space<vmem>>, vector<16xi32>,
      %gather3A_1208 = tpu.vector_load_idx %arg6[%get3A_1205] : memref<100000xf32, #tpu.memory_space<vmem>>[vector<16xi32>], vector<16xf32>,
      %gather3A_1209 = tpu.vector_load_idx %arg7[%get3A_1207] : memref<2049xf32, #tpu.memory_space<vmem>>[vector<16xi32>], vector<16xf32>,
      %mul3A_1210 = arith.constant 8.000000e+00 : f32
      %mul3A_1211 = vector.broadcast %mul3A_1210 : f32 to vector<16xf32>
      %mul3A_1212 = arith.mulf %gather3A_1208, %mul3A_1211 : vector<16xf32>
      %add3A_1213 = arith.addf %mul3A_1212, %gather3A_1209 : vector<16xf32>
      %swap3A_1214 = arith.index_cast %mul3A_1203 : i32 to index
      %swap3A_1215 = tpu.vector_load %arg12[%swap3A_1214] {strides = array<i32>} : memref<4096xf32, #tpu.memory_space<vmem>>, vector<16xf32>,
      tpu.vector_store %arg12[%swap3A_1214], %add3A_1213 {strides = array<i32>} : memref<4096xf32, #tpu.memory_space<vmem>>, vector<16xf32>,
      %mul3A_1216 = arith.constant 4 : i32
      %mul3A_1217 = arith.muli %scan3A_1163, %mul3A_1216 : i32
      %add3A_1218 = arith.constant 3 : i32
      %add3A_1219 = arith.addi %mul3A_1217, %add3A_1218 : i32
      %mul3A_1220 = arith.constant 16 : i32
      %mul3A_1221 = arith.muli %add3A_1219, %mul3A_1220 : i32
      %get3A_1222 = arith.index_cast %mul3A_1221 : i32 to index
      %get3A_1223 = tpu.vector_load %arg8[%get3A_1222] {strides = array<i32>} : memref<4096xi32, #tpu.memory_space<vmem>>, vector<16xi32>,
      %get3A_1224 = arith.index_cast %mul3A_1221 : i32 to index
      %get3A_1225 = tpu.vector_load %arg9[%get3A_1224] {strides = array<i32>} : memref<4096xi32, #tpu.memory_space<vmem>>, vector<16xi32>,
      %gather3A_1226 = tpu.vector_load_idx %arg6[%get3A_1223] : memref<100000xf32, #tpu.memory_space<vmem>>[vector<16xi32>], vector<16xf32>,
      %gather3A_1227 = tpu.vector_load_idx %arg7[%get3A_1225] : memref<2049xf32, #tpu.memory_space<vmem>>[vector<16xi32>], vector<16xf32>,
      %mul3A_1228 = arith.constant 8.000000e+00 : f32
      %mul3A_1229 = vector.broadcast %mul3A_1228 : f32 to vector<16xf32>
      %mul3A_1230 = arith.mulf %gather3A_1226, %mul3A_1229 : vector<16xf32>
      %add3A_1231 = arith.addf %mul3A_1230, %gather3A_1227 : vector<16xf32>
      %swap3A_1232 = arith.index_cast %mul3A_1221 : i32 to index
      %swap3A_1233 = tpu.vector_load %arg12[%swap3A_1232] {strides = array<i32>} : memref<4096xf32, #tpu.memory_space<vmem>>, vector<16xf32>,
      tpu.vector_store %arg12[%swap3A_1232], %add3A_1231 {strides = array<i32>} : memref<4096xf32, #tpu.memory_space<vmem>>, vector<16xf32>,
      %scan3A_1234 = arith.constant 0 : i32
      scf.yield %scan3A_1234 : i32
    }
    %scan3A_65 = arith.constant 64 : i32
    %dma_start3A_66 = arith.constant 0 : i32
    %dma_start3A_67 = arith.constant 0 : i32
    %dma_start3A_68 = tpu.memref_slice %arg12[%dma_start3A_67] : memref<4096xf32, #tpu.memory_space<vmem>> -> memref<2048xf32, #tpu.memory_space<vmem>>
    %dma_start3A_69 = arith.constant 0 : i32
    %dma_start3A_70 = tpu.memref_slice %arg5[%dma_start3A_66, %add3A_31, %dma_start3A_69] : memref<16x64x2048xf32, #tpu.memory_space<hbm>> -> memref<1x1x2048xf32, #tpu.memory_space<hbm>>
    %dma_start3A_71 = tpu.memref_squeeze %dma_start3A_70 : memref<1x1x2048xf32, #tpu.memory_space<hbm>> -> memref<2048xf32, #tpu.memory_space<hbm>>
    %dma_start3A_72 = arith.constant 0 : i32
    %dma_start3A_73 = tpu.memref_slice %arg5[%dma_start3A_66, %add3A_31, %dma_start3A_72] : memref<16x64x2048xf32, #tpu.memory_space<hbm>> -> memref<1x1x2048xf32, #tpu.memory_space<hbm>>
    %dma_start3A_74 = tpu.memref_squeeze %dma_start3A_73 : memref<1x1x2048xf32, #tpu.memory_space<hbm>> -> memref<2048xf32, #tpu.memory_space<hbm>>
    %dma_start3A_75 = arith.constant 0 : i32
    %dma_start3A_76 = tpu.memref_slice %arg12[%dma_start3A_75] : memref<4096xf32, #tpu.memory_space<vmem>> -> memref<2048xf32, #tpu.memory_space<vmem>>
    tpu.enqueue_dma source(%dma_start3A_76 : memref<2048xf32, #tpu.memory_space<vmem>>) target(%dma_start3A_74 : memref<2048xf32, #tpu.memory_space<hbm>>) target_semaphore(%arg18 : memref<!tpu.dma_semaphore, #tpu.memory_space<semaphore_mem>>)
    %dma_start3A_77 = arith.constant 1 : i32
    %dma_start3A_78 = arith.constant 2048 : i32
    %dma_start3A_79 = tpu.memref_slice %arg12[%dma_start3A_78] : memref<4096xf32, #tpu.memory_space<vmem>> -> memref<2048xf32, #tpu.memory_space<vmem>>
    %dma_start3A_80 = arith.constant 0 : i32
    %dma_start3A_81 = tpu.memref_slice %arg5[%dma_start3A_77, %add3A_31, %dma_start3A_80] : memref<16x64x2048xf32, #tpu.memory_space<hbm>> -> memref<1x1x2048xf32, #tpu.memory_space<hbm>>
    %dma_start3A_82 = tpu.memref_squeeze %dma_start3A_81 : memref<1x1x2048xf32, #tpu.memory_space<hbm>> -> memref<2048xf32, #tpu.memory_space<hbm>>
    %dma_start3A_83 = arith.constant 0 : i32
    %dma_start3A_84 = tpu.memref_slice %arg5[%dma_start3A_77, %add3A_31, %dma_start3A_83] : memref<16x64x2048xf32, #tpu.memory_space<hbm>> -> memref<1x1x2048xf32, #tpu.memory_space<hbm>>
    %dma_start3A_85 = tpu.memref_squeeze %dma_start3A_84 : memref<1x1x2048xf32, #tpu.memory_space<hbm>> -> memref<2048xf32, #tpu.memory_space<hbm>>
    %dma_start3A_86 = arith.constant 2048 : i32
    %dma_start3A_87 = tpu.memref_slice %arg12[%dma_start3A_86] : memref<4096xf32, #tpu.memory_space<vmem>> -> memref<2048xf32, #tpu.memory_space<vmem>>
    tpu.enqueue_dma source(%dma_start3A_87 : memref<2048xf32, #tpu.memory_space<vmem>>) target(%dma_start3A_85 : memref<2048xf32, #tpu.memory_space<hbm>>) target_semaphore(%arg18 : memref<!tpu.dma_semaphore, #tpu.memory_space<semaphore_mem>>)
    %add3A_88 = arith.constant 0 : i32
    %add3A_89 = arith.addi %add3A, %add3A_88 : i32
    %dma_wait3A_90 = arith.constant 4096 : i32
    %dma_wait3A_91 = tpu.memref_slice %arg14[%dma_wait3A_90] : memref<32768xi32, #tpu.memory_space<vmem_shared>> -> memref<4096xi32, #tpu.memory_space<vmem_shared>>
    %dma_wait3A_92 = arith.constant 4096 : i32
    %dma_wait3A_93 = tpu.memref_slice %arg14[%dma_wait3A_92] : memref<32768xi32, #tpu.memory_space<vmem_shared>> -> memref<4096xi32, #tpu.memory_space<vmem_shared>>
    tpu.wait_dma2 semaphore(%arg17 : memref<!tpu.dma_semaphore, #tpu.memory_space<semaphore_mem>>) src(%dma_wait3A_93 : memref<4096xi32, #tpu.memory_space<vmem_shared>>) dst(%arg10 : memref<4096xi32, #tpu.memory_space<vmem>>)
    %dma_wait3A_94 = arith.constant 4096 : i32
    %dma_wait3A_95 = tpu.memref_slice %arg15[%dma_wait3A_94] : memref<32768xi32, #tpu.memory_space<vmem_shared>> -> memref<4096xi32, #tpu.memory_space<vmem_shared>>
    %dma_wait3A_96 = arith.constant 4096 : i32
    %dma_wait3A_97 = tpu.memref_slice %arg15[%dma_wait3A_96] : memref<32768xi32, #tpu.memory_space<vmem_shared>> -> memref<4096xi32, #tpu.memory_space<vmem_shared>>
    tpu.wait_dma2 semaphore(%arg17 : memref<!tpu.dma_semaphore, #tpu.memory_space<semaphore_mem>>) src(%dma_wait3A_97 : memref<4096xi32, #tpu.memory_space<vmem_shared>>) dst(%arg11 : memref<4096xi32, #tpu.memory_space<vmem>>)
    %dma_start3A_98 = arith.constant 8192 : i32
    %dma_start3A_99 = tpu.memref_slice %arg14[%dma_start3A_98] : memref<32768xi32, #tpu.memory_space<vmem_shared>> -> memref<4096xi32, #tpu.memory_space<vmem_shared>>
    %dma_start3A_100 = arith.constant 8192 : i32
    %dma_start3A_101 = tpu.memref_slice %arg14[%dma_start3A_100] : memref<32768xi32, #tpu.memory_space<vmem_shared>> -> memref<4096xi32, #tpu.memory_space<vmem_shared>>
    tpu.enqueue_dma source(%dma_start3A_101 : memref<4096xi32, #tpu.memory_space<vmem_shared>>) target(%arg8 : memref<4096xi32, #tpu.memory_space<vmem>>) target_semaphore(%arg17 : memref<!tpu.dma_semaphore, #tpu.memory_space<semaphore_mem>>)
    %dma_start3A_102 = arith.constant 8192 : i32
    %dma_start3A_103 = tpu.memref_slice %arg15[%dma_start3A_102] : memref<32768xi32, #tpu.memory_space<vmem_shared>> -> memref<4096xi32, #tpu.memory_space<vmem_shared>>
    %dma_start3A_104 = arith.constant 8192 : i32
    %dma_start3A_105 = tpu.memref_slice %arg15[%dma_start3A_104] : memref<32768xi32, #tpu.memory_space<vmem_shared>> -> memref<4096xi32, #tpu.memory_space<vmem_shared>>
    tpu.enqueue_dma source(%dma_start3A_105 : memref<4096xi32, #tpu.memory_space<vmem_shared>>) target(%arg9 : memref<4096xi32, #tpu.memory_space<vmem>>) target_semaphore(%arg17 : memref<!tpu.dma_semaphore, #tpu.memory_space<semaphore_mem>>)
    %scan3A_106 = arith.constant 0 : i32
    %scan3A_107 = arith.constant 0 : i32
    %scan3A_108 = arith.constant 64 : i32
    %scan3A_109 = arith.addi %scan3A_107, %scan3A_108 : i32
    %scan3A_110 = arith.constant 1 : i32
    %scan3A_111 = scf.for %scan3A_1163 = %scan3A_107 to %scan3A_109 step %scan3A_110 iter_args(%scan3A_1164 = %scan3A_106) -> (i32)  : i32 {
      %mul3A_1165 = arith.constant 4 : i32
      %mul3A_1166 = arith.muli %scan3A_1163, %mul3A_1165 : i32
      %add3A_1167 = arith.constant 0 : i32
      %add3A_1168 = arith.addi %mul3A_1166, %add3A_1167 : i32
      %mul3A_1169 = arith.constant 16 : i32
      %mul3A_1170 = arith.muli %add3A_1168, %mul3A_1169 : i32
      %get3A = arith.index_cast %mul3A_1170 : i32 to index
      %get3A_1171 = tpu.vector_load %arg10[%get3A] {strides = array<i32>} : memref<4096xi32, #tpu.memory_space<vmem>>, vector<16xi32>,
      %get3A_1172 = arith.index_cast %mul3A_1170 : i32 to index
      %get3A_1173 = tpu.vector_load %arg11[%get3A_1172] {strides = array<i32>} : memref<4096xi32, #tpu.memory_space<vmem>>, vector<16xi32>,
      %gather3A = tpu.vector_load_idx %arg6[%get3A_1171] : memref<100000xf32, #tpu.memory_space<vmem>>[vector<16xi32>], vector<16xf32>,
      %gather3A_1174 = tpu.vector_load_idx %arg7[%get3A_1173] : memref<2049xf32, #tpu.memory_space<vmem>>[vector<16xi32>], vector<16xf32>,
      %mul3A_1175 = arith.constant 8.000000e+00 : f32
      %mul3A_1176 = vector.broadcast %mul3A_1175 : f32 to vector<16xf32>
      %mul3A_1177 = arith.mulf %gather3A, %mul3A_1176 : vector<16xf32>
      %add3A_1178 = arith.addf %mul3A_1177, %gather3A_1174 : vector<16xf32>
      %swap3A = arith.index_cast %mul3A_1170 : i32 to index
      %swap3A_1179 = tpu.vector_load %arg13[%swap3A] {strides = array<i32>} : memref<4096xf32, #tpu.memory_space<vmem>>, vector<16xf32>,
      tpu.vector_store %arg13[%swap3A], %add3A_1178 {strides = array<i32>} : memref<4096xf32, #tpu.memory_space<vmem>>, vector<16xf32>,
      %mul3A_1180 = arith.constant 4 : i32
      %mul3A_1181 = arith.muli %scan3A_1163, %mul3A_1180 : i32
      %add3A_1182 = arith.constant 1 : i32
      %add3A_1183 = arith.addi %mul3A_1181, %add3A_1182 : i32
      %mul3A_1184 = arith.constant 16 : i32
      %mul3A_1185 = arith.muli %add3A_1183, %mul3A_1184 : i32
      %get3A_1186 = arith.index_cast %mul3A_1185 : i32 to index
      %get3A_1187 = tpu.vector_load %arg10[%get3A_1186] {strides = array<i32>} : memref<4096xi32, #tpu.memory_space<vmem>>, vector<16xi32>,
      %get3A_1188 = arith.index_cast %mul3A_1185 : i32 to index
      %get3A_1189 = tpu.vector_load %arg11[%get3A_1188] {strides = array<i32>} : memref<4096xi32, #tpu.memory_space<vmem>>, vector<16xi32>,
      %gather3A_1190 = tpu.vector_load_idx %arg6[%get3A_1187] : memref<100000xf32, #tpu.memory_space<vmem>>[vector<16xi32>], vector<16xf32>,
      %gather3A_1191 = tpu.vector_load_idx %arg7[%get3A_1189] : memref<2049xf32, #tpu.memory_space<vmem>>[vector<16xi32>], vector<16xf32>,
      %mul3A_1192 = arith.constant 8.000000e+00 : f32
      %mul3A_1193 = vector.broadcast %mul3A_1192 : f32 to vector<16xf32>
      %mul3A_1194 = arith.mulf %gather3A_1190, %mul3A_1193 : vector<16xf32>
      %add3A_1195 = arith.addf %mul3A_1194, %gather3A_1191 : vector<16xf32>
      %swap3A_1196 = arith.index_cast %mul3A_1185 : i32 to index
      %swap3A_1197 = tpu.vector_load %arg13[%swap3A_1196] {strides = array<i32>} : memref<4096xf32, #tpu.memory_space<vmem>>, vector<16xf32>,
      tpu.vector_store %arg13[%swap3A_1196], %add3A_1195 {strides = array<i32>} : memref<4096xf32, #tpu.memory_space<vmem>>, vector<16xf32>,
      %mul3A_1198 = arith.constant 4 : i32
      %mul3A_1199 = arith.muli %scan3A_1163, %mul3A_1198 : i32
      %add3A_1200 = arith.constant 2 : i32
      %add3A_1201 = arith.addi %mul3A_1199, %add3A_1200 : i32
      %mul3A_1202 = arith.constant 16 : i32
      %mul3A_1203 = arith.muli %add3A_1201, %mul3A_1202 : i32
      %get3A_1204 = arith.index_cast %mul3A_1203 : i32 to index
      %get3A_1205 = tpu.vector_load %arg10[%get3A_1204] {strides = array<i32>} : memref<4096xi32, #tpu.memory_space<vmem>>, vector<16xi32>,
      %get3A_1206 = arith.index_cast %mul3A_1203 : i32 to index
      %get3A_1207 = tpu.vector_load %arg11[%get3A_1206] {strides = array<i32>} : memref<4096xi32, #tpu.memory_space<vmem>>, vector<16xi32>,
      %gather3A_1208 = tpu.vector_load_idx %arg6[%get3A_1205] : memref<100000xf32, #tpu.memory_space<vmem>>[vector<16xi32>], vector<16xf32>,
      %gather3A_1209 = tpu.vector_load_idx %arg7[%get3A_1207] : memref<2049xf32, #tpu.memory_space<vmem>>[vector<16xi32>], vector<16xf32>,
      %mul3A_1210 = arith.constant 8.000000e+00 : f32
      %mul3A_1211 = vector.broadcast %mul3A_1210 : f32 to vector<16xf32>
      %mul3A_1212 = arith.mulf %gather3A_1208, %mul3A_1211 : vector<16xf32>
      %add3A_1213 = arith.addf %mul3A_1212, %gather3A_1209 : vector<16xf32>
      %swap3A_1214 = arith.index_cast %mul3A_1203 : i32 to index
      %swap3A_1215 = tpu.vector_load %arg13[%swap3A_1214] {strides = array<i32>} : memref<4096xf32, #tpu.memory_space<vmem>>, vector<16xf32>,
      tpu.vector_store %arg13[%swap3A_1214], %add3A_1213 {strides = array<i32>} : memref<4096xf32, #tpu.memory_space<vmem>>, vector<16xf32>,
      %mul3A_1216 = arith.constant 4 : i32
      %mul3A_1217 = arith.muli %scan3A_1163, %mul3A_1216 : i32
      %add3A_1218 = arith.constant 3 : i32
      %add3A_1219 = arith.addi %mul3A_1217, %add3A_1218 : i32
      %mul3A_1220 = arith.constant 16 : i32
      %mul3A_1221 = arith.muli %add3A_1219, %mul3A_1220 : i32
      %get3A_1222 = arith.index_cast %mul3A_1221 : i32 to index
      %get3A_1223 = tpu.vector_load %arg10[%get3A_1222] {strides = array<i32>} : memref<4096xi32, #tpu.memory_space<vmem>>, vector<16xi32>,
      %get3A_1224 = arith.index_cast %mul3A_1221 : i32 to index
      %get3A_1225 = tpu.vector_load %arg11[%get3A_1224] {strides = array<i32>} : memref<4096xi32, #tpu.memory_space<vmem>>, vector<16xi32>,
      %gather3A_1226 = tpu.vector_load_idx %arg6[%get3A_1223] : memref<100000xf32, #tpu.memory_space<vmem>>[vector<16xi32>], vector<16xf32>,
      %gather3A_1227 = tpu.vector_load_idx %arg7[%get3A_1225] : memref<2049xf32, #tpu.memory_space<vmem>>[vector<16xi32>], vector<16xf32>,
      %mul3A_1228 = arith.constant 8.000000e+00 : f32
      %mul3A_1229 = vector.broadcast %mul3A_1228 : f32 to vector<16xf32>
      %mul3A_1230 = arith.mulf %gather3A_1226, %mul3A_1229 : vector<16xf32>
      %add3A_1231 = arith.addf %mul3A_1230, %gather3A_1227 : vector<16xf32>
      %swap3A_1232 = arith.index_cast %mul3A_1221 : i32 to index
      %swap3A_1233 = tpu.vector_load %arg13[%swap3A_1232] {strides = array<i32>} : memref<4096xf32, #tpu.memory_space<vmem>>, vector<16xf32>,
      tpu.vector_store %arg13[%swap3A_1232], %add3A_1231 {strides = array<i32>} : memref<4096xf32, #tpu.memory_space<vmem>>, vector<16xf32>,
      %scan3A_1234 = arith.constant 0 : i32
      scf.yield %scan3A_1234 : i32
    }
    %scan3A_112 = arith.constant 64 : i32
    %dma_start3A_113 = arith.constant 2 : i32
    %dma_start3A_114 = arith.constant 0 : i32
    %dma_start3A_115 = tpu.memref_slice %arg13[%dma_start3A_114] : memref<4096xf32, #tpu.memory_space<vmem>> -> memref<2048xf32, #tpu.memory_space<vmem>>
    %dma_start3A_116 = arith.constant 0 : i32
    %dma_start3A_117 = tpu.memref_slice %arg5[%dma_start3A_113, %add3A_89, %dma_start3A_116] : memref<16x64x2048xf32, #tpu.memory_space<hbm>> -> memref<1x1x2048xf32, #tpu.memory_space<hbm>>
    %dma_start3A_118 = tpu.memref_squeeze %dma_start3A_117 : memref<1x1x2048xf32, #tpu.memory_space<hbm>> -> memref<2048xf32, #tpu.memory_space<hbm>>
    %dma_start3A_119 = arith.constant 0 : i32
    %dma_start3A_120 = tpu.memref_slice %arg5[%dma_start3A_113, %add3A_89, %dma_start3A_119] : memref<16x64x2048xf32, #tpu.memory_space<hbm>> -> memref<1x1x2048xf32, #tpu.memory_space<hbm>>
    %dma_start3A_121 = tpu.memref_squeeze %dma_start3A_120 : memref<1x1x2048xf32, #tpu.memory_space<hbm>> -> memref<2048xf32, #tpu.memory_space<hbm>>
    %dma_start3A_122 = arith.constant 0 : i32
    %dma_start3A_123 = tpu.memref_slice %arg13[%dma_start3A_122] : memref<4096xf32, #tpu.memory_space<vmem>> -> memref<2048xf32, #tpu.memory_space<vmem>>
    tpu.enqueue_dma source(%dma_start3A_123 : memref<2048xf32, #tpu.memory_space<vmem>>) target(%dma_start3A_121 : memref<2048xf32, #tpu.memory_space<hbm>>) target_semaphore(%arg18 : memref<!tpu.dma_semaphore, #tpu.memory_space<semaphore_mem>>)
    %dma_start3A_124 = arith.constant 3 : i32
    %dma_start3A_125 = arith.constant 2048 : i32
    %dma_start3A_126 = tpu.memref_slice %arg13[%dma_start3A_125] : memref<4096xf32, #tpu.memory_space<vmem>> -> memref<2048xf32, #tpu.memory_space<vmem>>
    %dma_start3A_127 = arith.constant 0 : i32
    %dma_start3A_128 = tpu.memref_slice %arg5[%dma_start3A_124, %add3A_89, %dma_start3A_127] : memref<16x64x2048xf32, #tpu.memory_space<hbm>> -> memref<1x1x2048xf32, #tpu.memory_space<hbm>>
    %dma_start3A_129 = tpu.memref_squeeze %dma_start3A_128 : memref<1x1x2048xf32, #tpu.memory_space<hbm>> -> memref<2048xf32, #tpu.memory_space<hbm>>
    %dma_start3A_130 = arith.constant 0 : i32
    %dma_start3A_131 = tpu.memref_slice %arg5[%dma_start3A_124, %add3A_89, %dma_start3A_130] : memref<16x64x2048xf32, #tpu.memory_space<hbm>> -> memref<1x1x2048xf32, #tpu.memory_space<hbm>>
    %dma_start3A_132 = tpu.memref_squeeze %dma_start3A_131 : memref<1x1x2048xf32, #tpu.memory_space<hbm>> -> memref<2048xf32, #tpu.memory_space<hbm>>
    %dma_start3A_133 = arith.constant 2048 : i32
    %dma_start3A_134 = tpu.memref_slice %arg13[%dma_start3A_133] : memref<4096xf32, #tpu.memory_space<vmem>> -> memref<2048xf32, #tpu.memory_space<vmem>>
    tpu.enqueue_dma source(%dma_start3A_134 : memref<2048xf32, #tpu.memory_space<vmem>>) target(%dma_start3A_132 : memref<2048xf32, #tpu.memory_space<hbm>>) target_semaphore(%arg18 : memref<!tpu.dma_semaphore, #tpu.memory_space<semaphore_mem>>)
    %add3A_135 = arith.constant 0 : i32
    %add3A_136 = arith.addi %add3A, %add3A_135 : i32
    %dma_wait3A_137 = arith.constant 8192 : i32
    %dma_wait3A_138 = tpu.memref_slice %arg14[%dma_wait3A_137] : memref<32768xi32, #tpu.memory_space<vmem_shared>> -> memref<4096xi32, #tpu.memory_space<vmem_shared>>
    %dma_wait3A_139 = arith.constant 8192 : i32
    %dma_wait3A_140 = tpu.memref_slice %arg14[%dma_wait3A_139] : memref<32768xi32, #tpu.memory_space<vmem_shared>> -> memref<4096xi32, #tpu.memory_space<vmem_shared>>
    tpu.wait_dma2 semaphore(%arg17 : memref<!tpu.dma_semaphore, #tpu.memory_space<semaphore_mem>>) src(%dma_wait3A_140 : memref<4096xi32, #tpu.memory_space<vmem_shared>>) dst(%arg8 : memref<4096xi32, #tpu.memory_space<vmem>>)
    %dma_wait3A_141 = arith.constant 8192 : i32
    %dma_wait3A_142 = tpu.memref_slice %arg15[%dma_wait3A_141] : memref<32768xi32, #tpu.memory_space<vmem_shared>> -> memref<4096xi32, #tpu.memory_space<vmem_shared>>
    %dma_wait3A_143 = arith.constant 8192 : i32
    %dma_wait3A_144 = tpu.memref_slice %arg15[%dma_wait3A_143] : memref<32768xi32, #tpu.memory_space<vmem_shared>> -> memref<4096xi32, #tpu.memory_space<vmem_shared>>
    tpu.wait_dma2 semaphore(%arg17 : memref<!tpu.dma_semaphore, #tpu.memory_space<semaphore_mem>>) src(%dma_wait3A_144 : memref<4096xi32, #tpu.memory_space<vmem_shared>>) dst(%arg9 : memref<4096xi32, #tpu.memory_space<vmem>>)
    %dma_start3A_145 = arith.constant 12288 : i32
    %dma_start3A_146 = tpu.memref_slice %arg14[%dma_start3A_145] : memref<32768xi32, #tpu.memory_space<vmem_shared>> -> memref<4096xi32, #tpu.memory_space<vmem_shared>>
    %dma_start3A_147 = arith.constant 12288 : i32
    %dma_start3A_148 = tpu.memref_slice %arg14[%dma_start3A_147] : memref<32768xi32, #tpu.memory_space<vmem_shared>> -> memref<4096xi32, #tpu.memory_space<vmem_shared>>
    tpu.enqueue_dma source(%dma_start3A_148 : memref<4096xi32, #tpu.memory_space<vmem_shared>>) target(%arg10 : memref<4096xi32, #tpu.memory_space<vmem>>) target_semaphore(%arg17 : memref<!tpu.dma_semaphore, #tpu.memory_space<semaphore_mem>>)
    %dma_start3A_149 = arith.constant 12288 : i32
    %dma_start3A_150 = tpu.memref_slice %arg15[%dma_start3A_149] : memref<32768xi32, #tpu.memory_space<vmem_shared>> -> memref<4096xi32, #tpu.memory_space<vmem_shared>>
    %dma_start3A_151 = arith.constant 12288 : i32
    %dma_start3A_152 = tpu.memref_slice %arg15[%dma_start3A_151] : memref<32768xi32, #tpu.memory_space<vmem_shared>> -> memref<4096xi32, #tpu.memory_space<vmem_shared>>
    tpu.enqueue_dma source(%dma_start3A_152 : memref<4096xi32, #tpu.memory_space<vmem_shared>>) target(%arg11 : memref<4096xi32, #tpu.memory_space<vmem>>) target_semaphore(%arg17 : memref<!tpu.dma_semaphore, #tpu.memory_space<semaphore_mem>>)
    %dma_wait3A_153 = arith.constant 0 : i32
    %dma_wait3A_154 = arith.constant 0 : i32
    %dma_wait3A_155 = tpu.memref_slice %arg12[%dma_wait3A_154] : memref<4096xf32, #tpu.memory_space<vmem>> -> memref<2048xf32, #tpu.memory_space<vmem>>
    %dma_wait3A_156 = arith.constant 0 : i32
    %dma_wait3A_157 = tpu.memref_slice %arg5[%dma_wait3A_153, %add3A_31, %dma_wait3A_156] : memref<16x64x2048xf32, #tpu.memory_space<hbm>> -> memref<1x1x2048xf32, #tpu.memory_space<hbm>>
    %dma_wait3A_158 = tpu.memref_squeeze %dma_wait3A_157 : memref<1x1x2048xf32, #tpu.memory_space<hbm>> -> memref<2048xf32, #tpu.memory_space<hbm>>
    %dma_wait3A_159 = arith.constant 0 : i32
    %dma_wait3A_160 = tpu.memref_slice %arg5[%dma_wait3A_153, %add3A_31, %dma_wait3A_159] : memref<16x64x2048xf32, #tpu.memory_space<hbm>> -> memref<1x1x2048xf32, #tpu.memory_space<hbm>>
    %dma_wait3A_161 = tpu.memref_squeeze %dma_wait3A_160 : memref<1x1x2048xf32, #tpu.memory_space<hbm>> -> memref<2048xf32, #tpu.memory_space<hbm>>
    %dma_wait3A_162 = arith.constant 0 : i32
    %dma_wait3A_163 = tpu.memref_slice %arg12[%dma_wait3A_162] : memref<4096xf32, #tpu.memory_space<vmem>> -> memref<2048xf32, #tpu.memory_space<vmem>>
    tpu.wait_dma2 semaphore(%arg18 : memref<!tpu.dma_semaphore, #tpu.memory_space<semaphore_mem>>) src(%dma_wait3A_163 : memref<2048xf32, #tpu.memory_space<vmem>>) dst(%dma_wait3A_161 : memref<2048xf32, #tpu.memory_space<hbm>>)
    %dma_wait3A_164 = arith.constant 1 : i32
    %dma_wait3A_165 = arith.constant 2048 : i32
    %dma_wait3A_166 = tpu.memref_slice %arg12[%dma_wait3A_165] : memref<4096xf32, #tpu.memory_space<vmem>> -> memref<2048xf32, #tpu.memory_space<vmem>>
    %dma_wait3A_167 = arith.constant 0 : i32
    %dma_wait3A_168 = tpu.memref_slice %arg5[%dma_wait3A_164, %add3A_31, %dma_wait3A_167] : memref<16x64x2048xf32, #tpu.memory_space<hbm>> -> memref<1x1x2048xf32, #tpu.memory_space<hbm>>
    %dma_wait3A_169 = tpu.memref_squeeze %dma_wait3A_168 : memref<1x1x2048xf32, #tpu.memory_space<hbm>> -> memref<2048xf32, #tpu.memory_space<hbm>>
    %dma_wait3A_170 = arith.constant 0 : i32
    %dma_wait3A_171 = tpu.memref_slice %arg5[%dma_wait3A_164, %add3A_31, %dma_wait3A_170] : memref<16x64x2048xf32, #tpu.memory_space<hbm>> -> memref<1x1x2048xf32, #tpu.memory_space<hbm>>
    %dma_wait3A_172 = tpu.memref_squeeze %dma_wait3A_171 : memref<1x1x2048xf32, #tpu.memory_space<hbm>> -> memref<2048xf32, #tpu.memory_space<hbm>>
    %dma_wait3A_173 = arith.constant 2048 : i32
    %dma_wait3A_174 = tpu.memref_slice %arg12[%dma_wait3A_173] : memref<4096xf32, #tpu.memory_space<vmem>> -> memref<2048xf32, #tpu.memory_space<vmem>>
    tpu.wait_dma2 semaphore(%arg18 : memref<!tpu.dma_semaphore, #tpu.memory_space<semaphore_mem>>) src(%dma_wait3A_174 : memref<2048xf32, #tpu.memory_space<vmem>>) dst(%dma_wait3A_172 : memref<2048xf32, #tpu.memory_space<hbm>>)
    %scan3A_175 = arith.constant 0 : i32
    %scan3A_176 = arith.constant 0 : i32
    %scan3A_177 = arith.constant 64 : i32
    %scan3A_178 = arith.addi %scan3A_176, %scan3A_177 : i32
    %scan3A_179 = arith.constant 1 : i32
    %scan3A_180 = scf.for %scan3A_1163 = %scan3A_176 to %scan3A_178 step %scan3A_179 iter_args(%scan3A_1164 = %scan3A_175) -> (i32)  : i32 {
      %mul3A_1165 = arith.constant 4 : i32
      %mul3A_1166 = arith.muli %scan3A_1163, %mul3A_1165 : i32
      %add3A_1167 = arith.constant 0 : i32
      %add3A_1168 = arith.addi %mul3A_1166, %add3A_1167 : i32
      %mul3A_1169 = arith.constant 16 : i32
      %mul3A_1170 = arith.muli %add3A_1168, %mul3A_1169 : i32
      %get3A = arith.index_cast %mul3A_1170 : i32 to index
      %get3A_1171 = tpu.vector_load %arg8[%get3A] {strides = array<i32>} : memref<4096xi32, #tpu.memory_space<vmem>>, vector<16xi32>,
      %get3A_1172 = arith.index_cast %mul3A_1170 : i32 to index
      %get3A_1173 = tpu.vector_load %arg9[%get3A_1172] {strides = array<i32>} : memref<4096xi32, #tpu.memory_space<vmem>>, vector<16xi32>,
      %gather3A = tpu.vector_load_idx %arg6[%get3A_1171] : memref<100000xf32, #tpu.memory_space<vmem>>[vector<16xi32>], vector<16xf32>,
      %gather3A_1174 = tpu.vector_load_idx %arg7[%get3A_1173] : memref<2049xf32, #tpu.memory_space<vmem>>[vector<16xi32>], vector<16xf32>,
      %mul3A_1175 = arith.constant 8.000000e+00 : f32
      %mul3A_1176 = vector.broadcast %mul3A_1175 : f32 to vector<16xf32>
      %mul3A_1177 = arith.mulf %gather3A, %mul3A_1176 : vector<16xf32>
      %add3A_1178 = arith.addf %mul3A_1177, %gather3A_1174 : vector<16xf32>
      %swap3A = arith.index_cast %mul3A_1170 : i32 to index
      %swap3A_1179 = tpu.vector_load %arg12[%swap3A] {strides = array<i32>} : memref<4096xf32, #tpu.memory_space<vmem>>, vector<16xf32>,
      tpu.vector_store %arg12[%swap3A], %add3A_1178 {strides = array<i32>} : memref<4096xf32, #tpu.memory_space<vmem>>, vector<16xf32>,
      %mul3A_1180 = arith.constant 4 : i32
      %mul3A_1181 = arith.muli %scan3A_1163, %mul3A_1180 : i32
      %add3A_1182 = arith.constant 1 : i32
      %add3A_1183 = arith.addi %mul3A_1181, %add3A_1182 : i32
      %mul3A_1184 = arith.constant 16 : i32
      %mul3A_1185 = arith.muli %add3A_1183, %mul3A_1184 : i32
      %get3A_1186 = arith.index_cast %mul3A_1185 : i32 to index
      %get3A_1187 = tpu.vector_load %arg8[%get3A_1186] {strides = array<i32>} : memref<4096xi32, #tpu.memory_space<vmem>>, vector<16xi32>,
      %get3A_1188 = arith.index_cast %mul3A_1185 : i32 to index
      %get3A_1189 = tpu.vector_load %arg9[%get3A_1188] {strides = array<i32>} : memref<4096xi32, #tpu.memory_space<vmem>>, vector<16xi32>,
      %gather3A_1190 = tpu.vector_load_idx %arg6[%get3A_1187] : memref<100000xf32, #tpu.memory_space<vmem>>[vector<16xi32>], vector<16xf32>,
      %gather3A_1191 = tpu.vector_load_idx %arg7[%get3A_1189] : memref<2049xf32, #tpu.memory_space<vmem>>[vector<16xi32>], vector<16xf32>,
      %mul3A_1192 = arith.constant 8.000000e+00 : f32
      %mul3A_1193 = vector.broadcast %mul3A_1192 : f32 to vector<16xf32>
      %mul3A_1194 = arith.mulf %gather3A_1190, %mul3A_1193 : vector<16xf32>
      %add3A_1195 = arith.addf %mul3A_1194, %gather3A_1191 : vector<16xf32>
      %swap3A_1196 = arith.index_cast %mul3A_1185 : i32 to index
      %swap3A_1197 = tpu.vector_load %arg12[%swap3A_1196] {strides = array<i32>} : memref<4096xf32, #tpu.memory_space<vmem>>, vector<16xf32>,
      tpu.vector_store %arg12[%swap3A_1196], %add3A_1195 {strides = array<i32>} : memref<4096xf32, #tpu.memory_space<vmem>>, vector<16xf32>,
      %mul3A_1198 = arith.constant 4 : i32
      %mul3A_1199 = arith.muli %scan3A_1163, %mul3A_1198 : i32
      %add3A_1200 = arith.constant 2 : i32
      %add3A_1201 = arith.addi %mul3A_1199, %add3A_1200 : i32
      %mul3A_1202 = arith.constant 16 : i32
      %mul3A_1203 = arith.muli %add3A_1201, %mul3A_1202 : i32
      %get3A_1204 = arith.index_cast %mul3A_1203 : i32 to index
      %get3A_1205 = tpu.vector_load %arg8[%get3A_1204] {strides = array<i32>} : memref<4096xi32, #tpu.memory_space<vmem>>, vector<16xi32>,
      %get3A_1206 = arith.index_cast %mul3A_1203 : i32 to index
      %get3A_1207 = tpu.vector_load %arg9[%get3A_1206] {strides = array<i32>} : memref<4096xi32, #tpu.memory_space<vmem>>, vector<16xi32>,
      %gather3A_1208 = tpu.vector_load_idx %arg6[%get3A_1205] : memref<100000xf32, #tpu.memory_space<vmem>>[vector<16xi32>], vector<16xf32>,
      %gather3A_1209 = tpu.vector_load_idx %arg7[%get3A_1207] : memref<2049xf32, #tpu.memory_space<vmem>>[vector<16xi32>], vector<16xf32>,
      %mul3A_1210 = arith.constant 8.000000e+00 : f32
      %mul3A_1211 = vector.broadcast %mul3A_1210 : f32 to vector<16xf32>
      %mul3A_1212 = arith.mulf %gather3A_1208, %mul3A_1211 : vector<16xf32>
      %add3A_1213 = arith.addf %mul3A_1212, %gather3A_1209 : vector<16xf32>
      %swap3A_1214 = arith.index_cast %mul3A_1203 : i32 to index
      %swap3A_1215 = tpu.vector_load %arg12[%swap3A_1214] {strides = array<i32>} : memref<4096xf32, #tpu.memory_space<vmem>>, vector<16xf32>,
      tpu.vector_store %arg12[%swap3A_1214], %add3A_1213 {strides = array<i32>} : memref<4096xf32, #tpu.memory_space<vmem>>, vector<16xf32>,
      %mul3A_1216 = arith.constant 4 : i32
      %mul3A_1217 = arith.muli %scan3A_1163, %mul3A_1216 : i32
      %add3A_1218 = arith.constant 3 : i32
      %add3A_1219 = arith.addi %mul3A_1217, %add3A_1218 : i32
      %mul3A_1220 = arith.constant 16 : i32
      %mul3A_1221 = arith.muli %add3A_1219, %mul3A_1220 : i32
      %get3A_1222 = arith.index_cast %mul3A_1221 : i32 to index
      %get3A_1223 = tpu.vector_load %arg8[%get3A_1222] {strides = array<i32>} : memref<4096xi32, #tpu.memory_space<vmem>>, vector<16xi32>,
      %get3A_1224 = arith.index_cast %mul3A_1221 : i32 to index
      %get3A_1225 = tpu.vector_load %arg9[%get3A_1224] {strides = array<i32>} : memref<4096xi32, #tpu.memory_space<vmem>>, vector<16xi32>,
      %gather3A_1226 = tpu.vector_load_idx %arg6[%get3A_1223] : memref<100000xf32, #tpu.memory_space<vmem>>[vector<16xi32>], vector<16xf32>,
      %gather3A_1227 = tpu.vector_load_idx %arg7[%get3A_1225] : memref<2049xf32, #tpu.memory_space<vmem>>[vector<16xi32>], vector<16xf32>,
      %mul3A_1228 = arith.constant 8.000000e+00 : f32
      %mul3A_1229 = vector.broadcast %mul3A_1228 : f32 to vector<16xf32>
      %mul3A_1230 = arith.mulf %gather3A_1226, %mul3A_1229 : vector<16xf32>
      %add3A_1231 = arith.addf %mul3A_1230, %gather3A_1227 : vector<16xf32>
      %swap3A_1232 = arith.index_cast %mul3A_1221 : i32 to index
      %swap3A_1233 = tpu.vector_load %arg12[%swap3A_1232] {strides = array<i32>} : memref<4096xf32, #tpu.memory_space<vmem>>, vector<16xf32>,
      tpu.vector_store %arg12[%swap3A_1232], %add3A_1231 {strides = array<i32>} : memref<4096xf32, #tpu.memory_space<vmem>>, vector<16xf32>,
      %scan3A_1234 = arith.constant 0 : i32
      scf.yield %scan3A_1234 : i32
    }
    %scan3A_181 = arith.constant 64 : i32
    %dma_start3A_182 = arith.constant 4 : i32
    %dma_start3A_183 = arith.constant 0 : i32
    %dma_start3A_184 = tpu.memref_slice %arg12[%dma_start3A_183] : memref<4096xf32, #tpu.memory_space<vmem>> -> memref<2048xf32, #tpu.memory_space<vmem>>
    %dma_start3A_185 = arith.constant 0 : i32
    %dma_start3A_186 = tpu.memref_slice %arg5[%dma_start3A_182, %add3A_136, %dma_start3A_185] : memref<16x64x2048xf32, #tpu.memory_space<hbm>> -> memref<1x1x2048xf32, #tpu.memory_space<hbm>>
    %dma_start3A_187 = tpu.memref_squeeze %dma_start3A_186 : memref<1x1x2048xf32, #tpu.memory_space<hbm>> -> memref<2048xf32, #tpu.memory_space<hbm>>
    %dma_start3A_188 = arith.constant 0 : i32
    %dma_start3A_189 = tpu.memref_slice %arg5[%dma_start3A_182, %add3A_136, %dma_start3A_188] : memref<16x64x2048xf32, #tpu.memory_space<hbm>> -> memref<1x1x2048xf32, #tpu.memory_space<hbm>>
    %dma_start3A_190 = tpu.memref_squeeze %dma_start3A_189 : memref<1x1x2048xf32, #tpu.memory_space<hbm>> -> memref<2048xf32, #tpu.memory_space<hbm>>
    %dma_start3A_191 = arith.constant 0 : i32
    %dma_start3A_192 = tpu.memref_slice %arg12[%dma_start3A_191] : memref<4096xf32, #tpu.memory_space<vmem>> -> memref<2048xf32, #tpu.memory_space<vmem>>
    tpu.enqueue_dma source(%dma_start3A_192 : memref<2048xf32, #tpu.memory_space<vmem>>) target(%dma_start3A_190 : memref<2048xf32, #tpu.memory_space<hbm>>) target_semaphore(%arg18 : memref<!tpu.dma_semaphore, #tpu.memory_space<semaphore_mem>>)
    %dma_start3A_193 = arith.constant 5 : i32
    %dma_start3A_194 = arith.constant 2048 : i32
    %dma_start3A_195 = tpu.memref_slice %arg12[%dma_start3A_194] : memref<4096xf32, #tpu.memory_space<vmem>> -> memref<2048xf32, #tpu.memory_space<vmem>>
    %dma_start3A_196 = arith.constant 0 : i32
    %dma_start3A_197 = tpu.memref_slice %arg5[%dma_start3A_193, %add3A_136, %dma_start3A_196] : memref<16x64x2048xf32, #tpu.memory_space<hbm>> -> memref<1x1x2048xf32, #tpu.memory_space<hbm>>
    %dma_start3A_198 = tpu.memref_squeeze %dma_start3A_197 : memref<1x1x2048xf32, #tpu.memory_space<hbm>> -> memref<2048xf32, #tpu.memory_space<hbm>>
    %dma_start3A_199 = arith.constant 0 : i32
    %dma_start3A_200 = tpu.memref_slice %arg5[%dma_start3A_193, %add3A_136, %dma_start3A_199] : memref<16x64x2048xf32, #tpu.memory_space<hbm>> -> memref<1x1x2048xf32, #tpu.memory_space<hbm>>
    %dma_start3A_201 = tpu.memref_squeeze %dma_start3A_200 : memref<1x1x2048xf32, #tpu.memory_space<hbm>> -> memref<2048xf32, #tpu.memory_space<hbm>>
    %dma_start3A_202 = arith.constant 2048 : i32
    %dma_start3A_203 = tpu.memref_slice %arg12[%dma_start3A_202] : memref<4096xf32, #tpu.memory_space<vmem>> -> memref<2048xf32, #tpu.memory_space<vmem>>
    tpu.enqueue_dma source(%dma_start3A_203 : memref<2048xf32, #tpu.memory_space<vmem>>) target(%dma_start3A_201 : memref<2048xf32, #tpu.memory_space<hbm>>) target_semaphore(%arg18 : memref<!tpu.dma_semaphore, #tpu.memory_space<semaphore_mem>>)
    %add3A_204 = arith.constant 0 : i32
    %add3A_205 = arith.addi %add3A, %add3A_204 : i32
    %dma_wait3A_206 = arith.constant 12288 : i32
    %dma_wait3A_207 = tpu.memref_slice %arg14[%dma_wait3A_206] : memref<32768xi32, #tpu.memory_space<vmem_shared>> -> memref<4096xi32, #tpu.memory_space<vmem_shared>>
    %dma_wait3A_208 = arith.constant 12288 : i32
    %dma_wait3A_209 = tpu.memref_slice %arg14[%dma_wait3A_208] : memref<32768xi32, #tpu.memory_space<vmem_shared>> -> memref<4096xi32, #tpu.memory_space<vmem_shared>>
    tpu.wait_dma2 semaphore(%arg17 : memref<!tpu.dma_semaphore, #tpu.memory_space<semaphore_mem>>) src(%dma_wait3A_209 : memref<4096xi32, #tpu.memory_space<vmem_shared>>) dst(%arg10 : memref<4096xi32, #tpu.memory_space<vmem>>)
    %dma_wait3A_210 = arith.constant 12288 : i32
    %dma_wait3A_211 = tpu.memref_slice %arg15[%dma_wait3A_210] : memref<32768xi32, #tpu.memory_space<vmem_shared>> -> memref<4096xi32, #tpu.memory_space<vmem_shared>>
    %dma_wait3A_212 = arith.constant 12288 : i32
    %dma_wait3A_213 = tpu.memref_slice %arg15[%dma_wait3A_212] : memref<32768xi32, #tpu.memory_space<vmem_shared>> -> memref<4096xi32, #tpu.memory_space<vmem_shared>>
    tpu.wait_dma2 semaphore(%arg17 : memref<!tpu.dma_semaphore, #tpu.memory_space<semaphore_mem>>) src(%dma_wait3A_213 : memref<4096xi32, #tpu.memory_space<vmem_shared>>) dst(%arg11 : memref<4096xi32, #tpu.memory_space<vmem>>)
    %dma_start3A_214 = arith.constant 16384 : i32
    %dma_start3A_215 = tpu.memref_slice %arg14[%dma_start3A_214] : memref<32768xi32, #tpu.memory_space<vmem_shared>> -> memref<4096xi32, #tpu.memory_space<vmem_shared>>
    %dma_start3A_216 = arith.constant 16384 : i32
    %dma_start3A_217 = tpu.memref_slice %arg14[%dma_start3A_216] : memref<32768xi32, #tpu.memory_space<vmem_shared>> -> memref<4096xi32, #tpu.memory_space<vmem_shared>>
    tpu.enqueue_dma source(%dma_start3A_217 : memref<4096xi32, #tpu.memory_space<vmem_shared>>) target(%arg8 : memref<4096xi32, #tpu.memory_space<vmem>>) target_semaphore(%arg17 : memref<!tpu.dma_semaphore, #tpu.memory_space<semaphore_mem>>)
    %dma_start3A_218 = arith.constant 16384 : i32
    %dma_start3A_219 = tpu.memref_slice %arg15[%dma_start3A_218] : memref<32768xi32, #tpu.memory_space<vmem_shared>> -> memref<4096xi32, #tpu.memory_space<vmem_shared>>
    %dma_start3A_220 = arith.constant 16384 : i32
    %dma_start3A_221 = tpu.memref_slice %arg15[%dma_start3A_220] : memref<32768xi32, #tpu.memory_space<vmem_shared>> -> memref<4096xi32, #tpu.memory_space<vmem_shared>>
    tpu.enqueue_dma source(%dma_start3A_221 : memref<4096xi32, #tpu.memory_space<vmem_shared>>) target(%arg9 : memref<4096xi32, #tpu.memory_space<vmem>>) target_semaphore(%arg17 : memref<!tpu.dma_semaphore, #tpu.memory_space<semaphore_mem>>)
    %dma_wait3A_222 = arith.constant 2 : i32
    %dma_wait3A_223 = arith.constant 0 : i32
    %dma_wait3A_224 = tpu.memref_slice %arg13[%dma_wait3A_223] : memref<4096xf32, #tpu.memory_space<vmem>> -> memref<2048xf32, #tpu.memory_space<vmem>>
    %dma_wait3A_225 = arith.constant 0 : i32
    %dma_wait3A_226 = tpu.memref_slice %arg5[%dma_wait3A_222, %add3A_89, %dma_wait3A_225] : memref<16x64x2048xf32, #tpu.memory_space<hbm>> -> memref<1x1x2048xf32, #tpu.memory_space<hbm>>
    %dma_wait3A_227 = tpu.memref_squeeze %dma_wait3A_226 : memref<1x1x2048xf32, #tpu.memory_space<hbm>> -> memref<2048xf32, #tpu.memory_space<hbm>>
    %dma_wait3A_228 = arith.constant 0 : i32
    %dma_wait3A_229 = tpu.memref_slice %arg5[%dma_wait3A_222, %add3A_89, %dma_wait3A_228] : memref<16x64x2048xf32, #tpu.memory_space<hbm>> -> memref<1x1x2048xf32, #tpu.memory_space<hbm>>
    %dma_wait3A_230 = tpu.memref_squeeze %dma_wait3A_229 : memref<1x1x2048xf32, #tpu.memory_space<hbm>> -> memref<2048xf32, #tpu.memory_space<hbm>>
    %dma_wait3A_231 = arith.constant 0 : i32
    %dma_wait3A_232 = tpu.memref_slice %arg13[%dma_wait3A_231] : memref<4096xf32, #tpu.memory_space<vmem>> -> memref<2048xf32, #tpu.memory_space<vmem>>
    tpu.wait_dma2 semaphore(%arg18 : memref<!tpu.dma_semaphore, #tpu.memory_space<semaphore_mem>>) src(%dma_wait3A_232 : memref<2048xf32, #tpu.memory_space<vmem>>) dst(%dma_wait3A_230 : memref<2048xf32, #tpu.memory_space<hbm>>)
    %dma_wait3A_233 = arith.constant 3 : i32
    %dma_wait3A_234 = arith.constant 2048 : i32
    %dma_wait3A_235 = tpu.memref_slice %arg13[%dma_wait3A_234] : memref<4096xf32, #tpu.memory_space<vmem>> -> memref<2048xf32, #tpu.memory_space<vmem>>
    %dma_wait3A_236 = arith.constant 0 : i32
    %dma_wait3A_237 = tpu.memref_slice %arg5[%dma_wait3A_233, %add3A_89, %dma_wait3A_236] : memref<16x64x2048xf32, #tpu.memory_space<hbm>> -> memref<1x1x2048xf32, #tpu.memory_space<hbm>>
    %dma_wait3A_238 = tpu.memref_squeeze %dma_wait3A_237 : memref<1x1x2048xf32, #tpu.memory_space<hbm>> -> memref<2048xf32, #tpu.memory_space<hbm>>
    %dma_wait3A_239 = arith.constant 0 : i32
    %dma_wait3A_240 = tpu.memref_slice %arg5[%dma_wait3A_233, %add3A_89, %dma_wait3A_239] : memref<16x64x2048xf32, #tpu.memory_space<hbm>> -> memref<1x1x2048xf32, #tpu.memory_space<hbm>>
    %dma_wait3A_241 = tpu.memref_squeeze %dma_wait3A_240 : memref<1x1x2048xf32, #tpu.memory_space<hbm>> -> memref<2048xf32, #tpu.memory_space<hbm>>
    %dma_wait3A_242 = arith.constant 2048 : i32
    %dma_wait3A_243 = tpu.memref_slice %arg13[%dma_wait3A_242] : memref<4096xf32, #tpu.memory_space<vmem>> -> memref<2048xf32, #tpu.memory_space<vmem>>
    tpu.wait_dma2 semaphore(%arg18 : memref<!tpu.dma_semaphore, #tpu.memory_space<semaphore_mem>>) src(%dma_wait3A_243 : memref<2048xf32, #tpu.memory_space<vmem>>) dst(%dma_wait3A_241 : memref<2048xf32, #tpu.memory_space<hbm>>)
    %scan3A_244 = arith.constant 0 : i32
    %scan3A_245 = arith.constant 0 : i32
    %scan3A_246 = arith.constant 64 : i32
    %scan3A_247 = arith.addi %scan3A_245, %scan3A_246 : i32
    %scan3A_248 = arith.constant 1 : i32
    %scan3A_249 = scf.for %scan3A_1163 = %scan3A_245 to %scan3A_247 step %scan3A_248 iter_args(%scan3A_1164 = %scan3A_244) -> (i32)  : i32 {
      %mul3A_1165 = arith.constant 4 : i32
      %mul3A_1166 = arith.muli %scan3A_1163, %mul3A_1165 : i32
      %add3A_1167 = arith.constant 0 : i32
      %add3A_1168 = arith.addi %mul3A_1166, %add3A_1167 : i32
      %mul3A_1169 = arith.constant 16 : i32
      %mul3A_1170 = arith.muli %add3A_1168, %mul3A_1169 : i32
      %get3A = arith.index_cast %mul3A_1170 : i32 to index
      %get3A_1171 = tpu.vector_load %arg10[%get3A] {strides = array<i32>} : memref<4096xi32, #tpu.memory_space<vmem>>, vector<16xi32>,
      %get3A_1172 = arith.index_cast %mul3A_1170 : i32 to index
      %get3A_1173 = tpu.vector_load %arg11[%get3A_1172] {strides = array<i32>} : memref<4096xi32, #tpu.memory_space<vmem>>, vector<16xi32>,
      %gather3A = tpu.vector_load_idx %arg6[%get3A_1171] : memref<100000xf32, #tpu.memory_space<vmem>>[vector<16xi32>], vector<16xf32>,
      %gather3A_1174 = tpu.vector_load_idx %arg7[%get3A_1173] : memref<2049xf32, #tpu.memory_space<vmem>>[vector<16xi32>], vector<16xf32>,
      %mul3A_1175 = arith.constant 8.000000e+00 : f32
      %mul3A_1176 = vector.broadcast %mul3A_1175 : f32 to vector<16xf32>
      %mul3A_1177 = arith.mulf %gather3A, %mul3A_1176 : vector<16xf32>
      %add3A_1178 = arith.addf %mul3A_1177, %gather3A_1174 : vector<16xf32>
      %swap3A = arith.index_cast %mul3A_1170 : i32 to index
      %swap3A_1179 = tpu.vector_load %arg13[%swap3A] {strides = array<i32>} : memref<4096xf32, #tpu.memory_space<vmem>>, vector<16xf32>,
      tpu.vector_store %arg13[%swap3A], %add3A_1178 {strides = array<i32>} : memref<4096xf32, #tpu.memory_space<vmem>>, vector<16xf32>,
      %mul3A_1180 = arith.constant 4 : i32
      %mul3A_1181 = arith.muli %scan3A_1163, %mul3A_1180 : i32
      %add3A_1182 = arith.constant 1 : i32
      %add3A_1183 = arith.addi %mul3A_1181, %add3A_1182 : i32
      %mul3A_1184 = arith.constant 16 : i32
      %mul3A_1185 = arith.muli %add3A_1183, %mul3A_1184 : i32
      %get3A_1186 = arith.index_cast %mul3A_1185 : i32 to index
      %get3A_1187 = tpu.vector_load %arg10[%get3A_1186] {strides = array<i32>} : memref<4096xi32, #tpu.memory_space<vmem>>, vector<16xi32>,
      %get3A_1188 = arith.index_cast %mul3A_1185 : i32 to index
      %get3A_1189 = tpu.vector_load %arg11[%get3A_1188] {strides = array<i32>} : memref<4096xi32, #tpu.memory_space<vmem>>, vector<16xi32>,
      %gather3A_1190 = tpu.vector_load_idx %arg6[%get3A_1187] : memref<100000xf32, #tpu.memory_space<vmem>>[vector<16xi32>], vector<16xf32>,
      %gather3A_1191 = tpu.vector_load_idx %arg7[%get3A_1189] : memref<2049xf32, #tpu.memory_space<vmem>>[vector<16xi32>], vector<16xf32>,
      %mul3A_1192 = arith.constant 8.000000e+00 : f32
      %mul3A_1193 = vector.broadcast %mul3A_1192 : f32 to vector<16xf32>
      %mul3A_1194 = arith.mulf %gather3A_1190, %mul3A_1193 : vector<16xf32>
      %add3A_1195 = arith.addf %mul3A_1194, %gather3A_1191 : vector<16xf32>
      %swap3A_1196 = arith.index_cast %mul3A_1185 : i32 to index
      %swap3A_1197 = tpu.vector_load %arg13[%swap3A_1196] {strides = array<i32>} : memref<4096xf32, #tpu.memory_space<vmem>>, vector<16xf32>,
      tpu.vector_store %arg13[%swap3A_1196], %add3A_1195 {strides = array<i32>} : memref<4096xf32, #tpu.memory_space<vmem>>, vector<16xf32>,
      %mul3A_1198 = arith.constant 4 : i32
      %mul3A_1199 = arith.muli %scan3A_1163, %mul3A_1198 : i32
      %add3A_1200 = arith.constant 2 : i32
      %add3A_1201 = arith.addi %mul3A_1199, %add3A_1200 : i32
      %mul3A_1202 = arith.constant 16 : i32
      %mul3A_1203 = arith.muli %add3A_1201, %mul3A_1202 : i32
      %get3A_1204 = arith.index_cast %mul3A_1203 : i32 to index
      %get3A_1205 = tpu.vector_load %arg10[%get3A_1204] {strides = array<i32>} : memref<4096xi32, #tpu.memory_space<vmem>>, vector<16xi32>,
      %get3A_1206 = arith.index_cast %mul3A_1203 : i32 to index
      %get3A_1207 = tpu.vector_load %arg11[%get3A_1206] {strides = array<i32>} : memref<4096xi32, #tpu.memory_space<vmem>>, vector<16xi32>,
      %gather3A_1208 = tpu.vector_load_idx %arg6[%get3A_1205] : memref<100000xf32, #tpu.memory_space<vmem>>[vector<16xi32>], vector<16xf32>,
      %gather3A_1209 = tpu.vector_load_idx %arg7[%get3A_1207] : memref<2049xf32, #tpu.memory_space<vmem>>[vector<16xi32>], vector<16xf32>,
      %mul3A_1210 = arith.constant 8.000000e+00 : f32
      %mul3A_1211 = vector.broadcast %mul3A_1210 : f32 to vector<16xf32>
      %mul3A_1212 = arith.mulf %gather3A_1208, %mul3A_1211 : vector<16xf32>
      %add3A_1213 = arith.addf %mul3A_1212, %gather3A_1209 : vector<16xf32>
      %swap3A_1214 = arith.index_cast %mul3A_1203 : i32 to index
      %swap3A_1215 = tpu.vector_load %arg13[%swap3A_1214] {strides = array<i32>} : memref<4096xf32, #tpu.memory_space<vmem>>, vector<16xf32>,
      tpu.vector_store %arg13[%swap3A_1214], %add3A_1213 {strides = array<i32>} : memref<4096xf32, #tpu.memory_space<vmem>>, vector<16xf32>,
      %mul3A_1216 = arith.constant 4 : i32
      %mul3A_1217 = arith.muli %scan3A_1163, %mul3A_1216 : i32
      %add3A_1218 = arith.constant 3 : i32
      %add3A_1219 = arith.addi %mul3A_1217, %add3A_1218 : i32
      %mul3A_1220 = arith.constant 16 : i32
      %mul3A_1221 = arith.muli %add3A_1219, %mul3A_1220 : i32
      %get3A_1222 = arith.index_cast %mul3A_1221 : i32 to index
      %get3A_1223 = tpu.vector_load %arg10[%get3A_1222] {strides = array<i32>} : memref<4096xi32, #tpu.memory_space<vmem>>, vector<16xi32>,
      %get3A_1224 = arith.index_cast %mul3A_1221 : i32 to index
      %get3A_1225 = tpu.vector_load %arg11[%get3A_1224] {strides = array<i32>} : memref<4096xi32, #tpu.memory_space<vmem>>, vector<16xi32>,
      %gather3A_1226 = tpu.vector_load_idx %arg6[%get3A_1223] : memref<100000xf32, #tpu.memory_space<vmem>>[vector<16xi32>], vector<16xf32>,
      %gather3A_1227 = tpu.vector_load_idx %arg7[%get3A_1225] : memref<2049xf32, #tpu.memory_space<vmem>>[vector<16xi32>], vector<16xf32>,
      %mul3A_1228 = arith.constant 8.000000e+00 : f32
      %mul3A_1229 = vector.broadcast %mul3A_1228 : f32 to vector<16xf32>
      %mul3A_1230 = arith.mulf %gather3A_1226, %mul3A_1229 : vector<16xf32>
      %add3A_1231 = arith.addf %mul3A_1230, %gather3A_1227 : vector<16xf32>
      %swap3A_1232 = arith.index_cast %mul3A_1221 : i32 to index
      %swap3A_1233 = tpu.vector_load %arg13[%swap3A_1232] {strides = array<i32>} : memref<4096xf32, #tpu.memory_space<vmem>>, vector<16xf32>,
      tpu.vector_store %arg13[%swap3A_1232], %add3A_1231 {strides = array<i32>} : memref<4096xf32, #tpu.memory_space<vmem>>, vector<16xf32>,
      %scan3A_1234 = arith.constant 0 : i32
      scf.yield %scan3A_1234 : i32
    }
    %scan3A_250 = arith.constant 64 : i32
    %dma_start3A_251 = arith.constant 6 : i32
    %dma_start3A_252 = arith.constant 0 : i32
    %dma_start3A_253 = tpu.memref_slice %arg13[%dma_start3A_252] : memref<4096xf32, #tpu.memory_space<vmem>> -> memref<2048xf32, #tpu.memory_space<vmem>>
    %dma_start3A_254 = arith.constant 0 : i32
    %dma_start3A_255 = tpu.memref_slice %arg5[%dma_start3A_251, %add3A_205, %dma_start3A_254] : memref<16x64x2048xf32, #tpu.memory_space<hbm>> -> memref<1x1x2048xf32, #tpu.memory_space<hbm>>
    %dma_start3A_256 = tpu.memref_squeeze %dma_start3A_255 : memref<1x1x2048xf32, #tpu.memory_space<hbm>> -> memref<2048xf32, #tpu.memory_space<hbm>>
    %dma_start3A_257 = arith.constant 0 : i32
    %dma_start3A_258 = tpu.memref_slice %arg5[%dma_start3A_251, %add3A_205, %dma_start3A_257] : memref<16x64x2048xf32, #tpu.memory_space<hbm>> -> memref<1x1x2048xf32, #tpu.memory_space<hbm>>
    %dma_start3A_259 = tpu.memref_squeeze %dma_start3A_258 : memref<1x1x2048xf32, #tpu.memory_space<hbm>> -> memref<2048xf32, #tpu.memory_space<hbm>>
    %dma_start3A_260 = arith.constant 0 : i32
    %dma_start3A_261 = tpu.memref_slice %arg13[%dma_start3A_260] : memref<4096xf32, #tpu.memory_space<vmem>> -> memref<2048xf32, #tpu.memory_space<vmem>>
    tpu.enqueue_dma source(%dma_start3A_261 : memref<2048xf32, #tpu.memory_space<vmem>>) target(%dma_start3A_259 : memref<2048xf32, #tpu.memory_space<hbm>>) target_semaphore(%arg18 : memref<!tpu.dma_semaphore, #tpu.memory_space<semaphore_mem>>)
    %dma_start3A_262 = arith.constant 7 : i32
    %dma_start3A_263 = arith.constant 2048 : i32
    %dma_start3A_264 = tpu.memref_slice %arg13[%dma_start3A_263] : memref<4096xf32, #tpu.memory_space<vmem>> -> memref<2048xf32, #tpu.memory_space<vmem>>
    %dma_start3A_265 = arith.constant 0 : i32
    %dma_start3A_266 = tpu.memref_slice %arg5[%dma_start3A_262, %add3A_205, %dma_start3A_265] : memref<16x64x2048xf32, #tpu.memory_space<hbm>> -> memref<1x1x2048xf32, #tpu.memory_space<hbm>>
    %dma_start3A_267 = tpu.memref_squeeze %dma_start3A_266 : memref<1x1x2048xf32, #tpu.memory_space<hbm>> -> memref<2048xf32, #tpu.memory_space<hbm>>
    %dma_start3A_268 = arith.constant 0 : i32
    %dma_start3A_269 = tpu.memref_slice %arg5[%dma_start3A_262, %add3A_205, %dma_start3A_268] : memref<16x64x2048xf32, #tpu.memory_space<hbm>> -> memref<1x1x2048xf32, #tpu.memory_space<hbm>>
    %dma_start3A_270 = tpu.memref_squeeze %dma_start3A_269 : memref<1x1x2048xf32, #tpu.memory_space<hbm>> -> memref<2048xf32, #tpu.memory_space<hbm>>
    %dma_start3A_271 = arith.constant 2048 : i32
    %dma_start3A_272 = tpu.memref_slice %arg13[%dma_start3A_271] : memref<4096xf32, #tpu.memory_space<vmem>> -> memref<2048xf32, #tpu.memory_space<vmem>>
    tpu.enqueue_dma source(%dma_start3A_272 : memref<2048xf32, #tpu.memory_space<vmem>>) target(%dma_start3A_270 : memref<2048xf32, #tpu.memory_space<hbm>>) target_semaphore(%arg18 : memref<!tpu.dma_semaphore, #tpu.memory_space<semaphore_mem>>)
    %add3A_273 = arith.constant 0 : i32
    %add3A_274 = arith.addi %add3A, %add3A_273 : i32
    %dma_wait3A_275 = arith.constant 16384 : i32
    %dma_wait3A_276 = tpu.memref_slice %arg14[%dma_wait3A_275] : memref<32768xi32, #tpu.memory_space<vmem_shared>> -> memref<4096xi32, #tpu.memory_space<vmem_shared>>
    %dma_wait3A_277 = arith.constant 16384 : i32
    %dma_wait3A_278 = tpu.memref_slice %arg14[%dma_wait3A_277] : memref<32768xi32, #tpu.memory_space<vmem_shared>> -> memref<4096xi32, #tpu.memory_space<vmem_shared>>
    tpu.wait_dma2 semaphore(%arg17 : memref<!tpu.dma_semaphore, #tpu.memory_space<semaphore_mem>>) src(%dma_wait3A_278 : memref<4096xi32, #tpu.memory_space<vmem_shared>>) dst(%arg8 : memref<4096xi32, #tpu.memory_space<vmem>>)
    %dma_wait3A_279 = arith.constant 16384 : i32
    %dma_wait3A_280 = tpu.memref_slice %arg15[%dma_wait3A_279] : memref<32768xi32, #tpu.memory_space<vmem_shared>> -> memref<4096xi32, #tpu.memory_space<vmem_shared>>
    %dma_wait3A_281 = arith.constant 16384 : i32
    %dma_wait3A_282 = tpu.memref_slice %arg15[%dma_wait3A_281] : memref<32768xi32, #tpu.memory_space<vmem_shared>> -> memref<4096xi32, #tpu.memory_space<vmem_shared>>
    tpu.wait_dma2 semaphore(%arg17 : memref<!tpu.dma_semaphore, #tpu.memory_space<semaphore_mem>>) src(%dma_wait3A_282 : memref<4096xi32, #tpu.memory_space<vmem_shared>>) dst(%arg9 : memref<4096xi32, #tpu.memory_space<vmem>>)
    %dma_start3A_283 = arith.constant 20480 : i32
    %dma_start3A_284 = tpu.memref_slice %arg14[%dma_start3A_283] : memref<32768xi32, #tpu.memory_space<vmem_shared>> -> memref<4096xi32, #tpu.memory_space<vmem_shared>>
    %dma_start3A_285 = arith.constant 20480 : i32
    %dma_start3A_286 = tpu.memref_slice %arg14[%dma_start3A_285] : memref<32768xi32, #tpu.memory_space<vmem_shared>> -> memref<4096xi32, #tpu.memory_space<vmem_shared>>
    tpu.enqueue_dma source(%dma_start3A_286 : memref<4096xi32, #tpu.memory_space<vmem_shared>>) target(%arg10 : memref<4096xi32, #tpu.memory_space<vmem>>) target_semaphore(%arg17 : memref<!tpu.dma_semaphore, #tpu.memory_space<semaphore_mem>>)
    %dma_start3A_287 = arith.constant 20480 : i32
    %dma_start3A_288 = tpu.memref_slice %arg15[%dma_start3A_287] : memref<32768xi32, #tpu.memory_space<vmem_shared>> -> memref<4096xi32, #tpu.memory_space<vmem_shared>>
    %dma_start3A_289 = arith.constant 20480 : i32
    %dma_start3A_290 = tpu.memref_slice %arg15[%dma_start3A_289] : memref<32768xi32, #tpu.memory_space<vmem_shared>> -> memref<4096xi32, #tpu.memory_space<vmem_shared>>
    tpu.enqueue_dma source(%dma_start3A_290 : memref<4096xi32, #tpu.memory_space<vmem_shared>>) target(%arg11 : memref<4096xi32, #tpu.memory_space<vmem>>) target_semaphore(%arg17 : memref<!tpu.dma_semaphore, #tpu.memory_space<semaphore_mem>>)
    %dma_wait3A_291 = arith.constant 4 : i32
    %dma_wait3A_292 = arith.constant 0 : i32
    %dma_wait3A_293 = tpu.memref_slice %arg12[%dma_wait3A_292] : memref<4096xf32, #tpu.memory_space<vmem>> -> memref<2048xf32, #tpu.memory_space<vmem>>
    %dma_wait3A_294 = arith.constant 0 : i32
    %dma_wait3A_295 = tpu.memref_slice %arg5[%dma_wait3A_291, %add3A_136, %dma_wait3A_294] : memref<16x64x2048xf32, #tpu.memory_space<hbm>> -> memref<1x1x2048xf32, #tpu.memory_space<hbm>>
    %dma_wait3A_296 = tpu.memref_squeeze %dma_wait3A_295 : memref<1x1x2048xf32, #tpu.memory_space<hbm>> -> memref<2048xf32, #tpu.memory_space<hbm>>
    %dma_wait3A_297 = arith.constant 0 : i32
    %dma_wait3A_298 = tpu.memref_slice %arg5[%dma_wait3A_291, %add3A_136, %dma_wait3A_297] : memref<16x64x2048xf32, #tpu.memory_space<hbm>> -> memref<1x1x2048xf32, #tpu.memory_space<hbm>>
    %dma_wait3A_299 = tpu.memref_squeeze %dma_wait3A_298 : memref<1x1x2048xf32, #tpu.memory_space<hbm>> -> memref<2048xf32, #tpu.memory_space<hbm>>
    %dma_wait3A_300 = arith.constant 0 : i32
    %dma_wait3A_301 = tpu.memref_slice %arg12[%dma_wait3A_300] : memref<4096xf32, #tpu.memory_space<vmem>> -> memref<2048xf32, #tpu.memory_space<vmem>>
    tpu.wait_dma2 semaphore(%arg18 : memref<!tpu.dma_semaphore, #tpu.memory_space<semaphore_mem>>) src(%dma_wait3A_301 : memref<2048xf32, #tpu.memory_space<vmem>>) dst(%dma_wait3A_299 : memref<2048xf32, #tpu.memory_space<hbm>>)
    %dma_wait3A_302 = arith.constant 5 : i32
    %dma_wait3A_303 = arith.constant 2048 : i32
    %dma_wait3A_304 = tpu.memref_slice %arg12[%dma_wait3A_303] : memref<4096xf32, #tpu.memory_space<vmem>> -> memref<2048xf32, #tpu.memory_space<vmem>>
    %dma_wait3A_305 = arith.constant 0 : i32
    %dma_wait3A_306 = tpu.memref_slice %arg5[%dma_wait3A_302, %add3A_136, %dma_wait3A_305] : memref<16x64x2048xf32, #tpu.memory_space<hbm>> -> memref<1x1x2048xf32, #tpu.memory_space<hbm>>
    %dma_wait3A_307 = tpu.memref_squeeze %dma_wait3A_306 : memref<1x1x2048xf32, #tpu.memory_space<hbm>> -> memref<2048xf32, #tpu.memory_space<hbm>>
    %dma_wait3A_308 = arith.constant 0 : i32
    %dma_wait3A_309 = tpu.memref_slice %arg5[%dma_wait3A_302, %add3A_136, %dma_wait3A_308] : memref<16x64x2048xf32, #tpu.memory_space<hbm>> -> memref<1x1x2048xf32, #tpu.memory_space<hbm>>
    %dma_wait3A_310 = tpu.memref_squeeze %dma_wait3A_309 : memref<1x1x2048xf32, #tpu.memory_space<hbm>> -> memref<2048xf32, #tpu.memory_space<hbm>>
    %dma_wait3A_311 = arith.constant 2048 : i32
    %dma_wait3A_312 = tpu.memref_slice %arg12[%dma_wait3A_311] : memref<4096xf32, #tpu.memory_space<vmem>> -> memref<2048xf32, #tpu.memory_space<vmem>>
    tpu.wait_dma2 semaphore(%arg18 : memref<!tpu.dma_semaphore, #tpu.memory_space<semaphore_mem>>) src(%dma_wait3A_312 : memref<2048xf32, #tpu.memory_space<vmem>>) dst(%dma_wait3A_310 : memref<2048xf32, #tpu.memory_space<hbm>>)
    %scan3A_313 = arith.constant 0 : i32
    %scan3A_314 = arith.constant 0 : i32
    %scan3A_315 = arith.constant 64 : i32
    %scan3A_316 = arith.addi %scan3A_314, %scan3A_315 : i32
    %scan3A_317 = arith.constant 1 : i32
    %scan3A_318 = scf.for %scan3A_1163 = %scan3A_314 to %scan3A_316 step %scan3A_317 iter_args(%scan3A_1164 = %scan3A_313) -> (i32)  : i32 {
      %mul3A_1165 = arith.constant 4 : i32
      %mul3A_1166 = arith.muli %scan3A_1163, %mul3A_1165 : i32
      %add3A_1167 = arith.constant 0 : i32
      %add3A_1168 = arith.addi %mul3A_1166, %add3A_1167 : i32
      %mul3A_1169 = arith.constant 16 : i32
      %mul3A_1170 = arith.muli %add3A_1168, %mul3A_1169 : i32
      %get3A = arith.index_cast %mul3A_1170 : i32 to index
      %get3A_1171 = tpu.vector_load %arg8[%get3A] {strides = array<i32>} : memref<4096xi32, #tpu.memory_space<vmem>>, vector<16xi32>,
      %get3A_1172 = arith.index_cast %mul3A_1170 : i32 to index
      %get3A_1173 = tpu.vector_load %arg9[%get3A_1172] {strides = array<i32>} : memref<4096xi32, #tpu.memory_space<vmem>>, vector<16xi32>,
      %gather3A = tpu.vector_load_idx %arg6[%get3A_1171] : memref<100000xf32, #tpu.memory_space<vmem>>[vector<16xi32>], vector<16xf32>,
      %gather3A_1174 = tpu.vector_load_idx %arg7[%get3A_1173] : memref<2049xf32, #tpu.memory_space<vmem>>[vector<16xi32>], vector<16xf32>,
      %mul3A_1175 = arith.constant 8.000000e+00 : f32
      %mul3A_1176 = vector.broadcast %mul3A_1175 : f32 to vector<16xf32>
      %mul3A_1177 = arith.mulf %gather3A, %mul3A_1176 : vector<16xf32>
      %add3A_1178 = arith.addf %mul3A_1177, %gather3A_1174 : vector<16xf32>
      %swap3A = arith.index_cast %mul3A_1170 : i32 to index
      %swap3A_1179 = tpu.vector_load %arg12[%swap3A] {strides = array<i32>} : memref<4096xf32, #tpu.memory_space<vmem>>, vector<16xf32>,
      tpu.vector_store %arg12[%swap3A], %add3A_1178 {strides = array<i32>} : memref<4096xf32, #tpu.memory_space<vmem>>, vector<16xf32>,
      %mul3A_1180 = arith.constant 4 : i32
      %mul3A_1181 = arith.muli %scan3A_1163, %mul3A_1180 : i32
      %add3A_1182 = arith.constant 1 : i32
      %add3A_1183 = arith.addi %mul3A_1181, %add3A_1182 : i32
      %mul3A_1184 = arith.constant 16 : i32
      %mul3A_1185 = arith.muli %add3A_1183, %mul3A_1184 : i32
      %get3A_1186 = arith.index_cast %mul3A_1185 : i32 to index
      %get3A_1187 = tpu.vector_load %arg8[%get3A_1186] {strides = array<i32>} : memref<4096xi32, #tpu.memory_space<vmem>>, vector<16xi32>,
      %get3A_1188 = arith.index_cast %mul3A_1185 : i32 to index
      %get3A_1189 = tpu.vector_load %arg9[%get3A_1188] {strides = array<i32>} : memref<4096xi32, #tpu.memory_space<vmem>>, vector<16xi32>,
      %gather3A_1190 = tpu.vector_load_idx %arg6[%get3A_1187] : memref<100000xf32, #tpu.memory_space<vmem>>[vector<16xi32>], vector<16xf32>,
      %gather3A_1191 = tpu.vector_load_idx %arg7[%get3A_1189] : memref<2049xf32, #tpu.memory_space<vmem>>[vector<16xi32>], vector<16xf32>,
      %mul3A_1192 = arith.constant 8.000000e+00 : f32
      %mul3A_1193 = vector.broadcast %mul3A_1192 : f32 to vector<16xf32>
      %mul3A_1194 = arith.mulf %gather3A_1190, %mul3A_1193 : vector<16xf32>
      %add3A_1195 = arith.addf %mul3A_1194, %gather3A_1191 : vector<16xf32>
      %swap3A_1196 = arith.index_cast %mul3A_1185 : i32 to index
      %swap3A_1197 = tpu.vector_load %arg12[%swap3A_1196] {strides = array<i32>} : memref<4096xf32, #tpu.memory_space<vmem>>, vector<16xf32>,
      tpu.vector_store %arg12[%swap3A_1196], %add3A_1195 {strides = array<i32>} : memref<4096xf32, #tpu.memory_space<vmem>>, vector<16xf32>,
      %mul3A_1198 = arith.constant 4 : i32
      %mul3A_1199 = arith.muli %scan3A_1163, %mul3A_1198 : i32
      %add3A_1200 = arith.constant 2 : i32
      %add3A_1201 = arith.addi %mul3A_1199, %add3A_1200 : i32
      %mul3A_1202 = arith.constant 16 : i32
      %mul3A_1203 = arith.muli %add3A_1201, %mul3A_1202 : i32
      %get3A_1204 = arith.index_cast %mul3A_1203 : i32 to index
      %get3A_1205 = tpu.vector_load %arg8[%get3A_1204] {strides = array<i32>} : memref<4096xi32, #tpu.memory_space<vmem>>, vector<16xi32>,
      %get3A_1206 = arith.index_cast %mul3A_1203 : i32 to index
      %get3A_1207 = tpu.vector_load %arg9[%get3A_1206] {strides = array<i32>} : memref<4096xi32, #tpu.memory_space<vmem>>, vector<16xi32>,
      %gather3A_1208 = tpu.vector_load_idx %arg6[%get3A_1205] : memref<100000xf32, #tpu.memory_space<vmem>>[vector<16xi32>], vector<16xf32>,
      %gather3A_1209 = tpu.vector_load_idx %arg7[%get3A_1207] : memref<2049xf32, #tpu.memory_space<vmem>>[vector<16xi32>], vector<16xf32>,
      %mul3A_1210 = arith.constant 8.000000e+00 : f32
      %mul3A_1211 = vector.broadcast %mul3A_1210 : f32 to vector<16xf32>
      %mul3A_1212 = arith.mulf %gather3A_1208, %mul3A_1211 : vector<16xf32>
      %add3A_1213 = arith.addf %mul3A_1212, %gather3A_1209 : vector<16xf32>
      %swap3A_1214 = arith.index_cast %mul3A_1203 : i32 to index
      %swap3A_1215 = tpu.vector_load %arg12[%swap3A_1214] {strides = array<i32>} : memref<4096xf32, #tpu.memory_space<vmem>>, vector<16xf32>,
      tpu.vector_store %arg12[%swap3A_1214], %add3A_1213 {strides = array<i32>} : memref<4096xf32, #tpu.memory_space<vmem>>, vector<16xf32>,
      %mul3A_1216 = arith.constant 4 : i32
      %mul3A_1217 = arith.muli %scan3A_1163, %mul3A_1216 : i32
      %add3A_1218 = arith.constant 3 : i32
      %add3A_1219 = arith.addi %mul3A_1217, %add3A_1218 : i32
      %mul3A_1220 = arith.constant 16 : i32
      %mul3A_1221 = arith.muli %add3A_1219, %mul3A_1220 : i32
      %get3A_1222 = arith.index_cast %mul3A_1221 : i32 to index
      %get3A_1223 = tpu.vector_load %arg8[%get3A_1222] {strides = array<i32>} : memref<4096xi32, #tpu.memory_space<vmem>>, vector<16xi32>,
      %get3A_1224 = arith.index_cast %mul3A_1221 : i32 to index
      %get3A_1225 = tpu.vector_load %arg9[%get3A_1224] {strides = array<i32>} : memref<4096xi32, #tpu.memory_space<vmem>>, vector<16xi32>,
      %gather3A_1226 = tpu.vector_load_idx %arg6[%get3A_1223] : memref<100000xf32, #tpu.memory_space<vmem>>[vector<16xi32>], vector<16xf32>,
      %gather3A_1227 = tpu.vector_load_idx %arg7[%get3A_1225] : memref<2049xf32, #tpu.memory_space<vmem>>[vector<16xi32>], vector<16xf32>,
      %mul3A_1228 = arith.constant 8.000000e+00 : f32
      %mul3A_1229 = vector.broadcast %mul3A_1228 : f32 to vector<16xf32>
      %mul3A_1230 = arith.mulf %gather3A_1226, %mul3A_1229 : vector<16xf32>
      %add3A_1231 = arith.addf %mul3A_1230, %gather3A_1227 : vector<16xf32>
      %swap3A_1232 = arith.index_cast %mul3A_1221 : i32 to index
      %swap3A_1233 = tpu.vector_load %arg12[%swap3A_1232] {strides = array<i32>} : memref<4096xf32, #tpu.memory_space<vmem>>, vector<16xf32>,
      tpu.vector_store %arg12[%swap3A_1232], %add3A_1231 {strides = array<i32>} : memref<4096xf32, #tpu.memory_space<vmem>>, vector<16xf32>,
      %scan3A_1234 = arith.constant 0 : i32
      scf.yield %scan3A_1234 : i32
    }
    %scan3A_319 = arith.constant 64 : i32
    %dma_start3A_320 = arith.constant 8 : i32
    %dma_start3A_321 = arith.constant 0 : i32
    %dma_start3A_322 = tpu.memref_slice %arg12[%dma_start3A_321] : memref<4096xf32, #tpu.memory_space<vmem>> -> memref<2048xf32, #tpu.memory_space<vmem>>
    %dma_start3A_323 = arith.constant 0 : i32
    %dma_start3A_324 = tpu.memref_slice %arg5[%dma_start3A_320, %add3A_274, %dma_start3A_323] : memref<16x64x2048xf32, #tpu.memory_space<hbm>> -> memref<1x1x2048xf32, #tpu.memory_space<hbm>>
    %dma_start3A_325 = tpu.memref_squeeze %dma_start3A_324 : memref<1x1x2048xf32, #tpu.memory_space<hbm>> -> memref<2048xf32, #tpu.memory_space<hbm>>
    %dma_start3A_326 = arith.constant 0 : i32
    %dma_start3A_327 = tpu.memref_slice %arg5[%dma_start3A_320, %add3A_274, %dma_start3A_326] : memref<16x64x2048xf32, #tpu.memory_space<hbm>> -> memref<1x1x2048xf32, #tpu.memory_space<hbm>>
    %dma_start3A_328 = tpu.memref_squeeze %dma_start3A_327 : memref<1x1x2048xf32, #tpu.memory_space<hbm>> -> memref<2048xf32, #tpu.memory_space<hbm>>
    %dma_start3A_329 = arith.constant 0 : i32
    %dma_start3A_330 = tpu.memref_slice %arg12[%dma_start3A_329] : memref<4096xf32, #tpu.memory_space<vmem>> -> memref<2048xf32, #tpu.memory_space<vmem>>
    tpu.enqueue_dma source(%dma_start3A_330 : memref<2048xf32, #tpu.memory_space<vmem>>) target(%dma_start3A_328 : memref<2048xf32, #tpu.memory_space<hbm>>) target_semaphore(%arg18 : memref<!tpu.dma_semaphore, #tpu.memory_space<semaphore_mem>>)
    %dma_start3A_331 = arith.constant 9 : i32
    %dma_start3A_332 = arith.constant 2048 : i32
    %dma_start3A_333 = tpu.memref_slice %arg12[%dma_start3A_332] : memref<4096xf32, #tpu.memory_space<vmem>> -> memref<2048xf32, #tpu.memory_space<vmem>>
    %dma_start3A_334 = arith.constant 0 : i32
    %dma_start3A_335 = tpu.memref_slice %arg5[%dma_start3A_331, %add3A_274, %dma_start3A_334] : memref<16x64x2048xf32, #tpu.memory_space<hbm>> -> memref<1x1x2048xf32, #tpu.memory_space<hbm>>
    %dma_start3A_336 = tpu.memref_squeeze %dma_start3A_335 : memref<1x1x2048xf32, #tpu.memory_space<hbm>> -> memref<2048xf32, #tpu.memory_space<hbm>>
    %dma_start3A_337 = arith.constant 0 : i32
    %dma_start3A_338 = tpu.memref_slice %arg5[%dma_start3A_331, %add3A_274, %dma_start3A_337] : memref<16x64x2048xf32, #tpu.memory_space<hbm>> -> memref<1x1x2048xf32, #tpu.memory_space<hbm>>
    %dma_start3A_339 = tpu.memref_squeeze %dma_start3A_338 : memref<1x1x2048xf32, #tpu.memory_space<hbm>> -> memref<2048xf32, #tpu.memory_space<hbm>>
    %dma_start3A_340 = arith.constant 2048 : i32
    %dma_start3A_341 = tpu.memref_slice %arg12[%dma_start3A_340] : memref<4096xf32, #tpu.memory_space<vmem>> -> memref<2048xf32, #tpu.memory_space<vmem>>
    tpu.enqueue_dma source(%dma_start3A_341 : memref<2048xf32, #tpu.memory_space<vmem>>) target(%dma_start3A_339 : memref<2048xf32, #tpu.memory_space<hbm>>) target_semaphore(%arg18 : memref<!tpu.dma_semaphore, #tpu.memory_space<semaphore_mem>>)
    %add3A_342 = arith.constant 0 : i32
    %add3A_343 = arith.addi %add3A, %add3A_342 : i32
    %dma_wait3A_344 = arith.constant 20480 : i32
    %dma_wait3A_345 = tpu.memref_slice %arg14[%dma_wait3A_344] : memref<32768xi32, #tpu.memory_space<vmem_shared>> -> memref<4096xi32, #tpu.memory_space<vmem_shared>>
    %dma_wait3A_346 = arith.constant 20480 : i32
    %dma_wait3A_347 = tpu.memref_slice %arg14[%dma_wait3A_346] : memref<32768xi32, #tpu.memory_space<vmem_shared>> -> memref<4096xi32, #tpu.memory_space<vmem_shared>>
    tpu.wait_dma2 semaphore(%arg17 : memref<!tpu.dma_semaphore, #tpu.memory_space<semaphore_mem>>) src(%dma_wait3A_347 : memref<4096xi32, #tpu.memory_space<vmem_shared>>) dst(%arg10 : memref<4096xi32, #tpu.memory_space<vmem>>)
    %dma_wait3A_348 = arith.constant 20480 : i32
    %dma_wait3A_349 = tpu.memref_slice %arg15[%dma_wait3A_348] : memref<32768xi32, #tpu.memory_space<vmem_shared>> -> memref<4096xi32, #tpu.memory_space<vmem_shared>>
    %dma_wait3A_350 = arith.constant 20480 : i32
    %dma_wait3A_351 = tpu.memref_slice %arg15[%dma_wait3A_350] : memref<32768xi32, #tpu.memory_space<vmem_shared>> -> memref<4096xi32, #tpu.memory_space<vmem_shared>>
    tpu.wait_dma2 semaphore(%arg17 : memref<!tpu.dma_semaphore, #tpu.memory_space<semaphore_mem>>) src(%dma_wait3A_351 : memref<4096xi32, #tpu.memory_space<vmem_shared>>) dst(%arg11 : memref<4096xi32, #tpu.memory_space<vmem>>)
    %dma_start3A_352 = arith.constant 24576 : i32
    %dma_start3A_353 = tpu.memref_slice %arg14[%dma_start3A_352] : memref<32768xi32, #tpu.memory_space<vmem_shared>> -> memref<4096xi32, #tpu.memory_space<vmem_shared>>
    %dma_start3A_354 = arith.constant 24576 : i32
    %dma_start3A_355 = tpu.memref_slice %arg14[%dma_start3A_354] : memref<32768xi32, #tpu.memory_space<vmem_shared>> -> memref<4096xi32, #tpu.memory_space<vmem_shared>>
    tpu.enqueue_dma source(%dma_start3A_355 : memref<4096xi32, #tpu.memory_space<vmem_shared>>) target(%arg8 : memref<4096xi32, #tpu.memory_space<vmem>>) target_semaphore(%arg17 : memref<!tpu.dma_semaphore, #tpu.memory_space<semaphore_mem>>)
    %dma_start3A_356 = arith.constant 24576 : i32
    %dma_start3A_357 = tpu.memref_slice %arg15[%dma_start3A_356] : memref<32768xi32, #tpu.memory_space<vmem_shared>> -> memref<4096xi32, #tpu.memory_space<vmem_shared>>
    %dma_start3A_358 = arith.constant 24576 : i32
    %dma_start3A_359 = tpu.memref_slice %arg15[%dma_start3A_358] : memref<32768xi32, #tpu.memory_space<vmem_shared>> -> memref<4096xi32, #tpu.memory_space<vmem_shared>>
    tpu.enqueue_dma source(%dma_start3A_359 : memref<4096xi32, #tpu.memory_space<vmem_shared>>) target(%arg9 : memref<4096xi32, #tpu.memory_space<vmem>>) target_semaphore(%arg17 : memref<!tpu.dma_semaphore, #tpu.memory_space<semaphore_mem>>)
    %dma_wait3A_360 = arith.constant 6 : i32
    %dma_wait3A_361 = arith.constant 0 : i32
    %dma_wait3A_362 = tpu.memref_slice %arg13[%dma_wait3A_361] : memref<4096xf32, #tpu.memory_space<vmem>> -> memref<2048xf32, #tpu.memory_space<vmem>>
    %dma_wait3A_363 = arith.constant 0 : i32
    %dma_wait3A_364 = tpu.memref_slice %arg5[%dma_wait3A_360, %add3A_205, %dma_wait3A_363] : memref<16x64x2048xf32, #tpu.memory_space<hbm>> -> memref<1x1x2048xf32, #tpu.memory_space<hbm>>
    %dma_wait3A_365 = tpu.memref_squeeze %dma_wait3A_364 : memref<1x1x2048xf32, #tpu.memory_space<hbm>> -> memref<2048xf32, #tpu.memory_space<hbm>>
    %dma_wait3A_366 = arith.constant 0 : i32
    %dma_wait3A_367 = tpu.memref_slice %arg5[%dma_wait3A_360, %add3A_205, %dma_wait3A_366] : memref<16x64x2048xf32, #tpu.memory_space<hbm>> -> memref<1x1x2048xf32, #tpu.memory_space<hbm>>
    %dma_wait3A_368 = tpu.memref_squeeze %dma_wait3A_367 : memref<1x1x2048xf32, #tpu.memory_space<hbm>> -> memref<2048xf32, #tpu.memory_space<hbm>>
    %dma_wait3A_369 = arith.constant 0 : i32
    %dma_wait3A_370 = tpu.memref_slice %arg13[%dma_wait3A_369] : memref<4096xf32, #tpu.memory_space<vmem>> -> memref<2048xf32, #tpu.memory_space<vmem>>
    tpu.wait_dma2 semaphore(%arg18 : memref<!tpu.dma_semaphore, #tpu.memory_space<semaphore_mem>>) src(%dma_wait3A_370 : memref<2048xf32, #tpu.memory_space<vmem>>) dst(%dma_wait3A_368 : memref<2048xf32, #tpu.memory_space<hbm>>)
    %dma_wait3A_371 = arith.constant 7 : i32
    %dma_wait3A_372 = arith.constant 2048 : i32
    %dma_wait3A_373 = tpu.memref_slice %arg13[%dma_wait3A_372] : memref<4096xf32, #tpu.memory_space<vmem>> -> memref<2048xf32, #tpu.memory_space<vmem>>
    %dma_wait3A_374 = arith.constant 0 : i32
    %dma_wait3A_375 = tpu.memref_slice %arg5[%dma_wait3A_371, %add3A_205, %dma_wait3A_374] : memref<16x64x2048xf32, #tpu.memory_space<hbm>> -> memref<1x1x2048xf32, #tpu.memory_space<hbm>>
    %dma_wait3A_376 = tpu.memref_squeeze %dma_wait3A_375 : memref<1x1x2048xf32, #tpu.memory_space<hbm>> -> memref<2048xf32, #tpu.memory_space<hbm>>
    %dma_wait3A_377 = arith.constant 0 : i32
    %dma_wait3A_378 = tpu.memref_slice %arg5[%dma_wait3A_371, %add3A_205, %dma_wait3A_377] : memref<16x64x2048xf32, #tpu.memory_space<hbm>> -> memref<1x1x2048xf32, #tpu.memory_space<hbm>>
    %dma_wait3A_379 = tpu.memref_squeeze %dma_wait3A_378 : memref<1x1x2048xf32, #tpu.memory_space<hbm>> -> memref<2048xf32, #tpu.memory_space<hbm>>
    %dma_wait3A_380 = arith.constant 2048 : i32
    %dma_wait3A_381 = tpu.memref_slice %arg13[%dma_wait3A_380] : memref<4096xf32, #tpu.memory_space<vmem>> -> memref<2048xf32, #tpu.memory_space<vmem>>
    tpu.wait_dma2 semaphore(%arg18 : memref<!tpu.dma_semaphore, #tpu.memory_space<semaphore_mem>>) src(%dma_wait3A_381 : memref<2048xf32, #tpu.memory_space<vmem>>) dst(%dma_wait3A_379 : memref<2048xf32, #tpu.memory_space<hbm>>)
    %scan3A_382 = arith.constant 0 : i32
    %scan3A_383 = arith.constant 0 : i32
    %scan3A_384 = arith.constant 64 : i32
    %scan3A_385 = arith.addi %scan3A_383, %scan3A_384 : i32
    %scan3A_386 = arith.constant 1 : i32
    %scan3A_387 = scf.for %scan3A_1163 = %scan3A_383 to %scan3A_385 step %scan3A_386 iter_args(%scan3A_1164 = %scan3A_382) -> (i32)  : i32 {
      %mul3A_1165 = arith.constant 4 : i32
      %mul3A_1166 = arith.muli %scan3A_1163, %mul3A_1165 : i32
      %add3A_1167 = arith.constant 0 : i32
      %add3A_1168 = arith.addi %mul3A_1166, %add3A_1167 : i32
      %mul3A_1169 = arith.constant 16 : i32
      %mul3A_1170 = arith.muli %add3A_1168, %mul3A_1169 : i32
      %get3A = arith.index_cast %mul3A_1170 : i32 to index
      %get3A_1171 = tpu.vector_load %arg10[%get3A] {strides = array<i32>} : memref<4096xi32, #tpu.memory_space<vmem>>, vector<16xi32>,
      %get3A_1172 = arith.index_cast %mul3A_1170 : i32 to index
      %get3A_1173 = tpu.vector_load %arg11[%get3A_1172] {strides = array<i32>} : memref<4096xi32, #tpu.memory_space<vmem>>, vector<16xi32>,
      %gather3A = tpu.vector_load_idx %arg6[%get3A_1171] : memref<100000xf32, #tpu.memory_space<vmem>>[vector<16xi32>], vector<16xf32>,
      %gather3A_1174 = tpu.vector_load_idx %arg7[%get3A_1173] : memref<2049xf32, #tpu.memory_space<vmem>>[vector<16xi32>], vector<16xf32>,
      %mul3A_1175 = arith.constant 8.000000e+00 : f32
      %mul3A_1176 = vector.broadcast %mul3A_1175 : f32 to vector<16xf32>
      %mul3A_1177 = arith.mulf %gather3A, %mul3A_1176 : vector<16xf32>
      %add3A_1178 = arith.addf %mul3A_1177, %gather3A_1174 : vector<16xf32>
      %swap3A = arith.index_cast %mul3A_1170 : i32 to index
      %swap3A_1179 = tpu.vector_load %arg13[%swap3A] {strides = array<i32>} : memref<4096xf32, #tpu.memory_space<vmem>>, vector<16xf32>,
      tpu.vector_store %arg13[%swap3A], %add3A_1178 {strides = array<i32>} : memref<4096xf32, #tpu.memory_space<vmem>>, vector<16xf32>,
      %mul3A_1180 = arith.constant 4 : i32
      %mul3A_1181 = arith.muli %scan3A_1163, %mul3A_1180 : i32
      %add3A_1182 = arith.constant 1 : i32
      %add3A_1183 = arith.addi %mul3A_1181, %add3A_1182 : i32
      %mul3A_1184 = arith.constant 16 : i32
      %mul3A_1185 = arith.muli %add3A_1183, %mul3A_1184 : i32
      %get3A_1186 = arith.index_cast %mul3A_1185 : i32 to index
      %get3A_1187 = tpu.vector_load %arg10[%get3A_1186] {strides = array<i32>} : memref<4096xi32, #tpu.memory_space<vmem>>, vector<16xi32>,
      %get3A_1188 = arith.index_cast %mul3A_1185 : i32 to index
      %get3A_1189 = tpu.vector_load %arg11[%get3A_1188] {strides = array<i32>} : memref<4096xi32, #tpu.memory_space<vmem>>, vector<16xi32>,
      %gather3A_1190 = tpu.vector_load_idx %arg6[%get3A_1187] : memref<100000xf32, #tpu.memory_space<vmem>>[vector<16xi32>], vector<16xf32>,
      %gather3A_1191 = tpu.vector_load_idx %arg7[%get3A_1189] : memref<2049xf32, #tpu.memory_space<vmem>>[vector<16xi32>], vector<16xf32>,
      %mul3A_1192 = arith.constant 8.000000e+00 : f32
      %mul3A_1193 = vector.broadcast %mul3A_1192 : f32 to vector<16xf32>
      %mul3A_1194 = arith.mulf %gather3A_1190, %mul3A_1193 : vector<16xf32>
      %add3A_1195 = arith.addf %mul3A_1194, %gather3A_1191 : vector<16xf32>
      %swap3A_1196 = arith.index_cast %mul3A_1185 : i32 to index
      %swap3A_1197 = tpu.vector_load %arg13[%swap3A_1196] {strides = array<i32>} : memref<4096xf32, #tpu.memory_space<vmem>>, vector<16xf32>,
      tpu.vector_store %arg13[%swap3A_1196], %add3A_1195 {strides = array<i32>} : memref<4096xf32, #tpu.memory_space<vmem>>, vector<16xf32>,
      %mul3A_1198 = arith.constant 4 : i32
      %mul3A_1199 = arith.muli %scan3A_1163, %mul3A_1198 : i32
      %add3A_1200 = arith.constant 2 : i32
      %add3A_1201 = arith.addi %mul3A_1199, %add3A_1200 : i32
      %mul3A_1202 = arith.constant 16 : i32
      %mul3A_1203 = arith.muli %add3A_1201, %mul3A_1202 : i32
      %get3A_1204 = arith.index_cast %mul3A_1203 : i32 to index
      %get3A_1205 = tpu.vector_load %arg10[%get3A_1204] {strides = array<i32>} : memref<4096xi32, #tpu.memory_space<vmem>>, vector<16xi32>,
      %get3A_1206 = arith.index_cast %mul3A_1203 : i32 to index
      %get3A_1207 = tpu.vector_load %arg11[%get3A_1206] {strides = array<i32>} : memref<4096xi32, #tpu.memory_space<vmem>>, vector<16xi32>,
      %gather3A_1208 = tpu.vector_load_idx %arg6[%get3A_1205] : memref<100000xf32, #tpu.memory_space<vmem>>[vector<16xi32>], vector<16xf32>,
      %gather3A_1209 = tpu.vector_load_idx %arg7[%get3A_1207] : memref<2049xf32, #tpu.memory_space<vmem>>[vector<16xi32>], vector<16xf32>,
      %mul3A_1210 = arith.constant 8.000000e+00 : f32
      %mul3A_1211 = vector.broadcast %mul3A_1210 : f32 to vector<16xf32>
      %mul3A_1212 = arith.mulf %gather3A_1208, %mul3A_1211 : vector<16xf32>
      %add3A_1213 = arith.addf %mul3A_1212, %gather3A_1209 : vector<16xf32>
      %swap3A_1214 = arith.index_cast %mul3A_1203 : i32 to index
      %swap3A_1215 = tpu.vector_load %arg13[%swap3A_1214] {strides = array<i32>} : memref<4096xf32, #tpu.memory_space<vmem>>, vector<16xf32>,
      tpu.vector_store %arg13[%swap3A_1214], %add3A_1213 {strides = array<i32>} : memref<4096xf32, #tpu.memory_space<vmem>>, vector<16xf32>,
      %mul3A_1216 = arith.constant 4 : i32
      %mul3A_1217 = arith.muli %scan3A_1163, %mul3A_1216 : i32
      %add3A_1218 = arith.constant 3 : i32
      %add3A_1219 = arith.addi %mul3A_1217, %add3A_1218 : i32
      %mul3A_1220 = arith.constant 16 : i32
      %mul3A_1221 = arith.muli %add3A_1219, %mul3A_1220 : i32
      %get3A_1222 = arith.index_cast %mul3A_1221 : i32 to index
      %get3A_1223 = tpu.vector_load %arg10[%get3A_1222] {strides = array<i32>} : memref<4096xi32, #tpu.memory_space<vmem>>, vector<16xi32>,
      %get3A_1224 = arith.index_cast %mul3A_1221 : i32 to index
      %get3A_1225 = tpu.vector_load %arg11[%get3A_1224] {strides = array<i32>} : memref<4096xi32, #tpu.memory_space<vmem>>, vector<16xi32>,
      %gather3A_1226 = tpu.vector_load_idx %arg6[%get3A_1223] : memref<100000xf32, #tpu.memory_space<vmem>>[vector<16xi32>], vector<16xf32>,
      %gather3A_1227 = tpu.vector_load_idx %arg7[%get3A_1225] : memref<2049xf32, #tpu.memory_space<vmem>>[vector<16xi32>], vector<16xf32>,
      %mul3A_1228 = arith.constant 8.000000e+00 : f32
      %mul3A_1229 = vector.broadcast %mul3A_1228 : f32 to vector<16xf32>
      %mul3A_1230 = arith.mulf %gather3A_1226, %mul3A_1229 : vector<16xf32>
      %add3A_1231 = arith.addf %mul3A_1230, %gather3A_1227 : vector<16xf32>
      %swap3A_1232 = arith.index_cast %mul3A_1221 : i32 to index
      %swap3A_1233 = tpu.vector_load %arg13[%swap3A_1232] {strides = array<i32>} : memref<4096xf32, #tpu.memory_space<vmem>>, vector<16xf32>,
      tpu.vector_store %arg13[%swap3A_1232], %add3A_1231 {strides = array<i32>} : memref<4096xf32, #tpu.memory_space<vmem>>, vector<16xf32>,
      %scan3A_1234 = arith.constant 0 : i32
      scf.yield %scan3A_1234 : i32
    }
    %scan3A_388 = arith.constant 64 : i32
    %dma_start3A_389 = arith.constant 10 : i32
    %dma_start3A_390 = arith.constant 0 : i32
    %dma_start3A_391 = tpu.memref_slice %arg13[%dma_start3A_390] : memref<4096xf32, #tpu.memory_space<vmem>> -> memref<2048xf32, #tpu.memory_space<vmem>>
    %dma_start3A_392 = arith.constant 0 : i32
    %dma_start3A_393 = tpu.memref_slice %arg5[%dma_start3A_389, %add3A_343, %dma_start3A_392] : memref<16x64x2048xf32, #tpu.memory_space<hbm>> -> memref<1x1x2048xf32, #tpu.memory_space<hbm>>
    %dma_start3A_394 = tpu.memref_squeeze %dma_start3A_393 : memref<1x1x2048xf32, #tpu.memory_space<hbm>> -> memref<2048xf32, #tpu.memory_space<hbm>>
    %dma_start3A_395 = arith.constant 0 : i32
    %dma_start3A_396 = tpu.memref_slice %arg5[%dma_start3A_389, %add3A_343, %dma_start3A_395] : memref<16x64x2048xf32, #tpu.memory_space<hbm>> -> memref<1x1x2048xf32, #tpu.memory_space<hbm>>
    %dma_start3A_397 = tpu.memref_squeeze %dma_start3A_396 : memref<1x1x2048xf32, #tpu.memory_space<hbm>> -> memref<2048xf32, #tpu.memory_space<hbm>>
    %dma_start3A_398 = arith.constant 0 : i32
    %dma_start3A_399 = tpu.memref_slice %arg13[%dma_start3A_398] : memref<4096xf32, #tpu.memory_space<vmem>> -> memref<2048xf32, #tpu.memory_space<vmem>>
    tpu.enqueue_dma source(%dma_start3A_399 : memref<2048xf32, #tpu.memory_space<vmem>>) target(%dma_start3A_397 : memref<2048xf32, #tpu.memory_space<hbm>>) target_semaphore(%arg18 : memref<!tpu.dma_semaphore, #tpu.memory_space<semaphore_mem>>)
    %dma_start3A_400 = arith.constant 11 : i32
    %dma_start3A_401 = arith.constant 2048 : i32
    %dma_start3A_402 = tpu.memref_slice %arg13[%dma_start3A_401] : memref<4096xf32, #tpu.memory_space<vmem>> -> memref<2048xf32, #tpu.memory_space<vmem>>
    %dma_start3A_403 = arith.constant 0 : i32
    %dma_start3A_404 = tpu.memref_slice %arg5[%dma_start3A_400, %add3A_343, %dma_start3A_403] : memref<16x64x2048xf32, #tpu.memory_space<hbm>> -> memref<1x1x2048xf32, #tpu.memory_space<hbm>>
    %dma_start3A_405 = tpu.memref_squeeze %dma_start3A_404 : memref<1x1x2048xf32, #tpu.memory_space<hbm>> -> memref<2048xf32, #tpu.memory_space<hbm>>
    %dma_start3A_406 = arith.constant 0 : i32
    %dma_start3A_407 = tpu.memref_slice %arg5[%dma_start3A_400, %add3A_343, %dma_start3A_406] : memref<16x64x2048xf32, #tpu.memory_space<hbm>> -> memref<1x1x2048xf32, #tpu.memory_space<hbm>>
    %dma_start3A_408 = tpu.memref_squeeze %dma_start3A_407 : memref<1x1x2048xf32, #tpu.memory_space<hbm>> -> memref<2048xf32, #tpu.memory_space<hbm>>
    %dma_start3A_409 = arith.constant 2048 : i32
    %dma_start3A_410 = tpu.memref_slice %arg13[%dma_start3A_409] : memref<4096xf32, #tpu.memory_space<vmem>> -> memref<2048xf32, #tpu.memory_space<vmem>>
    tpu.enqueue_dma source(%dma_start3A_410 : memref<2048xf32, #tpu.memory_space<vmem>>) target(%dma_start3A_408 : memref<2048xf32, #tpu.memory_space<hbm>>) target_semaphore(%arg18 : memref<!tpu.dma_semaphore, #tpu.memory_space<semaphore_mem>>)
    %add3A_411 = arith.constant 0 : i32
    %add3A_412 = arith.addi %add3A, %add3A_411 : i32
    %dma_wait3A_413 = arith.constant 24576 : i32
    %dma_wait3A_414 = tpu.memref_slice %arg14[%dma_wait3A_413] : memref<32768xi32, #tpu.memory_space<vmem_shared>> -> memref<4096xi32, #tpu.memory_space<vmem_shared>>
    %dma_wait3A_415 = arith.constant 24576 : i32
    %dma_wait3A_416 = tpu.memref_slice %arg14[%dma_wait3A_415] : memref<32768xi32, #tpu.memory_space<vmem_shared>> -> memref<4096xi32, #tpu.memory_space<vmem_shared>>
    tpu.wait_dma2 semaphore(%arg17 : memref<!tpu.dma_semaphore, #tpu.memory_space<semaphore_mem>>) src(%dma_wait3A_416 : memref<4096xi32, #tpu.memory_space<vmem_shared>>) dst(%arg8 : memref<4096xi32, #tpu.memory_space<vmem>>)
    %dma_wait3A_417 = arith.constant 24576 : i32
    %dma_wait3A_418 = tpu.memref_slice %arg15[%dma_wait3A_417] : memref<32768xi32, #tpu.memory_space<vmem_shared>> -> memref<4096xi32, #tpu.memory_space<vmem_shared>>
    %dma_wait3A_419 = arith.constant 24576 : i32
    %dma_wait3A_420 = tpu.memref_slice %arg15[%dma_wait3A_419] : memref<32768xi32, #tpu.memory_space<vmem_shared>> -> memref<4096xi32, #tpu.memory_space<vmem_shared>>
    tpu.wait_dma2 semaphore(%arg17 : memref<!tpu.dma_semaphore, #tpu.memory_space<semaphore_mem>>) src(%dma_wait3A_420 : memref<4096xi32, #tpu.memory_space<vmem_shared>>) dst(%arg9 : memref<4096xi32, #tpu.memory_space<vmem>>)
    %dma_start3A_421 = arith.constant 28672 : i32
    %dma_start3A_422 = tpu.memref_slice %arg14[%dma_start3A_421] : memref<32768xi32, #tpu.memory_space<vmem_shared>> -> memref<4096xi32, #tpu.memory_space<vmem_shared>>
    %dma_start3A_423 = arith.constant 28672 : i32
    %dma_start3A_424 = tpu.memref_slice %arg14[%dma_start3A_423] : memref<32768xi32, #tpu.memory_space<vmem_shared>> -> memref<4096xi32, #tpu.memory_space<vmem_shared>>
    tpu.enqueue_dma source(%dma_start3A_424 : memref<4096xi32, #tpu.memory_space<vmem_shared>>) target(%arg10 : memref<4096xi32, #tpu.memory_space<vmem>>) target_semaphore(%arg17 : memref<!tpu.dma_semaphore, #tpu.memory_space<semaphore_mem>>)
    %dma_start3A_425 = arith.constant 28672 : i32
    %dma_start3A_426 = tpu.memref_slice %arg15[%dma_start3A_425] : memref<32768xi32, #tpu.memory_space<vmem_shared>> -> memref<4096xi32, #tpu.memory_space<vmem_shared>>
    %dma_start3A_427 = arith.constant 28672 : i32
    %dma_start3A_428 = tpu.memref_slice %arg15[%dma_start3A_427] : memref<32768xi32, #tpu.memory_space<vmem_shared>> -> memref<4096xi32, #tpu.memory_space<vmem_shared>>
    tpu.enqueue_dma source(%dma_start3A_428 : memref<4096xi32, #tpu.memory_space<vmem_shared>>) target(%arg11 : memref<4096xi32, #tpu.memory_space<vmem>>) target_semaphore(%arg17 : memref<!tpu.dma_semaphore, #tpu.memory_space<semaphore_mem>>)
    %dma_wait3A_429 = arith.constant 8 : i32
    %dma_wait3A_430 = arith.constant 0 : i32
    %dma_wait3A_431 = tpu.memref_slice %arg12[%dma_wait3A_430] : memref<4096xf32, #tpu.memory_space<vmem>> -> memref<2048xf32, #tpu.memory_space<vmem>>
    %dma_wait3A_432 = arith.constant 0 : i32
    %dma_wait3A_433 = tpu.memref_slice %arg5[%dma_wait3A_429, %add3A_274, %dma_wait3A_432] : memref<16x64x2048xf32, #tpu.memory_space<hbm>> -> memref<1x1x2048xf32, #tpu.memory_space<hbm>>
    %dma_wait3A_434 = tpu.memref_squeeze %dma_wait3A_433 : memref<1x1x2048xf32, #tpu.memory_space<hbm>> -> memref<2048xf32, #tpu.memory_space<hbm>>
    %dma_wait3A_435 = arith.constant 0 : i32
    %dma_wait3A_436 = tpu.memref_slice %arg5[%dma_wait3A_429, %add3A_274, %dma_wait3A_435] : memref<16x64x2048xf32, #tpu.memory_space<hbm>> -> memref<1x1x2048xf32, #tpu.memory_space<hbm>>
    %dma_wait3A_437 = tpu.memref_squeeze %dma_wait3A_436 : memref<1x1x2048xf32, #tpu.memory_space<hbm>> -> memref<2048xf32, #tpu.memory_space<hbm>>
    %dma_wait3A_438 = arith.constant 0 : i32
    %dma_wait3A_439 = tpu.memref_slice %arg12[%dma_wait3A_438] : memref<4096xf32, #tpu.memory_space<vmem>> -> memref<2048xf32, #tpu.memory_space<vmem>>
    tpu.wait_dma2 semaphore(%arg18 : memref<!tpu.dma_semaphore, #tpu.memory_space<semaphore_mem>>) src(%dma_wait3A_439 : memref<2048xf32, #tpu.memory_space<vmem>>) dst(%dma_wait3A_437 : memref<2048xf32, #tpu.memory_space<hbm>>)
    %dma_wait3A_440 = arith.constant 9 : i32
    %dma_wait3A_441 = arith.constant 2048 : i32
    %dma_wait3A_442 = tpu.memref_slice %arg12[%dma_wait3A_441] : memref<4096xf32, #tpu.memory_space<vmem>> -> memref<2048xf32, #tpu.memory_space<vmem>>
    %dma_wait3A_443 = arith.constant 0 : i32
    %dma_wait3A_444 = tpu.memref_slice %arg5[%dma_wait3A_440, %add3A_274, %dma_wait3A_443] : memref<16x64x2048xf32, #tpu.memory_space<hbm>> -> memref<1x1x2048xf32, #tpu.memory_space<hbm>>
    %dma_wait3A_445 = tpu.memref_squeeze %dma_wait3A_444 : memref<1x1x2048xf32, #tpu.memory_space<hbm>> -> memref<2048xf32, #tpu.memory_space<hbm>>
    %dma_wait3A_446 = arith.constant 0 : i32
    %dma_wait3A_447 = tpu.memref_slice %arg5[%dma_wait3A_440, %add3A_274, %dma_wait3A_446] : memref<16x64x2048xf32, #tpu.memory_space<hbm>> -> memref<1x1x2048xf32, #tpu.memory_space<hbm>>
    %dma_wait3A_448 = tpu.memref_squeeze %dma_wait3A_447 : memref<1x1x2048xf32, #tpu.memory_space<hbm>> -> memref<2048xf32, #tpu.memory_space<hbm>>
    %dma_wait3A_449 = arith.constant 2048 : i32
    %dma_wait3A_450 = tpu.memref_slice %arg12[%dma_wait3A_449] : memref<4096xf32, #tpu.memory_space<vmem>> -> memref<2048xf32, #tpu.memory_space<vmem>>
    tpu.wait_dma2 semaphore(%arg18 : memref<!tpu.dma_semaphore, #tpu.memory_space<semaphore_mem>>) src(%dma_wait3A_450 : memref<2048xf32, #tpu.memory_space<vmem>>) dst(%dma_wait3A_448 : memref<2048xf32, #tpu.memory_space<hbm>>)
    %scan3A_451 = arith.constant 0 : i32
    %scan3A_452 = arith.constant 0 : i32
    %scan3A_453 = arith.constant 64 : i32
    %scan3A_454 = arith.addi %scan3A_452, %scan3A_453 : i32
    %scan3A_455 = arith.constant 1 : i32
    %scan3A_456 = scf.for %scan3A_1163 = %scan3A_452 to %scan3A_454 step %scan3A_455 iter_args(%scan3A_1164 = %scan3A_451) -> (i32)  : i32 {
      %mul3A_1165 = arith.constant 4 : i32
      %mul3A_1166 = arith.muli %scan3A_1163, %mul3A_1165 : i32
      %add3A_1167 = arith.constant 0 : i32
      %add3A_1168 = arith.addi %mul3A_1166, %add3A_1167 : i32
      %mul3A_1169 = arith.constant 16 : i32
      %mul3A_1170 = arith.muli %add3A_1168, %mul3A_1169 : i32
      %get3A = arith.index_cast %mul3A_1170 : i32 to index
      %get3A_1171 = tpu.vector_load %arg8[%get3A] {strides = array<i32>} : memref<4096xi32, #tpu.memory_space<vmem>>, vector<16xi32>,
      %get3A_1172 = arith.index_cast %mul3A_1170 : i32 to index
      %get3A_1173 = tpu.vector_load %arg9[%get3A_1172] {strides = array<i32>} : memref<4096xi32, #tpu.memory_space<vmem>>, vector<16xi32>,
      %gather3A = tpu.vector_load_idx %arg6[%get3A_1171] : memref<100000xf32, #tpu.memory_space<vmem>>[vector<16xi32>], vector<16xf32>,
      %gather3A_1174 = tpu.vector_load_idx %arg7[%get3A_1173] : memref<2049xf32, #tpu.memory_space<vmem>>[vector<16xi32>], vector<16xf32>,
      %mul3A_1175 = arith.constant 8.000000e+00 : f32
      %mul3A_1176 = vector.broadcast %mul3A_1175 : f32 to vector<16xf32>
      %mul3A_1177 = arith.mulf %gather3A, %mul3A_1176 : vector<16xf32>
      %add3A_1178 = arith.addf %mul3A_1177, %gather3A_1174 : vector<16xf32>
      %swap3A = arith.index_cast %mul3A_1170 : i32 to index
      %swap3A_1179 = tpu.vector_load %arg12[%swap3A] {strides = array<i32>} : memref<4096xf32, #tpu.memory_space<vmem>>, vector<16xf32>,
      tpu.vector_store %arg12[%swap3A], %add3A_1178 {strides = array<i32>} : memref<4096xf32, #tpu.memory_space<vmem>>, vector<16xf32>,
      %mul3A_1180 = arith.constant 4 : i32
      %mul3A_1181 = arith.muli %scan3A_1163, %mul3A_1180 : i32
      %add3A_1182 = arith.constant 1 : i32
      %add3A_1183 = arith.addi %mul3A_1181, %add3A_1182 : i32
      %mul3A_1184 = arith.constant 16 : i32
      %mul3A_1185 = arith.muli %add3A_1183, %mul3A_1184 : i32
      %get3A_1186 = arith.index_cast %mul3A_1185 : i32 to index
      %get3A_1187 = tpu.vector_load %arg8[%get3A_1186] {strides = array<i32>} : memref<4096xi32, #tpu.memory_space<vmem>>, vector<16xi32>,
      %get3A_1188 = arith.index_cast %mul3A_1185 : i32 to index
      %get3A_1189 = tpu.vector_load %arg9[%get3A_1188] {strides = array<i32>} : memref<4096xi32, #tpu.memory_space<vmem>>, vector<16xi32>,
      %gather3A_1190 = tpu.vector_load_idx %arg6[%get3A_1187] : memref<100000xf32, #tpu.memory_space<vmem>>[vector<16xi32>], vector<16xf32>,
      %gather3A_1191 = tpu.vector_load_idx %arg7[%get3A_1189] : memref<2049xf32, #tpu.memory_space<vmem>>[vector<16xi32>], vector<16xf32>,
      %mul3A_1192 = arith.constant 8.000000e+00 : f32
      %mul3A_1193 = vector.broadcast %mul3A_1192 : f32 to vector<16xf32>
      %mul3A_1194 = arith.mulf %gather3A_1190, %mul3A_1193 : vector<16xf32>
      %add3A_1195 = arith.addf %mul3A_1194, %gather3A_1191 : vector<16xf32>
      %swap3A_1196 = arith.index_cast %mul3A_1185 : i32 to index
      %swap3A_1197 = tpu.vector_load %arg12[%swap3A_1196] {strides = array<i32>} : memref<4096xf32, #tpu.memory_space<vmem>>, vector<16xf32>,
      tpu.vector_store %arg12[%swap3A_1196], %add3A_1195 {strides = array<i32>} : memref<4096xf32, #tpu.memory_space<vmem>>, vector<16xf32>,
      %mul3A_1198 = arith.constant 4 : i32
      %mul3A_1199 = arith.muli %scan3A_1163, %mul3A_1198 : i32
      %add3A_1200 = arith.constant 2 : i32
      %add3A_1201 = arith.addi %mul3A_1199, %add3A_1200 : i32
      %mul3A_1202 = arith.constant 16 : i32
      %mul3A_1203 = arith.muli %add3A_1201, %mul3A_1202 : i32
      %get3A_1204 = arith.index_cast %mul3A_1203 : i32 to index
      %get3A_1205 = tpu.vector_load %arg8[%get3A_1204] {strides = array<i32>} : memref<4096xi32, #tpu.memory_space<vmem>>, vector<16xi32>,
      %get3A_1206 = arith.index_cast %mul3A_1203 : i32 to index
      %get3A_1207 = tpu.vector_load %arg9[%get3A_1206] {strides = array<i32>} : memref<4096xi32, #tpu.memory_space<vmem>>, vector<16xi32>,
      %gather3A_1208 = tpu.vector_load_idx %arg6[%get3A_1205] : memref<100000xf32, #tpu.memory_space<vmem>>[vector<16xi32>], vector<16xf32>,
      %gather3A_1209 = tpu.vector_load_idx %arg7[%get3A_1207] : memref<2049xf32, #tpu.memory_space<vmem>>[vector<16xi32>], vector<16xf32>,
      %mul3A_1210 = arith.constant 8.000000e+00 : f32
      %mul3A_1211 = vector.broadcast %mul3A_1210 : f32 to vector<16xf32>
      %mul3A_1212 = arith.mulf %gather3A_1208, %mul3A_1211 : vector<16xf32>
      %add3A_1213 = arith.addf %mul3A_1212, %gather3A_1209 : vector<16xf32>
      %swap3A_1214 = arith.index_cast %mul3A_1203 : i32 to index
      %swap3A_1215 = tpu.vector_load %arg12[%swap3A_1214] {strides = array<i32>} : memref<4096xf32, #tpu.memory_space<vmem>>, vector<16xf32>,
      tpu.vector_store %arg12[%swap3A_1214], %add3A_1213 {strides = array<i32>} : memref<4096xf32, #tpu.memory_space<vmem>>, vector<16xf32>,
      %mul3A_1216 = arith.constant 4 : i32
      %mul3A_1217 = arith.muli %scan3A_1163, %mul3A_1216 : i32
      %add3A_1218 = arith.constant 3 : i32
      %add3A_1219 = arith.addi %mul3A_1217, %add3A_1218 : i32
      %mul3A_1220 = arith.constant 16 : i32
      %mul3A_1221 = arith.muli %add3A_1219, %mul3A_1220 : i32
      %get3A_1222 = arith.index_cast %mul3A_1221 : i32 to index
      %get3A_1223 = tpu.vector_load %arg8[%get3A_1222] {strides = array<i32>} : memref<4096xi32, #tpu.memory_space<vmem>>, vector<16xi32>,
      %get3A_1224 = arith.index_cast %mul3A_1221 : i32 to index
      %get3A_1225 = tpu.vector_load %arg9[%get3A_1224] {strides = array<i32>} : memref<4096xi32, #tpu.memory_space<vmem>>, vector<16xi32>,
      %gather3A_1226 = tpu.vector_load_idx %arg6[%get3A_1223] : memref<100000xf32, #tpu.memory_space<vmem>>[vector<16xi32>], vector<16xf32>,
      %gather3A_1227 = tpu.vector_load_idx %arg7[%get3A_1225] : memref<2049xf32, #tpu.memory_space<vmem>>[vector<16xi32>], vector<16xf32>,
      %mul3A_1228 = arith.constant 8.000000e+00 : f32
      %mul3A_1229 = vector.broadcast %mul3A_1228 : f32 to vector<16xf32>
      %mul3A_1230 = arith.mulf %gather3A_1226, %mul3A_1229 : vector<16xf32>
      %add3A_1231 = arith.addf %mul3A_1230, %gather3A_1227 : vector<16xf32>
      %swap3A_1232 = arith.index_cast %mul3A_1221 : i32 to index
      %swap3A_1233 = tpu.vector_load %arg12[%swap3A_1232] {strides = array<i32>} : memref<4096xf32, #tpu.memory_space<vmem>>, vector<16xf32>,
      tpu.vector_store %arg12[%swap3A_1232], %add3A_1231 {strides = array<i32>} : memref<4096xf32, #tpu.memory_space<vmem>>, vector<16xf32>,
      %scan3A_1234 = arith.constant 0 : i32
      scf.yield %scan3A_1234 : i32
    }
    %scan3A_457 = arith.constant 64 : i32
    %dma_start3A_458 = arith.constant 12 : i32
    %dma_start3A_459 = arith.constant 0 : i32
    %dma_start3A_460 = tpu.memref_slice %arg12[%dma_start3A_459] : memref<4096xf32, #tpu.memory_space<vmem>> -> memref<2048xf32, #tpu.memory_space<vmem>>
    %dma_start3A_461 = arith.constant 0 : i32
    %dma_start3A_462 = tpu.memref_slice %arg5[%dma_start3A_458, %add3A_412, %dma_start3A_461] : memref<16x64x2048xf32, #tpu.memory_space<hbm>> -> memref<1x1x2048xf32, #tpu.memory_space<hbm>>
    %dma_start3A_463 = tpu.memref_squeeze %dma_start3A_462 : memref<1x1x2048xf32, #tpu.memory_space<hbm>> -> memref<2048xf32, #tpu.memory_space<hbm>>
    %dma_start3A_464 = arith.constant 0 : i32
    %dma_start3A_465 = tpu.memref_slice %arg5[%dma_start3A_458, %add3A_412, %dma_start3A_464] : memref<16x64x2048xf32, #tpu.memory_space<hbm>> -> memref<1x1x2048xf32, #tpu.memory_space<hbm>>
    %dma_start3A_466 = tpu.memref_squeeze %dma_start3A_465 : memref<1x1x2048xf32, #tpu.memory_space<hbm>> -> memref<2048xf32, #tpu.memory_space<hbm>>
    %dma_start3A_467 = arith.constant 0 : i32
    %dma_start3A_468 = tpu.memref_slice %arg12[%dma_start3A_467] : memref<4096xf32, #tpu.memory_space<vmem>> -> memref<2048xf32, #tpu.memory_space<vmem>>
    tpu.enqueue_dma source(%dma_start3A_468 : memref<2048xf32, #tpu.memory_space<vmem>>) target(%dma_start3A_466 : memref<2048xf32, #tpu.memory_space<hbm>>) target_semaphore(%arg18 : memref<!tpu.dma_semaphore, #tpu.memory_space<semaphore_mem>>)
    %dma_start3A_469 = arith.constant 13 : i32
    %dma_start3A_470 = arith.constant 2048 : i32
    %dma_start3A_471 = tpu.memref_slice %arg12[%dma_start3A_470] : memref<4096xf32, #tpu.memory_space<vmem>> -> memref<2048xf32, #tpu.memory_space<vmem>>
    %dma_start3A_472 = arith.constant 0 : i32
    %dma_start3A_473 = tpu.memref_slice %arg5[%dma_start3A_469, %add3A_412, %dma_start3A_472] : memref<16x64x2048xf32, #tpu.memory_space<hbm>> -> memref<1x1x2048xf32, #tpu.memory_space<hbm>>
    %dma_start3A_474 = tpu.memref_squeeze %dma_start3A_473 : memref<1x1x2048xf32, #tpu.memory_space<hbm>> -> memref<2048xf32, #tpu.memory_space<hbm>>
    %dma_start3A_475 = arith.constant 0 : i32
    %dma_start3A_476 = tpu.memref_slice %arg5[%dma_start3A_469, %add3A_412, %dma_start3A_475] : memref<16x64x2048xf32, #tpu.memory_space<hbm>> -> memref<1x1x2048xf32, #tpu.memory_space<hbm>>
    %dma_start3A_477 = tpu.memref_squeeze %dma_start3A_476 : memref<1x1x2048xf32, #tpu.memory_space<hbm>> -> memref<2048xf32, #tpu.memory_space<hbm>>
    %dma_start3A_478 = arith.constant 2048 : i32
    %dma_start3A_479 = tpu.memref_slice %arg12[%dma_start3A_478] : memref<4096xf32, #tpu.memory_space<vmem>> -> memref<2048xf32, #tpu.memory_space<vmem>>
    tpu.enqueue_dma source(%dma_start3A_479 : memref<2048xf32, #tpu.memory_space<vmem>>) target(%dma_start3A_477 : memref<2048xf32, #tpu.memory_space<hbm>>) target_semaphore(%arg18 : memref<!tpu.dma_semaphore, #tpu.memory_space<semaphore_mem>>)
    %add3A_480 = arith.constant 0 : i32
    %add3A_481 = arith.addi %add3A, %add3A_480 : i32
    %dma_wait3A_482 = arith.constant 28672 : i32
    %dma_wait3A_483 = tpu.memref_slice %arg14[%dma_wait3A_482] : memref<32768xi32, #tpu.memory_space<vmem_shared>> -> memref<4096xi32, #tpu.memory_space<vmem_shared>>
    %dma_wait3A_484 = arith.constant 28672 : i32
    %dma_wait3A_485 = tpu.memref_slice %arg14[%dma_wait3A_484] : memref<32768xi32, #tpu.memory_space<vmem_shared>> -> memref<4096xi32, #tpu.memory_space<vmem_shared>>
    tpu.wait_dma2 semaphore(%arg17 : memref<!tpu.dma_semaphore, #tpu.memory_space<semaphore_mem>>) src(%dma_wait3A_485 : memref<4096xi32, #tpu.memory_space<vmem_shared>>) dst(%arg10 : memref<4096xi32, #tpu.memory_space<vmem>>)
    %dma_wait3A_486 = arith.constant 28672 : i32
    %dma_wait3A_487 = tpu.memref_slice %arg15[%dma_wait3A_486] : memref<32768xi32, #tpu.memory_space<vmem_shared>> -> memref<4096xi32, #tpu.memory_space<vmem_shared>>
    %dma_wait3A_488 = arith.constant 28672 : i32
    %dma_wait3A_489 = tpu.memref_slice %arg15[%dma_wait3A_488] : memref<32768xi32, #tpu.memory_space<vmem_shared>> -> memref<4096xi32, #tpu.memory_space<vmem_shared>>
    tpu.wait_dma2 semaphore(%arg17 : memref<!tpu.dma_semaphore, #tpu.memory_space<semaphore_mem>>) src(%dma_wait3A_489 : memref<4096xi32, #tpu.memory_space<vmem_shared>>) dst(%arg11 : memref<4096xi32, #tpu.memory_space<vmem>>)
    %dma_start3A_490 = arith.constant 0 : i32
    %dma_start3A_491 = tpu.memref_slice %arg14[%dma_start3A_490] : memref<32768xi32, #tpu.memory_space<vmem_shared>> -> memref<4096xi32, #tpu.memory_space<vmem_shared>>
    %dma_start3A_492 = arith.constant 0 : i32
    %dma_start3A_493 = tpu.memref_slice %arg14[%dma_start3A_492] : memref<32768xi32, #tpu.memory_space<vmem_shared>> -> memref<4096xi32, #tpu.memory_space<vmem_shared>>
    tpu.enqueue_dma source(%dma_start3A_493 : memref<4096xi32, #tpu.memory_space<vmem_shared>>) target(%arg8 : memref<4096xi32, #tpu.memory_space<vmem>>) target_semaphore(%arg17 : memref<!tpu.dma_semaphore, #tpu.memory_space<semaphore_mem>>)
    %dma_start3A_494 = arith.constant 0 : i32
    %dma_start3A_495 = tpu.memref_slice %arg15[%dma_start3A_494] : memref<32768xi32, #tpu.memory_space<vmem_shared>> -> memref<4096xi32, #tpu.memory_space<vmem_shared>>
    %dma_start3A_496 = arith.constant 0 : i32
    %dma_start3A_497 = tpu.memref_slice %arg15[%dma_start3A_496] : memref<32768xi32, #tpu.memory_space<vmem_shared>> -> memref<4096xi32, #tpu.memory_space<vmem_shared>>
    tpu.enqueue_dma source(%dma_start3A_497 : memref<4096xi32, #tpu.memory_space<vmem_shared>>) target(%arg9 : memref<4096xi32, #tpu.memory_space<vmem>>) target_semaphore(%arg17 : memref<!tpu.dma_semaphore, #tpu.memory_space<semaphore_mem>>)
    %dma_wait3A_498 = arith.constant 10 : i32
    %dma_wait3A_499 = arith.constant 0 : i32
    %dma_wait3A_500 = tpu.memref_slice %arg13[%dma_wait3A_499] : memref<4096xf32, #tpu.memory_space<vmem>> -> memref<2048xf32, #tpu.memory_space<vmem>>
    %dma_wait3A_501 = arith.constant 0 : i32
    %dma_wait3A_502 = tpu.memref_slice %arg5[%dma_wait3A_498, %add3A_343, %dma_wait3A_501] : memref<16x64x2048xf32, #tpu.memory_space<hbm>> -> memref<1x1x2048xf32, #tpu.memory_space<hbm>>
    %dma_wait3A_503 = tpu.memref_squeeze %dma_wait3A_502 : memref<1x1x2048xf32, #tpu.memory_space<hbm>> -> memref<2048xf32, #tpu.memory_space<hbm>>
    %dma_wait3A_504 = arith.constant 0 : i32
    %dma_wait3A_505 = tpu.memref_slice %arg5[%dma_wait3A_498, %add3A_343, %dma_wait3A_504] : memref<16x64x2048xf32, #tpu.memory_space<hbm>> -> memref<1x1x2048xf32, #tpu.memory_space<hbm>>
    %dma_wait3A_506 = tpu.memref_squeeze %dma_wait3A_505 : memref<1x1x2048xf32, #tpu.memory_space<hbm>> -> memref<2048xf32, #tpu.memory_space<hbm>>
    %dma_wait3A_507 = arith.constant 0 : i32
    %dma_wait3A_508 = tpu.memref_slice %arg13[%dma_wait3A_507] : memref<4096xf32, #tpu.memory_space<vmem>> -> memref<2048xf32, #tpu.memory_space<vmem>>
    tpu.wait_dma2 semaphore(%arg18 : memref<!tpu.dma_semaphore, #tpu.memory_space<semaphore_mem>>) src(%dma_wait3A_508 : memref<2048xf32, #tpu.memory_space<vmem>>) dst(%dma_wait3A_506 : memref<2048xf32, #tpu.memory_space<hbm>>)
    %dma_wait3A_509 = arith.constant 11 : i32
    %dma_wait3A_510 = arith.constant 2048 : i32
    %dma_wait3A_511 = tpu.memref_slice %arg13[%dma_wait3A_510] : memref<4096xf32, #tpu.memory_space<vmem>> -> memref<2048xf32, #tpu.memory_space<vmem>>
    %dma_wait3A_512 = arith.constant 0 : i32
    %dma_wait3A_513 = tpu.memref_slice %arg5[%dma_wait3A_509, %add3A_343, %dma_wait3A_512] : memref<16x64x2048xf32, #tpu.memory_space<hbm>> -> memref<1x1x2048xf32, #tpu.memory_space<hbm>>
    %dma_wait3A_514 = tpu.memref_squeeze %dma_wait3A_513 : memref<1x1x2048xf32, #tpu.memory_space<hbm>> -> memref<2048xf32, #tpu.memory_space<hbm>>
    %dma_wait3A_515 = arith.constant 0 : i32
    %dma_wait3A_516 = tpu.memref_slice %arg5[%dma_wait3A_509, %add3A_343, %dma_wait3A_515] : memref<16x64x2048xf32, #tpu.memory_space<hbm>> -> memref<1x1x2048xf32, #tpu.memory_space<hbm>>
    %dma_wait3A_517 = tpu.memref_squeeze %dma_wait3A_516 : memref<1x1x2048xf32, #tpu.memory_space<hbm>> -> memref<2048xf32, #tpu.memory_space<hbm>>
    %dma_wait3A_518 = arith.constant 2048 : i32
    %dma_wait3A_519 = tpu.memref_slice %arg13[%dma_wait3A_518] : memref<4096xf32, #tpu.memory_space<vmem>> -> memref<2048xf32, #tpu.memory_space<vmem>>
    tpu.wait_dma2 semaphore(%arg18 : memref<!tpu.dma_semaphore, #tpu.memory_space<semaphore_mem>>) src(%dma_wait3A_519 : memref<2048xf32, #tpu.memory_space<vmem>>) dst(%dma_wait3A_517 : memref<2048xf32, #tpu.memory_space<hbm>>)
    %scan3A_520 = arith.constant 0 : i32
    %scan3A_521 = arith.constant 0 : i32
    %scan3A_522 = arith.constant 64 : i32
    %scan3A_523 = arith.addi %scan3A_521, %scan3A_522 : i32
    %scan3A_524 = arith.constant 1 : i32
    %scan3A_525 = scf.for %scan3A_1163 = %scan3A_521 to %scan3A_523 step %scan3A_524 iter_args(%scan3A_1164 = %scan3A_520) -> (i32)  : i32 {
      %mul3A_1165 = arith.constant 4 : i32
      %mul3A_1166 = arith.muli %scan3A_1163, %mul3A_1165 : i32
      %add3A_1167 = arith.constant 0 : i32
      %add3A_1168 = arith.addi %mul3A_1166, %add3A_1167 : i32
      %mul3A_1169 = arith.constant 16 : i32
      %mul3A_1170 = arith.muli %add3A_1168, %mul3A_1169 : i32
      %get3A = arith.index_cast %mul3A_1170 : i32 to index
      %get3A_1171 = tpu.vector_load %arg10[%get3A] {strides = array<i32>} : memref<4096xi32, #tpu.memory_space<vmem>>, vector<16xi32>,
      %get3A_1172 = arith.index_cast %mul3A_1170 : i32 to index
      %get3A_1173 = tpu.vector_load %arg11[%get3A_1172] {strides = array<i32>} : memref<4096xi32, #tpu.memory_space<vmem>>, vector<16xi32>,
      %gather3A = tpu.vector_load_idx %arg6[%get3A_1171] : memref<100000xf32, #tpu.memory_space<vmem>>[vector<16xi32>], vector<16xf32>,
      %gather3A_1174 = tpu.vector_load_idx %arg7[%get3A_1173] : memref<2049xf32, #tpu.memory_space<vmem>>[vector<16xi32>], vector<16xf32>,
      %mul3A_1175 = arith.constant 8.000000e+00 : f32
      %mul3A_1176 = vector.broadcast %mul3A_1175 : f32 to vector<16xf32>
      %mul3A_1177 = arith.mulf %gather3A, %mul3A_1176 : vector<16xf32>
      %add3A_1178 = arith.addf %mul3A_1177, %gather3A_1174 : vector<16xf32>
      %swap3A = arith.index_cast %mul3A_1170 : i32 to index
      %swap3A_1179 = tpu.vector_load %arg13[%swap3A] {strides = array<i32>} : memref<4096xf32, #tpu.memory_space<vmem>>, vector<16xf32>,
      tpu.vector_store %arg13[%swap3A], %add3A_1178 {strides = array<i32>} : memref<4096xf32, #tpu.memory_space<vmem>>, vector<16xf32>,
      %mul3A_1180 = arith.constant 4 : i32
      %mul3A_1181 = arith.muli %scan3A_1163, %mul3A_1180 : i32
      %add3A_1182 = arith.constant 1 : i32
      %add3A_1183 = arith.addi %mul3A_1181, %add3A_1182 : i32
      %mul3A_1184 = arith.constant 16 : i32
      %mul3A_1185 = arith.muli %add3A_1183, %mul3A_1184 : i32
      %get3A_1186 = arith.index_cast %mul3A_1185 : i32 to index
      %get3A_1187 = tpu.vector_load %arg10[%get3A_1186] {strides = array<i32>} : memref<4096xi32, #tpu.memory_space<vmem>>, vector<16xi32>,
      %get3A_1188 = arith.index_cast %mul3A_1185 : i32 to index
      %get3A_1189 = tpu.vector_load %arg11[%get3A_1188] {strides = array<i32>} : memref<4096xi32, #tpu.memory_space<vmem>>, vector<16xi32>,
      %gather3A_1190 = tpu.vector_load_idx %arg6[%get3A_1187] : memref<100000xf32, #tpu.memory_space<vmem>>[vector<16xi32>], vector<16xf32>,
      %gather3A_1191 = tpu.vector_load_idx %arg7[%get3A_1189] : memref<2049xf32, #tpu.memory_space<vmem>>[vector<16xi32>], vector<16xf32>,
      %mul3A_1192 = arith.constant 8.000000e+00 : f32
      %mul3A_1193 = vector.broadcast %mul3A_1192 : f32 to vector<16xf32>
      %mul3A_1194 = arith.mulf %gather3A_1190, %mul3A_1193 : vector<16xf32>
      %add3A_1195 = arith.addf %mul3A_1194, %gather3A_1191 : vector<16xf32>
      %swap3A_1196 = arith.index_cast %mul3A_1185 : i32 to index
      %swap3A_1197 = tpu.vector_load %arg13[%swap3A_1196] {strides = array<i32>} : memref<4096xf32, #tpu.memory_space<vmem>>, vector<16xf32>,
      tpu.vector_store %arg13[%swap3A_1196], %add3A_1195 {strides = array<i32>} : memref<4096xf32, #tpu.memory_space<vmem>>, vector<16xf32>,
      %mul3A_1198 = arith.constant 4 : i32
      %mul3A_1199 = arith.muli %scan3A_1163, %mul3A_1198 : i32
      %add3A_1200 = arith.constant 2 : i32
      %add3A_1201 = arith.addi %mul3A_1199, %add3A_1200 : i32
      %mul3A_1202 = arith.constant 16 : i32
      %mul3A_1203 = arith.muli %add3A_1201, %mul3A_1202 : i32
      %get3A_1204 = arith.index_cast %mul3A_1203 : i32 to index
      %get3A_1205 = tpu.vector_load %arg10[%get3A_1204] {strides = array<i32>} : memref<4096xi32, #tpu.memory_space<vmem>>, vector<16xi32>,
      %get3A_1206 = arith.index_cast %mul3A_1203 : i32 to index
      %get3A_1207 = tpu.vector_load %arg11[%get3A_1206] {strides = array<i32>} : memref<4096xi32, #tpu.memory_space<vmem>>, vector<16xi32>,
      %gather3A_1208 = tpu.vector_load_idx %arg6[%get3A_1205] : memref<100000xf32, #tpu.memory_space<vmem>>[vector<16xi32>], vector<16xf32>,
      %gather3A_1209 = tpu.vector_load_idx %arg7[%get3A_1207] : memref<2049xf32, #tpu.memory_space<vmem>>[vector<16xi32>], vector<16xf32>,
      %mul3A_1210 = arith.constant 8.000000e+00 : f32
      %mul3A_1211 = vector.broadcast %mul3A_1210 : f32 to vector<16xf32>
      %mul3A_1212 = arith.mulf %gather3A_1208, %mul3A_1211 : vector<16xf32>
      %add3A_1213 = arith.addf %mul3A_1212, %gather3A_1209 : vector<16xf32>
      %swap3A_1214 = arith.index_cast %mul3A_1203 : i32 to index
      %swap3A_1215 = tpu.vector_load %arg13[%swap3A_1214] {strides = array<i32>} : memref<4096xf32, #tpu.memory_space<vmem>>, vector<16xf32>,
      tpu.vector_store %arg13[%swap3A_1214], %add3A_1213 {strides = array<i32>} : memref<4096xf32, #tpu.memory_space<vmem>>, vector<16xf32>,
      %mul3A_1216 = arith.constant 4 : i32
      %mul3A_1217 = arith.muli %scan3A_1163, %mul3A_1216 : i32
      %add3A_1218 = arith.constant 3 : i32
      %add3A_1219 = arith.addi %mul3A_1217, %add3A_1218 : i32
      %mul3A_1220 = arith.constant 16 : i32
      %mul3A_1221 = arith.muli %add3A_1219, %mul3A_1220 : i32
      %get3A_1222 = arith.index_cast %mul3A_1221 : i32 to index
      %get3A_1223 = tpu.vector_load %arg10[%get3A_1222] {strides = array<i32>} : memref<4096xi32, #tpu.memory_space<vmem>>, vector<16xi32>,
      %get3A_1224 = arith.index_cast %mul3A_1221 : i32 to index
      %get3A_1225 = tpu.vector_load %arg11[%get3A_1224] {strides = array<i32>} : memref<4096xi32, #tpu.memory_space<vmem>>, vector<16xi32>,
      %gather3A_1226 = tpu.vector_load_idx %arg6[%get3A_1223] : memref<100000xf32, #tpu.memory_space<vmem>>[vector<16xi32>], vector<16xf32>,
      %gather3A_1227 = tpu.vector_load_idx %arg7[%get3A_1225] : memref<2049xf32, #tpu.memory_space<vmem>>[vector<16xi32>], vector<16xf32>,
      %mul3A_1228 = arith.constant 8.000000e+00 : f32
      %mul3A_1229 = vector.broadcast %mul3A_1228 : f32 to vector<16xf32>
      %mul3A_1230 = arith.mulf %gather3A_1226, %mul3A_1229 : vector<16xf32>
      %add3A_1231 = arith.addf %mul3A_1230, %gather3A_1227 : vector<16xf32>
      %swap3A_1232 = arith.index_cast %mul3A_1221 : i32 to index
      %swap3A_1233 = tpu.vector_load %arg13[%swap3A_1232] {strides = array<i32>} : memref<4096xf32, #tpu.memory_space<vmem>>, vector<16xf32>,
      tpu.vector_store %arg13[%swap3A_1232], %add3A_1231 {strides = array<i32>} : memref<4096xf32, #tpu.memory_space<vmem>>, vector<16xf32>,
      %scan3A_1234 = arith.constant 0 : i32
      scf.yield %scan3A_1234 : i32
    }
    %scan3A_526 = arith.constant 64 : i32
    %dma_start3A_527 = arith.constant 14 : i32
    %dma_start3A_528 = arith.constant 0 : i32
    %dma_start3A_529 = tpu.memref_slice %arg13[%dma_start3A_528] : memref<4096xf32, #tpu.memory_space<vmem>> -> memref<2048xf32, #tpu.memory_space<vmem>>
    %dma_start3A_530 = arith.constant 0 : i32
    %dma_start3A_531 = tpu.memref_slice %arg5[%dma_start3A_527, %add3A_481, %dma_start3A_530] : memref<16x64x2048xf32, #tpu.memory_space<hbm>> -> memref<1x1x2048xf32, #tpu.memory_space<hbm>>
    %dma_start3A_532 = tpu.memref_squeeze %dma_start3A_531 : memref<1x1x2048xf32, #tpu.memory_space<hbm>> -> memref<2048xf32, #tpu.memory_space<hbm>>
    %dma_start3A_533 = arith.constant 0 : i32
    %dma_start3A_534 = tpu.memref_slice %arg5[%dma_start3A_527, %add3A_481, %dma_start3A_533] : memref<16x64x2048xf32, #tpu.memory_space<hbm>> -> memref<1x1x2048xf32, #tpu.memory_space<hbm>>
    %dma_start3A_535 = tpu.memref_squeeze %dma_start3A_534 : memref<1x1x2048xf32, #tpu.memory_space<hbm>> -> memref<2048xf32, #tpu.memory_space<hbm>>
    %dma_start3A_536 = arith.constant 0 : i32
    %dma_start3A_537 = tpu.memref_slice %arg13[%dma_start3A_536] : memref<4096xf32, #tpu.memory_space<vmem>> -> memref<2048xf32, #tpu.memory_space<vmem>>
    tpu.enqueue_dma source(%dma_start3A_537 : memref<2048xf32, #tpu.memory_space<vmem>>) target(%dma_start3A_535 : memref<2048xf32, #tpu.memory_space<hbm>>) target_semaphore(%arg18 : memref<!tpu.dma_semaphore, #tpu.memory_space<semaphore_mem>>)
    %dma_start3A_538 = arith.constant 15 : i32
    %dma_start3A_539 = arith.constant 2048 : i32
    %dma_start3A_540 = tpu.memref_slice %arg13[%dma_start3A_539] : memref<4096xf32, #tpu.memory_space<vmem>> -> memref<2048xf32, #tpu.memory_space<vmem>>
    %dma_start3A_541 = arith.constant 0 : i32
    %dma_start3A_542 = tpu.memref_slice %arg5[%dma_start3A_538, %add3A_481, %dma_start3A_541] : memref<16x64x2048xf32, #tpu.memory_space<hbm>> -> memref<1x1x2048xf32, #tpu.memory_space<hbm>>
    %dma_start3A_543 = tpu.memref_squeeze %dma_start3A_542 : memref<1x1x2048xf32, #tpu.memory_space<hbm>> -> memref<2048xf32, #tpu.memory_space<hbm>>
    %dma_start3A_544 = arith.constant 0 : i32
    %dma_start3A_545 = tpu.memref_slice %arg5[%dma_start3A_538, %add3A_481, %dma_start3A_544] : memref<16x64x2048xf32, #tpu.memory_space<hbm>> -> memref<1x1x2048xf32, #tpu.memory_space<hbm>>
    %dma_start3A_546 = tpu.memref_squeeze %dma_start3A_545 : memref<1x1x2048xf32, #tpu.memory_space<hbm>> -> memref<2048xf32, #tpu.memory_space<hbm>>
    %dma_start3A_547 = arith.constant 2048 : i32
    %dma_start3A_548 = tpu.memref_slice %arg13[%dma_start3A_547] : memref<4096xf32, #tpu.memory_space<vmem>> -> memref<2048xf32, #tpu.memory_space<vmem>>
    tpu.enqueue_dma source(%dma_start3A_548 : memref<2048xf32, #tpu.memory_space<vmem>>) target(%dma_start3A_546 : memref<2048xf32, #tpu.memory_space<hbm>>) target_semaphore(%arg18 : memref<!tpu.dma_semaphore, #tpu.memory_space<semaphore_mem>>)
    %add3A_549 = arith.constant 32 : i32
    %add3A_550 = arith.addi %add3A, %add3A_549 : i32
    %dma_start3A_551 = arith.constant 0 : i32
    %dma_start3A_552 = tpu.memref_slice %arg3[%add3A_550, %dma_start3A_551] : memref<64x100000xf32, #tpu.memory_space<hbm>> -> memref<1x100000xf32, #tpu.memory_space<hbm>>
    %dma_start3A_553 = tpu.memref_squeeze %dma_start3A_552 : memref<1x100000xf32, #tpu.memory_space<hbm>> -> memref<100000xf32, #tpu.memory_space<hbm>>
    %dma_start3A_554 = arith.constant 0 : i32
    %dma_start3A_555 = tpu.memref_slice %arg3[%add3A_550, %dma_start3A_554] : memref<64x100000xf32, #tpu.memory_space<hbm>> -> memref<1x100000xf32, #tpu.memory_space<hbm>>
    %dma_start3A_556 = tpu.memref_squeeze %dma_start3A_555 : memref<1x100000xf32, #tpu.memory_space<hbm>> -> memref<100000xf32, #tpu.memory_space<hbm>>
    tpu.enqueue_dma source(%dma_start3A_556 : memref<100000xf32, #tpu.memory_space<hbm>>) target(%arg6 : memref<100000xf32, #tpu.memory_space<vmem>>) target_semaphore(%arg16 : memref<!tpu.dma_semaphore, #tpu.memory_space<semaphore_mem>>)
    %dma_start3A_557 = arith.constant 0 : i32
    %dma_start3A_558 = tpu.memref_slice %arg4[%add3A_550, %dma_start3A_557] : memref<64x2049xf32, #tpu.memory_space<hbm>> -> memref<1x2049xf32, #tpu.memory_space<hbm>>
    %dma_start3A_559 = tpu.memref_squeeze %dma_start3A_558 : memref<1x2049xf32, #tpu.memory_space<hbm>> -> memref<2049xf32, #tpu.memory_space<hbm>>
    %dma_start3A_560 = arith.constant 0 : i32
    %dma_start3A_561 = tpu.memref_slice %arg4[%add3A_550, %dma_start3A_560] : memref<64x2049xf32, #tpu.memory_space<hbm>> -> memref<1x2049xf32, #tpu.memory_space<hbm>>
    %dma_start3A_562 = tpu.memref_squeeze %dma_start3A_561 : memref<1x2049xf32, #tpu.memory_space<hbm>> -> memref<2049xf32, #tpu.memory_space<hbm>>
    tpu.enqueue_dma source(%dma_start3A_562 : memref<2049xf32, #tpu.memory_space<hbm>>) target(%arg7 : memref<2049xf32, #tpu.memory_space<vmem>>) target_semaphore(%arg16 : memref<!tpu.dma_semaphore, #tpu.memory_space<semaphore_mem>>)
    %add3A_563 = arith.constant 32 : i32
    %add3A_564 = arith.addi %add3A, %add3A_563 : i32
    %dma_wait3A_565 = arith.constant 0 : i32
    %dma_wait3A_566 = tpu.memref_slice %arg3[%add3A_550, %dma_wait3A_565] : memref<64x100000xf32, #tpu.memory_space<hbm>> -> memref<1x100000xf32, #tpu.memory_space<hbm>>
    %dma_wait3A_567 = tpu.memref_squeeze %dma_wait3A_566 : memref<1x100000xf32, #tpu.memory_space<hbm>> -> memref<100000xf32, #tpu.memory_space<hbm>>
    %dma_wait3A_568 = arith.constant 0 : i32
    %dma_wait3A_569 = tpu.memref_slice %arg3[%add3A_550, %dma_wait3A_568] : memref<64x100000xf32, #tpu.memory_space<hbm>> -> memref<1x100000xf32, #tpu.memory_space<hbm>>
    %dma_wait3A_570 = tpu.memref_squeeze %dma_wait3A_569 : memref<1x100000xf32, #tpu.memory_space<hbm>> -> memref<100000xf32, #tpu.memory_space<hbm>>
    tpu.wait_dma2 semaphore(%arg16 : memref<!tpu.dma_semaphore, #tpu.memory_space<semaphore_mem>>) src(%dma_wait3A_570 : memref<100000xf32, #tpu.memory_space<hbm>>) dst(%arg6 : memref<100000xf32, #tpu.memory_space<vmem>>)
    %dma_wait3A_571 = arith.constant 0 : i32
    %dma_wait3A_572 = tpu.memref_slice %arg4[%add3A_550, %dma_wait3A_571] : memref<64x2049xf32, #tpu.memory_space<hbm>> -> memref<1x2049xf32, #tpu.memory_space<hbm>>
    %dma_wait3A_573 = tpu.memref_squeeze %dma_wait3A_572 : memref<1x2049xf32, #tpu.memory_space<hbm>> -> memref<2049xf32, #tpu.memory_space<hbm>>
    %dma_wait3A_574 = arith.constant 0 : i32
    %dma_wait3A_575 = tpu.memref_slice %arg4[%add3A_550, %dma_wait3A_574] : memref<64x2049xf32, #tpu.memory_space<hbm>> -> memref<1x2049xf32, #tpu.memory_space<hbm>>
    %dma_wait3A_576 = tpu.memref_squeeze %dma_wait3A_575 : memref<1x2049xf32, #tpu.memory_space<hbm>> -> memref<2049xf32, #tpu.memory_space<hbm>>
    tpu.wait_dma2 semaphore(%arg16 : memref<!tpu.dma_semaphore, #tpu.memory_space<semaphore_mem>>) src(%dma_wait3A_576 : memref<2049xf32, #tpu.memory_space<hbm>>) dst(%arg7 : memref<2049xf32, #tpu.memory_space<vmem>>)
    %dma_wait3A_577 = arith.constant 0 : i32
    %dma_wait3A_578 = tpu.memref_slice %arg14[%dma_wait3A_577] : memref<32768xi32, #tpu.memory_space<vmem_shared>> -> memref<4096xi32, #tpu.memory_space<vmem_shared>>
    %dma_wait3A_579 = arith.constant 0 : i32
    %dma_wait3A_580 = tpu.memref_slice %arg14[%dma_wait3A_579] : memref<32768xi32, #tpu.memory_space<vmem_shared>> -> memref<4096xi32, #tpu.memory_space<vmem_shared>>
    tpu.wait_dma2 semaphore(%arg17 : memref<!tpu.dma_semaphore, #tpu.memory_space<semaphore_mem>>) src(%dma_wait3A_580 : memref<4096xi32, #tpu.memory_space<vmem_shared>>) dst(%arg8 : memref<4096xi32, #tpu.memory_space<vmem>>)
    %dma_wait3A_581 = arith.constant 0 : i32
    %dma_wait3A_582 = tpu.memref_slice %arg15[%dma_wait3A_581] : memref<32768xi32, #tpu.memory_space<vmem_shared>> -> memref<4096xi32, #tpu.memory_space<vmem_shared>>
    %dma_wait3A_583 = arith.constant 0 : i32
    %dma_wait3A_584 = tpu.memref_slice %arg15[%dma_wait3A_583] : memref<32768xi32, #tpu.memory_space<vmem_shared>> -> memref<4096xi32, #tpu.memory_space<vmem_shared>>
    tpu.wait_dma2 semaphore(%arg17 : memref<!tpu.dma_semaphore, #tpu.memory_space<semaphore_mem>>) src(%dma_wait3A_584 : memref<4096xi32, #tpu.memory_space<vmem_shared>>) dst(%arg9 : memref<4096xi32, #tpu.memory_space<vmem>>)
    %dma_start3A_585 = arith.constant 4096 : i32
    %dma_start3A_586 = tpu.memref_slice %arg14[%dma_start3A_585] : memref<32768xi32, #tpu.memory_space<vmem_shared>> -> memref<4096xi32, #tpu.memory_space<vmem_shared>>
    %dma_start3A_587 = arith.constant 4096 : i32
    %dma_start3A_588 = tpu.memref_slice %arg14[%dma_start3A_587] : memref<32768xi32, #tpu.memory_space<vmem_shared>> -> memref<4096xi32, #tpu.memory_space<vmem_shared>>
    tpu.enqueue_dma source(%dma_start3A_588 : memref<4096xi32, #tpu.memory_space<vmem_shared>>) target(%arg10 : memref<4096xi32, #tpu.memory_space<vmem>>) target_semaphore(%arg17 : memref<!tpu.dma_semaphore, #tpu.memory_space<semaphore_mem>>)
    %dma_start3A_589 = arith.constant 4096 : i32
    %dma_start3A_590 = tpu.memref_slice %arg15[%dma_start3A_589] : memref<32768xi32, #tpu.memory_space<vmem_shared>> -> memref<4096xi32, #tpu.memory_space<vmem_shared>>
    %dma_start3A_591 = arith.constant 4096 : i32
    %dma_start3A_592 = tpu.memref_slice %arg15[%dma_start3A_591] : memref<32768xi32, #tpu.memory_space<vmem_shared>> -> memref<4096xi32, #tpu.memory_space<vmem_shared>>
    tpu.enqueue_dma source(%dma_start3A_592 : memref<4096xi32, #tpu.memory_space<vmem_shared>>) target(%arg11 : memref<4096xi32, #tpu.memory_space<vmem>>) target_semaphore(%arg17 : memref<!tpu.dma_semaphore, #tpu.memory_space<semaphore_mem>>)
    %dma_wait3A_593 = arith.constant 12 : i32
    %dma_wait3A_594 = arith.constant 0 : i32
    %dma_wait3A_595 = tpu.memref_slice %arg12[%dma_wait3A_594] : memref<4096xf32, #tpu.memory_space<vmem>> -> memref<2048xf32, #tpu.memory_space<vmem>>
    %dma_wait3A_596 = arith.constant 0 : i32
    %dma_wait3A_597 = tpu.memref_slice %arg5[%dma_wait3A_593, %add3A_412, %dma_wait3A_596] : memref<16x64x2048xf32, #tpu.memory_space<hbm>> -> memref<1x1x2048xf32, #tpu.memory_space<hbm>>
    %dma_wait3A_598 = tpu.memref_squeeze %dma_wait3A_597 : memref<1x1x2048xf32, #tpu.memory_space<hbm>> -> memref<2048xf32, #tpu.memory_space<hbm>>
    %dma_wait3A_599 = arith.constant 0 : i32
    %dma_wait3A_600 = tpu.memref_slice %arg5[%dma_wait3A_593, %add3A_412, %dma_wait3A_599] : memref<16x64x2048xf32, #tpu.memory_space<hbm>> -> memref<1x1x2048xf32, #tpu.memory_space<hbm>>
    %dma_wait3A_601 = tpu.memref_squeeze %dma_wait3A_600 : memref<1x1x2048xf32, #tpu.memory_space<hbm>> -> memref<2048xf32, #tpu.memory_space<hbm>>
    %dma_wait3A_602 = arith.constant 0 : i32
    %dma_wait3A_603 = tpu.memref_slice %arg12[%dma_wait3A_602] : memref<4096xf32, #tpu.memory_space<vmem>> -> memref<2048xf32, #tpu.memory_space<vmem>>
    tpu.wait_dma2 semaphore(%arg18 : memref<!tpu.dma_semaphore, #tpu.memory_space<semaphore_mem>>) src(%dma_wait3A_603 : memref<2048xf32, #tpu.memory_space<vmem>>) dst(%dma_wait3A_601 : memref<2048xf32, #tpu.memory_space<hbm>>)
    %dma_wait3A_604 = arith.constant 13 : i32
    %dma_wait3A_605 = arith.constant 2048 : i32
    %dma_wait3A_606 = tpu.memref_slice %arg12[%dma_wait3A_605] : memref<4096xf32, #tpu.memory_space<vmem>> -> memref<2048xf32, #tpu.memory_space<vmem>>
    %dma_wait3A_607 = arith.constant 0 : i32
    %dma_wait3A_608 = tpu.memref_slice %arg5[%dma_wait3A_604, %add3A_412, %dma_wait3A_607] : memref<16x64x2048xf32, #tpu.memory_space<hbm>> -> memref<1x1x2048xf32, #tpu.memory_space<hbm>>
    %dma_wait3A_609 = tpu.memref_squeeze %dma_wait3A_608 : memref<1x1x2048xf32, #tpu.memory_space<hbm>> -> memref<2048xf32, #tpu.memory_space<hbm>>
    %dma_wait3A_610 = arith.constant 0 : i32
    %dma_wait3A_611 = tpu.memref_slice %arg5[%dma_wait3A_604, %add3A_412, %dma_wait3A_610] : memref<16x64x2048xf32, #tpu.memory_space<hbm>> -> memref<1x1x2048xf32, #tpu.memory_space<hbm>>
    %dma_wait3A_612 = tpu.memref_squeeze %dma_wait3A_611 : memref<1x1x2048xf32, #tpu.memory_space<hbm>> -> memref<2048xf32, #tpu.memory_space<hbm>>
    %dma_wait3A_613 = arith.constant 2048 : i32
    %dma_wait3A_614 = tpu.memref_slice %arg12[%dma_wait3A_613] : memref<4096xf32, #tpu.memory_space<vmem>> -> memref<2048xf32, #tpu.memory_space<vmem>>
    tpu.wait_dma2 semaphore(%arg18 : memref<!tpu.dma_semaphore, #tpu.memory_space<semaphore_mem>>) src(%dma_wait3A_614 : memref<2048xf32, #tpu.memory_space<vmem>>) dst(%dma_wait3A_612 : memref<2048xf32, #tpu.memory_space<hbm>>)
    %scan3A_615 = arith.constant 0 : i32
    %scan3A_616 = arith.constant 0 : i32
    %scan3A_617 = arith.constant 64 : i32
    %scan3A_618 = arith.addi %scan3A_616, %scan3A_617 : i32
    %scan3A_619 = arith.constant 1 : i32
    %scan3A_620 = scf.for %scan3A_1163 = %scan3A_616 to %scan3A_618 step %scan3A_619 iter_args(%scan3A_1164 = %scan3A_615) -> (i32)  : i32 {
      %mul3A_1165 = arith.constant 4 : i32
      %mul3A_1166 = arith.muli %scan3A_1163, %mul3A_1165 : i32
      %add3A_1167 = arith.constant 0 : i32
      %add3A_1168 = arith.addi %mul3A_1166, %add3A_1167 : i32
      %mul3A_1169 = arith.constant 16 : i32
      %mul3A_1170 = arith.muli %add3A_1168, %mul3A_1169 : i32
      %get3A = arith.index_cast %mul3A_1170 : i32 to index
      %get3A_1171 = tpu.vector_load %arg8[%get3A] {strides = array<i32>} : memref<4096xi32, #tpu.memory_space<vmem>>, vector<16xi32>,
      %get3A_1172 = arith.index_cast %mul3A_1170 : i32 to index
      %get3A_1173 = tpu.vector_load %arg9[%get3A_1172] {strides = array<i32>} : memref<4096xi32, #tpu.memory_space<vmem>>, vector<16xi32>,
      %gather3A = tpu.vector_load_idx %arg6[%get3A_1171] : memref<100000xf32, #tpu.memory_space<vmem>>[vector<16xi32>], vector<16xf32>,
      %gather3A_1174 = tpu.vector_load_idx %arg7[%get3A_1173] : memref<2049xf32, #tpu.memory_space<vmem>>[vector<16xi32>], vector<16xf32>,
      %mul3A_1175 = arith.constant 8.000000e+00 : f32
      %mul3A_1176 = vector.broadcast %mul3A_1175 : f32 to vector<16xf32>
      %mul3A_1177 = arith.mulf %gather3A, %mul3A_1176 : vector<16xf32>
      %add3A_1178 = arith.addf %mul3A_1177, %gather3A_1174 : vector<16xf32>
      %swap3A = arith.index_cast %mul3A_1170 : i32 to index
      %swap3A_1179 = tpu.vector_load %arg12[%swap3A] {strides = array<i32>} : memref<4096xf32, #tpu.memory_space<vmem>>, vector<16xf32>,
      tpu.vector_store %arg12[%swap3A], %add3A_1178 {strides = array<i32>} : memref<4096xf32, #tpu.memory_space<vmem>>, vector<16xf32>,
      %mul3A_1180 = arith.constant 4 : i32
      %mul3A_1181 = arith.muli %scan3A_1163, %mul3A_1180 : i32
      %add3A_1182 = arith.constant 1 : i32
      %add3A_1183 = arith.addi %mul3A_1181, %add3A_1182 : i32
      %mul3A_1184 = arith.constant 16 : i32
      %mul3A_1185 = arith.muli %add3A_1183, %mul3A_1184 : i32
      %get3A_1186 = arith.index_cast %mul3A_1185 : i32 to index
      %get3A_1187 = tpu.vector_load %arg8[%get3A_1186] {strides = array<i32>} : memref<4096xi32, #tpu.memory_space<vmem>>, vector<16xi32>,
      %get3A_1188 = arith.index_cast %mul3A_1185 : i32 to index
      %get3A_1189 = tpu.vector_load %arg9[%get3A_1188] {strides = array<i32>} : memref<4096xi32, #tpu.memory_space<vmem>>, vector<16xi32>,
      %gather3A_1190 = tpu.vector_load_idx %arg6[%get3A_1187] : memref<100000xf32, #tpu.memory_space<vmem>>[vector<16xi32>], vector<16xf32>,
      %gather3A_1191 = tpu.vector_load_idx %arg7[%get3A_1189] : memref<2049xf32, #tpu.memory_space<vmem>>[vector<16xi32>], vector<16xf32>,
      %mul3A_1192 = arith.constant 8.000000e+00 : f32
      %mul3A_1193 = vector.broadcast %mul3A_1192 : f32 to vector<16xf32>
      %mul3A_1194 = arith.mulf %gather3A_1190, %mul3A_1193 : vector<16xf32>
      %add3A_1195 = arith.addf %mul3A_1194, %gather3A_1191 : vector<16xf32>
      %swap3A_1196 = arith.index_cast %mul3A_1185 : i32 to index
      %swap3A_1197 = tpu.vector_load %arg12[%swap3A_1196] {strides = array<i32>} : memref<4096xf32, #tpu.memory_space<vmem>>, vector<16xf32>,
      tpu.vector_store %arg12[%swap3A_1196], %add3A_1195 {strides = array<i32>} : memref<4096xf32, #tpu.memory_space<vmem>>, vector<16xf32>,
      %mul3A_1198 = arith.constant 4 : i32
      %mul3A_1199 = arith.muli %scan3A_1163, %mul3A_1198 : i32
      %add3A_1200 = arith.constant 2 : i32
      %add3A_1201 = arith.addi %mul3A_1199, %add3A_1200 : i32
      %mul3A_1202 = arith.constant 16 : i32
      %mul3A_1203 = arith.muli %add3A_1201, %mul3A_1202 : i32
      %get3A_1204 = arith.index_cast %mul3A_1203 : i32 to index
      %get3A_1205 = tpu.vector_load %arg8[%get3A_1204] {strides = array<i32>} : memref<4096xi32, #tpu.memory_space<vmem>>, vector<16xi32>,
      %get3A_1206 = arith.index_cast %mul3A_1203 : i32 to index
      %get3A_1207 = tpu.vector_load %arg9[%get3A_1206] {strides = array<i32>} : memref<4096xi32, #tpu.memory_space<vmem>>, vector<16xi32>,
      %gather3A_1208 = tpu.vector_load_idx %arg6[%get3A_1205] : memref<100000xf32, #tpu.memory_space<vmem>>[vector<16xi32>], vector<16xf32>,
      %gather3A_1209 = tpu.vector_load_idx %arg7[%get3A_1207] : memref<2049xf32, #tpu.memory_space<vmem>>[vector<16xi32>], vector<16xf32>,
      %mul3A_1210 = arith.constant 8.000000e+00 : f32
      %mul3A_1211 = vector.broadcast %mul3A_1210 : f32 to vector<16xf32>
      %mul3A_1212 = arith.mulf %gather3A_1208, %mul3A_1211 : vector<16xf32>
      %add3A_1213 = arith.addf %mul3A_1212, %gather3A_1209 : vector<16xf32>
      %swap3A_1214 = arith.index_cast %mul3A_1203 : i32 to index
      %swap3A_1215 = tpu.vector_load %arg12[%swap3A_1214] {strides = array<i32>} : memref<4096xf32, #tpu.memory_space<vmem>>, vector<16xf32>,
      tpu.vector_store %arg12[%swap3A_1214], %add3A_1213 {strides = array<i32>} : memref<4096xf32, #tpu.memory_space<vmem>>, vector<16xf32>,
      %mul3A_1216 = arith.constant 4 : i32
      %mul3A_1217 = arith.muli %scan3A_1163, %mul3A_1216 : i32
      %add3A_1218 = arith.constant 3 : i32
      %add3A_1219 = arith.addi %mul3A_1217, %add3A_1218 : i32
      %mul3A_1220 = arith.constant 16 : i32
      %mul3A_1221 = arith.muli %add3A_1219, %mul3A_1220 : i32
      %get3A_1222 = arith.index_cast %mul3A_1221 : i32 to index
      %get3A_1223 = tpu.vector_load %arg8[%get3A_1222] {strides = array<i32>} : memref<4096xi32, #tpu.memory_space<vmem>>, vector<16xi32>,
      %get3A_1224 = arith.index_cast %mul3A_1221 : i32 to index
      %get3A_1225 = tpu.vector_load %arg9[%get3A_1224] {strides = array<i32>} : memref<4096xi32, #tpu.memory_space<vmem>>, vector<16xi32>,
      %gather3A_1226 = tpu.vector_load_idx %arg6[%get3A_1223] : memref<100000xf32, #tpu.memory_space<vmem>>[vector<16xi32>], vector<16xf32>,
      %gather3A_1227 = tpu.vector_load_idx %arg7[%get3A_1225] : memref<2049xf32, #tpu.memory_space<vmem>>[vector<16xi32>], vector<16xf32>,
      %mul3A_1228 = arith.constant 8.000000e+00 : f32
      %mul3A_1229 = vector.broadcast %mul3A_1228 : f32 to vector<16xf32>
      %mul3A_1230 = arith.mulf %gather3A_1226, %mul3A_1229 : vector<16xf32>
      %add3A_1231 = arith.addf %mul3A_1230, %gather3A_1227 : vector<16xf32>
      %swap3A_1232 = arith.index_cast %mul3A_1221 : i32 to index
      %swap3A_1233 = tpu.vector_load %arg12[%swap3A_1232] {strides = array<i32>} : memref<4096xf32, #tpu.memory_space<vmem>>, vector<16xf32>,
      tpu.vector_store %arg12[%swap3A_1232], %add3A_1231 {strides = array<i32>} : memref<4096xf32, #tpu.memory_space<vmem>>, vector<16xf32>,
      %scan3A_1234 = arith.constant 0 : i32
      scf.yield %scan3A_1234 : i32
    }
    %scan3A_621 = arith.constant 64 : i32
    %dma_start3A_622 = arith.constant 0 : i32
    %dma_start3A_623 = arith.constant 0 : i32
    %dma_start3A_624 = tpu.memref_slice %arg12[%dma_start3A_623] : memref<4096xf32, #tpu.memory_space<vmem>> -> memref<2048xf32, #tpu.memory_space<vmem>>
    %dma_start3A_625 = arith.constant 0 : i32
    %dma_start3A_626 = tpu.memref_slice %arg5[%dma_start3A_622, %add3A_564, %dma_start3A_625] : memref<16x64x2048xf32, #tpu.memory_space<hbm>> -> memref<1x1x2048xf32, #tpu.memory_space<hbm>>
    %dma_start3A_627 = tpu.memref_squeeze %dma_start3A_626 : memref<1x1x2048xf32, #tpu.memory_space<hbm>> -> memref<2048xf32, #tpu.memory_space<hbm>>
    %dma_start3A_628 = arith.constant 0 : i32
    %dma_start3A_629 = tpu.memref_slice %arg5[%dma_start3A_622, %add3A_564, %dma_start3A_628] : memref<16x64x2048xf32, #tpu.memory_space<hbm>> -> memref<1x1x2048xf32, #tpu.memory_space<hbm>>
    %dma_start3A_630 = tpu.memref_squeeze %dma_start3A_629 : memref<1x1x2048xf32, #tpu.memory_space<hbm>> -> memref<2048xf32, #tpu.memory_space<hbm>>
    %dma_start3A_631 = arith.constant 0 : i32
    %dma_start3A_632 = tpu.memref_slice %arg12[%dma_start3A_631] : memref<4096xf32, #tpu.memory_space<vmem>> -> memref<2048xf32, #tpu.memory_space<vmem>>
    tpu.enqueue_dma source(%dma_start3A_632 : memref<2048xf32, #tpu.memory_space<vmem>>) target(%dma_start3A_630 : memref<2048xf32, #tpu.memory_space<hbm>>) target_semaphore(%arg18 : memref<!tpu.dma_semaphore, #tpu.memory_space<semaphore_mem>>)
    %dma_start3A_633 = arith.constant 1 : i32
    %dma_start3A_634 = arith.constant 2048 : i32
    %dma_start3A_635 = tpu.memref_slice %arg12[%dma_start3A_634] : memref<4096xf32, #tpu.memory_space<vmem>> -> memref<2048xf32, #tpu.memory_space<vmem>>
    %dma_start3A_636 = arith.constant 0 : i32
    %dma_start3A_637 = tpu.memref_slice %arg5[%dma_start3A_633, %add3A_564, %dma_start3A_636] : memref<16x64x2048xf32, #tpu.memory_space<hbm>> -> memref<1x1x2048xf32, #tpu.memory_space<hbm>>
    %dma_start3A_638 = tpu.memref_squeeze %dma_start3A_637 : memref<1x1x2048xf32, #tpu.memory_space<hbm>> -> memref<2048xf32, #tpu.memory_space<hbm>>
    %dma_start3A_639 = arith.constant 0 : i32
    %dma_start3A_640 = tpu.memref_slice %arg5[%dma_start3A_633, %add3A_564, %dma_start3A_639] : memref<16x64x2048xf32, #tpu.memory_space<hbm>> -> memref<1x1x2048xf32, #tpu.memory_space<hbm>>
    %dma_start3A_641 = tpu.memref_squeeze %dma_start3A_640 : memref<1x1x2048xf32, #tpu.memory_space<hbm>> -> memref<2048xf32, #tpu.memory_space<hbm>>
    %dma_start3A_642 = arith.constant 2048 : i32
    %dma_start3A_643 = tpu.memref_slice %arg12[%dma_start3A_642] : memref<4096xf32, #tpu.memory_space<vmem>> -> memref<2048xf32, #tpu.memory_space<vmem>>
    tpu.enqueue_dma source(%dma_start3A_643 : memref<2048xf32, #tpu.memory_space<vmem>>) target(%dma_start3A_641 : memref<2048xf32, #tpu.memory_space<hbm>>) target_semaphore(%arg18 : memref<!tpu.dma_semaphore, #tpu.memory_space<semaphore_mem>>)
    %add3A_644 = arith.constant 32 : i32
    %add3A_645 = arith.addi %add3A, %add3A_644 : i32
    %dma_wait3A_646 = arith.constant 4096 : i32
    %dma_wait3A_647 = tpu.memref_slice %arg14[%dma_wait3A_646] : memref<32768xi32, #tpu.memory_space<vmem_shared>> -> memref<4096xi32, #tpu.memory_space<vmem_shared>>
    %dma_wait3A_648 = arith.constant 4096 : i32
    %dma_wait3A_649 = tpu.memref_slice %arg14[%dma_wait3A_648] : memref<32768xi32, #tpu.memory_space<vmem_shared>> -> memref<4096xi32, #tpu.memory_space<vmem_shared>>
    tpu.wait_dma2 semaphore(%arg17 : memref<!tpu.dma_semaphore, #tpu.memory_space<semaphore_mem>>) src(%dma_wait3A_649 : memref<4096xi32, #tpu.memory_space<vmem_shared>>) dst(%arg10 : memref<4096xi32, #tpu.memory_space<vmem>>)
    %dma_wait3A_650 = arith.constant 4096 : i32
    %dma_wait3A_651 = tpu.memref_slice %arg15[%dma_wait3A_650] : memref<32768xi32, #tpu.memory_space<vmem_shared>> -> memref<4096xi32, #tpu.memory_space<vmem_shared>>
    %dma_wait3A_652 = arith.constant 4096 : i32
    %dma_wait3A_653 = tpu.memref_slice %arg15[%dma_wait3A_652] : memref<32768xi32, #tpu.memory_space<vmem_shared>> -> memref<4096xi32, #tpu.memory_space<vmem_shared>>
    tpu.wait_dma2 semaphore(%arg17 : memref<!tpu.dma_semaphore, #tpu.memory_space<semaphore_mem>>) src(%dma_wait3A_653 : memref<4096xi32, #tpu.memory_space<vmem_shared>>) dst(%arg11 : memref<4096xi32, #tpu.memory_space<vmem>>)
    %dma_start3A_654 = arith.constant 8192 : i32
    %dma_start3A_655 = tpu.memref_slice %arg14[%dma_start3A_654] : memref<32768xi32, #tpu.memory_space<vmem_shared>> -> memref<4096xi32, #tpu.memory_space<vmem_shared>>
    %dma_start3A_656 = arith.constant 8192 : i32
    %dma_start3A_657 = tpu.memref_slice %arg14[%dma_start3A_656] : memref<32768xi32, #tpu.memory_space<vmem_shared>> -> memref<4096xi32, #tpu.memory_space<vmem_shared>>
    tpu.enqueue_dma source(%dma_start3A_657 : memref<4096xi32, #tpu.memory_space<vmem_shared>>) target(%arg8 : memref<4096xi32, #tpu.memory_space<vmem>>) target_semaphore(%arg17 : memref<!tpu.dma_semaphore, #tpu.memory_space<semaphore_mem>>)
    %dma_start3A_658 = arith.constant 8192 : i32
    %dma_start3A_659 = tpu.memref_slice %arg15[%dma_start3A_658] : memref<32768xi32, #tpu.memory_space<vmem_shared>> -> memref<4096xi32, #tpu.memory_space<vmem_shared>>
    %dma_start3A_660 = arith.constant 8192 : i32
    %dma_start3A_661 = tpu.memref_slice %arg15[%dma_start3A_660] : memref<32768xi32, #tpu.memory_space<vmem_shared>> -> memref<4096xi32, #tpu.memory_space<vmem_shared>>
    tpu.enqueue_dma source(%dma_start3A_661 : memref<4096xi32, #tpu.memory_space<vmem_shared>>) target(%arg9 : memref<4096xi32, #tpu.memory_space<vmem>>) target_semaphore(%arg17 : memref<!tpu.dma_semaphore, #tpu.memory_space<semaphore_mem>>)
    %dma_wait3A_662 = arith.constant 14 : i32
    %dma_wait3A_663 = arith.constant 0 : i32
    %dma_wait3A_664 = tpu.memref_slice %arg13[%dma_wait3A_663] : memref<4096xf32, #tpu.memory_space<vmem>> -> memref<2048xf32, #tpu.memory_space<vmem>>
    %dma_wait3A_665 = arith.constant 0 : i32
    %dma_wait3A_666 = tpu.memref_slice %arg5[%dma_wait3A_662, %add3A_481, %dma_wait3A_665] : memref<16x64x2048xf32, #tpu.memory_space<hbm>> -> memref<1x1x2048xf32, #tpu.memory_space<hbm>>
    %dma_wait3A_667 = tpu.memref_squeeze %dma_wait3A_666 : memref<1x1x2048xf32, #tpu.memory_space<hbm>> -> memref<2048xf32, #tpu.memory_space<hbm>>
    %dma_wait3A_668 = arith.constant 0 : i32
    %dma_wait3A_669 = tpu.memref_slice %arg5[%dma_wait3A_662, %add3A_481, %dma_wait3A_668] : memref<16x64x2048xf32, #tpu.memory_space<hbm>> -> memref<1x1x2048xf32, #tpu.memory_space<hbm>>
    %dma_wait3A_670 = tpu.memref_squeeze %dma_wait3A_669 : memref<1x1x2048xf32, #tpu.memory_space<hbm>> -> memref<2048xf32, #tpu.memory_space<hbm>>
    %dma_wait3A_671 = arith.constant 0 : i32
    %dma_wait3A_672 = tpu.memref_slice %arg13[%dma_wait3A_671] : memref<4096xf32, #tpu.memory_space<vmem>> -> memref<2048xf32, #tpu.memory_space<vmem>>
    tpu.wait_dma2 semaphore(%arg18 : memref<!tpu.dma_semaphore, #tpu.memory_space<semaphore_mem>>) src(%dma_wait3A_672 : memref<2048xf32, #tpu.memory_space<vmem>>) dst(%dma_wait3A_670 : memref<2048xf32, #tpu.memory_space<hbm>>)
    %dma_wait3A_673 = arith.constant 15 : i32
    %dma_wait3A_674 = arith.constant 2048 : i32
    %dma_wait3A_675 = tpu.memref_slice %arg13[%dma_wait3A_674] : memref<4096xf32, #tpu.memory_space<vmem>> -> memref<2048xf32, #tpu.memory_space<vmem>>
    %dma_wait3A_676 = arith.constant 0 : i32
    %dma_wait3A_677 = tpu.memref_slice %arg5[%dma_wait3A_673, %add3A_481, %dma_wait3A_676] : memref<16x64x2048xf32, #tpu.memory_space<hbm>> -> memref<1x1x2048xf32, #tpu.memory_space<hbm>>
    %dma_wait3A_678 = tpu.memref_squeeze %dma_wait3A_677 : memref<1x1x2048xf32, #tpu.memory_space<hbm>> -> memref<2048xf32, #tpu.memory_space<hbm>>
    %dma_wait3A_679 = arith.constant 0 : i32
    %dma_wait3A_680 = tpu.memref_slice %arg5[%dma_wait3A_673, %add3A_481, %dma_wait3A_679] : memref<16x64x2048xf32, #tpu.memory_space<hbm>> -> memref<1x1x2048xf32, #tpu.memory_space<hbm>>
    %dma_wait3A_681 = tpu.memref_squeeze %dma_wait3A_680 : memref<1x1x2048xf32, #tpu.memory_space<hbm>> -> memref<2048xf32, #tpu.memory_space<hbm>>
    %dma_wait3A_682 = arith.constant 2048 : i32
    %dma_wait3A_683 = tpu.memref_slice %arg13[%dma_wait3A_682] : memref<4096xf32, #tpu.memory_space<vmem>> -> memref<2048xf32, #tpu.memory_space<vmem>>
    tpu.wait_dma2 semaphore(%arg18 : memref<!tpu.dma_semaphore, #tpu.memory_space<semaphore_mem>>) src(%dma_wait3A_683 : memref<2048xf32, #tpu.memory_space<vmem>>) dst(%dma_wait3A_681 : memref<2048xf32, #tpu.memory_space<hbm>>)
    %scan3A_684 = arith.constant 0 : i32
    %scan3A_685 = arith.constant 0 : i32
    %scan3A_686 = arith.constant 64 : i32
    %scan3A_687 = arith.addi %scan3A_685, %scan3A_686 : i32
    %scan3A_688 = arith.constant 1 : i32
    %scan3A_689 = scf.for %scan3A_1163 = %scan3A_685 to %scan3A_687 step %scan3A_688 iter_args(%scan3A_1164 = %scan3A_684) -> (i32)  : i32 {
      %mul3A_1165 = arith.constant 4 : i32
      %mul3A_1166 = arith.muli %scan3A_1163, %mul3A_1165 : i32
      %add3A_1167 = arith.constant 0 : i32
      %add3A_1168 = arith.addi %mul3A_1166, %add3A_1167 : i32
      %mul3A_1169 = arith.constant 16 : i32
      %mul3A_1170 = arith.muli %add3A_1168, %mul3A_1169 : i32
      %get3A = arith.index_cast %mul3A_1170 : i32 to index
      %get3A_1171 = tpu.vector_load %arg10[%get3A] {strides = array<i32>} : memref<4096xi32, #tpu.memory_space<vmem>>, vector<16xi32>,
      %get3A_1172 = arith.index_cast %mul3A_1170 : i32 to index
      %get3A_1173 = tpu.vector_load %arg11[%get3A_1172] {strides = array<i32>} : memref<4096xi32, #tpu.memory_space<vmem>>, vector<16xi32>,
      %gather3A = tpu.vector_load_idx %arg6[%get3A_1171] : memref<100000xf32, #tpu.memory_space<vmem>>[vector<16xi32>], vector<16xf32>,
      %gather3A_1174 = tpu.vector_load_idx %arg7[%get3A_1173] : memref<2049xf32, #tpu.memory_space<vmem>>[vector<16xi32>], vector<16xf32>,
      %mul3A_1175 = arith.constant 8.000000e+00 : f32
      %mul3A_1176 = vector.broadcast %mul3A_1175 : f32 to vector<16xf32>
      %mul3A_1177 = arith.mulf %gather3A, %mul3A_1176 : vector<16xf32>
      %add3A_1178 = arith.addf %mul3A_1177, %gather3A_1174 : vector<16xf32>
      %swap3A = arith.index_cast %mul3A_1170 : i32 to index
      %swap3A_1179 = tpu.vector_load %arg13[%swap3A] {strides = array<i32>} : memref<4096xf32, #tpu.memory_space<vmem>>, vector<16xf32>,
      tpu.vector_store %arg13[%swap3A], %add3A_1178 {strides = array<i32>} : memref<4096xf32, #tpu.memory_space<vmem>>, vector<16xf32>,
      %mul3A_1180 = arith.constant 4 : i32
      %mul3A_1181 = arith.muli %scan3A_1163, %mul3A_1180 : i32
      %add3A_1182 = arith.constant 1 : i32
      %add3A_1183 = arith.addi %mul3A_1181, %add3A_1182 : i32
      %mul3A_1184 = arith.constant 16 : i32
      %mul3A_1185 = arith.muli %add3A_1183, %mul3A_1184 : i32
      %get3A_1186 = arith.index_cast %mul3A_1185 : i32 to index
      %get3A_1187 = tpu.vector_load %arg10[%get3A_1186] {strides = array<i32>} : memref<4096xi32, #tpu.memory_space<vmem>>, vector<16xi32>,
      %get3A_1188 = arith.index_cast %mul3A_1185 : i32 to index
      %get3A_1189 = tpu.vector_load %arg11[%get3A_1188] {strides = array<i32>} : memref<4096xi32, #tpu.memory_space<vmem>>, vector<16xi32>,
      %gather3A_1190 = tpu.vector_load_idx %arg6[%get3A_1187] : memref<100000xf32, #tpu.memory_space<vmem>>[vector<16xi32>], vector<16xf32>,
      %gather3A_1191 = tpu.vector_load_idx %arg7[%get3A_1189] : memref<2049xf32, #tpu.memory_space<vmem>>[vector<16xi32>], vector<16xf32>,
      %mul3A_1192 = arith.constant 8.000000e+00 : f32
      %mul3A_1193 = vector.broadcast %mul3A_1192 : f32 to vector<16xf32>
      %mul3A_1194 = arith.mulf %gather3A_1190, %mul3A_1193 : vector<16xf32>
      %add3A_1195 = arith.addf %mul3A_1194, %gather3A_1191 : vector<16xf32>
      %swap3A_1196 = arith.index_cast %mul3A_1185 : i32 to index
      %swap3A_1197 = tpu.vector_load %arg13[%swap3A_1196] {strides = array<i32>} : memref<4096xf32, #tpu.memory_space<vmem>>, vector<16xf32>,
      tpu.vector_store %arg13[%swap3A_1196], %add3A_1195 {strides = array<i32>} : memref<4096xf32, #tpu.memory_space<vmem>>, vector<16xf32>,
      %mul3A_1198 = arith.constant 4 : i32
      %mul3A_1199 = arith.muli %scan3A_1163, %mul3A_1198 : i32
      %add3A_1200 = arith.constant 2 : i32
      %add3A_1201 = arith.addi %mul3A_1199, %add3A_1200 : i32
      %mul3A_1202 = arith.constant 16 : i32
      %mul3A_1203 = arith.muli %add3A_1201, %mul3A_1202 : i32
      %get3A_1204 = arith.index_cast %mul3A_1203 : i32 to index
      %get3A_1205 = tpu.vector_load %arg10[%get3A_1204] {strides = array<i32>} : memref<4096xi32, #tpu.memory_space<vmem>>, vector<16xi32>,
      %get3A_1206 = arith.index_cast %mul3A_1203 : i32 to index
      %get3A_1207 = tpu.vector_load %arg11[%get3A_1206] {strides = array<i32>} : memref<4096xi32, #tpu.memory_space<vmem>>, vector<16xi32>,
      %gather3A_1208 = tpu.vector_load_idx %arg6[%get3A_1205] : memref<100000xf32, #tpu.memory_space<vmem>>[vector<16xi32>], vector<16xf32>,
      %gather3A_1209 = tpu.vector_load_idx %arg7[%get3A_1207] : memref<2049xf32, #tpu.memory_space<vmem>>[vector<16xi32>], vector<16xf32>,
      %mul3A_1210 = arith.constant 8.000000e+00 : f32
      %mul3A_1211 = vector.broadcast %mul3A_1210 : f32 to vector<16xf32>
      %mul3A_1212 = arith.mulf %gather3A_1208, %mul3A_1211 : vector<16xf32>
      %add3A_1213 = arith.addf %mul3A_1212, %gather3A_1209 : vector<16xf32>
      %swap3A_1214 = arith.index_cast %mul3A_1203 : i32 to index
      %swap3A_1215 = tpu.vector_load %arg13[%swap3A_1214] {strides = array<i32>} : memref<4096xf32, #tpu.memory_space<vmem>>, vector<16xf32>,
      tpu.vector_store %arg13[%swap3A_1214], %add3A_1213 {strides = array<i32>} : memref<4096xf32, #tpu.memory_space<vmem>>, vector<16xf32>,
      %mul3A_1216 = arith.constant 4 : i32
      %mul3A_1217 = arith.muli %scan3A_1163, %mul3A_1216 : i32
      %add3A_1218 = arith.constant 3 : i32
      %add3A_1219 = arith.addi %mul3A_1217, %add3A_1218 : i32
      %mul3A_1220 = arith.constant 16 : i32
      %mul3A_1221 = arith.muli %add3A_1219, %mul3A_1220 : i32
      %get3A_1222 = arith.index_cast %mul3A_1221 : i32 to index
      %get3A_1223 = tpu.vector_load %arg10[%get3A_1222] {strides = array<i32>} : memref<4096xi32, #tpu.memory_space<vmem>>, vector<16xi32>,
      %get3A_1224 = arith.index_cast %mul3A_1221 : i32 to index
      %get3A_1225 = tpu.vector_load %arg11[%get3A_1224] {strides = array<i32>} : memref<4096xi32, #tpu.memory_space<vmem>>, vector<16xi32>,
      %gather3A_1226 = tpu.vector_load_idx %arg6[%get3A_1223] : memref<100000xf32, #tpu.memory_space<vmem>>[vector<16xi32>], vector<16xf32>,
      %gather3A_1227 = tpu.vector_load_idx %arg7[%get3A_1225] : memref<2049xf32, #tpu.memory_space<vmem>>[vector<16xi32>], vector<16xf32>,
      %mul3A_1228 = arith.constant 8.000000e+00 : f32
      %mul3A_1229 = vector.broadcast %mul3A_1228 : f32 to vector<16xf32>
      %mul3A_1230 = arith.mulf %gather3A_1226, %mul3A_1229 : vector<16xf32>
      %add3A_1231 = arith.addf %mul3A_1230, %gather3A_1227 : vector<16xf32>
      %swap3A_1232 = arith.index_cast %mul3A_1221 : i32 to index
      %swap3A_1233 = tpu.vector_load %arg13[%swap3A_1232] {strides = array<i32>} : memref<4096xf32, #tpu.memory_space<vmem>>, vector<16xf32>,
      tpu.vector_store %arg13[%swap3A_1232], %add3A_1231 {strides = array<i32>} : memref<4096xf32, #tpu.memory_space<vmem>>, vector<16xf32>,
      %scan3A_1234 = arith.constant 0 : i32
      scf.yield %scan3A_1234 : i32
    }
    %scan3A_690 = arith.constant 64 : i32
    %dma_start3A_691 = arith.constant 2 : i32
    %dma_start3A_692 = arith.constant 0 : i32
    %dma_start3A_693 = tpu.memref_slice %arg13[%dma_start3A_692] : memref<4096xf32, #tpu.memory_space<vmem>> -> memref<2048xf32, #tpu.memory_space<vmem>>
    %dma_start3A_694 = arith.constant 0 : i32
    %dma_start3A_695 = tpu.memref_slice %arg5[%dma_start3A_691, %add3A_645, %dma_start3A_694] : memref<16x64x2048xf32, #tpu.memory_space<hbm>> -> memref<1x1x2048xf32, #tpu.memory_space<hbm>>
    %dma_start3A_696 = tpu.memref_squeeze %dma_start3A_695 : memref<1x1x2048xf32, #tpu.memory_space<hbm>> -> memref<2048xf32, #tpu.memory_space<hbm>>
    %dma_start3A_697 = arith.constant 0 : i32
    %dma_start3A_698 = tpu.memref_slice %arg5[%dma_start3A_691, %add3A_645, %dma_start3A_697] : memref<16x64x2048xf32, #tpu.memory_space<hbm>> -> memref<1x1x2048xf32, #tpu.memory_space<hbm>>
    %dma_start3A_699 = tpu.memref_squeeze %dma_start3A_698 : memref<1x1x2048xf32, #tpu.memory_space<hbm>> -> memref<2048xf32, #tpu.memory_space<hbm>>
    %dma_start3A_700 = arith.constant 0 : i32
    %dma_start3A_701 = tpu.memref_slice %arg13[%dma_start3A_700] : memref<4096xf32, #tpu.memory_space<vmem>> -> memref<2048xf32, #tpu.memory_space<vmem>>
    tpu.enqueue_dma source(%dma_start3A_701 : memref<2048xf32, #tpu.memory_space<vmem>>) target(%dma_start3A_699 : memref<2048xf32, #tpu.memory_space<hbm>>) target_semaphore(%arg18 : memref<!tpu.dma_semaphore, #tpu.memory_space<semaphore_mem>>)
    %dma_start3A_702 = arith.constant 3 : i32
    %dma_start3A_703 = arith.constant 2048 : i32
    %dma_start3A_704 = tpu.memref_slice %arg13[%dma_start3A_703] : memref<4096xf32, #tpu.memory_space<vmem>> -> memref<2048xf32, #tpu.memory_space<vmem>>
    %dma_start3A_705 = arith.constant 0 : i32
    %dma_start3A_706 = tpu.memref_slice %arg5[%dma_start3A_702, %add3A_645, %dma_start3A_705] : memref<16x64x2048xf32, #tpu.memory_space<hbm>> -> memref<1x1x2048xf32, #tpu.memory_space<hbm>>
    %dma_start3A_707 = tpu.memref_squeeze %dma_start3A_706 : memref<1x1x2048xf32, #tpu.memory_space<hbm>> -> memref<2048xf32, #tpu.memory_space<hbm>>
    %dma_start3A_708 = arith.constant 0 : i32
    %dma_start3A_709 = tpu.memref_slice %arg5[%dma_start3A_702, %add3A_645, %dma_start3A_708] : memref<16x64x2048xf32, #tpu.memory_space<hbm>> -> memref<1x1x2048xf32, #tpu.memory_space<hbm>>
    %dma_start3A_710 = tpu.memref_squeeze %dma_start3A_709 : memref<1x1x2048xf32, #tpu.memory_space<hbm>> -> memref<2048xf32, #tpu.memory_space<hbm>>
    %dma_start3A_711 = arith.constant 2048 : i32
    %dma_start3A_712 = tpu.memref_slice %arg13[%dma_start3A_711] : memref<4096xf32, #tpu.memory_space<vmem>> -> memref<2048xf32, #tpu.memory_space<vmem>>
    tpu.enqueue_dma source(%dma_start3A_712 : memref<2048xf32, #tpu.memory_space<vmem>>) target(%dma_start3A_710 : memref<2048xf32, #tpu.memory_space<hbm>>) target_semaphore(%arg18 : memref<!tpu.dma_semaphore, #tpu.memory_space<semaphore_mem>>)
    %add3A_713 = arith.constant 32 : i32
    %add3A_714 = arith.addi %add3A, %add3A_713 : i32
    %dma_wait3A_715 = arith.constant 8192 : i32
    %dma_wait3A_716 = tpu.memref_slice %arg14[%dma_wait3A_715] : memref<32768xi32, #tpu.memory_space<vmem_shared>> -> memref<4096xi32, #tpu.memory_space<vmem_shared>>
    %dma_wait3A_717 = arith.constant 8192 : i32
    %dma_wait3A_718 = tpu.memref_slice %arg14[%dma_wait3A_717] : memref<32768xi32, #tpu.memory_space<vmem_shared>> -> memref<4096xi32, #tpu.memory_space<vmem_shared>>
    tpu.wait_dma2 semaphore(%arg17 : memref<!tpu.dma_semaphore, #tpu.memory_space<semaphore_mem>>) src(%dma_wait3A_718 : memref<4096xi32, #tpu.memory_space<vmem_shared>>) dst(%arg8 : memref<4096xi32, #tpu.memory_space<vmem>>)
    %dma_wait3A_719 = arith.constant 8192 : i32
    %dma_wait3A_720 = tpu.memref_slice %arg15[%dma_wait3A_719] : memref<32768xi32, #tpu.memory_space<vmem_shared>> -> memref<4096xi32, #tpu.memory_space<vmem_shared>>
    %dma_wait3A_721 = arith.constant 8192 : i32
    %dma_wait3A_722 = tpu.memref_slice %arg15[%dma_wait3A_721] : memref<32768xi32, #tpu.memory_space<vmem_shared>> -> memref<4096xi32, #tpu.memory_space<vmem_shared>>
    tpu.wait_dma2 semaphore(%arg17 : memref<!tpu.dma_semaphore, #tpu.memory_space<semaphore_mem>>) src(%dma_wait3A_722 : memref<4096xi32, #tpu.memory_space<vmem_shared>>) dst(%arg9 : memref<4096xi32, #tpu.memory_space<vmem>>)
    %dma_start3A_723 = arith.constant 12288 : i32
    %dma_start3A_724 = tpu.memref_slice %arg14[%dma_start3A_723] : memref<32768xi32, #tpu.memory_space<vmem_shared>> -> memref<4096xi32, #tpu.memory_space<vmem_shared>>
    %dma_start3A_725 = arith.constant 12288 : i32
    %dma_start3A_726 = tpu.memref_slice %arg14[%dma_start3A_725] : memref<32768xi32, #tpu.memory_space<vmem_shared>> -> memref<4096xi32, #tpu.memory_space<vmem_shared>>
    tpu.enqueue_dma source(%dma_start3A_726 : memref<4096xi32, #tpu.memory_space<vmem_shared>>) target(%arg10 : memref<4096xi32, #tpu.memory_space<vmem>>) target_semaphore(%arg17 : memref<!tpu.dma_semaphore, #tpu.memory_space<semaphore_mem>>)
    %dma_start3A_727 = arith.constant 12288 : i32
    %dma_start3A_728 = tpu.memref_slice %arg15[%dma_start3A_727] : memref<32768xi32, #tpu.memory_space<vmem_shared>> -> memref<4096xi32, #tpu.memory_space<vmem_shared>>
    %dma_start3A_729 = arith.constant 12288 : i32
    %dma_start3A_730 = tpu.memref_slice %arg15[%dma_start3A_729] : memref<32768xi32, #tpu.memory_space<vmem_shared>> -> memref<4096xi32, #tpu.memory_space<vmem_shared>>
    tpu.enqueue_dma source(%dma_start3A_730 : memref<4096xi32, #tpu.memory_space<vmem_shared>>) target(%arg11 : memref<4096xi32, #tpu.memory_space<vmem>>) target_semaphore(%arg17 : memref<!tpu.dma_semaphore, #tpu.memory_space<semaphore_mem>>)
    %dma_wait3A_731 = arith.constant 0 : i32
    %dma_wait3A_732 = arith.constant 0 : i32
    %dma_wait3A_733 = tpu.memref_slice %arg12[%dma_wait3A_732] : memref<4096xf32, #tpu.memory_space<vmem>> -> memref<2048xf32, #tpu.memory_space<vmem>>
    %dma_wait3A_734 = arith.constant 0 : i32
    %dma_wait3A_735 = tpu.memref_slice %arg5[%dma_wait3A_731, %add3A_564, %dma_wait3A_734] : memref<16x64x2048xf32, #tpu.memory_space<hbm>> -> memref<1x1x2048xf32, #tpu.memory_space<hbm>>
    %dma_wait3A_736 = tpu.memref_squeeze %dma_wait3A_735 : memref<1x1x2048xf32, #tpu.memory_space<hbm>> -> memref<2048xf32, #tpu.memory_space<hbm>>
    %dma_wait3A_737 = arith.constant 0 : i32
    %dma_wait3A_738 = tpu.memref_slice %arg5[%dma_wait3A_731, %add3A_564, %dma_wait3A_737] : memref<16x64x2048xf32, #tpu.memory_space<hbm>> -> memref<1x1x2048xf32, #tpu.memory_space<hbm>>
    %dma_wait3A_739 = tpu.memref_squeeze %dma_wait3A_738 : memref<1x1x2048xf32, #tpu.memory_space<hbm>> -> memref<2048xf32, #tpu.memory_space<hbm>>
    %dma_wait3A_740 = arith.constant 0 : i32
    %dma_wait3A_741 = tpu.memref_slice %arg12[%dma_wait3A_740] : memref<4096xf32, #tpu.memory_space<vmem>> -> memref<2048xf32, #tpu.memory_space<vmem>>
    tpu.wait_dma2 semaphore(%arg18 : memref<!tpu.dma_semaphore, #tpu.memory_space<semaphore_mem>>) src(%dma_wait3A_741 : memref<2048xf32, #tpu.memory_space<vmem>>) dst(%dma_wait3A_739 : memref<2048xf32, #tpu.memory_space<hbm>>)
    %dma_wait3A_742 = arith.constant 1 : i32
    %dma_wait3A_743 = arith.constant 2048 : i32
    %dma_wait3A_744 = tpu.memref_slice %arg12[%dma_wait3A_743] : memref<4096xf32, #tpu.memory_space<vmem>> -> memref<2048xf32, #tpu.memory_space<vmem>>
    %dma_wait3A_745 = arith.constant 0 : i32
    %dma_wait3A_746 = tpu.memref_slice %arg5[%dma_wait3A_742, %add3A_564, %dma_wait3A_745] : memref<16x64x2048xf32, #tpu.memory_space<hbm>> -> memref<1x1x2048xf32, #tpu.memory_space<hbm>>
    %dma_wait3A_747 = tpu.memref_squeeze %dma_wait3A_746 : memref<1x1x2048xf32, #tpu.memory_space<hbm>> -> memref<2048xf32, #tpu.memory_space<hbm>>
    %dma_wait3A_748 = arith.constant 0 : i32
    %dma_wait3A_749 = tpu.memref_slice %arg5[%dma_wait3A_742, %add3A_564, %dma_wait3A_748] : memref<16x64x2048xf32, #tpu.memory_space<hbm>> -> memref<1x1x2048xf32, #tpu.memory_space<hbm>>
    %dma_wait3A_750 = tpu.memref_squeeze %dma_wait3A_749 : memref<1x1x2048xf32, #tpu.memory_space<hbm>> -> memref<2048xf32, #tpu.memory_space<hbm>>
    %dma_wait3A_751 = arith.constant 2048 : i32
    %dma_wait3A_752 = tpu.memref_slice %arg12[%dma_wait3A_751] : memref<4096xf32, #tpu.memory_space<vmem>> -> memref<2048xf32, #tpu.memory_space<vmem>>
    tpu.wait_dma2 semaphore(%arg18 : memref<!tpu.dma_semaphore, #tpu.memory_space<semaphore_mem>>) src(%dma_wait3A_752 : memref<2048xf32, #tpu.memory_space<vmem>>) dst(%dma_wait3A_750 : memref<2048xf32, #tpu.memory_space<hbm>>)
    %scan3A_753 = arith.constant 0 : i32
    %scan3A_754 = arith.constant 0 : i32
    %scan3A_755 = arith.constant 64 : i32
    %scan3A_756 = arith.addi %scan3A_754, %scan3A_755 : i32
    %scan3A_757 = arith.constant 1 : i32
    %scan3A_758 = scf.for %scan3A_1163 = %scan3A_754 to %scan3A_756 step %scan3A_757 iter_args(%scan3A_1164 = %scan3A_753) -> (i32)  : i32 {
      %mul3A_1165 = arith.constant 4 : i32
      %mul3A_1166 = arith.muli %scan3A_1163, %mul3A_1165 : i32
      %add3A_1167 = arith.constant 0 : i32
      %add3A_1168 = arith.addi %mul3A_1166, %add3A_1167 : i32
      %mul3A_1169 = arith.constant 16 : i32
      %mul3A_1170 = arith.muli %add3A_1168, %mul3A_1169 : i32
      %get3A = arith.index_cast %mul3A_1170 : i32 to index
      %get3A_1171 = tpu.vector_load %arg8[%get3A] {strides = array<i32>} : memref<4096xi32, #tpu.memory_space<vmem>>, vector<16xi32>,
      %get3A_1172 = arith.index_cast %mul3A_1170 : i32 to index
      %get3A_1173 = tpu.vector_load %arg9[%get3A_1172] {strides = array<i32>} : memref<4096xi32, #tpu.memory_space<vmem>>, vector<16xi32>,
      %gather3A = tpu.vector_load_idx %arg6[%get3A_1171] : memref<100000xf32, #tpu.memory_space<vmem>>[vector<16xi32>], vector<16xf32>,
      %gather3A_1174 = tpu.vector_load_idx %arg7[%get3A_1173] : memref<2049xf32, #tpu.memory_space<vmem>>[vector<16xi32>], vector<16xf32>,
      %mul3A_1175 = arith.constant 8.000000e+00 : f32
      %mul3A_1176 = vector.broadcast %mul3A_1175 : f32 to vector<16xf32>
      %mul3A_1177 = arith.mulf %gather3A, %mul3A_1176 : vector<16xf32>
      %add3A_1178 = arith.addf %mul3A_1177, %gather3A_1174 : vector<16xf32>
      %swap3A = arith.index_cast %mul3A_1170 : i32 to index
      %swap3A_1179 = tpu.vector_load %arg12[%swap3A] {strides = array<i32>} : memref<4096xf32, #tpu.memory_space<vmem>>, vector<16xf32>,
      tpu.vector_store %arg12[%swap3A], %add3A_1178 {strides = array<i32>} : memref<4096xf32, #tpu.memory_space<vmem>>, vector<16xf32>,
      %mul3A_1180 = arith.constant 4 : i32
      %mul3A_1181 = arith.muli %scan3A_1163, %mul3A_1180 : i32
      %add3A_1182 = arith.constant 1 : i32
      %add3A_1183 = arith.addi %mul3A_1181, %add3A_1182 : i32
      %mul3A_1184 = arith.constant 16 : i32
      %mul3A_1185 = arith.muli %add3A_1183, %mul3A_1184 : i32
      %get3A_1186 = arith.index_cast %mul3A_1185 : i32 to index
      %get3A_1187 = tpu.vector_load %arg8[%get3A_1186] {strides = array<i32>} : memref<4096xi32, #tpu.memory_space<vmem>>, vector<16xi32>,
      %get3A_1188 = arith.index_cast %mul3A_1185 : i32 to index
      %get3A_1189 = tpu.vector_load %arg9[%get3A_1188] {strides = array<i32>} : memref<4096xi32, #tpu.memory_space<vmem>>, vector<16xi32>,
      %gather3A_1190 = tpu.vector_load_idx %arg6[%get3A_1187] : memref<100000xf32, #tpu.memory_space<vmem>>[vector<16xi32>], vector<16xf32>,
      %gather3A_1191 = tpu.vector_load_idx %arg7[%get3A_1189] : memref<2049xf32, #tpu.memory_space<vmem>>[vector<16xi32>], vector<16xf32>,
      %mul3A_1192 = arith.constant 8.000000e+00 : f32
      %mul3A_1193 = vector.broadcast %mul3A_1192 : f32 to vector<16xf32>
      %mul3A_1194 = arith.mulf %gather3A_1190, %mul3A_1193 : vector<16xf32>
      %add3A_1195 = arith.addf %mul3A_1194, %gather3A_1191 : vector<16xf32>
      %swap3A_1196 = arith.index_cast %mul3A_1185 : i32 to index
      %swap3A_1197 = tpu.vector_load %arg12[%swap3A_1196] {strides = array<i32>} : memref<4096xf32, #tpu.memory_space<vmem>>, vector<16xf32>,
      tpu.vector_store %arg12[%swap3A_1196], %add3A_1195 {strides = array<i32>} : memref<4096xf32, #tpu.memory_space<vmem>>, vector<16xf32>,
      %mul3A_1198 = arith.constant 4 : i32
      %mul3A_1199 = arith.muli %scan3A_1163, %mul3A_1198 : i32
      %add3A_1200 = arith.constant 2 : i32
      %add3A_1201 = arith.addi %mul3A_1199, %add3A_1200 : i32
      %mul3A_1202 = arith.constant 16 : i32
      %mul3A_1203 = arith.muli %add3A_1201, %mul3A_1202 : i32
      %get3A_1204 = arith.index_cast %mul3A_1203 : i32 to index
      %get3A_1205 = tpu.vector_load %arg8[%get3A_1204] {strides = array<i32>} : memref<4096xi32, #tpu.memory_space<vmem>>, vector<16xi32>,
      %get3A_1206 = arith.index_cast %mul3A_1203 : i32 to index
      %get3A_1207 = tpu.vector_load %arg9[%get3A_1206] {strides = array<i32>} : memref<4096xi32, #tpu.memory_space<vmem>>, vector<16xi32>,
      %gather3A_1208 = tpu.vector_load_idx %arg6[%get3A_1205] : memref<100000xf32, #tpu.memory_space<vmem>>[vector<16xi32>], vector<16xf32>,
      %gather3A_1209 = tpu.vector_load_idx %arg7[%get3A_1207] : memref<2049xf32, #tpu.memory_space<vmem>>[vector<16xi32>], vector<16xf32>,
      %mul3A_1210 = arith.constant 8.000000e+00 : f32
      %mul3A_1211 = vector.broadcast %mul3A_1210 : f32 to vector<16xf32>
      %mul3A_1212 = arith.mulf %gather3A_1208, %mul3A_1211 : vector<16xf32>
      %add3A_1213 = arith.addf %mul3A_1212, %gather3A_1209 : vector<16xf32>
      %swap3A_1214 = arith.index_cast %mul3A_1203 : i32 to index
      %swap3A_1215 = tpu.vector_load %arg12[%swap3A_1214] {strides = array<i32>} : memref<4096xf32, #tpu.memory_space<vmem>>, vector<16xf32>,
      tpu.vector_store %arg12[%swap3A_1214], %add3A_1213 {strides = array<i32>} : memref<4096xf32, #tpu.memory_space<vmem>>, vector<16xf32>,
      %mul3A_1216 = arith.constant 4 : i32
      %mul3A_1217 = arith.muli %scan3A_1163, %mul3A_1216 : i32
      %add3A_1218 = arith.constant 3 : i32
      %add3A_1219 = arith.addi %mul3A_1217, %add3A_1218 : i32
      %mul3A_1220 = arith.constant 16 : i32
      %mul3A_1221 = arith.muli %add3A_1219, %mul3A_1220 : i32
      %get3A_1222 = arith.index_cast %mul3A_1221 : i32 to index
      %get3A_1223 = tpu.vector_load %arg8[%get3A_1222] {strides = array<i32>} : memref<4096xi32, #tpu.memory_space<vmem>>, vector<16xi32>,
      %get3A_1224 = arith.index_cast %mul3A_1221 : i32 to index
      %get3A_1225 = tpu.vector_load %arg9[%get3A_1224] {strides = array<i32>} : memref<4096xi32, #tpu.memory_space<vmem>>, vector<16xi32>,
      %gather3A_1226 = tpu.vector_load_idx %arg6[%get3A_1223] : memref<100000xf32, #tpu.memory_space<vmem>>[vector<16xi32>], vector<16xf32>,
      %gather3A_1227 = tpu.vector_load_idx %arg7[%get3A_1225] : memref<2049xf32, #tpu.memory_space<vmem>>[vector<16xi32>], vector<16xf32>,
      %mul3A_1228 = arith.constant 8.000000e+00 : f32
      %mul3A_1229 = vector.broadcast %mul3A_1228 : f32 to vector<16xf32>
      %mul3A_1230 = arith.mulf %gather3A_1226, %mul3A_1229 : vector<16xf32>
      %add3A_1231 = arith.addf %mul3A_1230, %gather3A_1227 : vector<16xf32>
      %swap3A_1232 = arith.index_cast %mul3A_1221 : i32 to index
      %swap3A_1233 = tpu.vector_load %arg12[%swap3A_1232] {strides = array<i32>} : memref<4096xf32, #tpu.memory_space<vmem>>, vector<16xf32>,
      tpu.vector_store %arg12[%swap3A_1232], %add3A_1231 {strides = array<i32>} : memref<4096xf32, #tpu.memory_space<vmem>>, vector<16xf32>,
      %scan3A_1234 = arith.constant 0 : i32
      scf.yield %scan3A_1234 : i32
    }
    %scan3A_759 = arith.constant 64 : i32
    %dma_start3A_760 = arith.constant 4 : i32
    %dma_start3A_761 = arith.constant 0 : i32
    %dma_start3A_762 = tpu.memref_slice %arg12[%dma_start3A_761] : memref<4096xf32, #tpu.memory_space<vmem>> -> memref<2048xf32, #tpu.memory_space<vmem>>
    %dma_start3A_763 = arith.constant 0 : i32
    %dma_start3A_764 = tpu.memref_slice %arg5[%dma_start3A_760, %add3A_714, %dma_start3A_763] : memref<16x64x2048xf32, #tpu.memory_space<hbm>> -> memref<1x1x2048xf32, #tpu.memory_space<hbm>>
    %dma_start3A_765 = tpu.memref_squeeze %dma_start3A_764 : memref<1x1x2048xf32, #tpu.memory_space<hbm>> -> memref<2048xf32, #tpu.memory_space<hbm>>
    %dma_start3A_766 = arith.constant 0 : i32
    %dma_start3A_767 = tpu.memref_slice %arg5[%dma_start3A_760, %add3A_714, %dma_start3A_766] : memref<16x64x2048xf32, #tpu.memory_space<hbm>> -> memref<1x1x2048xf32, #tpu.memory_space<hbm>>
    %dma_start3A_768 = tpu.memref_squeeze %dma_start3A_767 : memref<1x1x2048xf32, #tpu.memory_space<hbm>> -> memref<2048xf32, #tpu.memory_space<hbm>>
    %dma_start3A_769 = arith.constant 0 : i32
    %dma_start3A_770 = tpu.memref_slice %arg12[%dma_start3A_769] : memref<4096xf32, #tpu.memory_space<vmem>> -> memref<2048xf32, #tpu.memory_space<vmem>>
    tpu.enqueue_dma source(%dma_start3A_770 : memref<2048xf32, #tpu.memory_space<vmem>>) target(%dma_start3A_768 : memref<2048xf32, #tpu.memory_space<hbm>>) target_semaphore(%arg18 : memref<!tpu.dma_semaphore, #tpu.memory_space<semaphore_mem>>)
    %dma_start3A_771 = arith.constant 5 : i32
    %dma_start3A_772 = arith.constant 2048 : i32
    %dma_start3A_773 = tpu.memref_slice %arg12[%dma_start3A_772] : memref<4096xf32, #tpu.memory_space<vmem>> -> memref<2048xf32, #tpu.memory_space<vmem>>
    %dma_start3A_774 = arith.constant 0 : i32
    %dma_start3A_775 = tpu.memref_slice %arg5[%dma_start3A_771, %add3A_714, %dma_start3A_774] : memref<16x64x2048xf32, #tpu.memory_space<hbm>> -> memref<1x1x2048xf32, #tpu.memory_space<hbm>>
    %dma_start3A_776 = tpu.memref_squeeze %dma_start3A_775 : memref<1x1x2048xf32, #tpu.memory_space<hbm>> -> memref<2048xf32, #tpu.memory_space<hbm>>
    %dma_start3A_777 = arith.constant 0 : i32
    %dma_start3A_778 = tpu.memref_slice %arg5[%dma_start3A_771, %add3A_714, %dma_start3A_777] : memref<16x64x2048xf32, #tpu.memory_space<hbm>> -> memref<1x1x2048xf32, #tpu.memory_space<hbm>>
    %dma_start3A_779 = tpu.memref_squeeze %dma_start3A_778 : memref<1x1x2048xf32, #tpu.memory_space<hbm>> -> memref<2048xf32, #tpu.memory_space<hbm>>
    %dma_start3A_780 = arith.constant 2048 : i32
    %dma_start3A_781 = tpu.memref_slice %arg12[%dma_start3A_780] : memref<4096xf32, #tpu.memory_space<vmem>> -> memref<2048xf32, #tpu.memory_space<vmem>>
    tpu.enqueue_dma source(%dma_start3A_781 : memref<2048xf32, #tpu.memory_space<vmem>>) target(%dma_start3A_779 : memref<2048xf32, #tpu.memory_space<hbm>>) target_semaphore(%arg18 : memref<!tpu.dma_semaphore, #tpu.memory_space<semaphore_mem>>)
    %add3A_782 = arith.constant 32 : i32
    %add3A_783 = arith.addi %add3A, %add3A_782 : i32
    %dma_wait3A_784 = arith.constant 12288 : i32
    %dma_wait3A_785 = tpu.memref_slice %arg14[%dma_wait3A_784] : memref<32768xi32, #tpu.memory_space<vmem_shared>> -> memref<4096xi32, #tpu.memory_space<vmem_shared>>
    %dma_wait3A_786 = arith.constant 12288 : i32
    %dma_wait3A_787 = tpu.memref_slice %arg14[%dma_wait3A_786] : memref<32768xi32, #tpu.memory_space<vmem_shared>> -> memref<4096xi32, #tpu.memory_space<vmem_shared>>
    tpu.wait_dma2 semaphore(%arg17 : memref<!tpu.dma_semaphore, #tpu.memory_space<semaphore_mem>>) src(%dma_wait3A_787 : memref<4096xi32, #tpu.memory_space<vmem_shared>>) dst(%arg10 : memref<4096xi32, #tpu.memory_space<vmem>>)
    %dma_wait3A_788 = arith.constant 12288 : i32
    %dma_wait3A_789 = tpu.memref_slice %arg15[%dma_wait3A_788] : memref<32768xi32, #tpu.memory_space<vmem_shared>> -> memref<4096xi32, #tpu.memory_space<vmem_shared>>
    %dma_wait3A_790 = arith.constant 12288 : i32
    %dma_wait3A_791 = tpu.memref_slice %arg15[%dma_wait3A_790] : memref<32768xi32, #tpu.memory_space<vmem_shared>> -> memref<4096xi32, #tpu.memory_space<vmem_shared>>
    tpu.wait_dma2 semaphore(%arg17 : memref<!tpu.dma_semaphore, #tpu.memory_space<semaphore_mem>>) src(%dma_wait3A_791 : memref<4096xi32, #tpu.memory_space<vmem_shared>>) dst(%arg11 : memref<4096xi32, #tpu.memory_space<vmem>>)
    %dma_start3A_792 = arith.constant 16384 : i32
    %dma_start3A_793 = tpu.memref_slice %arg14[%dma_start3A_792] : memref<32768xi32, #tpu.memory_space<vmem_shared>> -> memref<4096xi32, #tpu.memory_space<vmem_shared>>
    %dma_start3A_794 = arith.constant 16384 : i32
    %dma_start3A_795 = tpu.memref_slice %arg14[%dma_start3A_794] : memref<32768xi32, #tpu.memory_space<vmem_shared>> -> memref<4096xi32, #tpu.memory_space<vmem_shared>>
    tpu.enqueue_dma source(%dma_start3A_795 : memref<4096xi32, #tpu.memory_space<vmem_shared>>) target(%arg8 : memref<4096xi32, #tpu.memory_space<vmem>>) target_semaphore(%arg17 : memref<!tpu.dma_semaphore, #tpu.memory_space<semaphore_mem>>)
    %dma_start3A_796 = arith.constant 16384 : i32
    %dma_start3A_797 = tpu.memref_slice %arg15[%dma_start3A_796] : memref<32768xi32, #tpu.memory_space<vmem_shared>> -> memref<4096xi32, #tpu.memory_space<vmem_shared>>
    %dma_start3A_798 = arith.constant 16384 : i32
    %dma_start3A_799 = tpu.memref_slice %arg15[%dma_start3A_798] : memref<32768xi32, #tpu.memory_space<vmem_shared>> -> memref<4096xi32, #tpu.memory_space<vmem_shared>>
    tpu.enqueue_dma source(%dma_start3A_799 : memref<4096xi32, #tpu.memory_space<vmem_shared>>) target(%arg9 : memref<4096xi32, #tpu.memory_space<vmem>>) target_semaphore(%arg17 : memref<!tpu.dma_semaphore, #tpu.memory_space<semaphore_mem>>)
    %dma_wait3A_800 = arith.constant 2 : i32
    %dma_wait3A_801 = arith.constant 0 : i32
    %dma_wait3A_802 = tpu.memref_slice %arg13[%dma_wait3A_801] : memref<4096xf32, #tpu.memory_space<vmem>> -> memref<2048xf32, #tpu.memory_space<vmem>>
    %dma_wait3A_803 = arith.constant 0 : i32
    %dma_wait3A_804 = tpu.memref_slice %arg5[%dma_wait3A_800, %add3A_645, %dma_wait3A_803] : memref<16x64x2048xf32, #tpu.memory_space<hbm>> -> memref<1x1x2048xf32, #tpu.memory_space<hbm>>
    %dma_wait3A_805 = tpu.memref_squeeze %dma_wait3A_804 : memref<1x1x2048xf32, #tpu.memory_space<hbm>> -> memref<2048xf32, #tpu.memory_space<hbm>>
    %dma_wait3A_806 = arith.constant 0 : i32
    %dma_wait3A_807 = tpu.memref_slice %arg5[%dma_wait3A_800, %add3A_645, %dma_wait3A_806] : memref<16x64x2048xf32, #tpu.memory_space<hbm>> -> memref<1x1x2048xf32, #tpu.memory_space<hbm>>
    %dma_wait3A_808 = tpu.memref_squeeze %dma_wait3A_807 : memref<1x1x2048xf32, #tpu.memory_space<hbm>> -> memref<2048xf32, #tpu.memory_space<hbm>>
    %dma_wait3A_809 = arith.constant 0 : i32
    %dma_wait3A_810 = tpu.memref_slice %arg13[%dma_wait3A_809] : memref<4096xf32, #tpu.memory_space<vmem>> -> memref<2048xf32, #tpu.memory_space<vmem>>
    tpu.wait_dma2 semaphore(%arg18 : memref<!tpu.dma_semaphore, #tpu.memory_space<semaphore_mem>>) src(%dma_wait3A_810 : memref<2048xf32, #tpu.memory_space<vmem>>) dst(%dma_wait3A_808 : memref<2048xf32, #tpu.memory_space<hbm>>)
    %dma_wait3A_811 = arith.constant 3 : i32
    %dma_wait3A_812 = arith.constant 2048 : i32
    %dma_wait3A_813 = tpu.memref_slice %arg13[%dma_wait3A_812] : memref<4096xf32, #tpu.memory_space<vmem>> -> memref<2048xf32, #tpu.memory_space<vmem>>
    %dma_wait3A_814 = arith.constant 0 : i32
    %dma_wait3A_815 = tpu.memref_slice %arg5[%dma_wait3A_811, %add3A_645, %dma_wait3A_814] : memref<16x64x2048xf32, #tpu.memory_space<hbm>> -> memref<1x1x2048xf32, #tpu.memory_space<hbm>>
    %dma_wait3A_816 = tpu.memref_squeeze %dma_wait3A_815 : memref<1x1x2048xf32, #tpu.memory_space<hbm>> -> memref<2048xf32, #tpu.memory_space<hbm>>
    %dma_wait3A_817 = arith.constant 0 : i32
    %dma_wait3A_818 = tpu.memref_slice %arg5[%dma_wait3A_811, %add3A_645, %dma_wait3A_817] : memref<16x64x2048xf32, #tpu.memory_space<hbm>> -> memref<1x1x2048xf32, #tpu.memory_space<hbm>>
    %dma_wait3A_819 = tpu.memref_squeeze %dma_wait3A_818 : memref<1x1x2048xf32, #tpu.memory_space<hbm>> -> memref<2048xf32, #tpu.memory_space<hbm>>
    %dma_wait3A_820 = arith.constant 2048 : i32
    %dma_wait3A_821 = tpu.memref_slice %arg13[%dma_wait3A_820] : memref<4096xf32, #tpu.memory_space<vmem>> -> memref<2048xf32, #tpu.memory_space<vmem>>
    tpu.wait_dma2 semaphore(%arg18 : memref<!tpu.dma_semaphore, #tpu.memory_space<semaphore_mem>>) src(%dma_wait3A_821 : memref<2048xf32, #tpu.memory_space<vmem>>) dst(%dma_wait3A_819 : memref<2048xf32, #tpu.memory_space<hbm>>)
    %scan3A_822 = arith.constant 0 : i32
    %scan3A_823 = arith.constant 0 : i32
    %scan3A_824 = arith.constant 64 : i32
    %scan3A_825 = arith.addi %scan3A_823, %scan3A_824 : i32
    %scan3A_826 = arith.constant 1 : i32
    %scan3A_827 = scf.for %scan3A_1163 = %scan3A_823 to %scan3A_825 step %scan3A_826 iter_args(%scan3A_1164 = %scan3A_822) -> (i32)  : i32 {
      %mul3A_1165 = arith.constant 4 : i32
      %mul3A_1166 = arith.muli %scan3A_1163, %mul3A_1165 : i32
      %add3A_1167 = arith.constant 0 : i32
      %add3A_1168 = arith.addi %mul3A_1166, %add3A_1167 : i32
      %mul3A_1169 = arith.constant 16 : i32
      %mul3A_1170 = arith.muli %add3A_1168, %mul3A_1169 : i32
      %get3A = arith.index_cast %mul3A_1170 : i32 to index
      %get3A_1171 = tpu.vector_load %arg10[%get3A] {strides = array<i32>} : memref<4096xi32, #tpu.memory_space<vmem>>, vector<16xi32>,
      %get3A_1172 = arith.index_cast %mul3A_1170 : i32 to index
      %get3A_1173 = tpu.vector_load %arg11[%get3A_1172] {strides = array<i32>} : memref<4096xi32, #tpu.memory_space<vmem>>, vector<16xi32>,
      %gather3A = tpu.vector_load_idx %arg6[%get3A_1171] : memref<100000xf32, #tpu.memory_space<vmem>>[vector<16xi32>], vector<16xf32>,
      %gather3A_1174 = tpu.vector_load_idx %arg7[%get3A_1173] : memref<2049xf32, #tpu.memory_space<vmem>>[vector<16xi32>], vector<16xf32>,
      %mul3A_1175 = arith.constant 8.000000e+00 : f32
      %mul3A_1176 = vector.broadcast %mul3A_1175 : f32 to vector<16xf32>
      %mul3A_1177 = arith.mulf %gather3A, %mul3A_1176 : vector<16xf32>
      %add3A_1178 = arith.addf %mul3A_1177, %gather3A_1174 : vector<16xf32>
      %swap3A = arith.index_cast %mul3A_1170 : i32 to index
      %swap3A_1179 = tpu.vector_load %arg13[%swap3A] {strides = array<i32>} : memref<4096xf32, #tpu.memory_space<vmem>>, vector<16xf32>,
      tpu.vector_store %arg13[%swap3A], %add3A_1178 {strides = array<i32>} : memref<4096xf32, #tpu.memory_space<vmem>>, vector<16xf32>,
      %mul3A_1180 = arith.constant 4 : i32
      %mul3A_1181 = arith.muli %scan3A_1163, %mul3A_1180 : i32
      %add3A_1182 = arith.constant 1 : i32
      %add3A_1183 = arith.addi %mul3A_1181, %add3A_1182 : i32
      %mul3A_1184 = arith.constant 16 : i32
      %mul3A_1185 = arith.muli %add3A_1183, %mul3A_1184 : i32
      %get3A_1186 = arith.index_cast %mul3A_1185 : i32 to index
      %get3A_1187 = tpu.vector_load %arg10[%get3A_1186] {strides = array<i32>} : memref<4096xi32, #tpu.memory_space<vmem>>, vector<16xi32>,
      %get3A_1188 = arith.index_cast %mul3A_1185 : i32 to index
      %get3A_1189 = tpu.vector_load %arg11[%get3A_1188] {strides = array<i32>} : memref<4096xi32, #tpu.memory_space<vmem>>, vector<16xi32>,
      %gather3A_1190 = tpu.vector_load_idx %arg6[%get3A_1187] : memref<100000xf32, #tpu.memory_space<vmem>>[vector<16xi32>], vector<16xf32>,
      %gather3A_1191 = tpu.vector_load_idx %arg7[%get3A_1189] : memref<2049xf32, #tpu.memory_space<vmem>>[vector<16xi32>], vector<16xf32>,
      %mul3A_1192 = arith.constant 8.000000e+00 : f32
      %mul3A_1193 = vector.broadcast %mul3A_1192 : f32 to vector<16xf32>
      %mul3A_1194 = arith.mulf %gather3A_1190, %mul3A_1193 : vector<16xf32>
      %add3A_1195 = arith.addf %mul3A_1194, %gather3A_1191 : vector<16xf32>
      %swap3A_1196 = arith.index_cast %mul3A_1185 : i32 to index
      %swap3A_1197 = tpu.vector_load %arg13[%swap3A_1196] {strides = array<i32>} : memref<4096xf32, #tpu.memory_space<vmem>>, vector<16xf32>,
      tpu.vector_store %arg13[%swap3A_1196], %add3A_1195 {strides = array<i32>} : memref<4096xf32, #tpu.memory_space<vmem>>, vector<16xf32>,
      %mul3A_1198 = arith.constant 4 : i32
      %mul3A_1199 = arith.muli %scan3A_1163, %mul3A_1198 : i32
      %add3A_1200 = arith.constant 2 : i32
      %add3A_1201 = arith.addi %mul3A_1199, %add3A_1200 : i32
      %mul3A_1202 = arith.constant 16 : i32
      %mul3A_1203 = arith.muli %add3A_1201, %mul3A_1202 : i32
      %get3A_1204 = arith.index_cast %mul3A_1203 : i32 to index
      %get3A_1205 = tpu.vector_load %arg10[%get3A_1204] {strides = array<i32>} : memref<4096xi32, #tpu.memory_space<vmem>>, vector<16xi32>,
      %get3A_1206 = arith.index_cast %mul3A_1203 : i32 to index
      %get3A_1207 = tpu.vector_load %arg11[%get3A_1206] {strides = array<i32>} : memref<4096xi32, #tpu.memory_space<vmem>>, vector<16xi32>,
      %gather3A_1208 = tpu.vector_load_idx %arg6[%get3A_1205] : memref<100000xf32, #tpu.memory_space<vmem>>[vector<16xi32>], vector<16xf32>,
      %gather3A_1209 = tpu.vector_load_idx %arg7[%get3A_1207] : memref<2049xf32, #tpu.memory_space<vmem>>[vector<16xi32>], vector<16xf32>,
      %mul3A_1210 = arith.constant 8.000000e+00 : f32
      %mul3A_1211 = vector.broadcast %mul3A_1210 : f32 to vector<16xf32>
      %mul3A_1212 = arith.mulf %gather3A_1208, %mul3A_1211 : vector<16xf32>
      %add3A_1213 = arith.addf %mul3A_1212, %gather3A_1209 : vector<16xf32>
      %swap3A_1214 = arith.index_cast %mul3A_1203 : i32 to index
      %swap3A_1215 = tpu.vector_load %arg13[%swap3A_1214] {strides = array<i32>} : memref<4096xf32, #tpu.memory_space<vmem>>, vector<16xf32>,
      tpu.vector_store %arg13[%swap3A_1214], %add3A_1213 {strides = array<i32>} : memref<4096xf32, #tpu.memory_space<vmem>>, vector<16xf32>,
      %mul3A_1216 = arith.constant 4 : i32
      %mul3A_1217 = arith.muli %scan3A_1163, %mul3A_1216 : i32
      %add3A_1218 = arith.constant 3 : i32
      %add3A_1219 = arith.addi %mul3A_1217, %add3A_1218 : i32
      %mul3A_1220 = arith.constant 16 : i32
      %mul3A_1221 = arith.muli %add3A_1219, %mul3A_1220 : i32
      %get3A_1222 = arith.index_cast %mul3A_1221 : i32 to index
      %get3A_1223 = tpu.vector_load %arg10[%get3A_1222] {strides = array<i32>} : memref<4096xi32, #tpu.memory_space<vmem>>, vector<16xi32>,
      %get3A_1224 = arith.index_cast %mul3A_1221 : i32 to index
      %get3A_1225 = tpu.vector_load %arg11[%get3A_1224] {strides = array<i32>} : memref<4096xi32, #tpu.memory_space<vmem>>, vector<16xi32>,
      %gather3A_1226 = tpu.vector_load_idx %arg6[%get3A_1223] : memref<100000xf32, #tpu.memory_space<vmem>>[vector<16xi32>], vector<16xf32>,
      %gather3A_1227 = tpu.vector_load_idx %arg7[%get3A_1225] : memref<2049xf32, #tpu.memory_space<vmem>>[vector<16xi32>], vector<16xf32>,
      %mul3A_1228 = arith.constant 8.000000e+00 : f32
      %mul3A_1229 = vector.broadcast %mul3A_1228 : f32 to vector<16xf32>
      %mul3A_1230 = arith.mulf %gather3A_1226, %mul3A_1229 : vector<16xf32>
      %add3A_1231 = arith.addf %mul3A_1230, %gather3A_1227 : vector<16xf32>
      %swap3A_1232 = arith.index_cast %mul3A_1221 : i32 to index
      %swap3A_1233 = tpu.vector_load %arg13[%swap3A_1232] {strides = array<i32>} : memref<4096xf32, #tpu.memory_space<vmem>>, vector<16xf32>,
      tpu.vector_store %arg13[%swap3A_1232], %add3A_1231 {strides = array<i32>} : memref<4096xf32, #tpu.memory_space<vmem>>, vector<16xf32>,
      %scan3A_1234 = arith.constant 0 : i32
      scf.yield %scan3A_1234 : i32
    }
    %scan3A_828 = arith.constant 64 : i32
    %dma_start3A_829 = arith.constant 6 : i32
    %dma_start3A_830 = arith.constant 0 : i32
    %dma_start3A_831 = tpu.memref_slice %arg13[%dma_start3A_830] : memref<4096xf32, #tpu.memory_space<vmem>> -> memref<2048xf32, #tpu.memory_space<vmem>>
    %dma_start3A_832 = arith.constant 0 : i32
    %dma_start3A_833 = tpu.memref_slice %arg5[%dma_start3A_829, %add3A_783, %dma_start3A_832] : memref<16x64x2048xf32, #tpu.memory_space<hbm>> -> memref<1x1x2048xf32, #tpu.memory_space<hbm>>
    %dma_start3A_834 = tpu.memref_squeeze %dma_start3A_833 : memref<1x1x2048xf32, #tpu.memory_space<hbm>> -> memref<2048xf32, #tpu.memory_space<hbm>>
    %dma_start3A_835 = arith.constant 0 : i32
    %dma_start3A_836 = tpu.memref_slice %arg5[%dma_start3A_829, %add3A_783, %dma_start3A_835] : memref<16x64x2048xf32, #tpu.memory_space<hbm>> -> memref<1x1x2048xf32, #tpu.memory_space<hbm>>
    %dma_start3A_837 = tpu.memref_squeeze %dma_start3A_836 : memref<1x1x2048xf32, #tpu.memory_space<hbm>> -> memref<2048xf32, #tpu.memory_space<hbm>>
    %dma_start3A_838 = arith.constant 0 : i32
    %dma_start3A_839 = tpu.memref_slice %arg13[%dma_start3A_838] : memref<4096xf32, #tpu.memory_space<vmem>> -> memref<2048xf32, #tpu.memory_space<vmem>>
    tpu.enqueue_dma source(%dma_start3A_839 : memref<2048xf32, #tpu.memory_space<vmem>>) target(%dma_start3A_837 : memref<2048xf32, #tpu.memory_space<hbm>>) target_semaphore(%arg18 : memref<!tpu.dma_semaphore, #tpu.memory_space<semaphore_mem>>)
    %dma_start3A_840 = arith.constant 7 : i32
    %dma_start3A_841 = arith.constant 2048 : i32
    %dma_start3A_842 = tpu.memref_slice %arg13[%dma_start3A_841] : memref<4096xf32, #tpu.memory_space<vmem>> -> memref<2048xf32, #tpu.memory_space<vmem>>
    %dma_start3A_843 = arith.constant 0 : i32
    %dma_start3A_844 = tpu.memref_slice %arg5[%dma_start3A_840, %add3A_783, %dma_start3A_843] : memref<16x64x2048xf32, #tpu.memory_space<hbm>> -> memref<1x1x2048xf32, #tpu.memory_space<hbm>>
    %dma_start3A_845 = tpu.memref_squeeze %dma_start3A_844 : memref<1x1x2048xf32, #tpu.memory_space<hbm>> -> memref<2048xf32, #tpu.memory_space<hbm>>
    %dma_start3A_846 = arith.constant 0 : i32
    %dma_start3A_847 = tpu.memref_slice %arg5[%dma_start3A_840, %add3A_783, %dma_start3A_846] : memref<16x64x2048xf32, #tpu.memory_space<hbm>> -> memref<1x1x2048xf32, #tpu.memory_space<hbm>>
    %dma_start3A_848 = tpu.memref_squeeze %dma_start3A_847 : memref<1x1x2048xf32, #tpu.memory_space<hbm>> -> memref<2048xf32, #tpu.memory_space<hbm>>
    %dma_start3A_849 = arith.constant 2048 : i32
    %dma_start3A_850 = tpu.memref_slice %arg13[%dma_start3A_849] : memref<4096xf32, #tpu.memory_space<vmem>> -> memref<2048xf32, #tpu.memory_space<vmem>>
    tpu.enqueue_dma source(%dma_start3A_850 : memref<2048xf32, #tpu.memory_space<vmem>>) target(%dma_start3A_848 : memref<2048xf32, #tpu.memory_space<hbm>>) target_semaphore(%arg18 : memref<!tpu.dma_semaphore, #tpu.memory_space<semaphore_mem>>)
    %add3A_851 = arith.constant 32 : i32
    %add3A_852 = arith.addi %add3A, %add3A_851 : i32
    %dma_wait3A_853 = arith.constant 16384 : i32
    %dma_wait3A_854 = tpu.memref_slice %arg14[%dma_wait3A_853] : memref<32768xi32, #tpu.memory_space<vmem_shared>> -> memref<4096xi32, #tpu.memory_space<vmem_shared>>
    %dma_wait3A_855 = arith.constant 16384 : i32
    %dma_wait3A_856 = tpu.memref_slice %arg14[%dma_wait3A_855] : memref<32768xi32, #tpu.memory_space<vmem_shared>> -> memref<4096xi32, #tpu.memory_space<vmem_shared>>
    tpu.wait_dma2 semaphore(%arg17 : memref<!tpu.dma_semaphore, #tpu.memory_space<semaphore_mem>>) src(%dma_wait3A_856 : memref<4096xi32, #tpu.memory_space<vmem_shared>>) dst(%arg8 : memref<4096xi32, #tpu.memory_space<vmem>>)
    %dma_wait3A_857 = arith.constant 16384 : i32
    %dma_wait3A_858 = tpu.memref_slice %arg15[%dma_wait3A_857] : memref<32768xi32, #tpu.memory_space<vmem_shared>> -> memref<4096xi32, #tpu.memory_space<vmem_shared>>
    %dma_wait3A_859 = arith.constant 16384 : i32
    %dma_wait3A_860 = tpu.memref_slice %arg15[%dma_wait3A_859] : memref<32768xi32, #tpu.memory_space<vmem_shared>> -> memref<4096xi32, #tpu.memory_space<vmem_shared>>
    tpu.wait_dma2 semaphore(%arg17 : memref<!tpu.dma_semaphore, #tpu.memory_space<semaphore_mem>>) src(%dma_wait3A_860 : memref<4096xi32, #tpu.memory_space<vmem_shared>>) dst(%arg9 : memref<4096xi32, #tpu.memory_space<vmem>>)
    %dma_start3A_861 = arith.constant 20480 : i32
    %dma_start3A_862 = tpu.memref_slice %arg14[%dma_start3A_861] : memref<32768xi32, #tpu.memory_space<vmem_shared>> -> memref<4096xi32, #tpu.memory_space<vmem_shared>>
    %dma_start3A_863 = arith.constant 20480 : i32
    %dma_start3A_864 = tpu.memref_slice %arg14[%dma_start3A_863] : memref<32768xi32, #tpu.memory_space<vmem_shared>> -> memref<4096xi32, #tpu.memory_space<vmem_shared>>
    tpu.enqueue_dma source(%dma_start3A_864 : memref<4096xi32, #tpu.memory_space<vmem_shared>>) target(%arg10 : memref<4096xi32, #tpu.memory_space<vmem>>) target_semaphore(%arg17 : memref<!tpu.dma_semaphore, #tpu.memory_space<semaphore_mem>>)
    %dma_start3A_865 = arith.constant 20480 : i32
    %dma_start3A_866 = tpu.memref_slice %arg15[%dma_start3A_865] : memref<32768xi32, #tpu.memory_space<vmem_shared>> -> memref<4096xi32, #tpu.memory_space<vmem_shared>>
    %dma_start3A_867 = arith.constant 20480 : i32
    %dma_start3A_868 = tpu.memref_slice %arg15[%dma_start3A_867] : memref<32768xi32, #tpu.memory_space<vmem_shared>> -> memref<4096xi32, #tpu.memory_space<vmem_shared>>
    tpu.enqueue_dma source(%dma_start3A_868 : memref<4096xi32, #tpu.memory_space<vmem_shared>>) target(%arg11 : memref<4096xi32, #tpu.memory_space<vmem>>) target_semaphore(%arg17 : memref<!tpu.dma_semaphore, #tpu.memory_space<semaphore_mem>>)
    %dma_wait3A_869 = arith.constant 4 : i32
    %dma_wait3A_870 = arith.constant 0 : i32
    %dma_wait3A_871 = tpu.memref_slice %arg12[%dma_wait3A_870] : memref<4096xf32, #tpu.memory_space<vmem>> -> memref<2048xf32, #tpu.memory_space<vmem>>
    %dma_wait3A_872 = arith.constant 0 : i32
    %dma_wait3A_873 = tpu.memref_slice %arg5[%dma_wait3A_869, %add3A_714, %dma_wait3A_872] : memref<16x64x2048xf32, #tpu.memory_space<hbm>> -> memref<1x1x2048xf32, #tpu.memory_space<hbm>>
    %dma_wait3A_874 = tpu.memref_squeeze %dma_wait3A_873 : memref<1x1x2048xf32, #tpu.memory_space<hbm>> -> memref<2048xf32, #tpu.memory_space<hbm>>
    %dma_wait3A_875 = arith.constant 0 : i32
    %dma_wait3A_876 = tpu.memref_slice %arg5[%dma_wait3A_869, %add3A_714, %dma_wait3A_875] : memref<16x64x2048xf32, #tpu.memory_space<hbm>> -> memref<1x1x2048xf32, #tpu.memory_space<hbm>>
    %dma_wait3A_877 = tpu.memref_squeeze %dma_wait3A_876 : memref<1x1x2048xf32, #tpu.memory_space<hbm>> -> memref<2048xf32, #tpu.memory_space<hbm>>
    %dma_wait3A_878 = arith.constant 0 : i32
    %dma_wait3A_879 = tpu.memref_slice %arg12[%dma_wait3A_878] : memref<4096xf32, #tpu.memory_space<vmem>> -> memref<2048xf32, #tpu.memory_space<vmem>>
    tpu.wait_dma2 semaphore(%arg18 : memref<!tpu.dma_semaphore, #tpu.memory_space<semaphore_mem>>) src(%dma_wait3A_879 : memref<2048xf32, #tpu.memory_space<vmem>>) dst(%dma_wait3A_877 : memref<2048xf32, #tpu.memory_space<hbm>>)
    %dma_wait3A_880 = arith.constant 5 : i32
    %dma_wait3A_881 = arith.constant 2048 : i32
    %dma_wait3A_882 = tpu.memref_slice %arg12[%dma_wait3A_881] : memref<4096xf32, #tpu.memory_space<vmem>> -> memref<2048xf32, #tpu.memory_space<vmem>>
    %dma_wait3A_883 = arith.constant 0 : i32
    %dma_wait3A_884 = tpu.memref_slice %arg5[%dma_wait3A_880, %add3A_714, %dma_wait3A_883] : memref<16x64x2048xf32, #tpu.memory_space<hbm>> -> memref<1x1x2048xf32, #tpu.memory_space<hbm>>
    %dma_wait3A_885 = tpu.memref_squeeze %dma_wait3A_884 : memref<1x1x2048xf32, #tpu.memory_space<hbm>> -> memref<2048xf32, #tpu.memory_space<hbm>>
    %dma_wait3A_886 = arith.constant 0 : i32
    %dma_wait3A_887 = tpu.memref_slice %arg5[%dma_wait3A_880, %add3A_714, %dma_wait3A_886] : memref<16x64x2048xf32, #tpu.memory_space<hbm>> -> memref<1x1x2048xf32, #tpu.memory_space<hbm>>
    %dma_wait3A_888 = tpu.memref_squeeze %dma_wait3A_887 : memref<1x1x2048xf32, #tpu.memory_space<hbm>> -> memref<2048xf32, #tpu.memory_space<hbm>>
    %dma_wait3A_889 = arith.constant 2048 : i32
    %dma_wait3A_890 = tpu.memref_slice %arg12[%dma_wait3A_889] : memref<4096xf32, #tpu.memory_space<vmem>> -> memref<2048xf32, #tpu.memory_space<vmem>>
    tpu.wait_dma2 semaphore(%arg18 : memref<!tpu.dma_semaphore, #tpu.memory_space<semaphore_mem>>) src(%dma_wait3A_890 : memref<2048xf32, #tpu.memory_space<vmem>>) dst(%dma_wait3A_888 : memref<2048xf32, #tpu.memory_space<hbm>>)
    %scan3A_891 = arith.constant 0 : i32
    %scan3A_892 = arith.constant 0 : i32
    %scan3A_893 = arith.constant 64 : i32
    %scan3A_894 = arith.addi %scan3A_892, %scan3A_893 : i32
    %scan3A_895 = arith.constant 1 : i32
    %scan3A_896 = scf.for %scan3A_1163 = %scan3A_892 to %scan3A_894 step %scan3A_895 iter_args(%scan3A_1164 = %scan3A_891) -> (i32)  : i32 {
      %mul3A_1165 = arith.constant 4 : i32
      %mul3A_1166 = arith.muli %scan3A_1163, %mul3A_1165 : i32
      %add3A_1167 = arith.constant 0 : i32
      %add3A_1168 = arith.addi %mul3A_1166, %add3A_1167 : i32
      %mul3A_1169 = arith.constant 16 : i32
      %mul3A_1170 = arith.muli %add3A_1168, %mul3A_1169 : i32
      %get3A = arith.index_cast %mul3A_1170 : i32 to index
      %get3A_1171 = tpu.vector_load %arg8[%get3A] {strides = array<i32>} : memref<4096xi32, #tpu.memory_space<vmem>>, vector<16xi32>,
      %get3A_1172 = arith.index_cast %mul3A_1170 : i32 to index
      %get3A_1173 = tpu.vector_load %arg9[%get3A_1172] {strides = array<i32>} : memref<4096xi32, #tpu.memory_space<vmem>>, vector<16xi32>,
      %gather3A = tpu.vector_load_idx %arg6[%get3A_1171] : memref<100000xf32, #tpu.memory_space<vmem>>[vector<16xi32>], vector<16xf32>,
      %gather3A_1174 = tpu.vector_load_idx %arg7[%get3A_1173] : memref<2049xf32, #tpu.memory_space<vmem>>[vector<16xi32>], vector<16xf32>,
      %mul3A_1175 = arith.constant 8.000000e+00 : f32
      %mul3A_1176 = vector.broadcast %mul3A_1175 : f32 to vector<16xf32>
      %mul3A_1177 = arith.mulf %gather3A, %mul3A_1176 : vector<16xf32>
      %add3A_1178 = arith.addf %mul3A_1177, %gather3A_1174 : vector<16xf32>
      %swap3A = arith.index_cast %mul3A_1170 : i32 to index
      %swap3A_1179 = tpu.vector_load %arg12[%swap3A] {strides = array<i32>} : memref<4096xf32, #tpu.memory_space<vmem>>, vector<16xf32>,
      tpu.vector_store %arg12[%swap3A], %add3A_1178 {strides = array<i32>} : memref<4096xf32, #tpu.memory_space<vmem>>, vector<16xf32>,
      %mul3A_1180 = arith.constant 4 : i32
      %mul3A_1181 = arith.muli %scan3A_1163, %mul3A_1180 : i32
      %add3A_1182 = arith.constant 1 : i32
      %add3A_1183 = arith.addi %mul3A_1181, %add3A_1182 : i32
      %mul3A_1184 = arith.constant 16 : i32
      %mul3A_1185 = arith.muli %add3A_1183, %mul3A_1184 : i32
      %get3A_1186 = arith.index_cast %mul3A_1185 : i32 to index
      %get3A_1187 = tpu.vector_load %arg8[%get3A_1186] {strides = array<i32>} : memref<4096xi32, #tpu.memory_space<vmem>>, vector<16xi32>,
      %get3A_1188 = arith.index_cast %mul3A_1185 : i32 to index
      %get3A_1189 = tpu.vector_load %arg9[%get3A_1188] {strides = array<i32>} : memref<4096xi32, #tpu.memory_space<vmem>>, vector<16xi32>,
      %gather3A_1190 = tpu.vector_load_idx %arg6[%get3A_1187] : memref<100000xf32, #tpu.memory_space<vmem>>[vector<16xi32>], vector<16xf32>,
      %gather3A_1191 = tpu.vector_load_idx %arg7[%get3A_1189] : memref<2049xf32, #tpu.memory_space<vmem>>[vector<16xi32>], vector<16xf32>,
      %mul3A_1192 = arith.constant 8.000000e+00 : f32
      %mul3A_1193 = vector.broadcast %mul3A_1192 : f32 to vector<16xf32>
      %mul3A_1194 = arith.mulf %gather3A_1190, %mul3A_1193 : vector<16xf32>
      %add3A_1195 = arith.addf %mul3A_1194, %gather3A_1191 : vector<16xf32>
      %swap3A_1196 = arith.index_cast %mul3A_1185 : i32 to index
      %swap3A_1197 = tpu.vector_load %arg12[%swap3A_1196] {strides = array<i32>} : memref<4096xf32, #tpu.memory_space<vmem>>, vector<16xf32>,
      tpu.vector_store %arg12[%swap3A_1196], %add3A_1195 {strides = array<i32>} : memref<4096xf32, #tpu.memory_space<vmem>>, vector<16xf32>,
      %mul3A_1198 = arith.constant 4 : i32
      %mul3A_1199 = arith.muli %scan3A_1163, %mul3A_1198 : i32
      %add3A_1200 = arith.constant 2 : i32
      %add3A_1201 = arith.addi %mul3A_1199, %add3A_1200 : i32
      %mul3A_1202 = arith.constant 16 : i32
      %mul3A_1203 = arith.muli %add3A_1201, %mul3A_1202 : i32
      %get3A_1204 = arith.index_cast %mul3A_1203 : i32 to index
      %get3A_1205 = tpu.vector_load %arg8[%get3A_1204] {strides = array<i32>} : memref<4096xi32, #tpu.memory_space<vmem>>, vector<16xi32>,
      %get3A_1206 = arith.index_cast %mul3A_1203 : i32 to index
      %get3A_1207 = tpu.vector_load %arg9[%get3A_1206] {strides = array<i32>} : memref<4096xi32, #tpu.memory_space<vmem>>, vector<16xi32>,
      %gather3A_1208 = tpu.vector_load_idx %arg6[%get3A_1205] : memref<100000xf32, #tpu.memory_space<vmem>>[vector<16xi32>], vector<16xf32>,
      %gather3A_1209 = tpu.vector_load_idx %arg7[%get3A_1207] : memref<2049xf32, #tpu.memory_space<vmem>>[vector<16xi32>], vector<16xf32>,
      %mul3A_1210 = arith.constant 8.000000e+00 : f32
      %mul3A_1211 = vector.broadcast %mul3A_1210 : f32 to vector<16xf32>
      %mul3A_1212 = arith.mulf %gather3A_1208, %mul3A_1211 : vector<16xf32>
      %add3A_1213 = arith.addf %mul3A_1212, %gather3A_1209 : vector<16xf32>
      %swap3A_1214 = arith.index_cast %mul3A_1203 : i32 to index
      %swap3A_1215 = tpu.vector_load %arg12[%swap3A_1214] {strides = array<i32>} : memref<4096xf32, #tpu.memory_space<vmem>>, vector<16xf32>,
      tpu.vector_store %arg12[%swap3A_1214], %add3A_1213 {strides = array<i32>} : memref<4096xf32, #tpu.memory_space<vmem>>, vector<16xf32>,
      %mul3A_1216 = arith.constant 4 : i32
      %mul3A_1217 = arith.muli %scan3A_1163, %mul3A_1216 : i32
      %add3A_1218 = arith.constant 3 : i32
      %add3A_1219 = arith.addi %mul3A_1217, %add3A_1218 : i32
      %mul3A_1220 = arith.constant 16 : i32
      %mul3A_1221 = arith.muli %add3A_1219, %mul3A_1220 : i32
      %get3A_1222 = arith.index_cast %mul3A_1221 : i32 to index
      %get3A_1223 = tpu.vector_load %arg8[%get3A_1222] {strides = array<i32>} : memref<4096xi32, #tpu.memory_space<vmem>>, vector<16xi32>,
      %get3A_1224 = arith.index_cast %mul3A_1221 : i32 to index
      %get3A_1225 = tpu.vector_load %arg9[%get3A_1224] {strides = array<i32>} : memref<4096xi32, #tpu.memory_space<vmem>>, vector<16xi32>,
      %gather3A_1226 = tpu.vector_load_idx %arg6[%get3A_1223] : memref<100000xf32, #tpu.memory_space<vmem>>[vector<16xi32>], vector<16xf32>,
      %gather3A_1227 = tpu.vector_load_idx %arg7[%get3A_1225] : memref<2049xf32, #tpu.memory_space<vmem>>[vector<16xi32>], vector<16xf32>,
      %mul3A_1228 = arith.constant 8.000000e+00 : f32
      %mul3A_1229 = vector.broadcast %mul3A_1228 : f32 to vector<16xf32>
      %mul3A_1230 = arith.mulf %gather3A_1226, %mul3A_1229 : vector<16xf32>
      %add3A_1231 = arith.addf %mul3A_1230, %gather3A_1227 : vector<16xf32>
      %swap3A_1232 = arith.index_cast %mul3A_1221 : i32 to index
      %swap3A_1233 = tpu.vector_load %arg12[%swap3A_1232] {strides = array<i32>} : memref<4096xf32, #tpu.memory_space<vmem>>, vector<16xf32>,
      tpu.vector_store %arg12[%swap3A_1232], %add3A_1231 {strides = array<i32>} : memref<4096xf32, #tpu.memory_space<vmem>>, vector<16xf32>,
      %scan3A_1234 = arith.constant 0 : i32
      scf.yield %scan3A_1234 : i32
    }
    %scan3A_897 = arith.constant 64 : i32
    %dma_start3A_898 = arith.constant 8 : i32
    %dma_start3A_899 = arith.constant 0 : i32
    %dma_start3A_900 = tpu.memref_slice %arg12[%dma_start3A_899] : memref<4096xf32, #tpu.memory_space<vmem>> -> memref<2048xf32, #tpu.memory_space<vmem>>
    %dma_start3A_901 = arith.constant 0 : i32
    %dma_start3A_902 = tpu.memref_slice %arg5[%dma_start3A_898, %add3A_852, %dma_start3A_901] : memref<16x64x2048xf32, #tpu.memory_space<hbm>> -> memref<1x1x2048xf32, #tpu.memory_space<hbm>>
    %dma_start3A_903 = tpu.memref_squeeze %dma_start3A_902 : memref<1x1x2048xf32, #tpu.memory_space<hbm>> -> memref<2048xf32, #tpu.memory_space<hbm>>
    %dma_start3A_904 = arith.constant 0 : i32
    %dma_start3A_905 = tpu.memref_slice %arg5[%dma_start3A_898, %add3A_852, %dma_start3A_904] : memref<16x64x2048xf32, #tpu.memory_space<hbm>> -> memref<1x1x2048xf32, #tpu.memory_space<hbm>>
    %dma_start3A_906 = tpu.memref_squeeze %dma_start3A_905 : memref<1x1x2048xf32, #tpu.memory_space<hbm>> -> memref<2048xf32, #tpu.memory_space<hbm>>
    %dma_start3A_907 = arith.constant 0 : i32
    %dma_start3A_908 = tpu.memref_slice %arg12[%dma_start3A_907] : memref<4096xf32, #tpu.memory_space<vmem>> -> memref<2048xf32, #tpu.memory_space<vmem>>
    tpu.enqueue_dma source(%dma_start3A_908 : memref<2048xf32, #tpu.memory_space<vmem>>) target(%dma_start3A_906 : memref<2048xf32, #tpu.memory_space<hbm>>) target_semaphore(%arg18 : memref<!tpu.dma_semaphore, #tpu.memory_space<semaphore_mem>>)
    %dma_start3A_909 = arith.constant 9 : i32
    %dma_start3A_910 = arith.constant 2048 : i32
    %dma_start3A_911 = tpu.memref_slice %arg12[%dma_start3A_910] : memref<4096xf32, #tpu.memory_space<vmem>> -> memref<2048xf32, #tpu.memory_space<vmem>>
    %dma_start3A_912 = arith.constant 0 : i32
    %dma_start3A_913 = tpu.memref_slice %arg5[%dma_start3A_909, %add3A_852, %dma_start3A_912] : memref<16x64x2048xf32, #tpu.memory_space<hbm>> -> memref<1x1x2048xf32, #tpu.memory_space<hbm>>
    %dma_start3A_914 = tpu.memref_squeeze %dma_start3A_913 : memref<1x1x2048xf32, #tpu.memory_space<hbm>> -> memref<2048xf32, #tpu.memory_space<hbm>>
    %dma_start3A_915 = arith.constant 0 : i32
    %dma_start3A_916 = tpu.memref_slice %arg5[%dma_start3A_909, %add3A_852, %dma_start3A_915] : memref<16x64x2048xf32, #tpu.memory_space<hbm>> -> memref<1x1x2048xf32, #tpu.memory_space<hbm>>
    %dma_start3A_917 = tpu.memref_squeeze %dma_start3A_916 : memref<1x1x2048xf32, #tpu.memory_space<hbm>> -> memref<2048xf32, #tpu.memory_space<hbm>>
    %dma_start3A_918 = arith.constant 2048 : i32
    %dma_start3A_919 = tpu.memref_slice %arg12[%dma_start3A_918] : memref<4096xf32, #tpu.memory_space<vmem>> -> memref<2048xf32, #tpu.memory_space<vmem>>
    tpu.enqueue_dma source(%dma_start3A_919 : memref<2048xf32, #tpu.memory_space<vmem>>) target(%dma_start3A_917 : memref<2048xf32, #tpu.memory_space<hbm>>) target_semaphore(%arg18 : memref<!tpu.dma_semaphore, #tpu.memory_space<semaphore_mem>>)
    %add3A_920 = arith.constant 32 : i32
    %add3A_921 = arith.addi %add3A, %add3A_920 : i32
    %dma_wait3A_922 = arith.constant 20480 : i32
    %dma_wait3A_923 = tpu.memref_slice %arg14[%dma_wait3A_922] : memref<32768xi32, #tpu.memory_space<vmem_shared>> -> memref<4096xi32, #tpu.memory_space<vmem_shared>>
    %dma_wait3A_924 = arith.constant 20480 : i32
    %dma_wait3A_925 = tpu.memref_slice %arg14[%dma_wait3A_924] : memref<32768xi32, #tpu.memory_space<vmem_shared>> -> memref<4096xi32, #tpu.memory_space<vmem_shared>>
    tpu.wait_dma2 semaphore(%arg17 : memref<!tpu.dma_semaphore, #tpu.memory_space<semaphore_mem>>) src(%dma_wait3A_925 : memref<4096xi32, #tpu.memory_space<vmem_shared>>) dst(%arg10 : memref<4096xi32, #tpu.memory_space<vmem>>)
    %dma_wait3A_926 = arith.constant 20480 : i32
    %dma_wait3A_927 = tpu.memref_slice %arg15[%dma_wait3A_926] : memref<32768xi32, #tpu.memory_space<vmem_shared>> -> memref<4096xi32, #tpu.memory_space<vmem_shared>>
    %dma_wait3A_928 = arith.constant 20480 : i32
    %dma_wait3A_929 = tpu.memref_slice %arg15[%dma_wait3A_928] : memref<32768xi32, #tpu.memory_space<vmem_shared>> -> memref<4096xi32, #tpu.memory_space<vmem_shared>>
    tpu.wait_dma2 semaphore(%arg17 : memref<!tpu.dma_semaphore, #tpu.memory_space<semaphore_mem>>) src(%dma_wait3A_929 : memref<4096xi32, #tpu.memory_space<vmem_shared>>) dst(%arg11 : memref<4096xi32, #tpu.memory_space<vmem>>)
    %dma_start3A_930 = arith.constant 24576 : i32
    %dma_start3A_931 = tpu.memref_slice %arg14[%dma_start3A_930] : memref<32768xi32, #tpu.memory_space<vmem_shared>> -> memref<4096xi32, #tpu.memory_space<vmem_shared>>
    %dma_start3A_932 = arith.constant 24576 : i32
    %dma_start3A_933 = tpu.memref_slice %arg14[%dma_start3A_932] : memref<32768xi32, #tpu.memory_space<vmem_shared>> -> memref<4096xi32, #tpu.memory_space<vmem_shared>>
    tpu.enqueue_dma source(%dma_start3A_933 : memref<4096xi32, #tpu.memory_space<vmem_shared>>) target(%arg8 : memref<4096xi32, #tpu.memory_space<vmem>>) target_semaphore(%arg17 : memref<!tpu.dma_semaphore, #tpu.memory_space<semaphore_mem>>)
    %dma_start3A_934 = arith.constant 24576 : i32
    %dma_start3A_935 = tpu.memref_slice %arg15[%dma_start3A_934] : memref<32768xi32, #tpu.memory_space<vmem_shared>> -> memref<4096xi32, #tpu.memory_space<vmem_shared>>
    %dma_start3A_936 = arith.constant 24576 : i32
    %dma_start3A_937 = tpu.memref_slice %arg15[%dma_start3A_936] : memref<32768xi32, #tpu.memory_space<vmem_shared>> -> memref<4096xi32, #tpu.memory_space<vmem_shared>>
    tpu.enqueue_dma source(%dma_start3A_937 : memref<4096xi32, #tpu.memory_space<vmem_shared>>) target(%arg9 : memref<4096xi32, #tpu.memory_space<vmem>>) target_semaphore(%arg17 : memref<!tpu.dma_semaphore, #tpu.memory_space<semaphore_mem>>)
    %dma_wait3A_938 = arith.constant 6 : i32
    %dma_wait3A_939 = arith.constant 0 : i32
    %dma_wait3A_940 = tpu.memref_slice %arg13[%dma_wait3A_939] : memref<4096xf32, #tpu.memory_space<vmem>> -> memref<2048xf32, #tpu.memory_space<vmem>>
    %dma_wait3A_941 = arith.constant 0 : i32
    %dma_wait3A_942 = tpu.memref_slice %arg5[%dma_wait3A_938, %add3A_783, %dma_wait3A_941] : memref<16x64x2048xf32, #tpu.memory_space<hbm>> -> memref<1x1x2048xf32, #tpu.memory_space<hbm>>
    %dma_wait3A_943 = tpu.memref_squeeze %dma_wait3A_942 : memref<1x1x2048xf32, #tpu.memory_space<hbm>> -> memref<2048xf32, #tpu.memory_space<hbm>>
    %dma_wait3A_944 = arith.constant 0 : i32
    %dma_wait3A_945 = tpu.memref_slice %arg5[%dma_wait3A_938, %add3A_783, %dma_wait3A_944] : memref<16x64x2048xf32, #tpu.memory_space<hbm>> -> memref<1x1x2048xf32, #tpu.memory_space<hbm>>
    %dma_wait3A_946 = tpu.memref_squeeze %dma_wait3A_945 : memref<1x1x2048xf32, #tpu.memory_space<hbm>> -> memref<2048xf32, #tpu.memory_space<hbm>>
    %dma_wait3A_947 = arith.constant 0 : i32
    %dma_wait3A_948 = tpu.memref_slice %arg13[%dma_wait3A_947] : memref<4096xf32, #tpu.memory_space<vmem>> -> memref<2048xf32, #tpu.memory_space<vmem>>
    tpu.wait_dma2 semaphore(%arg18 : memref<!tpu.dma_semaphore, #tpu.memory_space<semaphore_mem>>) src(%dma_wait3A_948 : memref<2048xf32, #tpu.memory_space<vmem>>) dst(%dma_wait3A_946 : memref<2048xf32, #tpu.memory_space<hbm>>)
    %dma_wait3A_949 = arith.constant 7 : i32
    %dma_wait3A_950 = arith.constant 2048 : i32
    %dma_wait3A_951 = tpu.memref_slice %arg13[%dma_wait3A_950] : memref<4096xf32, #tpu.memory_space<vmem>> -> memref<2048xf32, #tpu.memory_space<vmem>>
    %dma_wait3A_952 = arith.constant 0 : i32
    %dma_wait3A_953 = tpu.memref_slice %arg5[%dma_wait3A_949, %add3A_783, %dma_wait3A_952] : memref<16x64x2048xf32, #tpu.memory_space<hbm>> -> memref<1x1x2048xf32, #tpu.memory_space<hbm>>
    %dma_wait3A_954 = tpu.memref_squeeze %dma_wait3A_953 : memref<1x1x2048xf32, #tpu.memory_space<hbm>> -> memref<2048xf32, #tpu.memory_space<hbm>>
    %dma_wait3A_955 = arith.constant 0 : i32
    %dma_wait3A_956 = tpu.memref_slice %arg5[%dma_wait3A_949, %add3A_783, %dma_wait3A_955] : memref<16x64x2048xf32, #tpu.memory_space<hbm>> -> memref<1x1x2048xf32, #tpu.memory_space<hbm>>
    %dma_wait3A_957 = tpu.memref_squeeze %dma_wait3A_956 : memref<1x1x2048xf32, #tpu.memory_space<hbm>> -> memref<2048xf32, #tpu.memory_space<hbm>>
    %dma_wait3A_958 = arith.constant 2048 : i32
    %dma_wait3A_959 = tpu.memref_slice %arg13[%dma_wait3A_958] : memref<4096xf32, #tpu.memory_space<vmem>> -> memref<2048xf32, #tpu.memory_space<vmem>>
    tpu.wait_dma2 semaphore(%arg18 : memref<!tpu.dma_semaphore, #tpu.memory_space<semaphore_mem>>) src(%dma_wait3A_959 : memref<2048xf32, #tpu.memory_space<vmem>>) dst(%dma_wait3A_957 : memref<2048xf32, #tpu.memory_space<hbm>>)
    %scan3A_960 = arith.constant 0 : i32
    %scan3A_961 = arith.constant 0 : i32
    %scan3A_962 = arith.constant 64 : i32
    %scan3A_963 = arith.addi %scan3A_961, %scan3A_962 : i32
    %scan3A_964 = arith.constant 1 : i32
    %scan3A_965 = scf.for %scan3A_1163 = %scan3A_961 to %scan3A_963 step %scan3A_964 iter_args(%scan3A_1164 = %scan3A_960) -> (i32)  : i32 {
      %mul3A_1165 = arith.constant 4 : i32
      %mul3A_1166 = arith.muli %scan3A_1163, %mul3A_1165 : i32
      %add3A_1167 = arith.constant 0 : i32
      %add3A_1168 = arith.addi %mul3A_1166, %add3A_1167 : i32
      %mul3A_1169 = arith.constant 16 : i32
      %mul3A_1170 = arith.muli %add3A_1168, %mul3A_1169 : i32
      %get3A = arith.index_cast %mul3A_1170 : i32 to index
      %get3A_1171 = tpu.vector_load %arg10[%get3A] {strides = array<i32>} : memref<4096xi32, #tpu.memory_space<vmem>>, vector<16xi32>,
      %get3A_1172 = arith.index_cast %mul3A_1170 : i32 to index
      %get3A_1173 = tpu.vector_load %arg11[%get3A_1172] {strides = array<i32>} : memref<4096xi32, #tpu.memory_space<vmem>>, vector<16xi32>,
      %gather3A = tpu.vector_load_idx %arg6[%get3A_1171] : memref<100000xf32, #tpu.memory_space<vmem>>[vector<16xi32>], vector<16xf32>,
      %gather3A_1174 = tpu.vector_load_idx %arg7[%get3A_1173] : memref<2049xf32, #tpu.memory_space<vmem>>[vector<16xi32>], vector<16xf32>,
      %mul3A_1175 = arith.constant 8.000000e+00 : f32
      %mul3A_1176 = vector.broadcast %mul3A_1175 : f32 to vector<16xf32>
      %mul3A_1177 = arith.mulf %gather3A, %mul3A_1176 : vector<16xf32>
      %add3A_1178 = arith.addf %mul3A_1177, %gather3A_1174 : vector<16xf32>
      %swap3A = arith.index_cast %mul3A_1170 : i32 to index
      %swap3A_1179 = tpu.vector_load %arg13[%swap3A] {strides = array<i32>} : memref<4096xf32, #tpu.memory_space<vmem>>, vector<16xf32>,
      tpu.vector_store %arg13[%swap3A], %add3A_1178 {strides = array<i32>} : memref<4096xf32, #tpu.memory_space<vmem>>, vector<16xf32>,
      %mul3A_1180 = arith.constant 4 : i32
      %mul3A_1181 = arith.muli %scan3A_1163, %mul3A_1180 : i32
      %add3A_1182 = arith.constant 1 : i32
      %add3A_1183 = arith.addi %mul3A_1181, %add3A_1182 : i32
      %mul3A_1184 = arith.constant 16 : i32
      %mul3A_1185 = arith.muli %add3A_1183, %mul3A_1184 : i32
      %get3A_1186 = arith.index_cast %mul3A_1185 : i32 to index
      %get3A_1187 = tpu.vector_load %arg10[%get3A_1186] {strides = array<i32>} : memref<4096xi32, #tpu.memory_space<vmem>>, vector<16xi32>,
      %get3A_1188 = arith.index_cast %mul3A_1185 : i32 to index
      %get3A_1189 = tpu.vector_load %arg11[%get3A_1188] {strides = array<i32>} : memref<4096xi32, #tpu.memory_space<vmem>>, vector<16xi32>,
      %gather3A_1190 = tpu.vector_load_idx %arg6[%get3A_1187] : memref<100000xf32, #tpu.memory_space<vmem>>[vector<16xi32>], vector<16xf32>,
      %gather3A_1191 = tpu.vector_load_idx %arg7[%get3A_1189] : memref<2049xf32, #tpu.memory_space<vmem>>[vector<16xi32>], vector<16xf32>,
      %mul3A_1192 = arith.constant 8.000000e+00 : f32
      %mul3A_1193 = vector.broadcast %mul3A_1192 : f32 to vector<16xf32>
      %mul3A_1194 = arith.mulf %gather3A_1190, %mul3A_1193 : vector<16xf32>
      %add3A_1195 = arith.addf %mul3A_1194, %gather3A_1191 : vector<16xf32>
      %swap3A_1196 = arith.index_cast %mul3A_1185 : i32 to index
      %swap3A_1197 = tpu.vector_load %arg13[%swap3A_1196] {strides = array<i32>} : memref<4096xf32, #tpu.memory_space<vmem>>, vector<16xf32>,
      tpu.vector_store %arg13[%swap3A_1196], %add3A_1195 {strides = array<i32>} : memref<4096xf32, #tpu.memory_space<vmem>>, vector<16xf32>,
      %mul3A_1198 = arith.constant 4 : i32
      %mul3A_1199 = arith.muli %scan3A_1163, %mul3A_1198 : i32
      %add3A_1200 = arith.constant 2 : i32
      %add3A_1201 = arith.addi %mul3A_1199, %add3A_1200 : i32
      %mul3A_1202 = arith.constant 16 : i32
      %mul3A_1203 = arith.muli %add3A_1201, %mul3A_1202 : i32
      %get3A_1204 = arith.index_cast %mul3A_1203 : i32 to index
      %get3A_1205 = tpu.vector_load %arg10[%get3A_1204] {strides = array<i32>} : memref<4096xi32, #tpu.memory_space<vmem>>, vector<16xi32>,
      %get3A_1206 = arith.index_cast %mul3A_1203 : i32 to index
      %get3A_1207 = tpu.vector_load %arg11[%get3A_1206] {strides = array<i32>} : memref<4096xi32, #tpu.memory_space<vmem>>, vector<16xi32>,
      %gather3A_1208 = tpu.vector_load_idx %arg6[%get3A_1205] : memref<100000xf32, #tpu.memory_space<vmem>>[vector<16xi32>], vector<16xf32>,
      %gather3A_1209 = tpu.vector_load_idx %arg7[%get3A_1207] : memref<2049xf32, #tpu.memory_space<vmem>>[vector<16xi32>], vector<16xf32>,
      %mul3A_1210 = arith.constant 8.000000e+00 : f32
      %mul3A_1211 = vector.broadcast %mul3A_1210 : f32 to vector<16xf32>
      %mul3A_1212 = arith.mulf %gather3A_1208, %mul3A_1211 : vector<16xf32>
      %add3A_1213 = arith.addf %mul3A_1212, %gather3A_1209 : vector<16xf32>
      %swap3A_1214 = arith.index_cast %mul3A_1203 : i32 to index
      %swap3A_1215 = tpu.vector_load %arg13[%swap3A_1214] {strides = array<i32>} : memref<4096xf32, #tpu.memory_space<vmem>>, vector<16xf32>,
      tpu.vector_store %arg13[%swap3A_1214], %add3A_1213 {strides = array<i32>} : memref<4096xf32, #tpu.memory_space<vmem>>, vector<16xf32>,
      %mul3A_1216 = arith.constant 4 : i32
      %mul3A_1217 = arith.muli %scan3A_1163, %mul3A_1216 : i32
      %add3A_1218 = arith.constant 3 : i32
      %add3A_1219 = arith.addi %mul3A_1217, %add3A_1218 : i32
      %mul3A_1220 = arith.constant 16 : i32
      %mul3A_1221 = arith.muli %add3A_1219, %mul3A_1220 : i32
      %get3A_1222 = arith.index_cast %mul3A_1221 : i32 to index
      %get3A_1223 = tpu.vector_load %arg10[%get3A_1222] {strides = array<i32>} : memref<4096xi32, #tpu.memory_space<vmem>>, vector<16xi32>,
      %get3A_1224 = arith.index_cast %mul3A_1221 : i32 to index
      %get3A_1225 = tpu.vector_load %arg11[%get3A_1224] {strides = array<i32>} : memref<4096xi32, #tpu.memory_space<vmem>>, vector<16xi32>,
      %gather3A_1226 = tpu.vector_load_idx %arg6[%get3A_1223] : memref<100000xf32, #tpu.memory_space<vmem>>[vector<16xi32>], vector<16xf32>,
      %gather3A_1227 = tpu.vector_load_idx %arg7[%get3A_1225] : memref<2049xf32, #tpu.memory_space<vmem>>[vector<16xi32>], vector<16xf32>,
      %mul3A_1228 = arith.constant 8.000000e+00 : f32
      %mul3A_1229 = vector.broadcast %mul3A_1228 : f32 to vector<16xf32>
      %mul3A_1230 = arith.mulf %gather3A_1226, %mul3A_1229 : vector<16xf32>
      %add3A_1231 = arith.addf %mul3A_1230, %gather3A_1227 : vector<16xf32>
      %swap3A_1232 = arith.index_cast %mul3A_1221 : i32 to index
      %swap3A_1233 = tpu.vector_load %arg13[%swap3A_1232] {strides = array<i32>} : memref<4096xf32, #tpu.memory_space<vmem>>, vector<16xf32>,
      tpu.vector_store %arg13[%swap3A_1232], %add3A_1231 {strides = array<i32>} : memref<4096xf32, #tpu.memory_space<vmem>>, vector<16xf32>,
      %scan3A_1234 = arith.constant 0 : i32
      scf.yield %scan3A_1234 : i32
    }
    %scan3A_966 = arith.constant 64 : i32
    %dma_start3A_967 = arith.constant 10 : i32
    %dma_start3A_968 = arith.constant 0 : i32
    %dma_start3A_969 = tpu.memref_slice %arg13[%dma_start3A_968] : memref<4096xf32, #tpu.memory_space<vmem>> -> memref<2048xf32, #tpu.memory_space<vmem>>
    %dma_start3A_970 = arith.constant 0 : i32
    %dma_start3A_971 = tpu.memref_slice %arg5[%dma_start3A_967, %add3A_921, %dma_start3A_970] : memref<16x64x2048xf32, #tpu.memory_space<hbm>> -> memref<1x1x2048xf32, #tpu.memory_space<hbm>>
    %dma_start3A_972 = tpu.memref_squeeze %dma_start3A_971 : memref<1x1x2048xf32, #tpu.memory_space<hbm>> -> memref<2048xf32, #tpu.memory_space<hbm>>
    %dma_start3A_973 = arith.constant 0 : i32
    %dma_start3A_974 = tpu.memref_slice %arg5[%dma_start3A_967, %add3A_921, %dma_start3A_973] : memref<16x64x2048xf32, #tpu.memory_space<hbm>> -> memref<1x1x2048xf32, #tpu.memory_space<hbm>>
    %dma_start3A_975 = tpu.memref_squeeze %dma_start3A_974 : memref<1x1x2048xf32, #tpu.memory_space<hbm>> -> memref<2048xf32, #tpu.memory_space<hbm>>
    %dma_start3A_976 = arith.constant 0 : i32
    %dma_start3A_977 = tpu.memref_slice %arg13[%dma_start3A_976] : memref<4096xf32, #tpu.memory_space<vmem>> -> memref<2048xf32, #tpu.memory_space<vmem>>
    tpu.enqueue_dma source(%dma_start3A_977 : memref<2048xf32, #tpu.memory_space<vmem>>) target(%dma_start3A_975 : memref<2048xf32, #tpu.memory_space<hbm>>) target_semaphore(%arg18 : memref<!tpu.dma_semaphore, #tpu.memory_space<semaphore_mem>>)
    %dma_start3A_978 = arith.constant 11 : i32
    %dma_start3A_979 = arith.constant 2048 : i32
    %dma_start3A_980 = tpu.memref_slice %arg13[%dma_start3A_979] : memref<4096xf32, #tpu.memory_space<vmem>> -> memref<2048xf32, #tpu.memory_space<vmem>>
    %dma_start3A_981 = arith.constant 0 : i32
    %dma_start3A_982 = tpu.memref_slice %arg5[%dma_start3A_978, %add3A_921, %dma_start3A_981] : memref<16x64x2048xf32, #tpu.memory_space<hbm>> -> memref<1x1x2048xf32, #tpu.memory_space<hbm>>
    %dma_start3A_983 = tpu.memref_squeeze %dma_start3A_982 : memref<1x1x2048xf32, #tpu.memory_space<hbm>> -> memref<2048xf32, #tpu.memory_space<hbm>>
    %dma_start3A_984 = arith.constant 0 : i32
    %dma_start3A_985 = tpu.memref_slice %arg5[%dma_start3A_978, %add3A_921, %dma_start3A_984] : memref<16x64x2048xf32, #tpu.memory_space<hbm>> -> memref<1x1x2048xf32, #tpu.memory_space<hbm>>
    %dma_start3A_986 = tpu.memref_squeeze %dma_start3A_985 : memref<1x1x2048xf32, #tpu.memory_space<hbm>> -> memref<2048xf32, #tpu.memory_space<hbm>>
    %dma_start3A_987 = arith.constant 2048 : i32
    %dma_start3A_988 = tpu.memref_slice %arg13[%dma_start3A_987] : memref<4096xf32, #tpu.memory_space<vmem>> -> memref<2048xf32, #tpu.memory_space<vmem>>
    tpu.enqueue_dma source(%dma_start3A_988 : memref<2048xf32, #tpu.memory_space<vmem>>) target(%dma_start3A_986 : memref<2048xf32, #tpu.memory_space<hbm>>) target_semaphore(%arg18 : memref<!tpu.dma_semaphore, #tpu.memory_space<semaphore_mem>>)
    %add3A_989 = arith.constant 32 : i32
    %add3A_990 = arith.addi %add3A, %add3A_989 : i32
    %dma_wait3A_991 = arith.constant 24576 : i32
    %dma_wait3A_992 = tpu.memref_slice %arg14[%dma_wait3A_991] : memref<32768xi32, #tpu.memory_space<vmem_shared>> -> memref<4096xi32, #tpu.memory_space<vmem_shared>>
    %dma_wait3A_993 = arith.constant 24576 : i32
    %dma_wait3A_994 = tpu.memref_slice %arg14[%dma_wait3A_993] : memref<32768xi32, #tpu.memory_space<vmem_shared>> -> memref<4096xi32, #tpu.memory_space<vmem_shared>>
    tpu.wait_dma2 semaphore(%arg17 : memref<!tpu.dma_semaphore, #tpu.memory_space<semaphore_mem>>) src(%dma_wait3A_994 : memref<4096xi32, #tpu.memory_space<vmem_shared>>) dst(%arg8 : memref<4096xi32, #tpu.memory_space<vmem>>)
    %dma_wait3A_995 = arith.constant 24576 : i32
    %dma_wait3A_996 = tpu.memref_slice %arg15[%dma_wait3A_995] : memref<32768xi32, #tpu.memory_space<vmem_shared>> -> memref<4096xi32, #tpu.memory_space<vmem_shared>>
    %dma_wait3A_997 = arith.constant 24576 : i32
    %dma_wait3A_998 = tpu.memref_slice %arg15[%dma_wait3A_997] : memref<32768xi32, #tpu.memory_space<vmem_shared>> -> memref<4096xi32, #tpu.memory_space<vmem_shared>>
    tpu.wait_dma2 semaphore(%arg17 : memref<!tpu.dma_semaphore, #tpu.memory_space<semaphore_mem>>) src(%dma_wait3A_998 : memref<4096xi32, #tpu.memory_space<vmem_shared>>) dst(%arg9 : memref<4096xi32, #tpu.memory_space<vmem>>)
    %dma_start3A_999 = arith.constant 28672 : i32
    %dma_start3A_1000 = tpu.memref_slice %arg14[%dma_start3A_999] : memref<32768xi32, #tpu.memory_space<vmem_shared>> -> memref<4096xi32, #tpu.memory_space<vmem_shared>>
    %dma_start3A_1001 = arith.constant 28672 : i32
    %dma_start3A_1002 = tpu.memref_slice %arg14[%dma_start3A_1001] : memref<32768xi32, #tpu.memory_space<vmem_shared>> -> memref<4096xi32, #tpu.memory_space<vmem_shared>>
    tpu.enqueue_dma source(%dma_start3A_1002 : memref<4096xi32, #tpu.memory_space<vmem_shared>>) target(%arg10 : memref<4096xi32, #tpu.memory_space<vmem>>) target_semaphore(%arg17 : memref<!tpu.dma_semaphore, #tpu.memory_space<semaphore_mem>>)
    %dma_start3A_1003 = arith.constant 28672 : i32
    %dma_start3A_1004 = tpu.memref_slice %arg15[%dma_start3A_1003] : memref<32768xi32, #tpu.memory_space<vmem_shared>> -> memref<4096xi32, #tpu.memory_space<vmem_shared>>
    %dma_start3A_1005 = arith.constant 28672 : i32
    %dma_start3A_1006 = tpu.memref_slice %arg15[%dma_start3A_1005] : memref<32768xi32, #tpu.memory_space<vmem_shared>> -> memref<4096xi32, #tpu.memory_space<vmem_shared>>
    tpu.enqueue_dma source(%dma_start3A_1006 : memref<4096xi32, #tpu.memory_space<vmem_shared>>) target(%arg11 : memref<4096xi32, #tpu.memory_space<vmem>>) target_semaphore(%arg17 : memref<!tpu.dma_semaphore, #tpu.memory_space<semaphore_mem>>)
    %dma_wait3A_1007 = arith.constant 8 : i32
    %dma_wait3A_1008 = arith.constant 0 : i32
    %dma_wait3A_1009 = tpu.memref_slice %arg12[%dma_wait3A_1008] : memref<4096xf32, #tpu.memory_space<vmem>> -> memref<2048xf32, #tpu.memory_space<vmem>>
    %dma_wait3A_1010 = arith.constant 0 : i32
    %dma_wait3A_1011 = tpu.memref_slice %arg5[%dma_wait3A_1007, %add3A_852, %dma_wait3A_1010] : memref<16x64x2048xf32, #tpu.memory_space<hbm>> -> memref<1x1x2048xf32, #tpu.memory_space<hbm>>
    %dma_wait3A_1012 = tpu.memref_squeeze %dma_wait3A_1011 : memref<1x1x2048xf32, #tpu.memory_space<hbm>> -> memref<2048xf32, #tpu.memory_space<hbm>>
    %dma_wait3A_1013 = arith.constant 0 : i32
    %dma_wait3A_1014 = tpu.memref_slice %arg5[%dma_wait3A_1007, %add3A_852, %dma_wait3A_1013] : memref<16x64x2048xf32, #tpu.memory_space<hbm>> -> memref<1x1x2048xf32, #tpu.memory_space<hbm>>
    %dma_wait3A_1015 = tpu.memref_squeeze %dma_wait3A_1014 : memref<1x1x2048xf32, #tpu.memory_space<hbm>> -> memref<2048xf32, #tpu.memory_space<hbm>>
    %dma_wait3A_1016 = arith.constant 0 : i32
    %dma_wait3A_1017 = tpu.memref_slice %arg12[%dma_wait3A_1016] : memref<4096xf32, #tpu.memory_space<vmem>> -> memref<2048xf32, #tpu.memory_space<vmem>>
    tpu.wait_dma2 semaphore(%arg18 : memref<!tpu.dma_semaphore, #tpu.memory_space<semaphore_mem>>) src(%dma_wait3A_1017 : memref<2048xf32, #tpu.memory_space<vmem>>) dst(%dma_wait3A_1015 : memref<2048xf32, #tpu.memory_space<hbm>>)
    %dma_wait3A_1018 = arith.constant 9 : i32
    %dma_wait3A_1019 = arith.constant 2048 : i32
    %dma_wait3A_1020 = tpu.memref_slice %arg12[%dma_wait3A_1019] : memref<4096xf32, #tpu.memory_space<vmem>> -> memref<2048xf32, #tpu.memory_space<vmem>>
    %dma_wait3A_1021 = arith.constant 0 : i32
    %dma_wait3A_1022 = tpu.memref_slice %arg5[%dma_wait3A_1018, %add3A_852, %dma_wait3A_1021] : memref<16x64x2048xf32, #tpu.memory_space<hbm>> -> memref<1x1x2048xf32, #tpu.memory_space<hbm>>
    %dma_wait3A_1023 = tpu.memref_squeeze %dma_wait3A_1022 : memref<1x1x2048xf32, #tpu.memory_space<hbm>> -> memref<2048xf32, #tpu.memory_space<hbm>>
    %dma_wait3A_1024 = arith.constant 0 : i32
    %dma_wait3A_1025 = tpu.memref_slice %arg5[%dma_wait3A_1018, %add3A_852, %dma_wait3A_1024] : memref<16x64x2048xf32, #tpu.memory_space<hbm>> -> memref<1x1x2048xf32, #tpu.memory_space<hbm>>
    %dma_wait3A_1026 = tpu.memref_squeeze %dma_wait3A_1025 : memref<1x1x2048xf32, #tpu.memory_space<hbm>> -> memref<2048xf32, #tpu.memory_space<hbm>>
    %dma_wait3A_1027 = arith.constant 2048 : i32
    %dma_wait3A_1028 = tpu.memref_slice %arg12[%dma_wait3A_1027] : memref<4096xf32, #tpu.memory_space<vmem>> -> memref<2048xf32, #tpu.memory_space<vmem>>
    tpu.wait_dma2 semaphore(%arg18 : memref<!tpu.dma_semaphore, #tpu.memory_space<semaphore_mem>>) src(%dma_wait3A_1028 : memref<2048xf32, #tpu.memory_space<vmem>>) dst(%dma_wait3A_1026 : memref<2048xf32, #tpu.memory_space<hbm>>)
    %scan3A_1029 = arith.constant 0 : i32
    %scan3A_1030 = arith.constant 0 : i32
    %scan3A_1031 = arith.constant 64 : i32
    %scan3A_1032 = arith.addi %scan3A_1030, %scan3A_1031 : i32
    %scan3A_1033 = arith.constant 1 : i32
    %scan3A_1034 = scf.for %scan3A_1163 = %scan3A_1030 to %scan3A_1032 step %scan3A_1033 iter_args(%scan3A_1164 = %scan3A_1029) -> (i32)  : i32 {
      %mul3A_1165 = arith.constant 4 : i32
      %mul3A_1166 = arith.muli %scan3A_1163, %mul3A_1165 : i32
      %add3A_1167 = arith.constant 0 : i32
      %add3A_1168 = arith.addi %mul3A_1166, %add3A_1167 : i32
      %mul3A_1169 = arith.constant 16 : i32
      %mul3A_1170 = arith.muli %add3A_1168, %mul3A_1169 : i32
      %get3A = arith.index_cast %mul3A_1170 : i32 to index
      %get3A_1171 = tpu.vector_load %arg8[%get3A] {strides = array<i32>} : memref<4096xi32, #tpu.memory_space<vmem>>, vector<16xi32>,
      %get3A_1172 = arith.index_cast %mul3A_1170 : i32 to index
      %get3A_1173 = tpu.vector_load %arg9[%get3A_1172] {strides = array<i32>} : memref<4096xi32, #tpu.memory_space<vmem>>, vector<16xi32>,
      %gather3A = tpu.vector_load_idx %arg6[%get3A_1171] : memref<100000xf32, #tpu.memory_space<vmem>>[vector<16xi32>], vector<16xf32>,
      %gather3A_1174 = tpu.vector_load_idx %arg7[%get3A_1173] : memref<2049xf32, #tpu.memory_space<vmem>>[vector<16xi32>], vector<16xf32>,
      %mul3A_1175 = arith.constant 8.000000e+00 : f32
      %mul3A_1176 = vector.broadcast %mul3A_1175 : f32 to vector<16xf32>
      %mul3A_1177 = arith.mulf %gather3A, %mul3A_1176 : vector<16xf32>
      %add3A_1178 = arith.addf %mul3A_1177, %gather3A_1174 : vector<16xf32>
      %swap3A = arith.index_cast %mul3A_1170 : i32 to index
      %swap3A_1179 = tpu.vector_load %arg12[%swap3A] {strides = array<i32>} : memref<4096xf32, #tpu.memory_space<vmem>>, vector<16xf32>,
      tpu.vector_store %arg12[%swap3A], %add3A_1178 {strides = array<i32>} : memref<4096xf32, #tpu.memory_space<vmem>>, vector<16xf32>,
      %mul3A_1180 = arith.constant 4 : i32
      %mul3A_1181 = arith.muli %scan3A_1163, %mul3A_1180 : i32
      %add3A_1182 = arith.constant 1 : i32
      %add3A_1183 = arith.addi %mul3A_1181, %add3A_1182 : i32
      %mul3A_1184 = arith.constant 16 : i32
      %mul3A_1185 = arith.muli %add3A_1183, %mul3A_1184 : i32
      %get3A_1186 = arith.index_cast %mul3A_1185 : i32 to index
      %get3A_1187 = tpu.vector_load %arg8[%get3A_1186] {strides = array<i32>} : memref<4096xi32, #tpu.memory_space<vmem>>, vector<16xi32>,
      %get3A_1188 = arith.index_cast %mul3A_1185 : i32 to index
      %get3A_1189 = tpu.vector_load %arg9[%get3A_1188] {strides = array<i32>} : memref<4096xi32, #tpu.memory_space<vmem>>, vector<16xi32>,
      %gather3A_1190 = tpu.vector_load_idx %arg6[%get3A_1187] : memref<100000xf32, #tpu.memory_space<vmem>>[vector<16xi32>], vector<16xf32>,
      %gather3A_1191 = tpu.vector_load_idx %arg7[%get3A_1189] : memref<2049xf32, #tpu.memory_space<vmem>>[vector<16xi32>], vector<16xf32>,
      %mul3A_1192 = arith.constant 8.000000e+00 : f32
      %mul3A_1193 = vector.broadcast %mul3A_1192 : f32 to vector<16xf32>
      %mul3A_1194 = arith.mulf %gather3A_1190, %mul3A_1193 : vector<16xf32>
      %add3A_1195 = arith.addf %mul3A_1194, %gather3A_1191 : vector<16xf32>
      %swap3A_1196 = arith.index_cast %mul3A_1185 : i32 to index
      %swap3A_1197 = tpu.vector_load %arg12[%swap3A_1196] {strides = array<i32>} : memref<4096xf32, #tpu.memory_space<vmem>>, vector<16xf32>,
      tpu.vector_store %arg12[%swap3A_1196], %add3A_1195 {strides = array<i32>} : memref<4096xf32, #tpu.memory_space<vmem>>, vector<16xf32>,
      %mul3A_1198 = arith.constant 4 : i32
      %mul3A_1199 = arith.muli %scan3A_1163, %mul3A_1198 : i32
      %add3A_1200 = arith.constant 2 : i32
      %add3A_1201 = arith.addi %mul3A_1199, %add3A_1200 : i32
      %mul3A_1202 = arith.constant 16 : i32
      %mul3A_1203 = arith.muli %add3A_1201, %mul3A_1202 : i32
      %get3A_1204 = arith.index_cast %mul3A_1203 : i32 to index
      %get3A_1205 = tpu.vector_load %arg8[%get3A_1204] {strides = array<i32>} : memref<4096xi32, #tpu.memory_space<vmem>>, vector<16xi32>,
      %get3A_1206 = arith.index_cast %mul3A_1203 : i32 to index
      %get3A_1207 = tpu.vector_load %arg9[%get3A_1206] {strides = array<i32>} : memref<4096xi32, #tpu.memory_space<vmem>>, vector<16xi32>,
      %gather3A_1208 = tpu.vector_load_idx %arg6[%get3A_1205] : memref<100000xf32, #tpu.memory_space<vmem>>[vector<16xi32>], vector<16xf32>,
      %gather3A_1209 = tpu.vector_load_idx %arg7[%get3A_1207] : memref<2049xf32, #tpu.memory_space<vmem>>[vector<16xi32>], vector<16xf32>,
      %mul3A_1210 = arith.constant 8.000000e+00 : f32
      %mul3A_1211 = vector.broadcast %mul3A_1210 : f32 to vector<16xf32>
      %mul3A_1212 = arith.mulf %gather3A_1208, %mul3A_1211 : vector<16xf32>
      %add3A_1213 = arith.addf %mul3A_1212, %gather3A_1209 : vector<16xf32>
      %swap3A_1214 = arith.index_cast %mul3A_1203 : i32 to index
      %swap3A_1215 = tpu.vector_load %arg12[%swap3A_1214] {strides = array<i32>} : memref<4096xf32, #tpu.memory_space<vmem>>, vector<16xf32>,
      tpu.vector_store %arg12[%swap3A_1214], %add3A_1213 {strides = array<i32>} : memref<4096xf32, #tpu.memory_space<vmem>>, vector<16xf32>,
      %mul3A_1216 = arith.constant 4 : i32
      %mul3A_1217 = arith.muli %scan3A_1163, %mul3A_1216 : i32
      %add3A_1218 = arith.constant 3 : i32
      %add3A_1219 = arith.addi %mul3A_1217, %add3A_1218 : i32
      %mul3A_1220 = arith.constant 16 : i32
      %mul3A_1221 = arith.muli %add3A_1219, %mul3A_1220 : i32
      %get3A_1222 = arith.index_cast %mul3A_1221 : i32 to index
      %get3A_1223 = tpu.vector_load %arg8[%get3A_1222] {strides = array<i32>} : memref<4096xi32, #tpu.memory_space<vmem>>, vector<16xi32>,
      %get3A_1224 = arith.index_cast %mul3A_1221 : i32 to index
      %get3A_1225 = tpu.vector_load %arg9[%get3A_1224] {strides = array<i32>} : memref<4096xi32, #tpu.memory_space<vmem>>, vector<16xi32>,
      %gather3A_1226 = tpu.vector_load_idx %arg6[%get3A_1223] : memref<100000xf32, #tpu.memory_space<vmem>>[vector<16xi32>], vector<16xf32>,
      %gather3A_1227 = tpu.vector_load_idx %arg7[%get3A_1225] : memref<2049xf32, #tpu.memory_space<vmem>>[vector<16xi32>], vector<16xf32>,
      %mul3A_1228 = arith.constant 8.000000e+00 : f32
      %mul3A_1229 = vector.broadcast %mul3A_1228 : f32 to vector<16xf32>
      %mul3A_1230 = arith.mulf %gather3A_1226, %mul3A_1229 : vector<16xf32>
      %add3A_1231 = arith.addf %mul3A_1230, %gather3A_1227 : vector<16xf32>
      %swap3A_1232 = arith.index_cast %mul3A_1221 : i32 to index
      %swap3A_1233 = tpu.vector_load %arg12[%swap3A_1232] {strides = array<i32>} : memref<4096xf32, #tpu.memory_space<vmem>>, vector<16xf32>,
      tpu.vector_store %arg12[%swap3A_1232], %add3A_1231 {strides = array<i32>} : memref<4096xf32, #tpu.memory_space<vmem>>, vector<16xf32>,
      %scan3A_1234 = arith.constant 0 : i32
      scf.yield %scan3A_1234 : i32
    }
    %scan3A_1035 = arith.constant 64 : i32
    %dma_start3A_1036 = arith.constant 12 : i32
    %dma_start3A_1037 = arith.constant 0 : i32
    %dma_start3A_1038 = tpu.memref_slice %arg12[%dma_start3A_1037] : memref<4096xf32, #tpu.memory_space<vmem>> -> memref<2048xf32, #tpu.memory_space<vmem>>
    %dma_start3A_1039 = arith.constant 0 : i32
    %dma_start3A_1040 = tpu.memref_slice %arg5[%dma_start3A_1036, %add3A_990, %dma_start3A_1039] : memref<16x64x2048xf32, #tpu.memory_space<hbm>> -> memref<1x1x2048xf32, #tpu.memory_space<hbm>>
    %dma_start3A_1041 = tpu.memref_squeeze %dma_start3A_1040 : memref<1x1x2048xf32, #tpu.memory_space<hbm>> -> memref<2048xf32, #tpu.memory_space<hbm>>
    %dma_start3A_1042 = arith.constant 0 : i32
    %dma_start3A_1043 = tpu.memref_slice %arg5[%dma_start3A_1036, %add3A_990, %dma_start3A_1042] : memref<16x64x2048xf32, #tpu.memory_space<hbm>> -> memref<1x1x2048xf32, #tpu.memory_space<hbm>>
    %dma_start3A_1044 = tpu.memref_squeeze %dma_start3A_1043 : memref<1x1x2048xf32, #tpu.memory_space<hbm>> -> memref<2048xf32, #tpu.memory_space<hbm>>
    %dma_start3A_1045 = arith.constant 0 : i32
    %dma_start3A_1046 = tpu.memref_slice %arg12[%dma_start3A_1045] : memref<4096xf32, #tpu.memory_space<vmem>> -> memref<2048xf32, #tpu.memory_space<vmem>>
    tpu.enqueue_dma source(%dma_start3A_1046 : memref<2048xf32, #tpu.memory_space<vmem>>) target(%dma_start3A_1044 : memref<2048xf32, #tpu.memory_space<hbm>>) target_semaphore(%arg18 : memref<!tpu.dma_semaphore, #tpu.memory_space<semaphore_mem>>)
    %dma_start3A_1047 = arith.constant 13 : i32
    %dma_start3A_1048 = arith.constant 2048 : i32
    %dma_start3A_1049 = tpu.memref_slice %arg12[%dma_start3A_1048] : memref<4096xf32, #tpu.memory_space<vmem>> -> memref<2048xf32, #tpu.memory_space<vmem>>
    %dma_start3A_1050 = arith.constant 0 : i32
    %dma_start3A_1051 = tpu.memref_slice %arg5[%dma_start3A_1047, %add3A_990, %dma_start3A_1050] : memref<16x64x2048xf32, #tpu.memory_space<hbm>> -> memref<1x1x2048xf32, #tpu.memory_space<hbm>>
    %dma_start3A_1052 = tpu.memref_squeeze %dma_start3A_1051 : memref<1x1x2048xf32, #tpu.memory_space<hbm>> -> memref<2048xf32, #tpu.memory_space<hbm>>
    %dma_start3A_1053 = arith.constant 0 : i32
    %dma_start3A_1054 = tpu.memref_slice %arg5[%dma_start3A_1047, %add3A_990, %dma_start3A_1053] : memref<16x64x2048xf32, #tpu.memory_space<hbm>> -> memref<1x1x2048xf32, #tpu.memory_space<hbm>>
    %dma_start3A_1055 = tpu.memref_squeeze %dma_start3A_1054 : memref<1x1x2048xf32, #tpu.memory_space<hbm>> -> memref<2048xf32, #tpu.memory_space<hbm>>
    %dma_start3A_1056 = arith.constant 2048 : i32
    %dma_start3A_1057 = tpu.memref_slice %arg12[%dma_start3A_1056] : memref<4096xf32, #tpu.memory_space<vmem>> -> memref<2048xf32, #tpu.memory_space<vmem>>
    tpu.enqueue_dma source(%dma_start3A_1057 : memref<2048xf32, #tpu.memory_space<vmem>>) target(%dma_start3A_1055 : memref<2048xf32, #tpu.memory_space<hbm>>) target_semaphore(%arg18 : memref<!tpu.dma_semaphore, #tpu.memory_space<semaphore_mem>>)
    %add3A_1058 = arith.constant 32 : i32
    %add3A_1059 = arith.addi %add3A, %add3A_1058 : i32
    %dma_wait3A_1060 = arith.constant 28672 : i32
    %dma_wait3A_1061 = tpu.memref_slice %arg14[%dma_wait3A_1060] : memref<32768xi32, #tpu.memory_space<vmem_shared>> -> memref<4096xi32, #tpu.memory_space<vmem_shared>>
    %dma_wait3A_1062 = arith.constant 28672 : i32
    %dma_wait3A_1063 = tpu.memref_slice %arg14[%dma_wait3A_1062] : memref<32768xi32, #tpu.memory_space<vmem_shared>> -> memref<4096xi32, #tpu.memory_space<vmem_shared>>
    tpu.wait_dma2 semaphore(%arg17 : memref<!tpu.dma_semaphore, #tpu.memory_space<semaphore_mem>>) src(%dma_wait3A_1063 : memref<4096xi32, #tpu.memory_space<vmem_shared>>) dst(%arg10 : memref<4096xi32, #tpu.memory_space<vmem>>)
    %dma_wait3A_1064 = arith.constant 28672 : i32
    %dma_wait3A_1065 = tpu.memref_slice %arg15[%dma_wait3A_1064] : memref<32768xi32, #tpu.memory_space<vmem_shared>> -> memref<4096xi32, #tpu.memory_space<vmem_shared>>
    %dma_wait3A_1066 = arith.constant 28672 : i32
    %dma_wait3A_1067 = tpu.memref_slice %arg15[%dma_wait3A_1066] : memref<32768xi32, #tpu.memory_space<vmem_shared>> -> memref<4096xi32, #tpu.memory_space<vmem_shared>>
    tpu.wait_dma2 semaphore(%arg17 : memref<!tpu.dma_semaphore, #tpu.memory_space<semaphore_mem>>) src(%dma_wait3A_1067 : memref<4096xi32, #tpu.memory_space<vmem_shared>>) dst(%arg11 : memref<4096xi32, #tpu.memory_space<vmem>>)
    %dma_wait3A_1068 = arith.constant 10 : i32
    %dma_wait3A_1069 = arith.constant 0 : i32
    %dma_wait3A_1070 = tpu.memref_slice %arg13[%dma_wait3A_1069] : memref<4096xf32, #tpu.memory_space<vmem>> -> memref<2048xf32, #tpu.memory_space<vmem>>
    %dma_wait3A_1071 = arith.constant 0 : i32
    %dma_wait3A_1072 = tpu.memref_slice %arg5[%dma_wait3A_1068, %add3A_921, %dma_wait3A_1071] : memref<16x64x2048xf32, #tpu.memory_space<hbm>> -> memref<1x1x2048xf32, #tpu.memory_space<hbm>>
    %dma_wait3A_1073 = tpu.memref_squeeze %dma_wait3A_1072 : memref<1x1x2048xf32, #tpu.memory_space<hbm>> -> memref<2048xf32, #tpu.memory_space<hbm>>
    %dma_wait3A_1074 = arith.constant 0 : i32
    %dma_wait3A_1075 = tpu.memref_slice %arg5[%dma_wait3A_1068, %add3A_921, %dma_wait3A_1074] : memref<16x64x2048xf32, #tpu.memory_space<hbm>> -> memref<1x1x2048xf32, #tpu.memory_space<hbm>>
    %dma_wait3A_1076 = tpu.memref_squeeze %dma_wait3A_1075 : memref<1x1x2048xf32, #tpu.memory_space<hbm>> -> memref<2048xf32, #tpu.memory_space<hbm>>
    %dma_wait3A_1077 = arith.constant 0 : i32
    %dma_wait3A_1078 = tpu.memref_slice %arg13[%dma_wait3A_1077] : memref<4096xf32, #tpu.memory_space<vmem>> -> memref<2048xf32, #tpu.memory_space<vmem>>
    tpu.wait_dma2 semaphore(%arg18 : memref<!tpu.dma_semaphore, #tpu.memory_space<semaphore_mem>>) src(%dma_wait3A_1078 : memref<2048xf32, #tpu.memory_space<vmem>>) dst(%dma_wait3A_1076 : memref<2048xf32, #tpu.memory_space<hbm>>)
    %dma_wait3A_1079 = arith.constant 11 : i32
    %dma_wait3A_1080 = arith.constant 2048 : i32
    %dma_wait3A_1081 = tpu.memref_slice %arg13[%dma_wait3A_1080] : memref<4096xf32, #tpu.memory_space<vmem>> -> memref<2048xf32, #tpu.memory_space<vmem>>
    %dma_wait3A_1082 = arith.constant 0 : i32
    %dma_wait3A_1083 = tpu.memref_slice %arg5[%dma_wait3A_1079, %add3A_921, %dma_wait3A_1082] : memref<16x64x2048xf32, #tpu.memory_space<hbm>> -> memref<1x1x2048xf32, #tpu.memory_space<hbm>>
    %dma_wait3A_1084 = tpu.memref_squeeze %dma_wait3A_1083 : memref<1x1x2048xf32, #tpu.memory_space<hbm>> -> memref<2048xf32, #tpu.memory_space<hbm>>
    %dma_wait3A_1085 = arith.constant 0 : i32
    %dma_wait3A_1086 = tpu.memref_slice %arg5[%dma_wait3A_1079, %add3A_921, %dma_wait3A_1085] : memref<16x64x2048xf32, #tpu.memory_space<hbm>> -> memref<1x1x2048xf32, #tpu.memory_space<hbm>>
    %dma_wait3A_1087 = tpu.memref_squeeze %dma_wait3A_1086 : memref<1x1x2048xf32, #tpu.memory_space<hbm>> -> memref<2048xf32, #tpu.memory_space<hbm>>
    %dma_wait3A_1088 = arith.constant 2048 : i32
    %dma_wait3A_1089 = tpu.memref_slice %arg13[%dma_wait3A_1088] : memref<4096xf32, #tpu.memory_space<vmem>> -> memref<2048xf32, #tpu.memory_space<vmem>>
    tpu.wait_dma2 semaphore(%arg18 : memref<!tpu.dma_semaphore, #tpu.memory_space<semaphore_mem>>) src(%dma_wait3A_1089 : memref<2048xf32, #tpu.memory_space<vmem>>) dst(%dma_wait3A_1087 : memref<2048xf32, #tpu.memory_space<hbm>>)
    %scan3A_1090 = arith.constant 0 : i32
    %scan3A_1091 = arith.constant 0 : i32
    %scan3A_1092 = arith.constant 64 : i32
    %scan3A_1093 = arith.addi %scan3A_1091, %scan3A_1092 : i32
    %scan3A_1094 = arith.constant 1 : i32
    %scan3A_1095 = scf.for %scan3A_1163 = %scan3A_1091 to %scan3A_1093 step %scan3A_1094 iter_args(%scan3A_1164 = %scan3A_1090) -> (i32)  : i32 {
      %mul3A_1165 = arith.constant 4 : i32
      %mul3A_1166 = arith.muli %scan3A_1163, %mul3A_1165 : i32
      %add3A_1167 = arith.constant 0 : i32
      %add3A_1168 = arith.addi %mul3A_1166, %add3A_1167 : i32
      %mul3A_1169 = arith.constant 16 : i32
      %mul3A_1170 = arith.muli %add3A_1168, %mul3A_1169 : i32
      %get3A = arith.index_cast %mul3A_1170 : i32 to index
      %get3A_1171 = tpu.vector_load %arg10[%get3A] {strides = array<i32>} : memref<4096xi32, #tpu.memory_space<vmem>>, vector<16xi32>,
      %get3A_1172 = arith.index_cast %mul3A_1170 : i32 to index
      %get3A_1173 = tpu.vector_load %arg11[%get3A_1172] {strides = array<i32>} : memref<4096xi32, #tpu.memory_space<vmem>>, vector<16xi32>,
      %gather3A = tpu.vector_load_idx %arg6[%get3A_1171] : memref<100000xf32, #tpu.memory_space<vmem>>[vector<16xi32>], vector<16xf32>,
      %gather3A_1174 = tpu.vector_load_idx %arg7[%get3A_1173] : memref<2049xf32, #tpu.memory_space<vmem>>[vector<16xi32>], vector<16xf32>,
      %mul3A_1175 = arith.constant 8.000000e+00 : f32
      %mul3A_1176 = vector.broadcast %mul3A_1175 : f32 to vector<16xf32>
      %mul3A_1177 = arith.mulf %gather3A, %mul3A_1176 : vector<16xf32>
      %add3A_1178 = arith.addf %mul3A_1177, %gather3A_1174 : vector<16xf32>
      %swap3A = arith.index_cast %mul3A_1170 : i32 to index
      %swap3A_1179 = tpu.vector_load %arg13[%swap3A] {strides = array<i32>} : memref<4096xf32, #tpu.memory_space<vmem>>, vector<16xf32>,
      tpu.vector_store %arg13[%swap3A], %add3A_1178 {strides = array<i32>} : memref<4096xf32, #tpu.memory_space<vmem>>, vector<16xf32>,
      %mul3A_1180 = arith.constant 4 : i32
      %mul3A_1181 = arith.muli %scan3A_1163, %mul3A_1180 : i32
      %add3A_1182 = arith.constant 1 : i32
      %add3A_1183 = arith.addi %mul3A_1181, %add3A_1182 : i32
      %mul3A_1184 = arith.constant 16 : i32
      %mul3A_1185 = arith.muli %add3A_1183, %mul3A_1184 : i32
      %get3A_1186 = arith.index_cast %mul3A_1185 : i32 to index
      %get3A_1187 = tpu.vector_load %arg10[%get3A_1186] {strides = array<i32>} : memref<4096xi32, #tpu.memory_space<vmem>>, vector<16xi32>,
      %get3A_1188 = arith.index_cast %mul3A_1185 : i32 to index
      %get3A_1189 = tpu.vector_load %arg11[%get3A_1188] {strides = array<i32>} : memref<4096xi32, #tpu.memory_space<vmem>>, vector<16xi32>,
      %gather3A_1190 = tpu.vector_load_idx %arg6[%get3A_1187] : memref<100000xf32, #tpu.memory_space<vmem>>[vector<16xi32>], vector<16xf32>,
      %gather3A_1191 = tpu.vector_load_idx %arg7[%get3A_1189] : memref<2049xf32, #tpu.memory_space<vmem>>[vector<16xi32>], vector<16xf32>,
      %mul3A_1192 = arith.constant 8.000000e+00 : f32
      %mul3A_1193 = vector.broadcast %mul3A_1192 : f32 to vector<16xf32>
      %mul3A_1194 = arith.mulf %gather3A_1190, %mul3A_1193 : vector<16xf32>
      %add3A_1195 = arith.addf %mul3A_1194, %gather3A_1191 : vector<16xf32>
      %swap3A_1196 = arith.index_cast %mul3A_1185 : i32 to index
      %swap3A_1197 = tpu.vector_load %arg13[%swap3A_1196] {strides = array<i32>} : memref<4096xf32, #tpu.memory_space<vmem>>, vector<16xf32>,
      tpu.vector_store %arg13[%swap3A_1196], %add3A_1195 {strides = array<i32>} : memref<4096xf32, #tpu.memory_space<vmem>>, vector<16xf32>,
      %mul3A_1198 = arith.constant 4 : i32
      %mul3A_1199 = arith.muli %scan3A_1163, %mul3A_1198 : i32
      %add3A_1200 = arith.constant 2 : i32
      %add3A_1201 = arith.addi %mul3A_1199, %add3A_1200 : i32
      %mul3A_1202 = arith.constant 16 : i32
      %mul3A_1203 = arith.muli %add3A_1201, %mul3A_1202 : i32
      %get3A_1204 = arith.index_cast %mul3A_1203 : i32 to index
      %get3A_1205 = tpu.vector_load %arg10[%get3A_1204] {strides = array<i32>} : memref<4096xi32, #tpu.memory_space<vmem>>, vector<16xi32>,
      %get3A_1206 = arith.index_cast %mul3A_1203 : i32 to index
      %get3A_1207 = tpu.vector_load %arg11[%get3A_1206] {strides = array<i32>} : memref<4096xi32, #tpu.memory_space<vmem>>, vector<16xi32>,
      %gather3A_1208 = tpu.vector_load_idx %arg6[%get3A_1205] : memref<100000xf32, #tpu.memory_space<vmem>>[vector<16xi32>], vector<16xf32>,
      %gather3A_1209 = tpu.vector_load_idx %arg7[%get3A_1207] : memref<2049xf32, #tpu.memory_space<vmem>>[vector<16xi32>], vector<16xf32>,
      %mul3A_1210 = arith.constant 8.000000e+00 : f32
      %mul3A_1211 = vector.broadcast %mul3A_1210 : f32 to vector<16xf32>
      %mul3A_1212 = arith.mulf %gather3A_1208, %mul3A_1211 : vector<16xf32>
      %add3A_1213 = arith.addf %mul3A_1212, %gather3A_1209 : vector<16xf32>
      %swap3A_1214 = arith.index_cast %mul3A_1203 : i32 to index
      %swap3A_1215 = tpu.vector_load %arg13[%swap3A_1214] {strides = array<i32>} : memref<4096xf32, #tpu.memory_space<vmem>>, vector<16xf32>,
      tpu.vector_store %arg13[%swap3A_1214], %add3A_1213 {strides = array<i32>} : memref<4096xf32, #tpu.memory_space<vmem>>, vector<16xf32>,
      %mul3A_1216 = arith.constant 4 : i32
      %mul3A_1217 = arith.muli %scan3A_1163, %mul3A_1216 : i32
      %add3A_1218 = arith.constant 3 : i32
      %add3A_1219 = arith.addi %mul3A_1217, %add3A_1218 : i32
      %mul3A_1220 = arith.constant 16 : i32
      %mul3A_1221 = arith.muli %add3A_1219, %mul3A_1220 : i32
      %get3A_1222 = arith.index_cast %mul3A_1221 : i32 to index
      %get3A_1223 = tpu.vector_load %arg10[%get3A_1222] {strides = array<i32>} : memref<4096xi32, #tpu.memory_space<vmem>>, vector<16xi32>,
      %get3A_1224 = arith.index_cast %mul3A_1221 : i32 to index
      %get3A_1225 = tpu.vector_load %arg11[%get3A_1224] {strides = array<i32>} : memref<4096xi32, #tpu.memory_space<vmem>>, vector<16xi32>,
      %gather3A_1226 = tpu.vector_load_idx %arg6[%get3A_1223] : memref<100000xf32, #tpu.memory_space<vmem>>[vector<16xi32>], vector<16xf32>,
      %gather3A_1227 = tpu.vector_load_idx %arg7[%get3A_1225] : memref<2049xf32, #tpu.memory_space<vmem>>[vector<16xi32>], vector<16xf32>,
      %mul3A_1228 = arith.constant 8.000000e+00 : f32
      %mul3A_1229 = vector.broadcast %mul3A_1228 : f32 to vector<16xf32>
      %mul3A_1230 = arith.mulf %gather3A_1226, %mul3A_1229 : vector<16xf32>
      %add3A_1231 = arith.addf %mul3A_1230, %gather3A_1227 : vector<16xf32>
      %swap3A_1232 = arith.index_cast %mul3A_1221 : i32 to index
      %swap3A_1233 = tpu.vector_load %arg13[%swap3A_1232] {strides = array<i32>} : memref<4096xf32, #tpu.memory_space<vmem>>, vector<16xf32>,
      tpu.vector_store %arg13[%swap3A_1232], %add3A_1231 {strides = array<i32>} : memref<4096xf32, #tpu.memory_space<vmem>>, vector<16xf32>,
      %scan3A_1234 = arith.constant 0 : i32
      scf.yield %scan3A_1234 : i32
    }
    %scan3A_1096 = arith.constant 64 : i32
    %dma_start3A_1097 = arith.constant 14 : i32
    %dma_start3A_1098 = arith.constant 0 : i32
    %dma_start3A_1099 = tpu.memref_slice %arg13[%dma_start3A_1098] : memref<4096xf32, #tpu.memory_space<vmem>> -> memref<2048xf32, #tpu.memory_space<vmem>>
    %dma_start3A_1100 = arith.constant 0 : i32
    %dma_start3A_1101 = tpu.memref_slice %arg5[%dma_start3A_1097, %add3A_1059, %dma_start3A_1100] : memref<16x64x2048xf32, #tpu.memory_space<hbm>> -> memref<1x1x2048xf32, #tpu.memory_space<hbm>>
    %dma_start3A_1102 = tpu.memref_squeeze %dma_start3A_1101 : memref<1x1x2048xf32, #tpu.memory_space<hbm>> -> memref<2048xf32, #tpu.memory_space<hbm>>
    %dma_start3A_1103 = arith.constant 0 : i32
    %dma_start3A_1104 = tpu.memref_slice %arg5[%dma_start3A_1097, %add3A_1059, %dma_start3A_1103] : memref<16x64x2048xf32, #tpu.memory_space<hbm>> -> memref<1x1x2048xf32, #tpu.memory_space<hbm>>
    %dma_start3A_1105 = tpu.memref_squeeze %dma_start3A_1104 : memref<1x1x2048xf32, #tpu.memory_space<hbm>> -> memref<2048xf32, #tpu.memory_space<hbm>>
    %dma_start3A_1106 = arith.constant 0 : i32
    %dma_start3A_1107 = tpu.memref_slice %arg13[%dma_start3A_1106] : memref<4096xf32, #tpu.memory_space<vmem>> -> memref<2048xf32, #tpu.memory_space<vmem>>
    tpu.enqueue_dma source(%dma_start3A_1107 : memref<2048xf32, #tpu.memory_space<vmem>>) target(%dma_start3A_1105 : memref<2048xf32, #tpu.memory_space<hbm>>) target_semaphore(%arg18 : memref<!tpu.dma_semaphore, #tpu.memory_space<semaphore_mem>>)
    %dma_start3A_1108 = arith.constant 15 : i32
    %dma_start3A_1109 = arith.constant 2048 : i32
    %dma_start3A_1110 = tpu.memref_slice %arg13[%dma_start3A_1109] : memref<4096xf32, #tpu.memory_space<vmem>> -> memref<2048xf32, #tpu.memory_space<vmem>>
    %dma_start3A_1111 = arith.constant 0 : i32
    %dma_start3A_1112 = tpu.memref_slice %arg5[%dma_start3A_1108, %add3A_1059, %dma_start3A_1111] : memref<16x64x2048xf32, #tpu.memory_space<hbm>> -> memref<1x1x2048xf32, #tpu.memory_space<hbm>>
    %dma_start3A_1113 = tpu.memref_squeeze %dma_start3A_1112 : memref<1x1x2048xf32, #tpu.memory_space<hbm>> -> memref<2048xf32, #tpu.memory_space<hbm>>
    %dma_start3A_1114 = arith.constant 0 : i32
    %dma_start3A_1115 = tpu.memref_slice %arg5[%dma_start3A_1108, %add3A_1059, %dma_start3A_1114] : memref<16x64x2048xf32, #tpu.memory_space<hbm>> -> memref<1x1x2048xf32, #tpu.memory_space<hbm>>
    %dma_start3A_1116 = tpu.memref_squeeze %dma_start3A_1115 : memref<1x1x2048xf32, #tpu.memory_space<hbm>> -> memref<2048xf32, #tpu.memory_space<hbm>>
    %dma_start3A_1117 = arith.constant 2048 : i32
    %dma_start3A_1118 = tpu.memref_slice %arg13[%dma_start3A_1117] : memref<4096xf32, #tpu.memory_space<vmem>> -> memref<2048xf32, #tpu.memory_space<vmem>>
    tpu.enqueue_dma source(%dma_start3A_1118 : memref<2048xf32, #tpu.memory_space<vmem>>) target(%dma_start3A_1116 : memref<2048xf32, #tpu.memory_space<hbm>>) target_semaphore(%arg18 : memref<!tpu.dma_semaphore, #tpu.memory_space<semaphore_mem>>)
    %dma_wait3A_1119 = arith.constant 12 : i32
    %dma_wait3A_1120 = arith.constant 0 : i32
    %dma_wait3A_1121 = tpu.memref_slice %arg12[%dma_wait3A_1120] : memref<4096xf32, #tpu.memory_space<vmem>> -> memref<2048xf32, #tpu.memory_space<vmem>>
    %dma_wait3A_1122 = arith.constant 0 : i32
    %dma_wait3A_1123 = tpu.memref_slice %arg5[%dma_wait3A_1119, %add3A_990, %dma_wait3A_1122] : memref<16x64x2048xf32, #tpu.memory_space<hbm>> -> memref<1x1x2048xf32, #tpu.memory_space<hbm>>
    %dma_wait3A_1124 = tpu.memref_squeeze %dma_wait3A_1123 : memref<1x1x2048xf32, #tpu.memory_space<hbm>> -> memref<2048xf32, #tpu.memory_space<hbm>>
    %dma_wait3A_1125 = arith.constant 0 : i32
    %dma_wait3A_1126 = tpu.memref_slice %arg5[%dma_wait3A_1119, %add3A_990, %dma_wait3A_1125] : memref<16x64x2048xf32, #tpu.memory_space<hbm>> -> memref<1x1x2048xf32, #tpu.memory_space<hbm>>
    %dma_wait3A_1127 = tpu.memref_squeeze %dma_wait3A_1126 : memref<1x1x2048xf32, #tpu.memory_space<hbm>> -> memref<2048xf32, #tpu.memory_space<hbm>>
    %dma_wait3A_1128 = arith.constant 0 : i32
    %dma_wait3A_1129 = tpu.memref_slice %arg12[%dma_wait3A_1128] : memref<4096xf32, #tpu.memory_space<vmem>> -> memref<2048xf32, #tpu.memory_space<vmem>>
    tpu.wait_dma2 semaphore(%arg18 : memref<!tpu.dma_semaphore, #tpu.memory_space<semaphore_mem>>) src(%dma_wait3A_1129 : memref<2048xf32, #tpu.memory_space<vmem>>) dst(%dma_wait3A_1127 : memref<2048xf32, #tpu.memory_space<hbm>>)
    %dma_wait3A_1130 = arith.constant 13 : i32
    %dma_wait3A_1131 = arith.constant 2048 : i32
    %dma_wait3A_1132 = tpu.memref_slice %arg12[%dma_wait3A_1131] : memref<4096xf32, #tpu.memory_space<vmem>> -> memref<2048xf32, #tpu.memory_space<vmem>>
    %dma_wait3A_1133 = arith.constant 0 : i32
    %dma_wait3A_1134 = tpu.memref_slice %arg5[%dma_wait3A_1130, %add3A_990, %dma_wait3A_1133] : memref<16x64x2048xf32, #tpu.memory_space<hbm>> -> memref<1x1x2048xf32, #tpu.memory_space<hbm>>
    %dma_wait3A_1135 = tpu.memref_squeeze %dma_wait3A_1134 : memref<1x1x2048xf32, #tpu.memory_space<hbm>> -> memref<2048xf32, #tpu.memory_space<hbm>>
    %dma_wait3A_1136 = arith.constant 0 : i32
    %dma_wait3A_1137 = tpu.memref_slice %arg5[%dma_wait3A_1130, %add3A_990, %dma_wait3A_1136] : memref<16x64x2048xf32, #tpu.memory_space<hbm>> -> memref<1x1x2048xf32, #tpu.memory_space<hbm>>
    %dma_wait3A_1138 = tpu.memref_squeeze %dma_wait3A_1137 : memref<1x1x2048xf32, #tpu.memory_space<hbm>> -> memref<2048xf32, #tpu.memory_space<hbm>>
    %dma_wait3A_1139 = arith.constant 2048 : i32
    %dma_wait3A_1140 = tpu.memref_slice %arg12[%dma_wait3A_1139] : memref<4096xf32, #tpu.memory_space<vmem>> -> memref<2048xf32, #tpu.memory_space<vmem>>
    tpu.wait_dma2 semaphore(%arg18 : memref<!tpu.dma_semaphore, #tpu.memory_space<semaphore_mem>>) src(%dma_wait3A_1140 : memref<2048xf32, #tpu.memory_space<vmem>>) dst(%dma_wait3A_1138 : memref<2048xf32, #tpu.memory_space<hbm>>)
    %dma_wait3A_1141 = arith.constant 14 : i32
    %dma_wait3A_1142 = arith.constant 0 : i32
    %dma_wait3A_1143 = tpu.memref_slice %arg13[%dma_wait3A_1142] : memref<4096xf32, #tpu.memory_space<vmem>> -> memref<2048xf32, #tpu.memory_space<vmem>>
    %dma_wait3A_1144 = arith.constant 0 : i32
    %dma_wait3A_1145 = tpu.memref_slice %arg5[%dma_wait3A_1141, %add3A_1059, %dma_wait3A_1144] : memref<16x64x2048xf32, #tpu.memory_space<hbm>> -> memref<1x1x2048xf32, #tpu.memory_space<hbm>>
    %dma_wait3A_1146 = tpu.memref_squeeze %dma_wait3A_1145 : memref<1x1x2048xf32, #tpu.memory_space<hbm>> -> memref<2048xf32, #tpu.memory_space<hbm>>
    %dma_wait3A_1147 = arith.constant 0 : i32
    %dma_wait3A_1148 = tpu.memref_slice %arg5[%dma_wait3A_1141, %add3A_1059, %dma_wait3A_1147] : memref<16x64x2048xf32, #tpu.memory_space<hbm>> -> memref<1x1x2048xf32, #tpu.memory_space<hbm>>
    %dma_wait3A_1149 = tpu.memref_squeeze %dma_wait3A_1148 : memref<1x1x2048xf32, #tpu.memory_space<hbm>> -> memref<2048xf32, #tpu.memory_space<hbm>>
    %dma_wait3A_1150 = arith.constant 0 : i32
    %dma_wait3A_1151 = tpu.memref_slice %arg13[%dma_wait3A_1150] : memref<4096xf32, #tpu.memory_space<vmem>> -> memref<2048xf32, #tpu.memory_space<vmem>>
    tpu.wait_dma2 semaphore(%arg18 : memref<!tpu.dma_semaphore, #tpu.memory_space<semaphore_mem>>) src(%dma_wait3A_1151 : memref<2048xf32, #tpu.memory_space<vmem>>) dst(%dma_wait3A_1149 : memref<2048xf32, #tpu.memory_space<hbm>>)
    %dma_wait3A_1152 = arith.constant 15 : i32
    %dma_wait3A_1153 = arith.constant 2048 : i32
    %dma_wait3A_1154 = tpu.memref_slice %arg13[%dma_wait3A_1153] : memref<4096xf32, #tpu.memory_space<vmem>> -> memref<2048xf32, #tpu.memory_space<vmem>>
    %dma_wait3A_1155 = arith.constant 0 : i32
    %dma_wait3A_1156 = tpu.memref_slice %arg5[%dma_wait3A_1152, %add3A_1059, %dma_wait3A_1155] : memref<16x64x2048xf32, #tpu.memory_space<hbm>> -> memref<1x1x2048xf32, #tpu.memory_space<hbm>>
    %dma_wait3A_1157 = tpu.memref_squeeze %dma_wait3A_1156 : memref<1x1x2048xf32, #tpu.memory_space<hbm>> -> memref<2048xf32, #tpu.memory_space<hbm>>
    %dma_wait3A_1158 = arith.constant 0 : i32
    %dma_wait3A_1159 = tpu.memref_slice %arg5[%dma_wait3A_1152, %add3A_1059, %dma_wait3A_1158] : memref<16x64x2048xf32, #tpu.memory_space<hbm>> -> memref<1x1x2048xf32, #tpu.memory_space<hbm>>
    %dma_wait3A_1160 = tpu.memref_squeeze %dma_wait3A_1159 : memref<1x1x2048xf32, #tpu.memory_space<hbm>> -> memref<2048xf32, #tpu.memory_space<hbm>>
    %dma_wait3A_1161 = arith.constant 2048 : i32
    %dma_wait3A_1162 = tpu.memref_slice %arg13[%dma_wait3A_1161] : memref<4096xf32, #tpu.memory_space<vmem>> -> memref<2048xf32, #tpu.memory_space<vmem>>
    tpu.wait_dma2 semaphore(%arg18 : memref<!tpu.dma_semaphore, #tpu.memory_space<semaphore_mem>>) src(%dma_wait3A_1162 : memref<2048xf32, #tpu.memory_space<vmem>>) dst(%dma_wait3A_1160 : memref<2048xf32, #tpu.memory_space<hbm>>)
    return
  }
}

</mosaic_0001>

<sc_bundles>
// kernel: kernel.3.cloned.1.call-start
scs
__scs_entry_jumppad:
0x0: {  	(pc) =	sbr.rel $0x88, $3  }
0x1: {  	(tag) =	ssettag $0x0;
	lr =	simm.s32 $0x1  }
0x2: {  	[smem:$0x3F9E] =	sst lr;
	_ =	strace $0xD0000000  }
0x3: {  	_ = 	snop  }
0x4: {  	_ = 	snop  }
0x5: {  	_ = 	snop  }
0x6: {  	_ = 	snop  }
0x7: {  	_ = 	snop  }
__scs_overlays_trampoline_lowered:
0x8: {  	[smem:$0x3FAD] =	sst s0  }
0x9: {  	[smem:$0x3FAE] =	sst s1  }
0xa: {  	[smem:$0x3FAF] =	sst s2  }
0xb: {  	[smem:$0x3FB0] =	sst s3  }
0xc: {  	[smem:$0x3FB1] =	sst s4  }
0xd: {  	[smem:$0x3FB2] =	sst s5  }
0xe: {  	[smem:$0x3FB3] =	sst s6  }
0xf: {  	[smem:$0x3FB4] =	sst s7  }
0x10: {  	[smem:$0x3FB5] =	sst s8  }
0x11: {  	[smem:$0x3FB6] =	sst s9;
	s0 =	simm.s32 @!p0 $0x0  }
0x12: {  	s1 =	sld [smem:$0x3F9C];
	s0 =	simm.s32 @p0 $0x1  }
0x13: {  	[smem:$0x3FB7] =	sst s0;
	s0 =	simm.s32 @!p1 $0x0  }
0x14: {  	s2 =	sld [smem:$0x3F9B];
	s0 =	simm.s32 @p1 $0x1  }
0x15: {  	[smem:$0x3FB8] =	sst s0;
	s0 =	simm.s32 @!p2 $0x0  }
0x16: {  	s3 =	sld [smem:$0x3FDB];
	s0 =	simm.s32 @p2 $0x1  }
0x17: {  	s4 =	simm.s32 $0x1BF5;
	[smem:$0x3FBA] =	sst s0  }
0x18: {  	s0 =	sld [smem:$0x3F9D];
	_ =	swait.ge [sflag:s4], $0x0  }
0x19: {  	s7 =	sld [smem:$0x3F9E]  }
0x1a: {  	s8 =	sadd.s32 $0xFFFFE003, lr  }
0x1b: {  	s9 =	sadd.s32 $0xFFFFFEF7, lr;
	s5 =	simm.s32 $0xFFFFFFFF;
	p2 =	slt.u32 s8, $0xFFFFF086  }
0x1c: {  	p1 =	slt.u32 s9, $0xF7A;
	s5 =	simm.s32 @!p2 $0x0  }
0x1d: {  	s5 =	simm.s32 @p1 $0x1;
	p0 =	seq.s32 s7, s2  }
0x1e: {  	s7 =	smul.u32 @!p0 $0xF7A, s2;
	p2 =	seq.s32 @!p0 s5, $0x0  }
0x1f: {  	s9 =	smul.u32 $0xF7A, s1;
	s8 =	simm.s32 @!p0 $0x1BF5;
	p2 =	por !p2, p0  }
0x20: {  	[sflag:s8] =	ssyncset.s32 @!p0 $0xFFFFF086;
	s6 =	sadd.s32 @!p0 s3, s7;
	s7 =	simm.s32 @!p0 $0x108  }
0x21: {  	s3 =	sadd.s32 s3, s9;
	s6 =	sadd.s32 @!p0 $0x88, s6;
	s7 =	simm.s32 @p2 $0x1082  }
0x22: {  	[simem:s7], [sflag:s8] =	dma.local @!p0 [hbm:s6], $0xF7A  }
0x23: {  	s9 =	sor.u32 $0xD0000000, s2;
	s6 =	simm.s32 $0x108;
	_ =	swait.ge @!p0 [sflag:s8], $0x0  }
0x24: {  	s3 =	sadd.s32 $0x88, s3;
	s6 =	simm.s32 @!p1 $0x1082;
	[sflag:s4] =	ssyncset.s32 $0xFFFFF086  }
0x25: {  	[simem:s6], [sflag:s4] =	dma.local [hbm:s3], $0xF7A  }
0x26: {  	[smem:$0x3F9E] =	sst s1;
	(tag) =	ssettag s2;
	_ =	strace s9  }
0x27: {  	s1 =	sld [smem:$0x3FAE]  }
0x28: {  	s2 =	sld [smem:$0x3FAF]  }
0x29: {  	s4 =	sld [smem:$0x3FB1]  }
0x2a: {  	p0 =	seq.s32 s5, $0x0;
	s5 =	sld [smem:$0x3FB2]  }
0x2b: {  	s6 =	sld [smem:$0x3FB3]  }
0x2c: {  	s7 =	sld [smem:$0x3FB4]  }
0x2d: {  	s3 =	simm.s32 $0x108;
	s8 =	sld [smem:$0x3FB5]  }
0x2e: {  	s3 =	simm.s32 @!p0 $0x1082;
	s9 =	sld [smem:$0x3FB6]  }
0x2f: {  	lr =	sadd.s32 s0, s3;
	s0 =	sld [smem:$0x3FAD]  }
0x30: {  	s3 =	sld [smem:$0x3FB0]  }
0x31: {  	[smem:$0x3FB9] =	sst s10  }
0x32: {  	s10 =	sld [smem:$0x3FB7];
	_ =	sdelay $0x3  }
0x33: {  	p0 =	seq.s32 s10, $0x1;
	s10 =	sld [smem:$0x3FB9];
	_ =	sdelay $0x3  }
0x34: {  	[smem:$0x3FB9] =	sst s10  }
0x35: {  	s10 =	sld [smem:$0x3FB8];
	_ =	sdelay $0x3  }
0x36: {  	p1 =	seq.s32 s10, $0x1;
	s10 =	sld [smem:$0x3FB9];
	_ =	sdelay $0x3  }
0x37: {  	[smem:$0x3FB9] =	sst s10  }
0x38: {  	s10 =	sld [smem:$0x3FBA]  }
0x39: {  	_ = 	snop;
	(pc) =	sbr.ind lr, $3  }
0x3a: {  	_ = 	snop  }
0x3b: {  	_ = 	snop  }
0x3c: {  	p2 =	seq.s32 s10, $0x1;
	s10 =	sld [smem:$0x3FB9]  }
0x3d: {  	_ =	shalt  }
0x3e: {  	_ =	shalt  }
0x3f: {  	_ =	shalt  }
0x40: {  	_ =	shalt  }
0x41: {  	_ =	shalt  }
0x42: {  	_ =	shalt  }
0x43: {  	_ =	shalt  }
0x44: {  	_ =	shalt  }
0x45: {  	_ =	shalt  }
0x46: {  	_ =	shalt  }
0x47: {  	_ =	shalt  }
0x48: {  	_ =	shalt  }
0x49: {  	_ =	shalt  }
0x4a: {  	_ =	shalt  }
0x4b: {  	_ =	shalt  }
0x4c: {  	_ =	shalt  }
0x4d: {  	_ =	shalt  }
0x4e: {  	_ =	shalt  }
0x4f: {  	_ =	shalt  }
0x50: {  	_ =	shalt  }
0x51: {  	_ =	shalt  }
0x52: {  	_ =	shalt  }
0x53: {  	_ =	shalt  }
0x54: {  	_ =	shalt  }
0x55: {  	_ =	shalt  }
0x56: {  	_ =	shalt  }
0x57: {  	_ =	shalt  }
0x58: {  	_ =	shalt  }
0x59: {  	_ =	shalt  }
0x5a: {  	_ =	shalt  }
0x5b: {  	_ =	shalt  }
0x5c: {  	_ =	shalt  }
0x5d: {  	_ =	shalt  }
0x5e: {  	_ =	shalt  }
0x5f: {  	_ =	shalt  }
0x60: {  	_ =	shalt  }
0x61: {  	_ =	shalt  }
0x62: {  	_ =	shalt  }
0x63: {  	_ =	shalt  }
0x64: {  	_ =	shalt  }
0x65: {  	_ =	shalt  }
0x66: {  	_ =	shalt  }
0x67: {  	_ =	shalt  }
0x68: {  	_ =	shalt  }
0x69: {  	_ =	shalt  }
0x6a: {  	_ =	shalt  }
0x6b: {  	_ =	shalt  }
0x6c: {  	_ =	shalt  }
0x6d: {  	_ =	shalt  }
0x6e: {  	_ =	shalt  }
0x6f: {  	_ =	shalt  }
0x70: {  	_ =	shalt  }
0x71: {  	_ =	shalt  }
0x72: {  	_ =	shalt  }
0x73: {  	_ =	shalt  }
0x74: {  	_ =	shalt  }
0x75: {  	_ =	shalt  }
0x76: {  	_ =	shalt  }
0x77: {  	_ =	shalt  }
0x78: {  	_ =	shalt  }
0x79: {  	_ =	shalt  }
0x7a: {  	_ =	shalt  }
0x7b: {  	_ =	shalt  }
0x7c: {  	_ =	shalt  }
0x7d: {  	_ =	shalt  }
0x7e: {  	_ =	shalt  }
0x7f: {  	_ =	shalt  }
0x80: {  	_ =	shalt  }
0x81: {  	_ =	shalt  }
0x82: {  	_ =	shalt  }
0x83: {  	_ =	shalt  }
0x84: {  	_ =	shalt  }
0x85: {  	_ =	shalt  }
0x86: {  	_ =	shalt  }
0x87: {  	_ =	shalt  }
.Lfunc_end0:
.L_simem_size_0:
called_computation_lowered:
.L_overlay_start_0:
0x88: {  	s2 =	sld [smem:$0x3FD9]  }
0x89: {  	s3 =	sld [smem:$0x3FFE];
	_ =	sdelay $0x1  }
0x8a: {  	s1 =	srdreg.scid  }
0x8b: {  	s0 =	sand.u32 $0x1, s1  }
0x8c: {  	s18 =	sshll.u32 s0, $0xA;
	s2 =	sadd.s32 s3, s2  }
0x8d: {  	s2 =	sadd.s32 s2, s18  }
0x8e: {  	[smem:$0x3FC5] =	sst s2  }
0x8f: {  	_ = 	snop  }
0x90: {  	s2 =	sld [smem:$0x3FC9]  }
0x91: {  	s19 =	sld [smem:$0x3FC8]  }
0x92: {  	s4 =	sld [smem:$0x3FC7]  }
0x93: {  	s5 =	sld [smem:$0x3FD0];
	(tm) =	ssettm $0x1  }
0x94: {  	s6 =	sld [smem:$0x3FFB];
	_ =	sdelay $0x3  }
0x95: {  	_ =	strace s6  }
0x96: {  	s6 =	sld [smem:$0x3FFC];
	_ =	sdelay $0x3  }
0x97: {  	_ =	strace s6  }
0x98: {  	s6 =	sld [smem:$0x3FFD];
	_ =	sdelay $0x3  }
0x99: {  	_ =	strace s6  }
0x9a: {  	_ =	strace $0x8FFFFFFF  }
0x9b: {  	s20 =	sld [smem:$0x3FDB];
	_ =	sdelay $0x1  }
0x9c: {  	s7 =	simm.s32 $_scs_section_size  }
0x9d: {  	s8 =	simm.s32 $_size__tile_overlayer_lowered;
	s9 =	simm.s32 $_tile_overlayer_lowered  }
0x9e: {  	s23 =	simm.s32 $0x1BFF;
	s22 =	sshll.u32 s9, $0x1;
	s6 =	sadd.s32 s7, s20  }
0x9f: {  	s10 =	simm.s32 $0x0;
	s21 =	sshll.u32 s8, $0x1;
	s8 =	sadd.s32 s22, s6  }
0xa0: {  	[timem:s10], [sflag:s23] =	dma.local [hbm:s8], s21  }
0xa1: {  	_ =	swait.ge [sflag:s23], s21  }
0xa2: {  	s7 =	ssub.s32 $0x0, s21;
	[sflag:s23] =	ssyncset.done $0x0  }
0xa3: {  	[sflag:s23] =	ssyncadd.s32 s7;
	_ =	sdelay $0x1  }
0xa4: {  	s24 =	simm.s32 $0x1B8B  }
0xa5: {  	_ =	swait.ge [sflag:s24], $0x1  }
0xa6: {  	[sflag:s24] =	ssyncset.done $0x0  }
0xa7: {  	s25 =	simm.s32 $0x1B8E;
	[sflag:s24] =	ssyncadd.s32 $0xFFFFFFFF  }
0xa8: {  	s26 =	simm.s32 $execute0_lowered;
	[smem:$0x3FD2] =	sst s25  }
0xa9: {  	s7 =	sshll.u32 s26, $0x1;
	_ =	strace $0x80000046;
	[dreg:$0x1] =	wrdreg $0xFFFFFFFF  }
0xaa: {  	s28 =	simm.s32 $_size_execute0_lowered;
	s6 =	sadd.s32 s6, s7;
	[dreg:$0x0] =	wrdreg $0x0  }
0xab: {  	s7 =	sshll.u32 s28, $0x1;
	[dreg:$0x2] =	wrdreg s6  }
0xac: {  	[dreg:$0x3] =	wrdreg s7  }
0xad: {  	[dreg:$0x4] =	wrdreg $0xC0  }
0xae: {  	_ =	task [dreg:s10], $0x5FFFF  }
0xaf: {  	[dreg:$0x1] =	wrdreg $0xFFFFFFFF  }
0xb0: {  	[dreg:$0x0] =	wrdreg $0x60  }
0xb1: {  	[dreg:$0x2] =	wrdreg s2  }
0xb2: {  	[dreg:$0x3] =	wrdreg s19  }
0xb3: {  	[dreg:$0x4] =	wrdreg s4  }
0xb4: {  	[dreg:$0x5] =	wrdreg s5  }
0xb5: {  	[dreg:$0x6] =	wrdreg $0x1EF800  }
0xb6: {  	[dreg:$0x7] =	wrdreg $0x1F7800  }
0xb7: {  	[dreg:$0x8] =	wrdreg $0x9  }
0xb8: {  	_ =	task.clear_ibuf [dreg:s10], $0x9FFFF;
	_ =	strace $0x90000046  }
0xb9: {  	s29 =	simm.s32 $0x9;
	_ =	strace $0x80000048  }
0xba: {  	_ =	swait.ge [sflag:s29], $0x1  }
0xbb: {  	[sflag:s29] =	ssyncadd.s32 $0xFFFFFFFF  }
0xbc: {  	_ =	strace $0x90000048  }
0xbd: {  	_ =	sfence  }
0xbe: {  	s30 =	sld [smem:$0x0];
	_ =	sdelay $0x2  }
0xbf: {  	s31 =	sshll.u32 s1, $0xD;
	s1 =	sshrl.u32 s1, $0x2  }
0xc0: {  	s3 =	sand.u32 $0x4000, s31;
	s1 =	sadd.s32 s1, s30  }
0xc1: {  	s0 =	sor.u32 s3, s0;
	s1 =	sshll.u32 s1, $0x11  }
0xc2: {  	s0 =	sor.u32 s1, s0  }
0xc3: {  	s0 =	sadd.s32 $0x8F2B, s0  }
0xc4: {  	[sflag:s0] =	ssyncadd.remote.s32 $0x1  }
0xc5: {  	_ =	sfence.sel $0xFFFF  }
0xc6: {  	[dreg:$0x0] =	wrdreg $0xFFFFFFFF;
	(pc) =	sbr.abs _section_cstart, $3  }
0xc7: {  	[dreg:$0x1] =	wrdreg $0xFFFFFFFF  }
0xc8: {  	_ =	task.clear_ibuf [dreg:s10], $0x2FFFF;
	_ =	strace $0x9FFFFFFF  }
0xc9: {  	(tm) =	ssettm $0x7FFFFFFF  }
tec
execute0_lowered:
.L_overlay_start_1:
0x0: {  	(tag) =	ssettag $0x1  }
0x1: {  	s0 =	srdreg.scid;
	s4 =	rddreg [dreg:$0x0]  }
0x2: {  	s13 =	stileid.u32;
	s5 =	rddreg [dreg:$0x1];
	s2 =	sand.u32 $0x1, s0  }
0x3: {  	s6 =	rddreg [dreg:$0x2];
	s1 =	simm.s32 $0x0;
	s0 =	sshll.u32 s2, $0x4  }
0x4: {  	s29 =	simm.s32 $0x80;
	s30 =	simm.s32 $0x400;
	s0 =	sor.u32 s13, s0  }
0x5: {  	s31 =	simm.s32 $0x18700;
	s8 =	sshll.u32 s13, $0x7;
	s7 =	sshrl.u32 s0, $0x3  }
0x6: {  	[smem:$0x7FF] =	sst s1;
	s2 =	ssub.s32 $0x2, s2;
	s3 =	smul.u32 $0xC3800, s7  }
0x7: {  	s9 =	sand.u32 $0x380, s8;
	s10 =	sshrl.u32 s2, $0x1;
	s0 =	rddreg [dreg:$0x3]  }
0x8: {  	s2 =	ssub.s32 s2, s10;
	s12 =	smul.u32 $0x4400, s7;
	s3 =	sor.u32 s9, s3  }
0x9: {  	s16 =	sshll.u32 s7, $0xE;
	s11 =	sshrl.u32 s3, $0x3;
	s3 =	sshll.u32 s13, $0xB  }
0xa: {  	s7 =	sor.u32 $0x4, s7;
	s15 =	sor.u32 s9, s12;
	s8 =	sor.u32 s8, s3  }
0xb: {  	s12 =	smul.u32 $0xC3800, s7;
	s10 =	sshrl.u32 s15, $0x3;
	s8 =	sand.u32 $0x4380, s8  }
0xc: {  	s15 =	smul.u32 $0x4400, s7;
	s14 =	sadd.s32 s5, s11;
	s8 =	sshrl.u32 s8, $0x3  }
0xd: {  	s11 =	sor.u32 s9, s16;
	[dreg:$0x7] =	wrdreg s14;
	s4 =	sadd.s32 s4, s8  }
0xe: {  	s10 =	sadd.s32 s6, s10;
	[dreg:$0x9] =	wrdreg s4;
	s4 =	sshrl.u32 s11, $0x3  }
0xf: {  	[dreg:$0x8] =	wrdreg s10;
	s17 =	sor.u32 $0x4000, s4;
	s18 =	sor.u32 $0x8000, s4  }
0x10: {  	s11 =	sor.u32 $0xC000, s4;
	s21 =	sor.u32 $0x10000, s4;
	s8 =	sadd.s32 s0, s17  }
0x11: {  	s22 =	sor.u32 $0x14000, s4;
	s19 =	sadd.s32 s0, s18;
	[dreg:$0xa] =	wrdreg s8  }
0x12: {  	s23 =	sor.u32 $0x18000, s4;
	s20 =	sadd.s32 s0, s11;
	[dreg:$0xb] =	wrdreg s19  }
0x13: {  	s26 =	sor.u32 $0x1C000, s4;
	s24 =	sadd.s32 s0, s22;
	[dreg:$0xc] =	wrdreg s20  }
0x14: {  	s28 =	sor.u32 $0x20000, s4;
	s25 =	sadd.s32 s0, s23;
	[dreg:$0xe] =	wrdreg s24  }
0x15: {  	s13 =	sor.u32 $0x24000, s4;
	s11 =	sadd.s32 s0, s28;
	[dreg:$0xf] =	wrdreg s25  }
0x16: {  	s14 =	sor.u32 $0x28000, s4;
	s10 =	sadd.s32 s0, s13;
	[dreg:$0x11] =	wrdreg s11  }
0x17: {  	s16 =	sadd.s32 s0, s14;
	s17 =	sor.u32 $0x2C000, s4;
	[dreg:$0x12] =	wrdreg s10  }
0x18: {  	s22 =	sor.u32 $0x34000, s4;
	s8 =	sadd.s32 s0, s21;
	[dreg:$0x13] =	wrdreg s16  }
0x19: {  	s23 =	sor.u32 $0x38000, s4;
	s10 =	sadd.s32 s0, s17;
	[dreg:$0xd] =	wrdreg s8  }
0x1a: {  	s20 =	sor.u32 $0x30000, s4;
	s24 =	sadd.s32 s0, s23;
	[dreg:$0x14] =	wrdreg s10  }
0x1b: {  	s25 =	sadd.s32 s0, s4;
	s8 =	sadd.s32 s0, s26;
	[dreg:$0x19] =	wrdreg s24  }
0x1c: {  	s4 =	sor.u32 $0x3C000, s4;
	[dreg:$0x10] =	wrdreg s8;
	s8 =	sor.u32 s9, s12  }
0x1d: {  	[dreg:$0x1a] =	wrdreg s25;
	s4 =	sadd.s32 s0, s4;
	s8 =	sshrl.u32 s8, $0x3  }
0x1e: {  	s18 =	sor.u32 s9, s15;
	[dreg:$0x1b] =	wrdreg s4;
	s5 =	sadd.s32 s5, s8  }
0x1f: {  	s19 =	sshrl.u32 s18, $0x3;
	s8 =	sadd.s32 s0, s20;
	[dreg:$0x15] =	wrdreg s5  }
0x20: {  	s21 =	sshll.u32 s7, $0xE;
	s5 =	sadd.s32 s6, s19;
	[dreg:$0x17] =	wrdreg s8  }
0x21: {  	s6 =	sadd.s32 s0, s22;
	[dreg:$0x16] =	wrdreg s5;
	s5 =	sor.u32 s9, s21  }
0x22: {  	s25 =	smax.u32 s2, $0x1;
	[dreg:$0x18] =	wrdreg s6;
	s5 =	sshrl.u32 s5, $0x3  }
0x23: {  	s26 =	sor.u32 $0x4000, s5;
	s28 =	sor.u32 $0x8000, s5;
	s7 =	sor.u32 $0xC000, s5  }
0x24: {  	s8 =	sor.u32 $0x10000, s5;
	s9 =	sor.u32 $0x14000, s5;
	s17 =	sor.u32 $0x2C000, s5  }
0x25: {  	s21 =	sadd.s32 s0, s5;
	s18 =	sadd.s32 s0, s17;
	s17 =	rddreg [dreg:$0x4]  }
0x26: {  	s11 =	sor.u32 $0x18000, s5;
	s4 =	sadd.s32 s0, s26;
	[smem:$0x7F6] =	sst s21  }
0x27: {  	s12 =	sor.u32 $0x1C000, s5;
	s6 =	sadd.s32 s0, s28;
	[dreg:$0x1c] =	wrdreg s4  }
0x28: {  	s13 =	sor.u32 $0x20000, s5;
	s10 =	sadd.s32 s0, s9;
	[dreg:$0x1d] =	wrdreg s6  }
0x29: {  	s15 =	sor.u32 $0x24000, s5;
	s14 =	sadd.s32 s0, s13;
	[smem:$0x7ED] =	sst s10  }
0x2a: {  	s16 =	sor.u32 $0x28000, s5;
	s19 =	sor.u32 $0x30000, s5;
	[smem:$0x7F0] =	sst s14  }
0x2b: {  	s20 =	sor.u32 $0x34000, s5;
	s22 =	sor.u32 $0x38000, s5;
	[smem:$0x7F3] =	sst s18  }
0x2c: {  	s5 =	sor.u32 $0x3C000, s5;
	s4 =	sadd.s32 s0, s7;
	s18 =	rddreg [dreg:$0x5]  }
0x2d: {  	s23 =	sadd.s32 s3, s17;
	[dreg:$0x1e] =	wrdreg s4;
	s4 =	sadd.s32 s0, s8  }
0x2e: {  	s21 =	sadd.s32 $0x2000, s17;
	[dreg:$0x1f] =	wrdreg s4;
	s4 =	sadd.s32 s0, s11  }
0x2f: {  	s9 =	sadd.s32 $0x3000, s17;
	[smem:$0x7EE] =	sst s4;
	s4 =	sadd.s32 s0, s12  }
0x30: {  	s13 =	sadd.s32 $0x5000, s17;
	[smem:$0x7EF] =	sst s4;
	s4 =	sadd.s32 s0, s15  }
0x31: {  	s26 =	sadd.s32 $0x6000, s17;
	[smem:$0x7F1] =	sst s4;
	s4 =	sadd.s32 s0, s16  }
0x32: {  	s6 =	simm.s32 $0x2;
	[smem:$0x7F2] =	sst s4;
	s4 =	sadd.s32 s0, s19  }
0x33: {  	s7 =	simm.s32 $0x0;
	[smem:$0x7F4] =	sst s4;
	s4 =	sadd.s32 s0, s20  }
0x34: {  	s24 =	sadd.s32 s3, s18;
	[smem:$0x7F5] =	sst s4;
	s4 =	sadd.s32 s0, s22  }
0x35: {  	s8 =	sadd.s32 $0x2000, s18;
	s0 =	sadd.s32 s0, s5;
	[smem:$0x7F7] =	sst s4  }
0x36: {  	s10 =	sadd.s32 $0x3000, s18;
	s2 =	sadd.s32 $0x5000, s18;
	[smem:$0x7F8] =	sst s0  }
0x37: {  	s28 =	sadd.s32 $0x6000, s18;
	_ =	strace $0x80000047;
	[smem:$0x7F9] =	sst s23  }
0x38: {  	s11 =	sadd.s32 $0x4000, s17;
	s12 =	sadd.s32 $0x4000, s18;
	[smem:$0x7FA] =	sst s24  }
0x39: {  	s19 =	sadd.s32 $0x1000, s17;
	s20 =	sadd.s32 $0x1000, s18;
	[smem:$0x7FB] =	sst s25  }
0x3a: {  	s22 =	sadd.s32 $0x7000, s17;
	s5 =	simm.s32 $0x3;
	[smem:$0x7FC] =	sst s28  }
0x3b: {  	s4 =	sadd.s32 $0x7000, s18;
	s23 =	simm.s32 $0x18F80;
	[smem:$0x7FD] =	sst s26  }
.LBB2_1:
0x3c: {  	s3 =	smov.u32 s2  }
0x3d: {  	s2 =	smov.u32 s13;
	s13 =	smov.u32 s12;
	s12 =	smov.u32 s11  }
0x3e: {  	s11 =	smov.u32 s10;
	s10 =	smov.u32 s9;
	s14 =	rddreg [dreg:$0x7]  }
0x3f: {  	[tilespmem:s1], [sflag:$0x1] =	stream.strided.gather [hbm4b:s14+s29], $0x18700, s30, s29, $0x38;
	[tilespmem:$0x1FF80] =	vst v63  }
0x40: {  	s9 =	smov.u32 s8;
	s8 =	smov.u32 s21;
	s21 =	rddreg [dreg:$0x8]  }
0x41: {  	[tilespmem:s31], [sflag:$0x1] =	stream.strided.gather [hbm4b:s21+s29], $0x880, s30, s29, $0x38;
	[tilespmem:$0x1FF80] =	vst v63  }
0x42: {  	s0 =	smov.u32 s4;
	s4 =	smov.u32 s22;
	s22 =	rddreg [dreg:$0x9]  }
0x43: {  	[tilespmem:s23], [sflag:$0x4] =	stream.strided.gather [hbm4b:s22+s29], $0x800, s30, s29, $0x38;
	[tilespmem:$0x1FF80] =	vst v63  }
0x44: {  	s23 =	simm.s32 $0x4  }
0x45: {  	_ =	swait.ge [sflag:s23], $0x800  }
0x46: {  	[sflag:s23] =	ssyncset.done $0x0  }
0x47: {  	s15 =	simm.s32 $0x0;
	[sflag:s23] =	ssyncadd.s32 $0xFFFFF800  }
0x48: {  	v0 =	vld [tilespmem:s15+$0x18F80];
	_ =	sdelay $0x4  }
0x49: {  	vm0 =	vlt.s32 v0, $0x1  }
0x4a: {  	s14 =	simm.s32 $0x10;
	v0 =	vnsel vm0, $0x1, v0  }
0x4b: {  	v1 =	vld [tilespmem:s14+$0x18F80];
	(xrf0) =	vadd.scan.msk.s32 $0xffff, v0  }
0x4c: {  	s16 =	simm.s32 $0x20  }
0x4d: {  	v2 =	vld [tilespmem:s16+$0x18F80];
	_ =	sdelay $0x2  }
0x4e: {  	vm12 =	vlt.s32 v1, $0x1  }
0x4f: {  	v1 =	vnsel vm12, $0x1, v1;
	v9, _, _ =	vpop (xrf0)  }
0x50: {  	vm13 =	vlt.s32 v2, $0x1;
	(xrf0) =	vadd.scan.msk.s32 $0xffff, v1;
	v3 =	vxor.u32 $0x80000000, v9  }
0x51: {  	s24 =	smov.u32 s17;
	s17 =	simm.s32 $0x30;
	v2 =	vnsel vm13, $0x1, v2;
	(xrf0) =	vmax.scan.msk.u32 $0xffff, v3  }
0x52: {  	v3 =	vld [tilespmem:s17+$0x18F80];
	(xrf0) =	vadd.scan.msk.s32 $0xffff, v2;
	_ =	sdelay $0x3  }
0x53: {  	v5, _, _ =	vpop (xrf0)  }
0x54: {  	v4 =	vxor.u32 $0x80000000, v5;
	vm14 =	vlt.s32 v3, $0x1;
	v7, _, _ =	vpop (xrf0)  }
0x55: {  	(xrf0) =	vmax.scan.msk.u32 $0xffff, v4;
	v3 =	vnsel vm14, $0x1, v3;
	v6, _, _ =	vpop (xrf0)  }
0x56: {  	(xrf0) =	vadd.scan.msk.s32 $0xffff, v3;
	v8 =	vxor.u32 $0x80000000, v6  }
0x57: {  	(xrf0) =	vmax.scan.msk.u32 $0xffff, v8;
	_ =	sdelay $0x2  }
0x58: {  	s25 =	smov.u32 s18;
	s18 =	simm.s32 $0x40  }
0x59: {  	v4 =	vld [tilespmem:s18+$0x18F80];
	(v2sf) =	vpush v7, $0xF;
	v8, _, _ =	vpop (xrf0)  }
0x5a: {  	v7, _, _ =	vpop (xrf0)  }
0x5b: {  	(v2sf) =	vpush v8, $0xF;
	v10, _, _ =	vpop (xrf0)  }
0x5c: {  	(v2sf) =	vpush v10, $0xF;
	_ =	sdelay $0x1  }
0x5d: {  	vm15 =	vlt.s32 v4, $0x1  }
0x5e: {  	v4 =	vnsel vm15, $0x1, v4  }
0x5f: {  	s26 =	smov.u32 s19;
	s19 =	simm.s32 $0x50;
	(xrf0) =	vadd.scan.msk.s32 $0xffff, v4;
	v8 =	vxor.u32 $0x80000000, v7  }
0x60: {  	(xrf0) =	vmax.scan.msk.u32 $0xffff, v8;
	v8 =	vld [tilespmem:s19+$0x18F80];
	_ =	sdelay $0x3  }
0x61: {  	s28 =	smov.u32 s20;
	s20 =	simm.s32 $0x0;
	s21 =	simm.s32 $0x180;
	v9 =	vadd.s32 s1, v9  }
.LBB2_2:
0x62: {  	s22 =	sshra.s32 s21, $0x2;
	p0 =	sne.s32 s21, $0x1FC0;
	s21 =	sadd.s32 $0x40, s21;
	vm0 =	vlt.s32 v8, $0x1;
	v9 =	vmul.u32 v0, v9;
	v0 =	vmovc v1;
	v1 =	vmovc v2;
	v2 =	vmov v3  }
.Ltmp0:
0x63: {  	v3 =	vmov v4;
	v4 =	vnsel vm0, $0x1, v8;
	v8 =	vld [tilespmem:s22+$0x18F80];
	(pc) =	sbr.rel @p0 .LBB2_2-.Ltmp0, $4  }
0x64: {  	(xrf0) =	vadd.scan.msk.s32 $0xffff, v4;
	v10, _, _ =	vpop (xrf0);
	[tilespmem:s15+$0x19F80] =	vst v9;
	s23 =	spop (v2sf);
	s15 =	smov.u32 s14;
	s14 =	smov.u32 s16  }
0x65: {  	s16 =	smov.u32 s17;
	s17 =	smov.u32 s18;
	v11 =	vxor.u32 $0x80000000, v10;
	s20 =	sadd.s32 s23, s20  }
0x66: {  	s18 =	smov.u32 s19;
	s19 =	smov.u32 s22;
	(xrf0) =	vmax.scan.msk.u32 $0xffff, v11;
	v9, _, _ =	vpop (xrf0);
	s20 =	sadd.s32 $0x80000000, s20  }
0x67: {  	(v2sf) =	vpush v9, $0xF;
	v9 =	vadd.s32 s20, v5;
	v5 =	vmovc v6;
	v6 =	vmovc v7;
	v7 =	vmov v10  }
0x68: {  	vm0 =	vlt.s32 v8, $0x1  }
0x69: {  	v8 =	vnsel vm0, $0x1, v8  }
0x6a: {  	(xrf0) =	vadd.scan.msk.s32 $0xffff, v8;
	v10, _, _ =	vpop (xrf0)  }
0x6b: {  	v11 =	vxor.u32 $0x80000000, v10  }
0x6c: {  	(xrf0) =	vmax.scan.msk.u32 $0xffff, v11;
	_ =	sdelay $0x2  }
0x6d: {  	v59, _, _ =	vpop (xrf0)  }
0x6e: {  	v12, _, _ =	vpop (xrf0)  }
0x6f: {  	(v2sf) =	vpush v59, $0xF;
	v60 =	vxor.u32 $0x80000000, v12  }
0x70: {  	(xrf0) =	vmax.scan.msk.u32 $0xffff, v60;
	v61, _, _ =	vpop (xrf0)  }
0x71: {  	(v2sf) =	vpush v61, $0xF;
	_ =	sdelay $0x4  }
0x72: {  	v62, _, _ =	vpop (xrf0)  }
0x73: {  	(v2sf) =	vpush v62, $0xF  }
0x74: {  	s21 =	spop (v2sf)  }
0x75: {  	s20 =	sadd.s32 s21, s20  }
0x76: {  	s22 =	spop (v2sf);
	s20 =	sadd.s32 $0x80000000, s20  }
0x77: {  	s21 =	sadd.s32 s22, s20  }
0x78: {  	s21 =	sadd.s32 $0x80000000, s21;
	s22 =	spop (v2sf)  }
0x79: {  	s22 =	sadd.s32 s22, s21  }
0x7a: {  	s22 =	sadd.s32 $0x80000000, s22;
	s23 =	spop (v2sf)  }
0x7b: {  	v0 =	vmul.u32 v0, v9;
	v5 =	vadd.s32 s20, v5;
	s23 =	sadd.s32 s23, s22  }
0x7c: {  	v1 =	vmul.u32 v1, v5;
	v63 =	vadd.s32 s21, v6;
	s20 =	sadd.s32 $0x80000000, s23;
	s23 =	spop (v2sf)  }
0x7d: {  	[tilespmem:s15+$0x19F80] =	vst v0;
	v2 =	vmul.u32 v2, v63;
	v0 =	vadd.s32 s22, v7;
	s23 =	sadd.s32 s23, s20  }
0x7e: {  	[tilespmem:s14+$0x19F80] =	vst v1;
	v0 =	vmul.u32 v3, v0;
	v1 =	vadd.s32 s20, v10;
	s15 =	sadd.s32 $0x80000000, s23  }
0x7f: {  	[tilespmem:s16+$0x19F80] =	vst v2;
	v1 =	vmul.u32 v4, v1;
	v2 =	vadd.s32 s15, v12  }
0x80: {  	s14 =	sld [smem:$0x7F9];
	[tilespmem:s17+$0x19F80] =	vst v0;
	v0 =	vmul.u32 v8, v2  }
0x81: {  	[tilespmem:s18+$0x19F80] =	vst v1  }
0x82: {  	s20 =	simm.s32 $0x4;
	s23 =	simm.s32 $0x18F80;
	[tilespmem:s19+$0x19F80] =	vst v0;
	s19 =	spop (v2sf)  }
0x83: {  	[spmem:s14] =	stream.linear.scatter [tilespmem:s23], [sflag:$0x4], $0x800, $0x38;
	[tilespmem:$0x1FF80] =	vst v63  }
0x84: {  	_ =	swait.ge [sflag:s20], $0x800  }
0x85: {  	s21 =	sld [smem:$0x7FA]  }
0x86: {  	[sflag:s20] =	ssyncset.done $0x0  }
0x87: {  	s22 =	simm.s32 $0x19F80;
	[sflag:s20] =	ssyncadd.s32 $0xFFFFF800  }
0x88: {  	[spmem:s21] =	stream.linear.scatter [tilespmem:s22], [sflag:$0x4], $0x800, $0x38;
	[tilespmem:$0x1FF80] =	vst v63  }
0x89: {  	_ =	swait.ge [sflag:s20], $0x800  }
0x8a: {  	[sflag:s20] =	ssyncset.done $0x0  }
0x8b: {  	[sflag:s20] =	ssyncadd.s32 $0xFFFFF800  }
0x8c: {  	s17 =	smov.u32 s24;
	[bflag:$0x0] =	sbarrier.arrive $0xFFFF  }
0x8d: {  	[tilespmem:s23], [sflag:$0x2] =	stream.linear.gather [spmem:s17], $0x1000, $0x38;
	[tilespmem:$0x1FF80] =	vst v63  }
0x8e: {  	s24 =	simm.s32 $0x19F80  }
0x8f: {  	[tilespmem:s24], [sflag:$0x2] =	stream.linear.gather [spmem:s25], $0x1000, $0x38;
	[tilespmem:$0x1FF80] =	vst v63  }
0x90: {  	s18 =	smov.u32 s25;
	s25 =	simm.s32 $0x1  }
0x91: {  	_ =	swait.ge [sflag:s25], $0x18700  }
0x92: {  	[sflag:s25] =	ssyncset.done $0x0  }
0x93: {  	[sflag:s25] =	ssyncadd.s32 $0xFFFE7900  }
0x94: {  	_ =	swait.ge [sflag:s25], $0x880  }
0x95: {  	[sflag:s25] =	ssyncset.done $0x0  }
0x96: {  	[sflag:s25] =	ssyncadd.s32 $0xFFFFF780  }
0x97: {  	_ =	swait.ge [sflag:s6], $0x1000  }
0x98: {  	[sflag:s6] =	ssyncset.done $0x0  }
0x99: {  	[sflag:s6] =	ssyncadd.s32 $0xFFFFF000  }
0x9a: {  	_ =	swait.ge [sflag:s6], $0x1000  }
0x9b: {  	[sflag:s6] =	ssyncset.done $0x0  }
0x9c: {  	s19 =	smov.u32 s26;
	s26 =	simm.s32 $0x1AF80;
	[sflag:s6] =	ssyncadd.s32 $0xFFFFF000  }
0x9d: {  	[tilespmem:s26], [sflag:$0x2] =	stream.linear.gather [spmem:s19], $0x1000, $0x38;
	[tilespmem:$0x1FF80] =	vst v63  }
0x9e: {  	s14 =	simm.s32 $0x0;
	s20 =	smov.u32 s28;
	s28 =	simm.s32 $0x1BF80  }
0x9f: {  	[tilespmem:s28], [sflag:$0x2] =	stream.linear.gather [spmem:s20], $0x1000, $0x38;
	[tilespmem:$0x1FF80] =	vst v63  }
0xa0: {  	v0 =	vld [tilespmem:s14+$0x18F80];
	_ =	sdelay $0x1  }
0xa1: {  	v1 =	vld [tilespmem:s14+$0x19F80];
	_ =	sdelay $0x5  }
0xa2: {  	v0 =	vld.idx.msk [tilespmem:v0+s1+$0x0], $0xffff  }
0xa3: {  	v2 =	vld [tilespmem:s14+$0x18F90]  }
0xa4: {  	v1 =	vld.idx.msk [tilespmem:v1+s31+$0x0], $0xffff  }
0xa5: {  	v3 =	vld [tilespmem:s14+$0x19F90];
	_ =	sdelay $0x1  }
0xa6: {  	v0 =	vmul.f32 $8.000000000e+00, v0;
	_ =	sdelay $0x1  }
0xa7: {  	v0 =	vadd.f32 v1, v0;
	_ =	sdelay $0x1  }
0xa8: {  	[tilespmem:s14+$0x1CF80] =	vst v0  }
0xa9: {  	v0 =	vld.idx.msk [tilespmem:v2+s1+$0x0], $0xffff  }
0xaa: {  	v1 =	vld.idx.msk [tilespmem:v3+s31+$0x0], $0xffff  }
0xab: {  	v2 =	vld [tilespmem:s14+$0x18FA0]  }
0xac: {  	v3 =	vld [tilespmem:s14+$0x19FA0];
	_ =	sdelay $0x1  }
0xad: {  	v0 =	vmul.f32 $8.000000000e+00, v0;
	_ =	sdelay $0x1  }
0xae: {  	v0 =	vadd.f32 v1, v0;
	_ =	sdelay $0x1  }
0xaf: {  	[tilespmem:s14+$0x1CF90] =	vst v0  }
0xb0: {  	v0 =	vld.idx.msk [tilespmem:v2+s1+$0x0], $0xffff  }
0xb1: {  	v1 =	vld.idx.msk [tilespmem:v3+s31+$0x0], $0xffff  }
0xb2: {  	v2 =	vld [tilespmem:s14+$0x18FB0]  }
0xb3: {  	v3 =	vld [tilespmem:s14+$0x19FB0];
	_ =	sdelay $0x1  }
0xb4: {  	v0 =	vmul.f32 $8.000000000e+00, v0;
	_ =	sdelay $0x1  }
0xb5: {  	v0 =	vadd.f32 v1, v0;
	_ =	sdelay $0x1  }
0xb6: {  	[tilespmem:s14+$0x1CFA0] =	vst v0  }
0xb7: {  	v1 =	vld.idx.msk [tilespmem:v2+s1+$0x0], $0xffff  }
0xb8: {  	s16 =	simm.s32 $0x40;
	s15 =	simm.s32 $0x200;
	v0 =	vld.idx.msk [tilespmem:v3+s31+$0x0], $0xffff  }
.LBB2_4:
0xb9: {  	p0 =	sne.s32 s15, $0x3F00;
	v2 =	vld [tilespmem:s16+$0x18F80]  }
0xba: {  	v3 =	vld [tilespmem:s16+$0x19F80];
	_ =	sdelay $0x1  }
0xbb: {  	v1 =	vmul.f32 $8.000000000e+00, v1;
	_ =	sdelay $0x1  }
0xbc: {  	v0 =	vadd.f32 v0, v1;
	_ =	sdelay $0x1  }
0xbd: {  	[tilespmem:s14+$0x1CFB0] =	vst v0;
	s14 =	smov.u32 s16  }
0xbe: {  	v0 =	vld.idx.msk [tilespmem:v2+s1+$0x0], $0xffff  }
0xbf: {  	v1 =	vld.idx.msk [tilespmem:v3+s31+$0x0], $0xffff;
	_ =	sdelay $0x1  }
0xc0: {  	v2 =	vld [tilespmem:s14+$0x18F90];
	_ =	sdelay $0x1  }
0xc1: {  	v3 =	vld [tilespmem:s14+$0x19F90]  }
0xc2: {  	v0 =	vmul.f32 $8.000000000e+00, v0;
	_ =	sdelay $0x1  }
0xc3: {  	v0 =	vadd.f32 v1, v0;
	_ =	sdelay $0x1  }
0xc4: {  	[tilespmem:s14+$0x1CF80] =	vst v0  }
0xc5: {  	v0 =	vld.idx.msk [tilespmem:v2+s1+$0x0], $0xffff;
	_ =	sdelay $0x1  }
0xc6: {  	v1 =	vld.idx.msk [tilespmem:v3+s31+$0x0], $0xffff  }
0xc7: {  	v2 =	vld [tilespmem:s14+$0x18FA0];
	_ =	sdelay $0x1  }
0xc8: {  	v3 =	vld [tilespmem:s14+$0x19FA0]  }
0xc9: {  	v0 =	vmul.f32 $8.000000000e+00, v0;
	_ =	sdelay $0x1  }
0xca: {  	v0 =	vadd.f32 v1, v0;
	_ =	sdelay $0x1  }
0xcb: {  	[tilespmem:s14+$0x1CF90] =	vst v0  }
0xcc: {  	v0 =	vld.idx.msk [tilespmem:v2+s1+$0x0], $0xffff;
	_ =	sdelay $0x1  }
0xcd: {  	v1 =	vld.idx.msk [tilespmem:v3+s31+$0x0], $0xffff  }
0xce: {  	v2 =	vld [tilespmem:s14+$0x18FB0]  }
0xcf: {  	v3 =	vld [tilespmem:s14+$0x19FB0];
	_ =	sdelay $0x1  }
0xd0: {  	v0 =	vmul.f32 $8.000000000e+00, v0;
	_ =	sdelay $0x1  }
0xd1: {  	v0 =	vadd.f32 v1, v0  }
.Ltmp1:
0xd2: {  	(pc) =	sbr.rel @p0 .LBB2_4-.Ltmp1, $4  }
0xd3: {  	[tilespmem:s14+$0x1CFA0] =	vst v0  }
0xd4: {  	v1 =	vld.idx.msk [tilespmem:v2+s1+$0x0], $0xffff  }
0xd5: {  	v0 =	vld.idx.msk [tilespmem:v3+s31+$0x0], $0xffff  }
0xd6: {  	s16 =	sshra.s32 s15, $0x2;
	s15 =	sadd.s32 $0x100, s15  }
0xd7: {  	v2 =	vld [tilespmem:s16+$0x18F80]  }
0xd8: {  	v3 =	vld [tilespmem:s16+$0x19F80];
	_ =	sdelay $0x1  }
0xd9: {  	v1 =	vmul.f32 $8.000000000e+00, v1;
	_ =	sdelay $0x1  }
0xda: {  	v0 =	vadd.f32 v0, v1;
	_ =	sdelay $0x1  }
0xdb: {  	[tilespmem:s14+$0x1CFB0] =	vst v0  }
0xdc: {  	v0 =	vld.idx.msk [tilespmem:v2+s1+$0x0], $0xffff  }
0xdd: {  	v1 =	vld.idx.msk [tilespmem:v3+s31+$0x0], $0xffff  }
0xde: {  	v2 =	vld [tilespmem:s16+$0x18F90]  }
0xdf: {  	v3 =	vld [tilespmem:s16+$0x19F90];
	_ =	sdelay $0x1  }
0xe0: {  	v0 =	vmul.f32 $8.000000000e+00, v0;
	_ =	sdelay $0x1  }
0xe1: {  	v0 =	vadd.f32 v1, v0;
	_ =	sdelay $0x1  }
0xe2: {  	[tilespmem:s16+$0x1CF80] =	vst v0  }
0xe3: {  	v0 =	vld.idx.msk [tilespmem:v2+s1+$0x0], $0xffff  }
0xe4: {  	v1 =	vld.idx.msk [tilespmem:v3+s31+$0x0], $0xffff  }
0xe5: {  	v2 =	vld [tilespmem:s16+$0x18FA0]  }
0xe6: {  	v3 =	vld [tilespmem:s16+$0x19FA0];
	_ =	sdelay $0x1  }
0xe7: {  	v0 =	vmul.f32 $8.000000000e+00, v0;
	_ =	sdelay $0x1  }
0xe8: {  	v0 =	vadd.f32 v1, v0;
	_ =	sdelay $0x1  }
0xe9: {  	[tilespmem:s16+$0x1CF90] =	vst v0  }
0xea: {  	v0 =	vld.idx.msk [tilespmem:v2+s1+$0x0], $0xffff  }
0xeb: {  	v1 =	vld.idx.msk [tilespmem:v3+s31+$0x0], $0xffff  }
0xec: {  	v2 =	vld [tilespmem:s16+$0x18FB0];
	_ =	sdelay $0x1  }
0xed: {  	v3 =	vld [tilespmem:s16+$0x19FB0]  }
0xee: {  	v0 =	vmul.f32 $8.000000000e+00, v0;
	_ =	sdelay $0x1  }
0xef: {  	v0 =	vadd.f32 v1, v0;
	_ =	sdelay $0x1  }
0xf0: {  	[tilespmem:s16+$0x1CFA0] =	vst v0  }
0xf1: {  	v0 =	vld.idx.msk [tilespmem:v2+s1+$0x0], $0xffff;
	_ =	sdelay $0x1  }
0xf2: {  	v1 =	vld.idx.msk [tilespmem:v3+s31+$0x0], $0xffff;
	_ =	sdelay $0x2  }
0xf3: {  	v0 =	vmul.f32 $8.000000000e+00, v0;
	_ =	sdelay $0x1  }
0xf4: {  	v0 =	vadd.f32 v1, v0;
	_ =	sdelay $0x1  }
0xf5: {  	s15 =	simm.s32 $0x1CF80;
	[tilespmem:s16+$0x1CFB0] =	vst v0;
	s16 =	rddreg [dreg:$0x1a]  }
0xf6: {  	[hbm4b:s16+s29] =	stream.strided.scatter [tilespmem:s15], [sflag:$0x3], $0x800, s30, s29, $0x38;
	[tilespmem:$0x1FF80] =	vst v63  }
0xf7: {  	s21 =	rddreg [dreg:$0xa];
	s22 =	simm.s32 $0x1D780  }
0xf8: {  	[hbm4b:s21+s29] =	stream.strided.scatter [tilespmem:s22], [sflag:$0x3], $0x800, s30, s29, $0x38;
	[tilespmem:$0x1FF80] =	vst v63  }
0xf9: {  	_ =	swait.ge [sflag:s6], $0x1000  }
0xfa: {  	[sflag:s6] =	ssyncset.done $0x0  }
0xfb: {  	[sflag:s6] =	ssyncadd.s32 $0xFFFFF000  }
0xfc: {  	_ =	swait.ge [sflag:s6], $0x1000  }
0xfd: {  	[sflag:s6] =	ssyncset.done $0x0  }
0xfe: {  	[sflag:s6] =	ssyncadd.s32 $0xFFFFF000  }
0xff: {  	[tilespmem:s23], [sflag:$0x2] =	stream.linear.gather [spmem:s8], $0x1000, $0x38;
	[tilespmem:$0x1FF80] =	vst v63  }
0x100: {  	s14 =	simm.s32 $0x0  }
0x101: {  	[tilespmem:s24], [sflag:$0x2] =	stream.linear.gather [spmem:s9], $0x1000, $0x38;
	[tilespmem:$0x1FF80] =	vst v63  }
0x102: {  	v0 =	vld [tilespmem:s14+$0x1AF80];
	_ =	sdelay $0x1  }
0x103: {  	v1 =	vld [tilespmem:s14+$0x1BF80];
	_ =	sdelay $0x5  }
0x104: {  	v0 =	vld.idx.msk [tilespmem:v0+s1+$0x0], $0xffff  }
0x105: {  	v2 =	vld [tilespmem:s14+$0x1AF90]  }
0x106: {  	v1 =	vld.idx.msk [tilespmem:v1+s31+$0x0], $0xffff  }
0x107: {  	v3 =	vld [tilespmem:s14+$0x1BF90];
	_ =	sdelay $0x1  }
0x108: {  	v0 =	vmul.f32 $8.000000000e+00, v0;
	_ =	sdelay $0x1  }
0x109: {  	v0 =	vadd.f32 v1, v0;
	_ =	sdelay $0x1  }
0x10a: {  	[tilespmem:s14+$0x1DF80] =	vst v0  }
0x10b: {  	v0 =	vld.idx.msk [tilespmem:v2+s1+$0x0], $0xffff  }
0x10c: {  	v1 =	vld.idx.msk [tilespmem:v3+s31+$0x0], $0xffff  }
0x10d: {  	v2 =	vld [tilespmem:s14+$0x1AFA0]  }
0x10e: {  	v3 =	vld [tilespmem:s14+$0x1BFA0];
	_ =	sdelay $0x1  }
0x10f: {  	v0 =	vmul.f32 $8.000000000e+00, v0;
	_ =	sdelay $0x1  }
0x110: {  	v0 =	vadd.f32 v1, v0;
	_ =	sdelay $0x1  }
0x111: {  	[tilespmem:s14+$0x1DF90] =	vst v0  }
0x112: {  	v0 =	vld.idx.msk [tilespmem:v2+s1+$0x0], $0xffff  }
0x113: {  	v1 =	vld.idx.msk [tilespmem:v3+s31+$0x0], $0xffff  }
0x114: {  	v2 =	vld [tilespmem:s14+$0x1AFB0]  }
0x115: {  	v3 =	vld [tilespmem:s14+$0x1BFB0];
	_ =	sdelay $0x1  }
0x116: {  	v0 =	vmul.f32 $8.000000000e+00, v0;
	_ =	sdelay $0x1  }
0x117: {  	v0 =	vadd.f32 v1, v0;
	_ =	sdelay $0x1  }
0x118: {  	[tilespmem:s14+$0x1DFA0] =	vst v0  }
0x119: {  	s16 =	simm.s32 $0x40;
	v1 =	vld.idx.msk [tilespmem:v2+s1+$0x0], $0xffff  }
0x11a: {  	s15 =	simm.s32 $0x200;
	s21 =	smov.u32 s8;
	s8 =	smov.u32 s9;
	v0 =	vld.idx.msk [tilespmem:v3+s31+$0x0], $0xffff  }
.LBB2_6:
0x11b: {  	p0 =	sne.s32 s15, $0x3F00;
	v2 =	vld [tilespmem:s16+$0x1AF80]  }
0x11c: {  	v3 =	vld [tilespmem:s16+$0x1BF80];
	_ =	sdelay $0x1  }
0x11d: {  	v1 =	vmul.f32 $8.000000000e+00, v1;
	_ =	sdelay $0x1  }
0x11e: {  	v0 =	vadd.f32 v0, v1;
	_ =	sdelay $0x1  }
0x11f: {  	[tilespmem:s14+$0x1DFB0] =	vst v0;
	s14 =	smov.u32 s16  }
0x120: {  	v0 =	vld.idx.msk [tilespmem:v2+s1+$0x0], $0xffff  }
0x121: {  	v1 =	vld.idx.msk [tilespmem:v3+s31+$0x0], $0xffff;
	_ =	sdelay $0x1  }
0x122: {  	v2 =	vld [tilespmem:s14+$0x1AF90];
	_ =	sdelay $0x1  }
0x123: {  	v3 =	vld [tilespmem:s14+$0x1BF90]  }
0x124: {  	v0 =	vmul.f32 $8.000000000e+00, v0;
	_ =	sdelay $0x1  }
0x125: {  	v0 =	vadd.f32 v1, v0;
	_ =	sdelay $0x1  }
0x126: {  	[tilespmem:s14+$0x1DF80] =	vst v0  }
0x127: {  	v0 =	vld.idx.msk [tilespmem:v2+s1+$0x0], $0xffff;
	_ =	sdelay $0x1  }
0x128: {  	v1 =	vld.idx.msk [tilespmem:v3+s31+$0x0], $0xffff  }
0x129: {  	v2 =	vld [tilespmem:s14+$0x1AFA0];
	_ =	sdelay $0x1  }
0x12a: {  	v3 =	vld [tilespmem:s14+$0x1BFA0]  }
0x12b: {  	v0 =	vmul.f32 $8.000000000e+00, v0;
	_ =	sdelay $0x1  }
0x12c: {  	v0 =	vadd.f32 v1, v0;
	_ =	sdelay $0x1  }
0x12d: {  	[tilespmem:s14+$0x1DF90] =	vst v0  }
0x12e: {  	v0 =	vld.idx.msk [tilespmem:v2+s1+$0x0], $0xffff;
	_ =	sdelay $0x1  }
0x12f: {  	v1 =	vld.idx.msk [tilespmem:v3+s31+$0x0], $0xffff  }
0x130: {  	v2 =	vld [tilespmem:s14+$0x1AFB0]  }
0x131: {  	v3 =	vld [tilespmem:s14+$0x1BFB0];
	_ =	sdelay $0x1  }
0x132: {  	v0 =	vmul.f32 $8.000000000e+00, v0;
	_ =	sdelay $0x1  }
0x133: {  	v0 =	vadd.f32 v1, v0  }
.Ltmp2:
0x134: {  	(pc) =	sbr.rel @p0 .LBB2_6-.Ltmp2, $4  }
0x135: {  	[tilespmem:s14+$0x1DFA0] =	vst v0  }
0x136: {  	v1 =	vld.idx.msk [tilespmem:v2+s1+$0x0], $0xffff  }
0x137: {  	v0 =	vld.idx.msk [tilespmem:v3+s31+$0x0], $0xffff  }
0x138: {  	s16 =	sshra.s32 s15, $0x2;
	s15 =	sadd.s32 $0x100, s15  }
0x139: {  	v2 =	vld [tilespmem:s16+$0x1AF80]  }
0x13a: {  	v3 =	vld [tilespmem:s16+$0x1BF80];
	_ =	sdelay $0x1  }
0x13b: {  	v1 =	vmul.f32 $8.000000000e+00, v1;
	_ =	sdelay $0x1  }
0x13c: {  	v0 =	vadd.f32 v0, v1;
	_ =	sdelay $0x1  }
0x13d: {  	[tilespmem:s14+$0x1DFB0] =	vst v0  }
0x13e: {  	v0 =	vld.idx.msk [tilespmem:v2+s1+$0x0], $0xffff  }
0x13f: {  	v1 =	vld.idx.msk [tilespmem:v3+s31+$0x0], $0xffff  }
0x140: {  	v2 =	vld [tilespmem:s16+$0x1AF90]  }
0x141: {  	v3 =	vld [tilespmem:s16+$0x1BF90];
	_ =	sdelay $0x1  }
0x142: {  	v0 =	vmul.f32 $8.000000000e+00, v0;
	_ =	sdelay $0x1  }
0x143: {  	v0 =	vadd.f32 v1, v0;
	_ =	sdelay $0x1  }
0x144: {  	[tilespmem:s16+$0x1DF80] =	vst v0  }
0x145: {  	v0 =	vld.idx.msk [tilespmem:v2+s1+$0x0], $0xffff  }
0x146: {  	v1 =	vld.idx.msk [tilespmem:v3+s31+$0x0], $0xffff  }
0x147: {  	v2 =	vld [tilespmem:s16+$0x1AFA0]  }
0x148: {  	v3 =	vld [tilespmem:s16+$0x1BFA0];
	_ =	sdelay $0x1  }
0x149: {  	v0 =	vmul.f32 $8.000000000e+00, v0;
	_ =	sdelay $0x1  }
0x14a: {  	v0 =	vadd.f32 v1, v0;
	_ =	sdelay $0x1  }
0x14b: {  	[tilespmem:s16+$0x1DF90] =	vst v0  }
0x14c: {  	v0 =	vld.idx.msk [tilespmem:v2+s1+$0x0], $0xffff  }
0x14d: {  	v1 =	vld.idx.msk [tilespmem:v3+s31+$0x0], $0xffff  }
0x14e: {  	v2 =	vld [tilespmem:s16+$0x1AFB0];
	_ =	sdelay $0x1  }
0x14f: {  	v3 =	vld [tilespmem:s16+$0x1BFB0]  }
0x150: {  	v0 =	vmul.f32 $8.000000000e+00, v0;
	_ =	sdelay $0x1  }
0x151: {  	v0 =	vadd.f32 v1, v0;
	_ =	sdelay $0x1  }
0x152: {  	[tilespmem:s16+$0x1DFA0] =	vst v0  }
0x153: {  	v0 =	vld.idx.msk [tilespmem:v2+s1+$0x0], $0xffff;
	_ =	sdelay $0x1  }
0x154: {  	v1 =	vld.idx.msk [tilespmem:v3+s31+$0x0], $0xffff;
	_ =	sdelay $0x2  }
0x155: {  	v0 =	vmul.f32 $8.000000000e+00, v0;
	_ =	sdelay $0x1  }
0x156: {  	v0 =	vadd.f32 v1, v0;
	_ =	sdelay $0x1  }
0x157: {  	s15 =	rddreg [dreg:$0xb];
	s9 =	simm.s32 $0x1DF80;
	[tilespmem:s16+$0x1DFB0] =	vst v0  }
0x158: {  	[hbm4b:s15+s29] =	stream.strided.scatter [tilespmem:s9], [sflag:$0x3], $0x800, s30, s29, $0x38;
	[tilespmem:$0x1FF80] =	vst v63  }
0x159: {  	s22 =	simm.s32 $0x1E780;
	s16 =	rddreg [dreg:$0xc]  }
0x15a: {  	[hbm4b:s16+s29] =	stream.strided.scatter [tilespmem:s22], [sflag:$0x3], $0x800, s30, s29, $0x38;
	[tilespmem:$0x1FF80] =	vst v63  }
0x15b: {  	_ =	swait.ge [sflag:s6], $0x1000  }
0x15c: {  	[sflag:s6] =	ssyncset.done $0x0  }
0x15d: {  	[sflag:s6] =	ssyncadd.s32 $0xFFFFF000  }
0x15e: {  	_ =	swait.ge [sflag:s6], $0x1000  }
0x15f: {  	[sflag:s6] =	ssyncset.done $0x0  }
0x160: {  	[sflag:s6] =	ssyncadd.s32 $0xFFFFF000  }
0x161: {  	[tilespmem:s26], [sflag:$0x2] =	stream.linear.gather [spmem:s10], $0x1000, $0x38;
	[tilespmem:$0x1FF80] =	vst v63  }
0x162: {  	_ = 	snop  }
0x163: {  	[tilespmem:s28], [sflag:$0x2] =	stream.linear.gather [spmem:s11], $0x1000, $0x38;
	[tilespmem:$0x1FF80] =	vst v63  }
0x164: {  	_ =	swait.ge [sflag:s5], $0x800  }
0x165: {  	[sflag:s5] =	ssyncset.done $0x0  }
0x166: {  	[sflag:s5] =	ssyncadd.s32 $0xFFFFF800  }
0x167: {  	_ =	swait.ge [sflag:s5], $0x800  }
0x168: {  	[sflag:s5] =	ssyncset.done $0x0  }
0x169: {  	s14 =	simm.s32 $0x0;
	[sflag:s5] =	ssyncadd.s32 $0xFFFFF800  }
0x16a: {  	v0 =	vld [tilespmem:s14+$0x18F80];
	_ =	sdelay $0x1  }
0x16b: {  	v1 =	vld [tilespmem:s14+$0x19F80];
	_ =	sdelay $0x5  }
0x16c: {  	v0 =	vld.idx.msk [tilespmem:v0+s1+$0x0], $0xffff  }
0x16d: {  	v2 =	vld [tilespmem:s14+$0x18F90]  }
0x16e: {  	v1 =	vld.idx.msk [tilespmem:v1+s31+$0x0], $0xffff  }
0x16f: {  	v3 =	vld [tilespmem:s14+$0x19F90];
	_ =	sdelay $0x1  }
0x170: {  	v0 =	vmul.f32 $8.000000000e+00, v0;
	_ =	sdelay $0x1  }
0x171: {  	v0 =	vadd.f32 v1, v0;
	_ =	sdelay $0x1  }
0x172: {  	[tilespmem:s14+$0x1CF80] =	vst v0  }
0x173: {  	v0 =	vld.idx.msk [tilespmem:v2+s1+$0x0], $0xffff  }
0x174: {  	v1 =	vld.idx.msk [tilespmem:v3+s31+$0x0], $0xffff  }
0x175: {  	v2 =	vld [tilespmem:s14+$0x18FA0]  }
0x176: {  	v3 =	vld [tilespmem:s14+$0x19FA0];
	_ =	sdelay $0x1  }
0x177: {  	v0 =	vmul.f32 $8.000000000e+00, v0;
	_ =	sdelay $0x1  }
0x178: {  	v0 =	vadd.f32 v1, v0;
	_ =	sdelay $0x1  }
0x179: {  	[tilespmem:s14+$0x1CF90] =	vst v0  }
0x17a: {  	v0 =	vld.idx.msk [tilespmem:v2+s1+$0x0], $0xffff  }
0x17b: {  	v1 =	vld.idx.msk [tilespmem:v3+s31+$0x0], $0xffff  }
0x17c: {  	v2 =	vld [tilespmem:s14+$0x18FB0]  }
0x17d: {  	v3 =	vld [tilespmem:s14+$0x19FB0];
	_ =	sdelay $0x1  }
0x17e: {  	v0 =	vmul.f32 $8.000000000e+00, v0;
	_ =	sdelay $0x1  }
0x17f: {  	v0 =	vadd.f32 v1, v0;
	_ =	sdelay $0x1  }
0x180: {  	[tilespmem:s14+$0x1CFA0] =	vst v0  }
0x181: {  	s9 =	smov.u32 s10;
	s15 =	simm.s32 $0x200;
	v1 =	vld.idx.msk [tilespmem:v2+s1+$0x0], $0xffff  }
0x182: {  	s16 =	simm.s32 $0x40;
	s22 =	smov.u32 s4;
	s10 =	smov.u32 s11;
	v0 =	vld.idx.msk [tilespmem:v3+s31+$0x0], $0xffff  }
.LBB2_8:
0x183: {  	p0 =	sne.s32 s15, $0x3F00;
	v2 =	vld [tilespmem:s16+$0x18F80]  }
0x184: {  	v3 =	vld [tilespmem:s16+$0x19F80];
	_ =	sdelay $0x1  }
0x185: {  	v1 =	vmul.f32 $8.000000000e+00, v1;
	_ =	sdelay $0x1  }
0x186: {  	v0 =	vadd.f32 v0, v1;
	_ =	sdelay $0x1  }
0x187: {  	[tilespmem:s14+$0x1CFB0] =	vst v0;
	s14 =	smov.u32 s16  }
0x188: {  	v0 =	vld.idx.msk [tilespmem:v2+s1+$0x0], $0xffff  }
0x189: {  	v1 =	vld.idx.msk [tilespmem:v3+s31+$0x0], $0xffff;
	_ =	sdelay $0x1  }
0x18a: {  	v2 =	vld [tilespmem:s14+$0x18F90];
	_ =	sdelay $0x1  }
0x18b: {  	v3 =	vld [tilespmem:s14+$0x19F90]  }
0x18c: {  	v0 =	vmul.f32 $8.000000000e+00, v0;
	_ =	sdelay $0x1  }
0x18d: {  	v0 =	vadd.f32 v1, v0;
	_ =	sdelay $0x1  }
0x18e: {  	[tilespmem:s14+$0x1CF80] =	vst v0  }
0x18f: {  	v0 =	vld.idx.msk [tilespmem:v2+s1+$0x0], $0xffff;
	_ =	sdelay $0x1  }
0x190: {  	v1 =	vld.idx.msk [tilespmem:v3+s31+$0x0], $0xffff  }
0x191: {  	v2 =	vld [tilespmem:s14+$0x18FA0];
	_ =	sdelay $0x1  }
0x192: {  	v3 =	vld [tilespmem:s14+$0x19FA0]  }
0x193: {  	v0 =	vmul.f32 $8.000000000e+00, v0;
	_ =	sdelay $0x1  }
0x194: {  	v0 =	vadd.f32 v1, v0;
	_ =	sdelay $0x1  }
0x195: {  	[tilespmem:s14+$0x1CF90] =	vst v0  }
0x196: {  	v0 =	vld.idx.msk [tilespmem:v2+s1+$0x0], $0xffff;
	_ =	sdelay $0x1  }
0x197: {  	v1 =	vld.idx.msk [tilespmem:v3+s31+$0x0], $0xffff  }
0x198: {  	v2 =	vld [tilespmem:s14+$0x18FB0]  }
0x199: {  	v3 =	vld [tilespmem:s14+$0x19FB0];
	_ =	sdelay $0x1  }
0x19a: {  	v0 =	vmul.f32 $8.000000000e+00, v0;
	_ =	sdelay $0x1  }
0x19b: {  	v0 =	vadd.f32 v1, v0  }
.Ltmp3:
0x19c: {  	(pc) =	sbr.rel @p0 .LBB2_8-.Ltmp3, $4  }
0x19d: {  	[tilespmem:s14+$0x1CFA0] =	vst v0  }
0x19e: {  	v1 =	vld.idx.msk [tilespmem:v2+s1+$0x0], $0xffff  }
0x19f: {  	v0 =	vld.idx.msk [tilespmem:v3+s31+$0x0], $0xffff  }
0x1a0: {  	s16 =	sshra.s32 s15, $0x2;
	s15 =	sadd.s32 $0x100, s15  }
0x1a1: {  	v2 =	vld [tilespmem:s16+$0x18F80]  }
0x1a2: {  	v3 =	vld [tilespmem:s16+$0x19F80];
	_ =	sdelay $0x1  }
0x1a3: {  	v1 =	vmul.f32 $8.000000000e+00, v1;
	_ =	sdelay $0x1  }
0x1a4: {  	v0 =	vadd.f32 v0, v1;
	_ =	sdelay $0x1  }
0x1a5: {  	[tilespmem:s14+$0x1CFB0] =	vst v0  }
0x1a6: {  	v0 =	vld.idx.msk [tilespmem:v2+s1+$0x0], $0xffff  }
0x1a7: {  	v1 =	vld.idx.msk [tilespmem:v3+s31+$0x0], $0xffff  }
0x1a8: {  	v2 =	vld [tilespmem:s16+$0x18F90]  }
0x1a9: {  	v3 =	vld [tilespmem:s16+$0x19F90];
	_ =	sdelay $0x1  }
0x1aa: {  	v0 =	vmul.f32 $8.000000000e+00, v0;
	_ =	sdelay $0x1  }
0x1ab: {  	v0 =	vadd.f32 v1, v0;
	_ =	sdelay $0x1  }
0x1ac: {  	[tilespmem:s16+$0x1CF80] =	vst v0  }
0x1ad: {  	v0 =	vld.idx.msk [tilespmem:v2+s1+$0x0], $0xffff  }
0x1ae: {  	v1 =	vld.idx.msk [tilespmem:v3+s31+$0x0], $0xffff  }
0x1af: {  	v2 =	vld [tilespmem:s16+$0x18FA0]  }
0x1b0: {  	v3 =	vld [tilespmem:s16+$0x19FA0];
	_ =	sdelay $0x1  }
0x1b1: {  	v0 =	vmul.f32 $8.000000000e+00, v0;
	_ =	sdelay $0x1  }
0x1b2: {  	v0 =	vadd.f32 v1, v0;
	_ =	sdelay $0x1  }
0x1b3: {  	[tilespmem:s16+$0x1CF90] =	vst v0  }
0x1b4: {  	v0 =	vld.idx.msk [tilespmem:v2+s1+$0x0], $0xffff  }
0x1b5: {  	v1 =	vld.idx.msk [tilespmem:v3+s31+$0x0], $0xffff  }
0x1b6: {  	v2 =	vld [tilespmem:s16+$0x18FB0];
	_ =	sdelay $0x1  }
0x1b7: {  	v3 =	vld [tilespmem:s16+$0x19FB0]  }
0x1b8: {  	v0 =	vmul.f32 $8.000000000e+00, v0;
	_ =	sdelay $0x1  }
0x1b9: {  	v0 =	vadd.f32 v1, v0;
	_ =	sdelay $0x1  }
0x1ba: {  	[tilespmem:s16+$0x1CFA0] =	vst v0  }
0x1bb: {  	v0 =	vld.idx.msk [tilespmem:v2+s1+$0x0], $0xffff;
	_ =	sdelay $0x1  }
0x1bc: {  	v1 =	vld.idx.msk [tilespmem:v3+s31+$0x0], $0xffff;
	_ =	sdelay $0x2  }
0x1bd: {  	v0 =	vmul.f32 $8.000000000e+00, v0;
	_ =	sdelay $0x1  }
0x1be: {  	v0 =	vadd.f32 v1, v0;
	_ =	sdelay $0x1  }
0x1bf: {  	s11 =	rddreg [dreg:$0xd];
	s4 =	simm.s32 $0x1CF80;
	[tilespmem:s16+$0x1CFB0] =	vst v0  }
0x1c0: {  	[hbm4b:s11+s29] =	stream.strided.scatter [tilespmem:s4], [sflag:$0x3], $0x800, s30, s29, $0x38;
	[tilespmem:$0x1FF80] =	vst v63  }
0x1c1: {  	s15 =	rddreg [dreg:$0xe];
	s16 =	simm.s32 $0x1D780  }
0x1c2: {  	[hbm4b:s15+s29] =	stream.strided.scatter [tilespmem:s16], [sflag:$0x3], $0x800, s30, s29, $0x38;
	[tilespmem:$0x1FF80] =	vst v63  }
0x1c3: {  	_ =	swait.ge [sflag:s6], $0x1000  }
0x1c4: {  	[sflag:s6] =	ssyncset.done $0x0  }
0x1c5: {  	[sflag:s6] =	ssyncadd.s32 $0xFFFFF000  }
0x1c6: {  	_ =	swait.ge [sflag:s6], $0x1000  }
0x1c7: {  	[sflag:s6] =	ssyncset.done $0x0  }
0x1c8: {  	[sflag:s6] =	ssyncadd.s32 $0xFFFFF000  }
0x1c9: {  	[tilespmem:s23], [sflag:$0x2] =	stream.linear.gather [spmem:s12], $0x1000, $0x38;
	[tilespmem:$0x1FF80] =	vst v63  }
0x1ca: {  	_ = 	snop  }
0x1cb: {  	[tilespmem:s24], [sflag:$0x2] =	stream.linear.gather [spmem:s13], $0x1000, $0x38;
	[tilespmem:$0x1FF80] =	vst v63  }
0x1cc: {  	_ =	swait.ge [sflag:s5], $0x800  }
0x1cd: {  	[sflag:s5] =	ssyncset.done $0x0  }
0x1ce: {  	[sflag:s5] =	ssyncadd.s32 $0xFFFFF800  }
0x1cf: {  	_ =	swait.ge [sflag:s5], $0x800  }
0x1d0: {  	[sflag:s5] =	ssyncset.done $0x0  }
0x1d1: {  	s14 =	simm.s32 $0x0;
	[sflag:s5] =	ssyncadd.s32 $0xFFFFF800  }
0x1d2: {  	v0 =	vld [tilespmem:s14+$0x1AF80];
	_ =	sdelay $0x1  }
0x1d3: {  	v1 =	vld [tilespmem:s14+$0x1BF80];
	_ =	sdelay $0x5  }
0x1d4: {  	v0 =	vld.idx.msk [tilespmem:v0+s1+$0x0], $0xffff  }
0x1d5: {  	v2 =	vld [tilespmem:s14+$0x1AF90]  }
0x1d6: {  	v1 =	vld.idx.msk [tilespmem:v1+s31+$0x0], $0xffff  }
0x1d7: {  	v3 =	vld [tilespmem:s14+$0x1BF90];
	_ =	sdelay $0x1  }
0x1d8: {  	v0 =	vmul.f32 $8.000000000e+00, v0;
	_ =	sdelay $0x1  }
0x1d9: {  	v0 =	vadd.f32 v1, v0;
	_ =	sdelay $0x1  }
0x1da: {  	[tilespmem:s14+$0x1DF80] =	vst v0  }
0x1db: {  	v0 =	vld.idx.msk [tilespmem:v2+s1+$0x0], $0xffff  }
0x1dc: {  	v1 =	vld.idx.msk [tilespmem:v3+s31+$0x0], $0xffff  }
0x1dd: {  	v2 =	vld [tilespmem:s14+$0x1AFA0]  }
0x1de: {  	v3 =	vld [tilespmem:s14+$0x1BFA0];
	_ =	sdelay $0x1  }
0x1df: {  	v0 =	vmul.f32 $8.000000000e+00, v0;
	_ =	sdelay $0x1  }
0x1e0: {  	v0 =	vadd.f32 v1, v0;
	_ =	sdelay $0x1  }
0x1e1: {  	[tilespmem:s14+$0x1DF90] =	vst v0  }
0x1e2: {  	v0 =	vld.idx.msk [tilespmem:v2+s1+$0x0], $0xffff  }
0x1e3: {  	v1 =	vld.idx.msk [tilespmem:v3+s31+$0x0], $0xffff  }
0x1e4: {  	v2 =	vld [tilespmem:s14+$0x1AFB0]  }
0x1e5: {  	v3 =	vld [tilespmem:s14+$0x1BFB0];
	_ =	sdelay $0x1  }
0x1e6: {  	v0 =	vmul.f32 $8.000000000e+00, v0;
	_ =	sdelay $0x1  }
0x1e7: {  	v0 =	vadd.f32 v1, v0;
	_ =	sdelay $0x1  }
0x1e8: {  	[tilespmem:s14+$0x1DFA0] =	vst v0  }
0x1e9: {  	s11 =	smov.u32 s12;
	s4 =	smov.u32 s0;
	v1 =	vld.idx.msk [tilespmem:v2+s1+$0x0], $0xffff  }
0x1ea: {  	s16 =	simm.s32 $0x40;
	s15 =	simm.s32 $0x200;
	s12 =	smov.u32 s13;
	v0 =	vld.idx.msk [tilespmem:v3+s31+$0x0], $0xffff  }
.LBB2_10:
0x1eb: {  	p0 =	sne.s32 s15, $0x3F00;
	v2 =	vld [tilespmem:s16+$0x1AF80]  }
0x1ec: {  	v3 =	vld [tilespmem:s16+$0x1BF80];
	_ =	sdelay $0x1  }
0x1ed: {  	v1 =	vmul.f32 $8.000000000e+00, v1;
	_ =	sdelay $0x1  }
0x1ee: {  	v0 =	vadd.f32 v0, v1;
	_ =	sdelay $0x1  }
0x1ef: {  	[tilespmem:s14+$0x1DFB0] =	vst v0;
	s14 =	smov.u32 s16  }
0x1f0: {  	v0 =	vld.idx.msk [tilespmem:v2+s1+$0x0], $0xffff  }
0x1f1: {  	v1 =	vld.idx.msk [tilespmem:v3+s31+$0x0], $0xffff;
	_ =	sdelay $0x1  }
0x1f2: {  	v2 =	vld [tilespmem:s14+$0x1AF90];
	_ =	sdelay $0x1  }
0x1f3: {  	v3 =	vld [tilespmem:s14+$0x1BF90]  }
0x1f4: {  	v0 =	vmul.f32 $8.000000000e+00, v0;
	_ =	sdelay $0x1  }
0x1f5: {  	v0 =	vadd.f32 v1, v0;
	_ =	sdelay $0x1  }
0x1f6: {  	[tilespmem:s14+$0x1DF80] =	vst v0  }
0x1f7: {  	v0 =	vld.idx.msk [tilespmem:v2+s1+$0x0], $0xffff;
	_ =	sdelay $0x1  }
0x1f8: {  	v1 =	vld.idx.msk [tilespmem:v3+s31+$0x0], $0xffff  }
0x1f9: {  	v2 =	vld [tilespmem:s14+$0x1AFA0];
	_ =	sdelay $0x1  }
0x1fa: {  	v3 =	vld [tilespmem:s14+$0x1BFA0]  }
0x1fb: {  	v0 =	vmul.f32 $8.000000000e+00, v0;
	_ =	sdelay $0x1  }
0x1fc: {  	v0 =	vadd.f32 v1, v0;
	_ =	sdelay $0x1  }
0x1fd: {  	[tilespmem:s14+$0x1DF90] =	vst v0  }
0x1fe: {  	v0 =	vld.idx.msk [tilespmem:v2+s1+$0x0], $0xffff;
	_ =	sdelay $0x1  }
0x1ff: {  	v1 =	vld.idx.msk [tilespmem:v3+s31+$0x0], $0xffff  }
0x200: {  	v2 =	vld [tilespmem:s14+$0x1AFB0]  }
0x201: {  	v3 =	vld [tilespmem:s14+$0x1BFB0];
	_ =	sdelay $0x1  }
0x202: {  	v0 =	vmul.f32 $8.000000000e+00, v0;
	_ =	sdelay $0x1  }
0x203: {  	v0 =	vadd.f32 v1, v0  }
.Ltmp4:
0x204: {  	(pc) =	sbr.rel @p0 .LBB2_10-.Ltmp4, $4  }
0x205: {  	[tilespmem:s14+$0x1DFA0] =	vst v0  }
0x206: {  	v1 =	vld.idx.msk [tilespmem:v2+s1+$0x0], $0xffff  }
0x207: {  	v0 =	vld.idx.msk [tilespmem:v3+s31+$0x0], $0xffff  }
0x208: {  	s16 =	sshra.s32 s15, $0x2;
	s15 =	sadd.s32 $0x100, s15  }
0x209: {  	v2 =	vld [tilespmem:s16+$0x1AF80]  }
0x20a: {  	v3 =	vld [tilespmem:s16+$0x1BF80];
	_ =	sdelay $0x1  }
0x20b: {  	v1 =	vmul.f32 $8.000000000e+00, v1;
	_ =	sdelay $0x1  }
0x20c: {  	v0 =	vadd.f32 v0, v1;
	_ =	sdelay $0x1  }
0x20d: {  	[tilespmem:s14+$0x1DFB0] =	vst v0  }
0x20e: {  	v0 =	vld.idx.msk [tilespmem:v2+s1+$0x0], $0xffff  }
0x20f: {  	v1 =	vld.idx.msk [tilespmem:v3+s31+$0x0], $0xffff  }
0x210: {  	v2 =	vld [tilespmem:s16+$0x1AF90]  }
0x211: {  	v3 =	vld [tilespmem:s16+$0x1BF90];
	_ =	sdelay $0x1  }
0x212: {  	v0 =	vmul.f32 $8.000000000e+00, v0;
	_ =	sdelay $0x1  }
0x213: {  	v0 =	vadd.f32 v1, v0;
	_ =	sdelay $0x1  }
0x214: {  	[tilespmem:s16+$0x1DF80] =	vst v0  }
0x215: {  	v0 =	vld.idx.msk [tilespmem:v2+s1+$0x0], $0xffff  }
0x216: {  	v1 =	vld.idx.msk [tilespmem:v3+s31+$0x0], $0xffff  }
0x217: {  	v2 =	vld [tilespmem:s16+$0x1AFA0]  }
0x218: {  	v3 =	vld [tilespmem:s16+$0x1BFA0];
	_ =	sdelay $0x1  }
0x219: {  	v0 =	vmul.f32 $8.000000000e+00, v0;
	_ =	sdelay $0x1  }
0x21a: {  	v0 =	vadd.f32 v1, v0;
	_ =	sdelay $0x1  }
0x21b: {  	[tilespmem:s16+$0x1DF90] =	vst v0  }
0x21c: {  	v0 =	vld.idx.msk [tilespmem:v2+s1+$0x0], $0xffff  }
0x21d: {  	v1 =	vld.idx.msk [tilespmem:v3+s31+$0x0], $0xffff  }
0x21e: {  	v2 =	vld [tilespmem:s16+$0x1AFB0];
	_ =	sdelay $0x1  }
0x21f: {  	v3 =	vld [tilespmem:s16+$0x1BFB0]  }
0x220: {  	v0 =	vmul.f32 $8.000000000e+00, v0;
	_ =	sdelay $0x1  }
0x221: {  	v0 =	vadd.f32 v1, v0;
	_ =	sdelay $0x1  }
0x222: {  	[tilespmem:s16+$0x1DFA0] =	vst v0  }
0x223: {  	v0 =	vld.idx.msk [tilespmem:v2+s1+$0x0], $0xffff;
	_ =	sdelay $0x1  }
0x224: {  	v1 =	vld.idx.msk [tilespmem:v3+s31+$0x0], $0xffff;
	_ =	sdelay $0x2  }
0x225: {  	v0 =	vmul.f32 $8.000000000e+00, v0;
	_ =	sdelay $0x1  }
0x226: {  	v0 =	vadd.f32 v1, v0;
	_ =	sdelay $0x1  }
0x227: {  	s13 =	rddreg [dreg:$0xf];
	s0 =	simm.s32 $0x1DF80;
	[tilespmem:s16+$0x1DFB0] =	vst v0  }
0x228: {  	[hbm4b:s13+s29] =	stream.strided.scatter [tilespmem:s0], [sflag:$0x3], $0x800, s30, s29, $0x38;
	[tilespmem:$0x1FF80] =	vst v63  }
0x229: {  	s15 =	rddreg [dreg:$0x10];
	s16 =	simm.s32 $0x1E780  }
0x22a: {  	[hbm4b:s15+s29] =	stream.strided.scatter [tilespmem:s16], [sflag:$0x3], $0x800, s30, s29, $0x38;
	[tilespmem:$0x1FF80] =	vst v63  }
0x22b: {  	_ =	swait.ge [sflag:s6], $0x1000  }
0x22c: {  	[sflag:s6] =	ssyncset.done $0x0  }
0x22d: {  	[sflag:s6] =	ssyncadd.s32 $0xFFFFF000  }
0x22e: {  	_ =	swait.ge [sflag:s6], $0x1000  }
0x22f: {  	[sflag:s6] =	ssyncset.done $0x0  }
0x230: {  	[sflag:s6] =	ssyncadd.s32 $0xFFFFF000  }
0x231: {  	[tilespmem:s26], [sflag:$0x2] =	stream.linear.gather [spmem:s2], $0x1000, $0x38;
	[tilespmem:$0x1FF80] =	vst v63  }
0x232: {  	_ = 	snop  }
0x233: {  	[tilespmem:s28], [sflag:$0x2] =	stream.linear.gather [spmem:s3], $0x1000, $0x38;
	[tilespmem:$0x1FF80] =	vst v63  }
0x234: {  	_ =	swait.ge [sflag:s5], $0x800  }
0x235: {  	[sflag:s5] =	ssyncset.done $0x0  }
0x236: {  	[sflag:s5] =	ssyncadd.s32 $0xFFFFF800  }
0x237: {  	_ =	swait.ge [sflag:s5], $0x800  }
0x238: {  	[sflag:s5] =	ssyncset.done $0x0  }
0x239: {  	s14 =	simm.s32 $0x0;
	[sflag:s5] =	ssyncadd.s32 $0xFFFFF800  }
0x23a: {  	v0 =	vld [tilespmem:s14+$0x18F80];
	_ =	sdelay $0x1  }
0x23b: {  	v1 =	vld [tilespmem:s14+$0x19F80];
	_ =	sdelay $0x5  }
0x23c: {  	v0 =	vld.idx.msk [tilespmem:v0+s1+$0x0], $0xffff  }
0x23d: {  	v2 =	vld [tilespmem:s14+$0x18F90]  }
0x23e: {  	v1 =	vld.idx.msk [tilespmem:v1+s31+$0x0], $0xffff  }
0x23f: {  	v3 =	vld [tilespmem:s14+$0x19F90];
	_ =	sdelay $0x1  }
0x240: {  	v0 =	vmul.f32 $8.000000000e+00, v0;
	_ =	sdelay $0x1  }
0x241: {  	v0 =	vadd.f32 v1, v0;
	_ =	sdelay $0x1  }
0x242: {  	[tilespmem:s14+$0x1CF80] =	vst v0  }
0x243: {  	v0 =	vld.idx.msk [tilespmem:v2+s1+$0x0], $0xffff  }
0x244: {  	v1 =	vld.idx.msk [tilespmem:v3+s31+$0x0], $0xffff  }
0x245: {  	v2 =	vld [tilespmem:s14+$0x18FA0]  }
0x246: {  	v3 =	vld [tilespmem:s14+$0x19FA0];
	_ =	sdelay $0x1  }
0x247: {  	v0 =	vmul.f32 $8.000000000e+00, v0;
	_ =	sdelay $0x1  }
0x248: {  	v0 =	vadd.f32 v1, v0;
	_ =	sdelay $0x1  }
0x249: {  	[tilespmem:s14+$0x1CF90] =	vst v0  }
0x24a: {  	v0 =	vld.idx.msk [tilespmem:v2+s1+$0x0], $0xffff  }
0x24b: {  	v1 =	vld.idx.msk [tilespmem:v3+s31+$0x0], $0xffff  }
0x24c: {  	v2 =	vld [tilespmem:s14+$0x18FB0]  }
0x24d: {  	v3 =	vld [tilespmem:s14+$0x19FB0];
	_ =	sdelay $0x1  }
0x24e: {  	v0 =	vmul.f32 $8.000000000e+00, v0;
	_ =	sdelay $0x1  }
0x24f: {  	v0 =	vadd.f32 v1, v0;
	_ =	sdelay $0x1  }
0x250: {  	[tilespmem:s14+$0x1CFA0] =	vst v0  }
0x251: {  	s13 =	smov.u32 s2;
	v1 =	vld.idx.msk [tilespmem:v2+s1+$0x0], $0xffff  }
0x252: {  	s16 =	simm.s32 $0x40;
	s15 =	simm.s32 $0x200;
	s2 =	smov.u32 s3;
	v0 =	vld.idx.msk [tilespmem:v3+s31+$0x0], $0xffff  }
.LBB2_12:
0x253: {  	p0 =	sne.s32 s15, $0x3F00;
	v2 =	vld [tilespmem:s16+$0x18F80]  }
0x254: {  	v3 =	vld [tilespmem:s16+$0x19F80];
	_ =	sdelay $0x1  }
0x255: {  	v1 =	vmul.f32 $8.000000000e+00, v1;
	_ =	sdelay $0x1  }
0x256: {  	v0 =	vadd.f32 v0, v1;
	_ =	sdelay $0x1  }
0x257: {  	[tilespmem:s14+$0x1CFB0] =	vst v0;
	s14 =	smov.u32 s16  }
0x258: {  	v0 =	vld.idx.msk [tilespmem:v2+s1+$0x0], $0xffff  }
0x259: {  	v1 =	vld.idx.msk [tilespmem:v3+s31+$0x0], $0xffff;
	_ =	sdelay $0x1  }
0x25a: {  	v2 =	vld [tilespmem:s14+$0x18F90];
	_ =	sdelay $0x1  }
0x25b: {  	v3 =	vld [tilespmem:s14+$0x19F90]  }
0x25c: {  	v0 =	vmul.f32 $8.000000000e+00, v0;
	_ =	sdelay $0x1  }
0x25d: {  	v0 =	vadd.f32 v1, v0;
	_ =	sdelay $0x1  }
0x25e: {  	[tilespmem:s14+$0x1CF80] =	vst v0  }
0x25f: {  	v0 =	vld.idx.msk [tilespmem:v2+s1+$0x0], $0xffff;
	_ =	sdelay $0x1  }
0x260: {  	v1 =	vld.idx.msk [tilespmem:v3+s31+$0x0], $0xffff  }
0x261: {  	v2 =	vld [tilespmem:s14+$0x18FA0];
	_ =	sdelay $0x1  }
0x262: {  	v3 =	vld [tilespmem:s14+$0x19FA0]  }
0x263: {  	v0 =	vmul.f32 $8.000000000e+00, v0;
	_ =	sdelay $0x1  }
0x264: {  	v0 =	vadd.f32 v1, v0;
	_ =	sdelay $0x1  }
0x265: {  	[tilespmem:s14+$0x1CF90] =	vst v0  }
0x266: {  	v0 =	vld.idx.msk [tilespmem:v2+s1+$0x0], $0xffff;
	_ =	sdelay $0x1  }
0x267: {  	v1 =	vld.idx.msk [tilespmem:v3+s31+$0x0], $0xffff  }
0x268: {  	v2 =	vld [tilespmem:s14+$0x18FB0]  }
0x269: {  	v3 =	vld [tilespmem:s14+$0x19FB0];
	_ =	sdelay $0x1  }
0x26a: {  	v0 =	vmul.f32 $8.000000000e+00, v0;
	_ =	sdelay $0x1  }
0x26b: {  	v0 =	vadd.f32 v1, v0  }
.Ltmp5:
0x26c: {  	(pc) =	sbr.rel @p0 .LBB2_12-.Ltmp5, $4  }
0x26d: {  	[tilespmem:s14+$0x1CFA0] =	vst v0  }
0x26e: {  	v1 =	vld.idx.msk [tilespmem:v2+s1+$0x0], $0xffff  }
0x26f: {  	v0 =	vld.idx.msk [tilespmem:v3+s31+$0x0], $0xffff  }
0x270: {  	s16 =	sshra.s32 s15, $0x2;
	s15 =	sadd.s32 $0x100, s15  }
0x271: {  	v2 =	vld [tilespmem:s16+$0x18F80]  }
0x272: {  	v3 =	vld [tilespmem:s16+$0x19F80];
	_ =	sdelay $0x1  }
0x273: {  	v1 =	vmul.f32 $8.000000000e+00, v1;
	_ =	sdelay $0x1  }
0x274: {  	v0 =	vadd.f32 v0, v1;
	_ =	sdelay $0x1  }
0x275: {  	[tilespmem:s14+$0x1CFB0] =	vst v0  }
0x276: {  	v0 =	vld.idx.msk [tilespmem:v2+s1+$0x0], $0xffff  }
0x277: {  	v1 =	vld.idx.msk [tilespmem:v3+s31+$0x0], $0xffff  }
0x278: {  	v2 =	vld [tilespmem:s16+$0x18F90]  }
0x279: {  	v3 =	vld [tilespmem:s16+$0x19F90];
	_ =	sdelay $0x1  }
0x27a: {  	v0 =	vmul.f32 $8.000000000e+00, v0;
	_ =	sdelay $0x1  }
0x27b: {  	v0 =	vadd.f32 v1, v0;
	_ =	sdelay $0x1  }
0x27c: {  	[tilespmem:s16+$0x1CF80] =	vst v0  }
0x27d: {  	v0 =	vld.idx.msk [tilespmem:v2+s1+$0x0], $0xffff  }
0x27e: {  	v1 =	vld.idx.msk [tilespmem:v3+s31+$0x0], $0xffff  }
0x27f: {  	v2 =	vld [tilespmem:s16+$0x18FA0]  }
0x280: {  	v3 =	vld [tilespmem:s16+$0x19FA0];
	_ =	sdelay $0x1  }
0x281: {  	v0 =	vmul.f32 $8.000000000e+00, v0;
	_ =	sdelay $0x1  }
0x282: {  	v0 =	vadd.f32 v1, v0;
	_ =	sdelay $0x1  }
0x283: {  	[tilespmem:s16+$0x1CF90] =	vst v0  }
0x284: {  	v0 =	vld.idx.msk [tilespmem:v2+s1+$0x0], $0xffff  }
0x285: {  	v1 =	vld.idx.msk [tilespmem:v3+s31+$0x0], $0xffff  }
0x286: {  	v2 =	vld [tilespmem:s16+$0x18FB0];
	_ =	sdelay $0x1  }
0x287: {  	v3 =	vld [tilespmem:s16+$0x19FB0]  }
0x288: {  	v0 =	vmul.f32 $8.000000000e+00, v0;
	_ =	sdelay $0x1  }
0x289: {  	v0 =	vadd.f32 v1, v0;
	_ =	sdelay $0x1  }
0x28a: {  	[tilespmem:s16+$0x1CFA0] =	vst v0  }
0x28b: {  	v0 =	vld.idx.msk [tilespmem:v2+s1+$0x0], $0xffff;
	_ =	sdelay $0x1  }
0x28c: {  	v1 =	vld.idx.msk [tilespmem:v3+s31+$0x0], $0xffff;
	_ =	sdelay $0x2  }
0x28d: {  	v0 =	vmul.f32 $8.000000000e+00, v0;
	_ =	sdelay $0x1  }
0x28e: {  	v0 =	vadd.f32 v1, v0;
	_ =	sdelay $0x1  }
0x28f: {  	s3 =	rddreg [dreg:$0x11];
	s0 =	simm.s32 $0x1CF80;
	[tilespmem:s16+$0x1CFB0] =	vst v0  }
0x290: {  	[hbm4b:s3+s29] =	stream.strided.scatter [tilespmem:s0], [sflag:$0x3], $0x800, s30, s29, $0x38;
	[tilespmem:$0x1FF80] =	vst v63  }
0x291: {  	s15 =	rddreg [dreg:$0x12];
	s16 =	simm.s32 $0x1D780  }
0x292: {  	[hbm4b:s15+s29] =	stream.strided.scatter [tilespmem:s16], [sflag:$0x3], $0x800, s30, s29, $0x38;
	[tilespmem:$0x1FF80] =	vst v63  }
0x293: {  	_ =	swait.ge [sflag:s6], $0x1000  }
0x294: {  	[sflag:s6] =	ssyncset.done $0x0  }
0x295: {  	[sflag:s6] =	ssyncadd.s32 $0xFFFFF000  }
0x296: {  	_ =	swait.ge [sflag:s6], $0x1000  }
0x297: {  	s0 =	sld [smem:$0x7FD]  }
0x298: {  	[sflag:s6] =	ssyncset.done $0x0  }
0x299: {  	s3 =	sld [smem:$0x7FC];
	[sflag:s6] =	ssyncadd.s32 $0xFFFFF000  }
0x29a: {  	[tilespmem:s23], [sflag:$0x2] =	stream.linear.gather [spmem:s0], $0x1000, $0x38;
	[tilespmem:$0x1FF80] =	vst v63  }
0x29b: {  	_ = 	snop  }
0x29c: {  	[tilespmem:s24], [sflag:$0x2] =	stream.linear.gather [spmem:s3], $0x1000, $0x38;
	[tilespmem:$0x1FF80] =	vst v63  }
0x29d: {  	_ =	swait.ge [sflag:s5], $0x800  }
0x29e: {  	[sflag:s5] =	ssyncset.done $0x0  }
0x29f: {  	[sflag:s5] =	ssyncadd.s32 $0xFFFFF800  }
0x2a0: {  	_ =	swait.ge [sflag:s5], $0x800  }
0x2a1: {  	[sflag:s5] =	ssyncset.done $0x0  }
0x2a2: {  	s14 =	simm.s32 $0x0;
	[sflag:s5] =	ssyncadd.s32 $0xFFFFF800  }
0x2a3: {  	v0 =	vld [tilespmem:s14+$0x1AF80];
	_ =	sdelay $0x1  }
0x2a4: {  	v1 =	vld [tilespmem:s14+$0x1BF80];
	_ =	sdelay $0x5  }
0x2a5: {  	v0 =	vld.idx.msk [tilespmem:v0+s1+$0x0], $0xffff  }
0x2a6: {  	v2 =	vld [tilespmem:s14+$0x1AF90]  }
0x2a7: {  	v1 =	vld.idx.msk [tilespmem:v1+s31+$0x0], $0xffff  }
0x2a8: {  	v3 =	vld [tilespmem:s14+$0x1BF90];
	_ =	sdelay $0x1  }
0x2a9: {  	v0 =	vmul.f32 $8.000000000e+00, v0;
	_ =	sdelay $0x1  }
0x2aa: {  	v0 =	vadd.f32 v1, v0;
	_ =	sdelay $0x1  }
0x2ab: {  	[tilespmem:s14+$0x1DF80] =	vst v0  }
0x2ac: {  	v0 =	vld.idx.msk [tilespmem:v2+s1+$0x0], $0xffff  }
0x2ad: {  	v1 =	vld.idx.msk [tilespmem:v3+s31+$0x0], $0xffff  }
0x2ae: {  	v2 =	vld [tilespmem:s14+$0x1AFA0]  }
0x2af: {  	v3 =	vld [tilespmem:s14+$0x1BFA0];
	_ =	sdelay $0x1  }
0x2b0: {  	v0 =	vmul.f32 $8.000000000e+00, v0;
	_ =	sdelay $0x1  }
0x2b1: {  	v0 =	vadd.f32 v1, v0;
	_ =	sdelay $0x1  }
0x2b2: {  	[tilespmem:s14+$0x1DF90] =	vst v0  }
0x2b3: {  	v0 =	vld.idx.msk [tilespmem:v2+s1+$0x0], $0xffff  }
0x2b4: {  	v1 =	vld.idx.msk [tilespmem:v3+s31+$0x0], $0xffff  }
0x2b5: {  	v2 =	vld [tilespmem:s14+$0x1AFB0]  }
0x2b6: {  	v3 =	vld [tilespmem:s14+$0x1BFB0];
	_ =	sdelay $0x1  }
0x2b7: {  	v0 =	vmul.f32 $8.000000000e+00, v0;
	_ =	sdelay $0x1  }
0x2b8: {  	v0 =	vadd.f32 v1, v0;
	_ =	sdelay $0x1  }
0x2b9: {  	[tilespmem:s14+$0x1DFA0] =	vst v0  }
0x2ba: {  	v1 =	vld.idx.msk [tilespmem:v2+s1+$0x0], $0xffff  }
0x2bb: {  	s16 =	simm.s32 $0x40;
	s15 =	simm.s32 $0x200;
	v0 =	vld.idx.msk [tilespmem:v3+s31+$0x0], $0xffff  }
.LBB2_14:
0x2bc: {  	p0 =	sne.s32 s15, $0x3F00;
	v2 =	vld [tilespmem:s16+$0x1AF80]  }
0x2bd: {  	v3 =	vld [tilespmem:s16+$0x1BF80];
	_ =	sdelay $0x1  }
0x2be: {  	v1 =	vmul.f32 $8.000000000e+00, v1;
	_ =	sdelay $0x1  }
0x2bf: {  	v0 =	vadd.f32 v0, v1;
	_ =	sdelay $0x1  }
0x2c0: {  	[tilespmem:s14+$0x1DFB0] =	vst v0;
	s14 =	smov.u32 s16  }
0x2c1: {  	v0 =	vld.idx.msk [tilespmem:v2+s1+$0x0], $0xffff  }
0x2c2: {  	v1 =	vld.idx.msk [tilespmem:v3+s31+$0x0], $0xffff;
	_ =	sdelay $0x1  }
0x2c3: {  	v2 =	vld [tilespmem:s14+$0x1AF90];
	_ =	sdelay $0x1  }
0x2c4: {  	v3 =	vld [tilespmem:s14+$0x1BF90]  }
0x2c5: {  	v0 =	vmul.f32 $8.000000000e+00, v0;
	_ =	sdelay $0x1  }
0x2c6: {  	v0 =	vadd.f32 v1, v0;
	_ =	sdelay $0x1  }
0x2c7: {  	[tilespmem:s14+$0x1DF80] =	vst v0  }
0x2c8: {  	v0 =	vld.idx.msk [tilespmem:v2+s1+$0x0], $0xffff;
	_ =	sdelay $0x1  }
0x2c9: {  	v1 =	vld.idx.msk [tilespmem:v3+s31+$0x0], $0xffff  }
0x2ca: {  	v2 =	vld [tilespmem:s14+$0x1AFA0];
	_ =	sdelay $0x1  }
0x2cb: {  	v3 =	vld [tilespmem:s14+$0x1BFA0]  }
0x2cc: {  	v0 =	vmul.f32 $8.000000000e+00, v0;
	_ =	sdelay $0x1  }
0x2cd: {  	v0 =	vadd.f32 v1, v0;
	_ =	sdelay $0x1  }
0x2ce: {  	[tilespmem:s14+$0x1DF90] =	vst v0  }
0x2cf: {  	v0 =	vld.idx.msk [tilespmem:v2+s1+$0x0], $0xffff;
	_ =	sdelay $0x1  }
0x2d0: {  	v1 =	vld.idx.msk [tilespmem:v3+s31+$0x0], $0xffff  }
0x2d1: {  	v2 =	vld [tilespmem:s14+$0x1AFB0]  }
0x2d2: {  	v3 =	vld [tilespmem:s14+$0x1BFB0];
	_ =	sdelay $0x1  }
0x2d3: {  	v0 =	vmul.f32 $8.000000000e+00, v0;
	_ =	sdelay $0x1  }
0x2d4: {  	v0 =	vadd.f32 v1, v0  }
.Ltmp6:
0x2d5: {  	(pc) =	sbr.rel @p0 .LBB2_14-.Ltmp6, $4  }
0x2d6: {  	[tilespmem:s14+$0x1DFA0] =	vst v0  }
0x2d7: {  	v1 =	vld.idx.msk [tilespmem:v2+s1+$0x0], $0xffff  }
0x2d8: {  	v0 =	vld.idx.msk [tilespmem:v3+s31+$0x0], $0xffff  }
0x2d9: {  	s16 =	sshra.s32 s15, $0x2;
	s15 =	sadd.s32 $0x100, s15  }
0x2da: {  	v2 =	vld [tilespmem:s16+$0x1AF80]  }
0x2db: {  	v3 =	vld [tilespmem:s16+$0x1BF80];
	_ =	sdelay $0x1  }
0x2dc: {  	v1 =	vmul.f32 $8.000000000e+00, v1;
	_ =	sdelay $0x1  }
0x2dd: {  	v0 =	vadd.f32 v0, v1;
	_ =	sdelay $0x1  }
0x2de: {  	[tilespmem:s14+$0x1DFB0] =	vst v0  }
0x2df: {  	v0 =	vld.idx.msk [tilespmem:v2+s1+$0x0], $0xffff  }
0x2e0: {  	v1 =	vld.idx.msk [tilespmem:v3+s31+$0x0], $0xffff  }
0x2e1: {  	v2 =	vld [tilespmem:s16+$0x1AF90]  }
0x2e2: {  	v3 =	vld [tilespmem:s16+$0x1BF90];
	_ =	sdelay $0x1  }
0x2e3: {  	v0 =	vmul.f32 $8.000000000e+00, v0;
	_ =	sdelay $0x1  }
0x2e4: {  	v0 =	vadd.f32 v1, v0;
	_ =	sdelay $0x1  }
0x2e5: {  	[tilespmem:s16+$0x1DF80] =	vst v0  }
0x2e6: {  	v0 =	vld.idx.msk [tilespmem:v2+s1+$0x0], $0xffff  }
0x2e7: {  	v1 =	vld.idx.msk [tilespmem:v3+s31+$0x0], $0xffff  }
0x2e8: {  	v2 =	vld [tilespmem:s16+$0x1AFA0]  }
0x2e9: {  	v3 =	vld [tilespmem:s16+$0x1BFA0];
	_ =	sdelay $0x1  }
0x2ea: {  	v0 =	vmul.f32 $8.000000000e+00, v0;
	_ =	sdelay $0x1  }
0x2eb: {  	v0 =	vadd.f32 v1, v0;
	_ =	sdelay $0x1  }
0x2ec: {  	[tilespmem:s16+$0x1DF90] =	vst v0  }
0x2ed: {  	v0 =	vld.idx.msk [tilespmem:v2+s1+$0x0], $0xffff  }
0x2ee: {  	v1 =	vld.idx.msk [tilespmem:v3+s31+$0x0], $0xffff  }
0x2ef: {  	v2 =	vld [tilespmem:s16+$0x1AFB0];
	_ =	sdelay $0x1  }
0x2f0: {  	v3 =	vld [tilespmem:s16+$0x1BFB0]  }
0x2f1: {  	v0 =	vmul.f32 $8.000000000e+00, v0;
	_ =	sdelay $0x1  }
0x2f2: {  	v0 =	vadd.f32 v1, v0;
	_ =	sdelay $0x1  }
0x2f3: {  	[tilespmem:s16+$0x1DFA0] =	vst v0  }
0x2f4: {  	v0 =	vld.idx.msk [tilespmem:v2+s1+$0x0], $0xffff;
	_ =	sdelay $0x1  }
0x2f5: {  	v1 =	vld.idx.msk [tilespmem:v3+s31+$0x0], $0xffff;
	_ =	sdelay $0x2  }
0x2f6: {  	v0 =	vmul.f32 $8.000000000e+00, v0;
	_ =	sdelay $0x1  }
0x2f7: {  	v0 =	vadd.f32 v1, v0;
	_ =	sdelay $0x1  }
0x2f8: {  	s15 =	simm.s32 $0x1DF80;
	[tilespmem:s16+$0x1DFB0] =	vst v0;
	s16 =	rddreg [dreg:$0x13]  }
0x2f9: {  	[hbm4b:s16+s29] =	stream.strided.scatter [tilespmem:s15], [sflag:$0x3], $0x800, s30, s29, $0x38;
	[tilespmem:$0x1FF80] =	vst v63  }
0x2fa: {  	s15 =	rddreg [dreg:$0x14];
	s16 =	simm.s32 $0x1E780  }
0x2fb: {  	[hbm4b:s15+s29] =	stream.strided.scatter [tilespmem:s16], [sflag:$0x3], $0x800, s30, s29, $0x38;
	[tilespmem:$0x1FF80] =	vst v63  }
0x2fc: {  	_ =	swait.ge [sflag:s6], $0x1000  }
0x2fd: {  	[sflag:s6] =	ssyncset.done $0x0  }
0x2fe: {  	[sflag:s6] =	ssyncadd.s32 $0xFFFFF000  }
0x2ff: {  	_ =	swait.ge [sflag:s6], $0x1000  }
0x300: {  	[sflag:s6] =	ssyncset.done $0x0  }
0x301: {  	[sflag:s6] =	ssyncadd.s32 $0xFFFFF000  }
0x302: {  	[tilespmem:s26], [sflag:$0x2] =	stream.linear.gather [spmem:s22], $0x1000, $0x38;
	[tilespmem:$0x1FF80] =	vst v63  }
0x303: {  	_ = 	snop  }
0x304: {  	[tilespmem:s28], [sflag:$0x2] =	stream.linear.gather [spmem:s4], $0x1000, $0x38;
	[tilespmem:$0x1FF80] =	vst v63  }
0x305: {  	_ =	swait.ge [sflag:s5], $0x800  }
0x306: {  	[sflag:s5] =	ssyncset.done $0x0  }
0x307: {  	[sflag:s5] =	ssyncadd.s32 $0xFFFFF800  }
0x308: {  	_ =	swait.ge [sflag:s5], $0x800  }
0x309: {  	[sflag:s5] =	ssyncset.done $0x0  }
0x30a: {  	s14 =	simm.s32 $0x0;
	[sflag:s5] =	ssyncadd.s32 $0xFFFFF800  }
0x30b: {  	v0 =	vld [tilespmem:s14+$0x18F80];
	_ =	sdelay $0x1  }
0x30c: {  	v1 =	vld [tilespmem:s14+$0x19F80];
	_ =	sdelay $0x5  }
0x30d: {  	v0 =	vld.idx.msk [tilespmem:v0+s1+$0x0], $0xffff  }
0x30e: {  	v2 =	vld [tilespmem:s14+$0x18F90]  }
0x30f: {  	v1 =	vld.idx.msk [tilespmem:v1+s31+$0x0], $0xffff  }
0x310: {  	v3 =	vld [tilespmem:s14+$0x19F90];
	_ =	sdelay $0x1  }
0x311: {  	v0 =	vmul.f32 $8.000000000e+00, v0;
	_ =	sdelay $0x1  }
0x312: {  	v0 =	vadd.f32 v1, v0;
	_ =	sdelay $0x1  }
0x313: {  	[tilespmem:s14+$0x1CF80] =	vst v0  }
0x314: {  	v0 =	vld.idx.msk [tilespmem:v2+s1+$0x0], $0xffff  }
0x315: {  	v1 =	vld.idx.msk [tilespmem:v3+s31+$0x0], $0xffff  }
0x316: {  	v2 =	vld [tilespmem:s14+$0x18FA0]  }
0x317: {  	v3 =	vld [tilespmem:s14+$0x19FA0];
	_ =	sdelay $0x1  }
0x318: {  	v0 =	vmul.f32 $8.000000000e+00, v0;
	_ =	sdelay $0x1  }
0x319: {  	v0 =	vadd.f32 v1, v0;
	_ =	sdelay $0x1  }
0x31a: {  	[tilespmem:s14+$0x1CF90] =	vst v0  }
0x31b: {  	v0 =	vld.idx.msk [tilespmem:v2+s1+$0x0], $0xffff  }
0x31c: {  	v1 =	vld.idx.msk [tilespmem:v3+s31+$0x0], $0xffff  }
0x31d: {  	v2 =	vld [tilespmem:s14+$0x18FB0]  }
0x31e: {  	v3 =	vld [tilespmem:s14+$0x19FB0];
	_ =	sdelay $0x1  }
0x31f: {  	v0 =	vmul.f32 $8.000000000e+00, v0;
	_ =	sdelay $0x1  }
0x320: {  	v0 =	vadd.f32 v1, v0;
	_ =	sdelay $0x1  }
0x321: {  	[tilespmem:s14+$0x1CFA0] =	vst v0  }
0x322: {  	v1 =	vld.idx.msk [tilespmem:v2+s1+$0x0], $0xffff  }
0x323: {  	s16 =	simm.s32 $0x40;
	s15 =	simm.s32 $0x200;
	v0 =	vld.idx.msk [tilespmem:v3+s31+$0x0], $0xffff  }
.LBB2_16:
0x324: {  	p0 =	sne.s32 s15, $0x3F00;
	v2 =	vld [tilespmem:s16+$0x18F80]  }
0x325: {  	v3 =	vld [tilespmem:s16+$0x19F80];
	_ =	sdelay $0x1  }
0x326: {  	v1 =	vmul.f32 $8.000000000e+00, v1;
	_ =	sdelay $0x1  }
0x327: {  	v0 =	vadd.f32 v0, v1;
	_ =	sdelay $0x1  }
0x328: {  	[tilespmem:s14+$0x1CFB0] =	vst v0;
	s14 =	smov.u32 s16  }
0x329: {  	v0 =	vld.idx.msk [tilespmem:v2+s1+$0x0], $0xffff  }
0x32a: {  	v1 =	vld.idx.msk [tilespmem:v3+s31+$0x0], $0xffff;
	_ =	sdelay $0x1  }
0x32b: {  	v2 =	vld [tilespmem:s14+$0x18F90];
	_ =	sdelay $0x1  }
0x32c: {  	v3 =	vld [tilespmem:s14+$0x19F90]  }
0x32d: {  	v0 =	vmul.f32 $8.000000000e+00, v0;
	_ =	sdelay $0x1  }
0x32e: {  	v0 =	vadd.f32 v1, v0;
	_ =	sdelay $0x1  }
0x32f: {  	[tilespmem:s14+$0x1CF80] =	vst v0  }
0x330: {  	v0 =	vld.idx.msk [tilespmem:v2+s1+$0x0], $0xffff;
	_ =	sdelay $0x1  }
0x331: {  	v1 =	vld.idx.msk [tilespmem:v3+s31+$0x0], $0xffff  }
0x332: {  	v2 =	vld [tilespmem:s14+$0x18FA0];
	_ =	sdelay $0x1  }
0x333: {  	v3 =	vld [tilespmem:s14+$0x19FA0]  }
0x334: {  	v0 =	vmul.f32 $8.000000000e+00, v0;
	_ =	sdelay $0x1  }
0x335: {  	v0 =	vadd.f32 v1, v0;
	_ =	sdelay $0x1  }
0x336: {  	[tilespmem:s14+$0x1CF90] =	vst v0  }
0x337: {  	v0 =	vld.idx.msk [tilespmem:v2+s1+$0x0], $0xffff;
	_ =	sdelay $0x1  }
0x338: {  	v1 =	vld.idx.msk [tilespmem:v3+s31+$0x0], $0xffff  }
0x339: {  	v2 =	vld [tilespmem:s14+$0x18FB0]  }
0x33a: {  	v3 =	vld [tilespmem:s14+$0x19FB0];
	_ =	sdelay $0x1  }
0x33b: {  	v0 =	vmul.f32 $8.000000000e+00, v0;
	_ =	sdelay $0x1  }
0x33c: {  	v0 =	vadd.f32 v1, v0  }
.Ltmp7:
0x33d: {  	(pc) =	sbr.rel @p0 .LBB2_16-.Ltmp7, $4  }
0x33e: {  	[tilespmem:s14+$0x1CFA0] =	vst v0  }
0x33f: {  	v1 =	vld.idx.msk [tilespmem:v2+s1+$0x0], $0xffff  }
0x340: {  	v0 =	vld.idx.msk [tilespmem:v3+s31+$0x0], $0xffff  }
0x341: {  	s16 =	sshra.s32 s15, $0x2;
	s15 =	sadd.s32 $0x100, s15  }
0x342: {  	v2 =	vld [tilespmem:s16+$0x18F80]  }
0x343: {  	v3 =	vld [tilespmem:s16+$0x19F80];
	_ =	sdelay $0x1  }
0x344: {  	v1 =	vmul.f32 $8.000000000e+00, v1;
	_ =	sdelay $0x1  }
0x345: {  	v0 =	vadd.f32 v0, v1;
	_ =	sdelay $0x1  }
0x346: {  	[tilespmem:s14+$0x1CFB0] =	vst v0  }
0x347: {  	v0 =	vld.idx.msk [tilespmem:v2+s1+$0x0], $0xffff  }
0x348: {  	v1 =	vld.idx.msk [tilespmem:v3+s31+$0x0], $0xffff  }
0x349: {  	v2 =	vld [tilespmem:s16+$0x18F90]  }
0x34a: {  	v3 =	vld [tilespmem:s16+$0x19F90];
	_ =	sdelay $0x1  }
0x34b: {  	v0 =	vmul.f32 $8.000000000e+00, v0;
	_ =	sdelay $0x1  }
0x34c: {  	v0 =	vadd.f32 v1, v0;
	_ =	sdelay $0x1  }
0x34d: {  	[tilespmem:s16+$0x1CF80] =	vst v0  }
0x34e: {  	v0 =	vld.idx.msk [tilespmem:v2+s1+$0x0], $0xffff  }
0x34f: {  	v1 =	vld.idx.msk [tilespmem:v3+s31+$0x0], $0xffff  }
0x350: {  	v2 =	vld [tilespmem:s16+$0x18FA0]  }
0x351: {  	v3 =	vld [tilespmem:s16+$0x19FA0];
	_ =	sdelay $0x1  }
0x352: {  	v0 =	vmul.f32 $8.000000000e+00, v0;
	_ =	sdelay $0x1  }
0x353: {  	v0 =	vadd.f32 v1, v0;
	_ =	sdelay $0x1  }
0x354: {  	[tilespmem:s16+$0x1CF90] =	vst v0  }
0x355: {  	v0 =	vld.idx.msk [tilespmem:v2+s1+$0x0], $0xffff  }
0x356: {  	v1 =	vld.idx.msk [tilespmem:v3+s31+$0x0], $0xffff  }
0x357: {  	v2 =	vld [tilespmem:s16+$0x18FB0];
	_ =	sdelay $0x1  }
0x358: {  	v3 =	vld [tilespmem:s16+$0x19FB0]  }
0x359: {  	v0 =	vmul.f32 $8.000000000e+00, v0;
	_ =	sdelay $0x1  }
0x35a: {  	v0 =	vadd.f32 v1, v0;
	_ =	sdelay $0x1  }
0x35b: {  	[tilespmem:s16+$0x1CFA0] =	vst v0  }
0x35c: {  	v0 =	vld.idx.msk [tilespmem:v2+s1+$0x0], $0xffff;
	_ =	sdelay $0x1  }
0x35d: {  	v1 =	vld.idx.msk [tilespmem:v3+s31+$0x0], $0xffff;
	_ =	sdelay $0x2  }
0x35e: {  	v0 =	vmul.f32 $8.000000000e+00, v0;
	_ =	sdelay $0x1  }
0x35f: {  	v0 =	vadd.f32 v1, v0;
	_ =	sdelay $0x1  }
0x360: {  	s15 =	simm.s32 $0x1CF80;
	[tilespmem:s16+$0x1CFB0] =	vst v0;
	s16 =	rddreg [dreg:$0x17]  }
0x361: {  	[hbm4b:s16+s29] =	stream.strided.scatter [tilespmem:s15], [sflag:$0x3], $0x800, s30, s29, $0x38;
	[tilespmem:$0x1FF80] =	vst v63  }
0x362: {  	s15 =	rddreg [dreg:$0x18];
	s16 =	simm.s32 $0x1D780  }
0x363: {  	[hbm4b:s15+s29] =	stream.strided.scatter [tilespmem:s16], [sflag:$0x3], $0x800, s30, s29, $0x38;
	[tilespmem:$0x1FF80] =	vst v63  }
0x364: {  	_ =	swait.ge [sflag:s6], $0x1000  }
0x365: {  	[sflag:s6] =	ssyncset.done $0x0  }
0x366: {  	[sflag:s6] =	ssyncadd.s32 $0xFFFFF000  }
0x367: {  	_ =	swait.ge [sflag:s6], $0x1000  }
0x368: {  	[sflag:s6] =	ssyncset.done $0x0  }
0x369: {  	[sflag:s6] =	ssyncadd.s32 $0xFFFFF000  }
0x36a: {  	[tilespmem:s23], [sflag:$0x2] =	stream.linear.gather [spmem:s17], $0x1000, $0x38;
	[tilespmem:$0x1FF80] =	vst v63  }
0x36b: {  	_ = 	snop  }
0x36c: {  	[tilespmem:s24], [sflag:$0x2] =	stream.linear.gather [spmem:s18], $0x1000, $0x38;
	[tilespmem:$0x1FF80] =	vst v63  }
0x36d: {  	_ =	swait.ge [sflag:s5], $0x800  }
0x36e: {  	[sflag:s5] =	ssyncset.done $0x0  }
0x36f: {  	[sflag:s5] =	ssyncadd.s32 $0xFFFFF800  }
0x370: {  	_ =	swait.ge [sflag:s5], $0x800  }
0x371: {  	[sflag:s5] =	ssyncset.done $0x0  }
0x372: {  	s14 =	simm.s32 $0x0;
	[sflag:s5] =	ssyncadd.s32 $0xFFFFF800  }
0x373: {  	v0 =	vld [tilespmem:s14+$0x1AF80];
	_ =	sdelay $0x1  }
0x374: {  	v1 =	vld [tilespmem:s14+$0x1BF80];
	_ =	sdelay $0x5  }
0x375: {  	v0 =	vld.idx.msk [tilespmem:v0+s1+$0x0], $0xffff  }
0x376: {  	v2 =	vld [tilespmem:s14+$0x1AF90]  }
0x377: {  	v1 =	vld.idx.msk [tilespmem:v1+s31+$0x0], $0xffff  }
0x378: {  	v3 =	vld [tilespmem:s14+$0x1BF90];
	_ =	sdelay $0x1  }
0x379: {  	v0 =	vmul.f32 $8.000000000e+00, v0;
	_ =	sdelay $0x1  }
0x37a: {  	v0 =	vadd.f32 v1, v0;
	_ =	sdelay $0x1  }
0x37b: {  	[tilespmem:s14+$0x1DF80] =	vst v0  }
0x37c: {  	v0 =	vld.idx.msk [tilespmem:v2+s1+$0x0], $0xffff  }
0x37d: {  	v1 =	vld.idx.msk [tilespmem:v3+s31+$0x0], $0xffff  }
0x37e: {  	v2 =	vld [tilespmem:s14+$0x1AFA0]  }
0x37f: {  	v3 =	vld [tilespmem:s14+$0x1BFA0];
	_ =	sdelay $0x1  }
0x380: {  	v0 =	vmul.f32 $8.000000000e+00, v0;
	_ =	sdelay $0x1  }
0x381: {  	v0 =	vadd.f32 v1, v0;
	_ =	sdelay $0x1  }
0x382: {  	[tilespmem:s14+$0x1DF90] =	vst v0  }
0x383: {  	v0 =	vld.idx.msk [tilespmem:v2+s1+$0x0], $0xffff  }
0x384: {  	v1 =	vld.idx.msk [tilespmem:v3+s31+$0x0], $0xffff  }
0x385: {  	v2 =	vld [tilespmem:s14+$0x1AFB0]  }
0x386: {  	v3 =	vld [tilespmem:s14+$0x1BFB0];
	_ =	sdelay $0x1  }
0x387: {  	v0 =	vmul.f32 $8.000000000e+00, v0;
	_ =	sdelay $0x1  }
0x388: {  	v0 =	vadd.f32 v1, v0;
	_ =	sdelay $0x1  }
0x389: {  	[tilespmem:s14+$0x1DFA0] =	vst v0  }
0x38a: {  	v1 =	vld.idx.msk [tilespmem:v2+s1+$0x0], $0xffff  }
0x38b: {  	s16 =	simm.s32 $0x40;
	s15 =	simm.s32 $0x200;
	v0 =	vld.idx.msk [tilespmem:v3+s31+$0x0], $0xffff  }
.LBB2_18:
0x38c: {  	p0 =	sne.s32 s15, $0x3F00;
	v2 =	vld [tilespmem:s16+$0x1AF80]  }
0x38d: {  	v3 =	vld [tilespmem:s16+$0x1BF80];
	_ =	sdelay $0x1  }
0x38e: {  	v1 =	vmul.f32 $8.000000000e+00, v1;
	_ =	sdelay $0x1  }
0x38f: {  	v0 =	vadd.f32 v0, v1;
	_ =	sdelay $0x1  }
0x390: {  	[tilespmem:s14+$0x1DFB0] =	vst v0;
	s14 =	smov.u32 s16  }
0x391: {  	v0 =	vld.idx.msk [tilespmem:v2+s1+$0x0], $0xffff  }
0x392: {  	v1 =	vld.idx.msk [tilespmem:v3+s31+$0x0], $0xffff;
	_ =	sdelay $0x1  }
0x393: {  	v2 =	vld [tilespmem:s14+$0x1AF90];
	_ =	sdelay $0x1  }
0x394: {  	v3 =	vld [tilespmem:s14+$0x1BF90]  }
0x395: {  	v0 =	vmul.f32 $8.000000000e+00, v0;
	_ =	sdelay $0x1  }
0x396: {  	v0 =	vadd.f32 v1, v0;
	_ =	sdelay $0x1  }
0x397: {  	[tilespmem:s14+$0x1DF80] =	vst v0  }
0x398: {  	v0 =	vld.idx.msk [tilespmem:v2+s1+$0x0], $0xffff;
	_ =	sdelay $0x1  }
0x399: {  	v1 =	vld.idx.msk [tilespmem:v3+s31+$0x0], $0xffff  }
0x39a: {  	v2 =	vld [tilespmem:s14+$0x1AFA0];
	_ =	sdelay $0x1  }
0x39b: {  	v3 =	vld [tilespmem:s14+$0x1BFA0]  }
0x39c: {  	v0 =	vmul.f32 $8.000000000e+00, v0;
	_ =	sdelay $0x1  }
0x39d: {  	v0 =	vadd.f32 v1, v0;
	_ =	sdelay $0x1  }
0x39e: {  	[tilespmem:s14+$0x1DF90] =	vst v0  }
0x39f: {  	v0 =	vld.idx.msk [tilespmem:v2+s1+$0x0], $0xffff;
	_ =	sdelay $0x1  }
0x3a0: {  	v1 =	vld.idx.msk [tilespmem:v3+s31+$0x0], $0xffff  }
0x3a1: {  	v2 =	vld [tilespmem:s14+$0x1AFB0]  }
0x3a2: {  	v3 =	vld [tilespmem:s14+$0x1BFB0];
	_ =	sdelay $0x1  }
0x3a3: {  	v0 =	vmul.f32 $8.000000000e+00, v0;
	_ =	sdelay $0x1  }
0x3a4: {  	v0 =	vadd.f32 v1, v0  }
.Ltmp8:
0x3a5: {  	(pc) =	sbr.rel @p0 .LBB2_18-.Ltmp8, $4  }
0x3a6: {  	[tilespmem:s14+$0x1DFA0] =	vst v0  }
0x3a7: {  	v1 =	vld.idx.msk [tilespmem:v2+s1+$0x0], $0xffff  }
0x3a8: {  	v0 =	vld.idx.msk [tilespmem:v3+s31+$0x0], $0xffff  }
0x3a9: {  	s16 =	sshra.s32 s15, $0x2;
	s15 =	sadd.s32 $0x100, s15  }
0x3aa: {  	v2 =	vld [tilespmem:s16+$0x1AF80]  }
0x3ab: {  	v3 =	vld [tilespmem:s16+$0x1BF80];
	_ =	sdelay $0x1  }
0x3ac: {  	v1 =	vmul.f32 $8.000000000e+00, v1;
	_ =	sdelay $0x1  }
0x3ad: {  	v0 =	vadd.f32 v0, v1;
	_ =	sdelay $0x1  }
0x3ae: {  	[tilespmem:s14+$0x1DFB0] =	vst v0  }
0x3af: {  	v0 =	vld.idx.msk [tilespmem:v2+s1+$0x0], $0xffff  }
0x3b0: {  	v1 =	vld.idx.msk [tilespmem:v3+s31+$0x0], $0xffff  }
0x3b1: {  	v2 =	vld [tilespmem:s16+$0x1AF90]  }
0x3b2: {  	v3 =	vld [tilespmem:s16+$0x1BF90];
	_ =	sdelay $0x1  }
0x3b3: {  	v0 =	vmul.f32 $8.000000000e+00, v0;
	_ =	sdelay $0x1  }
0x3b4: {  	v0 =	vadd.f32 v1, v0;
	_ =	sdelay $0x1  }
0x3b5: {  	[tilespmem:s16+$0x1DF80] =	vst v0  }
0x3b6: {  	v0 =	vld.idx.msk [tilespmem:v2+s1+$0x0], $0xffff  }
0x3b7: {  	v1 =	vld.idx.msk [tilespmem:v3+s31+$0x0], $0xffff  }
0x3b8: {  	v2 =	vld [tilespmem:s16+$0x1AFA0]  }
0x3b9: {  	v3 =	vld [tilespmem:s16+$0x1BFA0];
	_ =	sdelay $0x1  }
0x3ba: {  	v0 =	vmul.f32 $8.000000000e+00, v0;
	_ =	sdelay $0x1  }
0x3bb: {  	v0 =	vadd.f32 v1, v0;
	_ =	sdelay $0x1  }
0x3bc: {  	[tilespmem:s16+$0x1DF90] =	vst v0  }
0x3bd: {  	v0 =	vld.idx.msk [tilespmem:v2+s1+$0x0], $0xffff  }
0x3be: {  	v1 =	vld.idx.msk [tilespmem:v3+s31+$0x0], $0xffff  }
0x3bf: {  	v2 =	vld [tilespmem:s16+$0x1AFB0];
	_ =	sdelay $0x1  }
0x3c0: {  	v3 =	vld [tilespmem:s16+$0x1BFB0]  }
0x3c1: {  	v0 =	vmul.f32 $8.000000000e+00, v0;
	_ =	sdelay $0x1  }
0x3c2: {  	v0 =	vadd.f32 v1, v0;
	_ =	sdelay $0x1  }
0x3c3: {  	[tilespmem:s16+$0x1DFA0] =	vst v0  }
0x3c4: {  	v0 =	vld.idx.msk [tilespmem:v2+s1+$0x0], $0xffff;
	_ =	sdelay $0x1  }
0x3c5: {  	v1 =	vld.idx.msk [tilespmem:v3+s31+$0x0], $0xffff;
	_ =	sdelay $0x2  }
0x3c6: {  	v0 =	vmul.f32 $8.000000000e+00, v0;
	_ =	sdelay $0x1  }
0x3c7: {  	v0 =	vadd.f32 v1, v0;
	_ =	sdelay $0x1  }
0x3c8: {  	s15 =	simm.s32 $0x1DF80;
	[tilespmem:s16+$0x1DFB0] =	vst v0;
	s16 =	rddreg [dreg:$0x19]  }
0x3c9: {  	[hbm4b:s16+s29] =	stream.strided.scatter [tilespmem:s15], [sflag:$0x3], $0x800, s30, s29, $0x38;
	[tilespmem:$0x1FF80] =	vst v63  }
0x3ca: {  	s15 =	rddreg [dreg:$0x1b];
	s16 =	simm.s32 $0x1E780  }
0x3cb: {  	[hbm4b:s15+s29] =	stream.strided.scatter [tilespmem:s16], [sflag:$0x3], $0x800, s30, s29, $0x38;
	[tilespmem:$0x1FF80] =	vst v63  }
0x3cc: {  	s15 =	simm.s32 $0x0;
	s16 =	rddreg [dreg:$0x15]  }
0x3cd: {  	[tilespmem:s15], [sflag:$0x1] =	stream.strided.gather [hbm4b:s16+s29], $0x18700, s30, s29, $0x38;
	[tilespmem:$0x1FF80] =	vst v63  }
0x3ce: {  	s16 =	rddreg [dreg:$0x16]  }
0x3cf: {  	[tilespmem:s31], [sflag:$0x1] =	stream.strided.gather [hbm4b:s16+s29], $0x880, s30, s29, $0x38;
	[tilespmem:$0x1FF80] =	vst v63  }
0x3d0: {  	_ =	swait.ge [sflag:s25], $0x18700  }
0x3d1: {  	[sflag:s25] =	ssyncset.done $0x0  }
0x3d2: {  	[sflag:s25] =	ssyncadd.s32 $0xFFFE7900  }
0x3d3: {  	_ =	swait.ge [sflag:s25], $0x880  }
0x3d4: {  	[sflag:s25] =	ssyncset.done $0x0  }
0x3d5: {  	[sflag:s25] =	ssyncadd.s32 $0xFFFFF780  }
0x3d6: {  	_ =	swait.ge [sflag:s6], $0x1000  }
0x3d7: {  	[sflag:s6] =	ssyncset.done $0x0  }
0x3d8: {  	[sflag:s6] =	ssyncadd.s32 $0xFFFFF000  }
0x3d9: {  	_ =	swait.ge [sflag:s6], $0x1000  }
0x3da: {  	[sflag:s6] =	ssyncset.done $0x0  }
0x3db: {  	[sflag:s6] =	ssyncadd.s32 $0xFFFFF000  }
0x3dc: {  	[tilespmem:s26], [sflag:$0x2] =	stream.linear.gather [spmem:s19], $0x1000, $0x38;
	[tilespmem:$0x1FF80] =	vst v63  }
0x3dd: {  	_ = 	snop  }
0x3de: {  	[tilespmem:s28], [sflag:$0x2] =	stream.linear.gather [spmem:s20], $0x1000, $0x38;
	[tilespmem:$0x1FF80] =	vst v63  }
0x3df: {  	_ =	swait.ge [sflag:s5], $0x800  }
0x3e0: {  	[sflag:s5] =	ssyncset.done $0x0  }
0x3e1: {  	[sflag:s5] =	ssyncadd.s32 $0xFFFFF800  }
0x3e2: {  	_ =	swait.ge [sflag:s5], $0x800  }
0x3e3: {  	[sflag:s5] =	ssyncset.done $0x0  }
0x3e4: {  	s14 =	simm.s32 $0x0;
	[sflag:s5] =	ssyncadd.s32 $0xFFFFF800  }
0x3e5: {  	v0 =	vld [tilespmem:s14+$0x18F80];
	_ =	sdelay $0x1  }
0x3e6: {  	v1 =	vld [tilespmem:s14+$0x19F80];
	_ =	sdelay $0x5  }
0x3e7: {  	v0 =	vld.idx.msk [tilespmem:v0+s1+$0x0], $0xffff  }
0x3e8: {  	v2 =	vld [tilespmem:s14+$0x18F90]  }
0x3e9: {  	v1 =	vld.idx.msk [tilespmem:v1+s31+$0x0], $0xffff  }
0x3ea: {  	v3 =	vld [tilespmem:s14+$0x19F90];
	_ =	sdelay $0x1  }
0x3eb: {  	v0 =	vmul.f32 $8.000000000e+00, v0;
	_ =	sdelay $0x1  }
0x3ec: {  	v0 =	vadd.f32 v1, v0;
	_ =	sdelay $0x1  }
0x3ed: {  	[tilespmem:s14+$0x1CF80] =	vst v0  }
0x3ee: {  	v0 =	vld.idx.msk [tilespmem:v2+s1+$0x0], $0xffff  }
0x3ef: {  	v1 =	vld.idx.msk [tilespmem:v3+s31+$0x0], $0xffff  }
0x3f0: {  	v2 =	vld [tilespmem:s14+$0x18FA0]  }
0x3f1: {  	v3 =	vld [tilespmem:s14+$0x19FA0];
	_ =	sdelay $0x1  }
0x3f2: {  	v0 =	vmul.f32 $8.000000000e+00, v0;
	_ =	sdelay $0x1  }
0x3f3: {  	v0 =	vadd.f32 v1, v0;
	_ =	sdelay $0x1  }
0x3f4: {  	[tilespmem:s14+$0x1CF90] =	vst v0  }
0x3f5: {  	v0 =	vld.idx.msk [tilespmem:v2+s1+$0x0], $0xffff  }
0x3f6: {  	v1 =	vld.idx.msk [tilespmem:v3+s31+$0x0], $0xffff  }
0x3f7: {  	v2 =	vld [tilespmem:s14+$0x18FB0]  }
0x3f8: {  	v3 =	vld [tilespmem:s14+$0x19FB0];
	_ =	sdelay $0x1  }
0x3f9: {  	v0 =	vmul.f32 $8.000000000e+00, v0;
	_ =	sdelay $0x1  }
0x3fa: {  	v0 =	vadd.f32 v1, v0;
	_ =	sdelay $0x1  }
0x3fb: {  	[tilespmem:s14+$0x1CFA0] =	vst v0  }
0x3fc: {  	v1 =	vld.idx.msk [tilespmem:v2+s1+$0x0], $0xffff  }
0x3fd: {  	s15 =	simm.s32 $0x200;
	s16 =	simm.s32 $0x40;
	v0 =	vld.idx.msk [tilespmem:v3+s31+$0x0], $0xffff  }
.LBB2_20:
0x3fe: {  	p0 =	sne.s32 s15, $0x3F00;
	v2 =	vld [tilespmem:s16+$0x18F80]  }
0x3ff: {  	v3 =	vld [tilespmem:s16+$0x19F80];
	_ =	sdelay $0x1  }
0x400: {  	v1 =	vmul.f32 $8.000000000e+00, v1;
	_ =	sdelay $0x1  }
0x401: {  	v0 =	vadd.f32 v0, v1;
	_ =	sdelay $0x1  }
0x402: {  	[tilespmem:s14+$0x1CFB0] =	vst v0;
	s14 =	smov.u32 s16  }
0x403: {  	v0 =	vld.idx.msk [tilespmem:v2+s1+$0x0], $0xffff  }
0x404: {  	v1 =	vld.idx.msk [tilespmem:v3+s31+$0x0], $0xffff;
	_ =	sdelay $0x1  }
0x405: {  	v2 =	vld [tilespmem:s14+$0x18F90];
	_ =	sdelay $0x1  }
0x406: {  	v3 =	vld [tilespmem:s14+$0x19F90]  }
0x407: {  	v0 =	vmul.f32 $8.000000000e+00, v0;
	_ =	sdelay $0x1  }
0x408: {  	v0 =	vadd.f32 v1, v0;
	_ =	sdelay $0x1  }
0x409: {  	[tilespmem:s14+$0x1CF80] =	vst v0  }
0x40a: {  	v0 =	vld.idx.msk [tilespmem:v2+s1+$0x0], $0xffff;
	_ =	sdelay $0x1  }
0x40b: {  	v1 =	vld.idx.msk [tilespmem:v3+s31+$0x0], $0xffff  }
0x40c: {  	v2 =	vld [tilespmem:s14+$0x18FA0];
	_ =	sdelay $0x1  }
0x40d: {  	v3 =	vld [tilespmem:s14+$0x19FA0]  }
0x40e: {  	v0 =	vmul.f32 $8.000000000e+00, v0;
	_ =	sdelay $0x1  }
0x40f: {  	v0 =	vadd.f32 v1, v0;
	_ =	sdelay $0x1  }
0x410: {  	[tilespmem:s14+$0x1CF90] =	vst v0  }
0x411: {  	v0 =	vld.idx.msk [tilespmem:v2+s1+$0x0], $0xffff;
	_ =	sdelay $0x1  }
0x412: {  	v1 =	vld.idx.msk [tilespmem:v3+s31+$0x0], $0xffff  }
0x413: {  	v2 =	vld [tilespmem:s14+$0x18FB0]  }
0x414: {  	v3 =	vld [tilespmem:s14+$0x19FB0];
	_ =	sdelay $0x1  }
0x415: {  	v0 =	vmul.f32 $8.000000000e+00, v0;
	_ =	sdelay $0x1  }
0x416: {  	v0 =	vadd.f32 v1, v0  }
.Ltmp9:
0x417: {  	(pc) =	sbr.rel @p0 .LBB2_20-.Ltmp9, $4  }
0x418: {  	[tilespmem:s14+$0x1CFA0] =	vst v0  }
0x419: {  	v1 =	vld.idx.msk [tilespmem:v2+s1+$0x0], $0xffff  }
0x41a: {  	v0 =	vld.idx.msk [tilespmem:v3+s31+$0x0], $0xffff  }
0x41b: {  	s16 =	sshra.s32 s15, $0x2;
	s15 =	sadd.s32 $0x100, s15  }
0x41c: {  	v2 =	vld [tilespmem:s16+$0x18F80]  }
0x41d: {  	v3 =	vld [tilespmem:s16+$0x19F80];
	_ =	sdelay $0x1  }
0x41e: {  	v1 =	vmul.f32 $8.000000000e+00, v1;
	_ =	sdelay $0x1  }
0x41f: {  	v0 =	vadd.f32 v0, v1;
	_ =	sdelay $0x1  }
0x420: {  	[tilespmem:s14+$0x1CFB0] =	vst v0  }
0x421: {  	v0 =	vld.idx.msk [tilespmem:v2+s1+$0x0], $0xffff  }
0x422: {  	v1 =	vld.idx.msk [tilespmem:v3+s31+$0x0], $0xffff  }
0x423: {  	v2 =	vld [tilespmem:s16+$0x18F90]  }
0x424: {  	v3 =	vld [tilespmem:s16+$0x19F90];
	_ =	sdelay $0x1  }
0x425: {  	v0 =	vmul.f32 $8.000000000e+00, v0;
	_ =	sdelay $0x1  }
0x426: {  	v0 =	vadd.f32 v1, v0;
	_ =	sdelay $0x1  }
0x427: {  	[tilespmem:s16+$0x1CF80] =	vst v0  }
0x428: {  	v0 =	vld.idx.msk [tilespmem:v2+s1+$0x0], $0xffff  }
0x429: {  	v1 =	vld.idx.msk [tilespmem:v3+s31+$0x0], $0xffff  }
0x42a: {  	v2 =	vld [tilespmem:s16+$0x18FA0]  }
0x42b: {  	v3 =	vld [tilespmem:s16+$0x19FA0];
	_ =	sdelay $0x1  }
0x42c: {  	v0 =	vmul.f32 $8.000000000e+00, v0;
	_ =	sdelay $0x1  }
0x42d: {  	v0 =	vadd.f32 v1, v0;
	_ =	sdelay $0x1  }
0x42e: {  	[tilespmem:s16+$0x1CF90] =	vst v0  }
0x42f: {  	v0 =	vld.idx.msk [tilespmem:v2+s1+$0x0], $0xffff  }
0x430: {  	v1 =	vld.idx.msk [tilespmem:v3+s31+$0x0], $0xffff  }
0x431: {  	v2 =	vld [tilespmem:s16+$0x18FB0];
	_ =	sdelay $0x1  }
0x432: {  	v3 =	vld [tilespmem:s16+$0x19FB0]  }
0x433: {  	v0 =	vmul.f32 $8.000000000e+00, v0;
	_ =	sdelay $0x1  }
0x434: {  	v0 =	vadd.f32 v1, v0;
	_ =	sdelay $0x1  }
0x435: {  	[tilespmem:s16+$0x1CFA0] =	vst v0  }
0x436: {  	v0 =	vld.idx.msk [tilespmem:v2+s1+$0x0], $0xffff;
	_ =	sdelay $0x1  }
0x437: {  	v1 =	vld.idx.msk [tilespmem:v3+s31+$0x0], $0xffff;
	_ =	sdelay $0x2  }
0x438: {  	v0 =	vmul.f32 $8.000000000e+00, v0;
	_ =	sdelay $0x1  }
0x439: {  	s25 =	sld [smem:$0x7F6];
	v0 =	vadd.f32 v1, v0;
	_ =	sdelay $0x1  }
0x43a: {  	s15 =	simm.s32 $0x1CF80;
	[tilespmem:s16+$0x1CFB0] =	vst v0  }
0x43b: {  	[hbm4b:s25+s29] =	stream.strided.scatter [tilespmem:s15], [sflag:$0x3], $0x800, s30, s29, $0x38;
	[tilespmem:$0x1FF80] =	vst v63  }
0x43c: {  	s16 =	rddreg [dreg:$0x1c];
	s25 =	simm.s32 $0x1D780  }
0x43d: {  	[hbm4b:s16+s29] =	stream.strided.scatter [tilespmem:s25], [sflag:$0x3], $0x800, s30, s29, $0x38;
	[tilespmem:$0x1FF80] =	vst v63  }
0x43e: {  	_ =	swait.ge [sflag:s6], $0x1000  }
0x43f: {  	[sflag:s6] =	ssyncset.done $0x0  }
0x440: {  	[sflag:s6] =	ssyncadd.s32 $0xFFFFF000  }
0x441: {  	_ =	swait.ge [sflag:s6], $0x1000  }
0x442: {  	[sflag:s6] =	ssyncset.done $0x0  }
0x443: {  	[sflag:s6] =	ssyncadd.s32 $0xFFFFF000  }
0x444: {  	[tilespmem:s23], [sflag:$0x2] =	stream.linear.gather [spmem:s21], $0x1000, $0x38;
	[tilespmem:$0x1FF80] =	vst v63  }
0x445: {  	_ = 	snop  }
0x446: {  	[tilespmem:s24], [sflag:$0x2] =	stream.linear.gather [spmem:s8], $0x1000, $0x38;
	[tilespmem:$0x1FF80] =	vst v63  }
0x447: {  	_ =	swait.ge [sflag:s5], $0x800  }
0x448: {  	[sflag:s5] =	ssyncset.done $0x0  }
0x449: {  	[sflag:s5] =	ssyncadd.s32 $0xFFFFF800  }
0x44a: {  	_ =	swait.ge [sflag:s5], $0x800  }
0x44b: {  	[sflag:s5] =	ssyncset.done $0x0  }
0x44c: {  	s14 =	simm.s32 $0x0;
	[sflag:s5] =	ssyncadd.s32 $0xFFFFF800  }
0x44d: {  	v0 =	vld [tilespmem:s14+$0x1AF80];
	_ =	sdelay $0x1  }
0x44e: {  	v1 =	vld [tilespmem:s14+$0x1BF80];
	_ =	sdelay $0x5  }
0x44f: {  	v0 =	vld.idx.msk [tilespmem:v0+s1+$0x0], $0xffff  }
0x450: {  	v2 =	vld [tilespmem:s14+$0x1AF90]  }
0x451: {  	v1 =	vld.idx.msk [tilespmem:v1+s31+$0x0], $0xffff  }
0x452: {  	v3 =	vld [tilespmem:s14+$0x1BF90];
	_ =	sdelay $0x1  }
0x453: {  	v0 =	vmul.f32 $8.000000000e+00, v0;
	_ =	sdelay $0x1  }
0x454: {  	v0 =	vadd.f32 v1, v0;
	_ =	sdelay $0x1  }
0x455: {  	[tilespmem:s14+$0x1DF80] =	vst v0  }
0x456: {  	v0 =	vld.idx.msk [tilespmem:v2+s1+$0x0], $0xffff  }
0x457: {  	v1 =	vld.idx.msk [tilespmem:v3+s31+$0x0], $0xffff  }
0x458: {  	v2 =	vld [tilespmem:s14+$0x1AFA0]  }
0x459: {  	v3 =	vld [tilespmem:s14+$0x1BFA0];
	_ =	sdelay $0x1  }
0x45a: {  	v0 =	vmul.f32 $8.000000000e+00, v0;
	_ =	sdelay $0x1  }
0x45b: {  	v0 =	vadd.f32 v1, v0;
	_ =	sdelay $0x1  }
0x45c: {  	[tilespmem:s14+$0x1DF90] =	vst v0  }
0x45d: {  	v0 =	vld.idx.msk [tilespmem:v2+s1+$0x0], $0xffff  }
0x45e: {  	v1 =	vld.idx.msk [tilespmem:v3+s31+$0x0], $0xffff  }
0x45f: {  	v2 =	vld [tilespmem:s14+$0x1AFB0]  }
0x460: {  	v3 =	vld [tilespmem:s14+$0x1BFB0];
	_ =	sdelay $0x1  }
0x461: {  	v0 =	vmul.f32 $8.000000000e+00, v0;
	_ =	sdelay $0x1  }
0x462: {  	v0 =	vadd.f32 v1, v0;
	_ =	sdelay $0x1  }
0x463: {  	[tilespmem:s14+$0x1DFA0] =	vst v0  }
0x464: {  	v1 =	vld.idx.msk [tilespmem:v2+s1+$0x0], $0xffff  }
0x465: {  	s15 =	simm.s32 $0x200;
	s16 =	simm.s32 $0x40;
	v0 =	vld.idx.msk [tilespmem:v3+s31+$0x0], $0xffff  }
.LBB2_22:
0x466: {  	p0 =	sne.s32 s15, $0x3F00;
	v2 =	vld [tilespmem:s16+$0x1AF80]  }
0x467: {  	v3 =	vld [tilespmem:s16+$0x1BF80];
	_ =	sdelay $0x1  }
0x468: {  	v1 =	vmul.f32 $8.000000000e+00, v1;
	_ =	sdelay $0x1  }
0x469: {  	v0 =	vadd.f32 v0, v1;
	_ =	sdelay $0x1  }
0x46a: {  	[tilespmem:s14+$0x1DFB0] =	vst v0;
	s14 =	smov.u32 s16  }
0x46b: {  	v0 =	vld.idx.msk [tilespmem:v2+s1+$0x0], $0xffff  }
0x46c: {  	v1 =	vld.idx.msk [tilespmem:v3+s31+$0x0], $0xffff;
	_ =	sdelay $0x1  }
0x46d: {  	v2 =	vld [tilespmem:s14+$0x1AF90];
	_ =	sdelay $0x1  }
0x46e: {  	v3 =	vld [tilespmem:s14+$0x1BF90]  }
0x46f: {  	v0 =	vmul.f32 $8.000000000e+00, v0;
	_ =	sdelay $0x1  }
0x470: {  	v0 =	vadd.f32 v1, v0;
	_ =	sdelay $0x1  }
0x471: {  	[tilespmem:s14+$0x1DF80] =	vst v0  }
0x472: {  	v0 =	vld.idx.msk [tilespmem:v2+s1+$0x0], $0xffff;
	_ =	sdelay $0x1  }
0x473: {  	v1 =	vld.idx.msk [tilespmem:v3+s31+$0x0], $0xffff  }
0x474: {  	v2 =	vld [tilespmem:s14+$0x1AFA0];
	_ =	sdelay $0x1  }
0x475: {  	v3 =	vld [tilespmem:s14+$0x1BFA0]  }
0x476: {  	v0 =	vmul.f32 $8.000000000e+00, v0;
	_ =	sdelay $0x1  }
0x477: {  	v0 =	vadd.f32 v1, v0;
	_ =	sdelay $0x1  }
0x478: {  	[tilespmem:s14+$0x1DF90] =	vst v0  }
0x479: {  	v0 =	vld.idx.msk [tilespmem:v2+s1+$0x0], $0xffff;
	_ =	sdelay $0x1  }
0x47a: {  	v1 =	vld.idx.msk [tilespmem:v3+s31+$0x0], $0xffff  }
0x47b: {  	v2 =	vld [tilespmem:s14+$0x1AFB0]  }
0x47c: {  	v3 =	vld [tilespmem:s14+$0x1BFB0];
	_ =	sdelay $0x1  }
0x47d: {  	v0 =	vmul.f32 $8.000000000e+00, v0;
	_ =	sdelay $0x1  }
0x47e: {  	v0 =	vadd.f32 v1, v0  }
.Ltmp10:
0x47f: {  	(pc) =	sbr.rel @p0 .LBB2_22-.Ltmp10, $4  }
0x480: {  	[tilespmem:s14+$0x1DFA0] =	vst v0  }
0x481: {  	v1 =	vld.idx.msk [tilespmem:v2+s1+$0x0], $0xffff  }
0x482: {  	v0 =	vld.idx.msk [tilespmem:v3+s31+$0x0], $0xffff  }
0x483: {  	s16 =	sshra.s32 s15, $0x2;
	s15 =	sadd.s32 $0x100, s15  }
0x484: {  	v2 =	vld [tilespmem:s16+$0x1AF80]  }
0x485: {  	v3 =	vld [tilespmem:s16+$0x1BF80];
	_ =	sdelay $0x1  }
0x486: {  	v1 =	vmul.f32 $8.000000000e+00, v1;
	_ =	sdelay $0x1  }
0x487: {  	v0 =	vadd.f32 v0, v1;
	_ =	sdelay $0x1  }
0x488: {  	[tilespmem:s14+$0x1DFB0] =	vst v0  }
0x489: {  	v0 =	vld.idx.msk [tilespmem:v2+s1+$0x0], $0xffff  }
0x48a: {  	v1 =	vld.idx.msk [tilespmem:v3+s31+$0x0], $0xffff  }
0x48b: {  	v2 =	vld [tilespmem:s16+$0x1AF90]  }
0x48c: {  	v3 =	vld [tilespmem:s16+$0x1BF90];
	_ =	sdelay $0x1  }
0x48d: {  	v0 =	vmul.f32 $8.000000000e+00, v0;
	_ =	sdelay $0x1  }
0x48e: {  	v0 =	vadd.f32 v1, v0;
	_ =	sdelay $0x1  }
0x48f: {  	[tilespmem:s16+$0x1DF80] =	vst v0  }
0x490: {  	v0 =	vld.idx.msk [tilespmem:v2+s1+$0x0], $0xffff  }
0x491: {  	v1 =	vld.idx.msk [tilespmem:v3+s31+$0x0], $0xffff  }
0x492: {  	v2 =	vld [tilespmem:s16+$0x1AFA0]  }
0x493: {  	v3 =	vld [tilespmem:s16+$0x1BFA0];
	_ =	sdelay $0x1  }
0x494: {  	v0 =	vmul.f32 $8.000000000e+00, v0;
	_ =	sdelay $0x1  }
0x495: {  	v0 =	vadd.f32 v1, v0;
	_ =	sdelay $0x1  }
0x496: {  	[tilespmem:s16+$0x1DF90] =	vst v0  }
0x497: {  	v0 =	vld.idx.msk [tilespmem:v2+s1+$0x0], $0xffff  }
0x498: {  	v1 =	vld.idx.msk [tilespmem:v3+s31+$0x0], $0xffff  }
0x499: {  	v2 =	vld [tilespmem:s16+$0x1AFB0];
	_ =	sdelay $0x1  }
0x49a: {  	v3 =	vld [tilespmem:s16+$0x1BFB0]  }
0x49b: {  	v0 =	vmul.f32 $8.000000000e+00, v0;
	_ =	sdelay $0x1  }
0x49c: {  	v0 =	vadd.f32 v1, v0;
	_ =	sdelay $0x1  }
0x49d: {  	[tilespmem:s16+$0x1DFA0] =	vst v0  }
0x49e: {  	v0 =	vld.idx.msk [tilespmem:v2+s1+$0x0], $0xffff;
	_ =	sdelay $0x1  }
0x49f: {  	v1 =	vld.idx.msk [tilespmem:v3+s31+$0x0], $0xffff;
	_ =	sdelay $0x2  }
0x4a0: {  	v0 =	vmul.f32 $8.000000000e+00, v0;
	_ =	sdelay $0x1  }
0x4a1: {  	v0 =	vadd.f32 v1, v0;
	_ =	sdelay $0x1  }
0x4a2: {  	s25 =	rddreg [dreg:$0x1d];
	s15 =	simm.s32 $0x1DF80;
	[tilespmem:s16+$0x1DFB0] =	vst v0  }
0x4a3: {  	[hbm4b:s25+s29] =	stream.strided.scatter [tilespmem:s15], [sflag:$0x3], $0x800, s30, s29, $0x38;
	[tilespmem:$0x1FF80] =	vst v63  }
0x4a4: {  	s16 =	rddreg [dreg:$0x1e];
	s25 =	simm.s32 $0x1E780  }
0x4a5: {  	[hbm4b:s16+s29] =	stream.strided.scatter [tilespmem:s25], [sflag:$0x3], $0x800, s30, s29, $0x38;
	[tilespmem:$0x1FF80] =	vst v63  }
0x4a6: {  	_ =	swait.ge [sflag:s6], $0x1000  }
0x4a7: {  	[sflag:s6] =	ssyncset.done $0x0  }
0x4a8: {  	[sflag:s6] =	ssyncadd.s32 $0xFFFFF000  }
0x4a9: {  	_ =	swait.ge [sflag:s6], $0x1000  }
0x4aa: {  	[sflag:s6] =	ssyncset.done $0x0  }
0x4ab: {  	[sflag:s6] =	ssyncadd.s32 $0xFFFFF000  }
0x4ac: {  	[tilespmem:s26], [sflag:$0x2] =	stream.linear.gather [spmem:s9], $0x1000, $0x38;
	[tilespmem:$0x1FF80] =	vst v63  }
0x4ad: {  	_ = 	snop  }
0x4ae: {  	[tilespmem:s28], [sflag:$0x2] =	stream.linear.gather [spmem:s10], $0x1000, $0x38;
	[tilespmem:$0x1FF80] =	vst v63  }
0x4af: {  	_ =	swait.ge [sflag:s5], $0x800  }
0x4b0: {  	[sflag:s5] =	ssyncset.done $0x0  }
0x4b1: {  	[sflag:s5] =	ssyncadd.s32 $0xFFFFF800  }
0x4b2: {  	_ =	swait.ge [sflag:s5], $0x800  }
0x4b3: {  	[sflag:s5] =	ssyncset.done $0x0  }
0x4b4: {  	s14 =	simm.s32 $0x0;
	[sflag:s5] =	ssyncadd.s32 $0xFFFFF800  }
0x4b5: {  	v0 =	vld [tilespmem:s14+$0x18F80];
	_ =	sdelay $0x1  }
0x4b6: {  	v1 =	vld [tilespmem:s14+$0x19F80];
	_ =	sdelay $0x5  }
0x4b7: {  	v0 =	vld.idx.msk [tilespmem:v0+s1+$0x0], $0xffff  }
0x4b8: {  	v2 =	vld [tilespmem:s14+$0x18F90]  }
0x4b9: {  	v1 =	vld.idx.msk [tilespmem:v1+s31+$0x0], $0xffff  }
0x4ba: {  	v3 =	vld [tilespmem:s14+$0x19F90];
	_ =	sdelay $0x1  }
0x4bb: {  	v0 =	vmul.f32 $8.000000000e+00, v0;
	_ =	sdelay $0x1  }
0x4bc: {  	v0 =	vadd.f32 v1, v0;
	_ =	sdelay $0x1  }
0x4bd: {  	[tilespmem:s14+$0x1CF80] =	vst v0  }
0x4be: {  	v0 =	vld.idx.msk [tilespmem:v2+s1+$0x0], $0xffff  }
0x4bf: {  	v1 =	vld.idx.msk [tilespmem:v3+s31+$0x0], $0xffff  }
0x4c0: {  	v2 =	vld [tilespmem:s14+$0x18FA0]  }
0x4c1: {  	v3 =	vld [tilespmem:s14+$0x19FA0];
	_ =	sdelay $0x1  }
0x4c2: {  	v0 =	vmul.f32 $8.000000000e+00, v0;
	_ =	sdelay $0x1  }
0x4c3: {  	v0 =	vadd.f32 v1, v0;
	_ =	sdelay $0x1  }
0x4c4: {  	[tilespmem:s14+$0x1CF90] =	vst v0  }
0x4c5: {  	v0 =	vld.idx.msk [tilespmem:v2+s1+$0x0], $0xffff  }
0x4c6: {  	v1 =	vld.idx.msk [tilespmem:v3+s31+$0x0], $0xffff  }
0x4c7: {  	v2 =	vld [tilespmem:s14+$0x18FB0]  }
0x4c8: {  	v3 =	vld [tilespmem:s14+$0x19FB0];
	_ =	sdelay $0x1  }
0x4c9: {  	v0 =	vmul.f32 $8.000000000e+00, v0;
	_ =	sdelay $0x1  }
0x4ca: {  	v0 =	vadd.f32 v1, v0;
	_ =	sdelay $0x1  }
0x4cb: {  	[tilespmem:s14+$0x1CFA0] =	vst v0  }
0x4cc: {  	v1 =	vld.idx.msk [tilespmem:v2+s1+$0x0], $0xffff  }
0x4cd: {  	s15 =	simm.s32 $0x200;
	s16 =	simm.s32 $0x40;
	v0 =	vld.idx.msk [tilespmem:v3+s31+$0x0], $0xffff  }
.LBB2_24:
0x4ce: {  	p0 =	sne.s32 s15, $0x3F00;
	v2 =	vld [tilespmem:s16+$0x18F80]  }
0x4cf: {  	v3 =	vld [tilespmem:s16+$0x19F80];
	_ =	sdelay $0x1  }
0x4d0: {  	v1 =	vmul.f32 $8.000000000e+00, v1;
	_ =	sdelay $0x1  }
0x4d1: {  	v0 =	vadd.f32 v0, v1;
	_ =	sdelay $0x1  }
0x4d2: {  	[tilespmem:s14+$0x1CFB0] =	vst v0;
	s14 =	smov.u32 s16  }
0x4d3: {  	v0 =	vld.idx.msk [tilespmem:v2+s1+$0x0], $0xffff  }
0x4d4: {  	v1 =	vld.idx.msk [tilespmem:v3+s31+$0x0], $0xffff;
	_ =	sdelay $0x1  }
0x4d5: {  	v2 =	vld [tilespmem:s14+$0x18F90];
	_ =	sdelay $0x1  }
0x4d6: {  	v3 =	vld [tilespmem:s14+$0x19F90]  }
0x4d7: {  	v0 =	vmul.f32 $8.000000000e+00, v0;
	_ =	sdelay $0x1  }
0x4d8: {  	v0 =	vadd.f32 v1, v0;
	_ =	sdelay $0x1  }
0x4d9: {  	[tilespmem:s14+$0x1CF80] =	vst v0  }
0x4da: {  	v0 =	vld.idx.msk [tilespmem:v2+s1+$0x0], $0xffff;
	_ =	sdelay $0x1  }
0x4db: {  	v1 =	vld.idx.msk [tilespmem:v3+s31+$0x0], $0xffff  }
0x4dc: {  	v2 =	vld [tilespmem:s14+$0x18FA0];
	_ =	sdelay $0x1  }
0x4dd: {  	v3 =	vld [tilespmem:s14+$0x19FA0]  }
0x4de: {  	v0 =	vmul.f32 $8.000000000e+00, v0;
	_ =	sdelay $0x1  }
0x4df: {  	v0 =	vadd.f32 v1, v0;
	_ =	sdelay $0x1  }
0x4e0: {  	[tilespmem:s14+$0x1CF90] =	vst v0  }
0x4e1: {  	v0 =	vld.idx.msk [tilespmem:v2+s1+$0x0], $0xffff;
	_ =	sdelay $0x1  }
0x4e2: {  	v1 =	vld.idx.msk [tilespmem:v3+s31+$0x0], $0xffff  }
0x4e3: {  	v2 =	vld [tilespmem:s14+$0x18FB0]  }
0x4e4: {  	v3 =	vld [tilespmem:s14+$0x19FB0];
	_ =	sdelay $0x1  }
0x4e5: {  	v0 =	vmul.f32 $8.000000000e+00, v0;
	_ =	sdelay $0x1  }
0x4e6: {  	v0 =	vadd.f32 v1, v0  }
.Ltmp11:
0x4e7: {  	(pc) =	sbr.rel @p0 .LBB2_24-.Ltmp11, $4  }
0x4e8: {  	[tilespmem:s14+$0x1CFA0] =	vst v0  }
0x4e9: {  	v1 =	vld.idx.msk [tilespmem:v2+s1+$0x0], $0xffff  }
0x4ea: {  	v0 =	vld.idx.msk [tilespmem:v3+s31+$0x0], $0xffff  }
0x4eb: {  	s16 =	sshra.s32 s15, $0x2;
	s15 =	sadd.s32 $0x100, s15  }
0x4ec: {  	v2 =	vld [tilespmem:s16+$0x18F80]  }
0x4ed: {  	v3 =	vld [tilespmem:s16+$0x19F80];
	_ =	sdelay $0x1  }
0x4ee: {  	v1 =	vmul.f32 $8.000000000e+00, v1;
	_ =	sdelay $0x1  }
0x4ef: {  	v0 =	vadd.f32 v0, v1;
	_ =	sdelay $0x1  }
0x4f0: {  	[tilespmem:s14+$0x1CFB0] =	vst v0  }
0x4f1: {  	v0 =	vld.idx.msk [tilespmem:v2+s1+$0x0], $0xffff  }
0x4f2: {  	v1 =	vld.idx.msk [tilespmem:v3+s31+$0x0], $0xffff  }
0x4f3: {  	v2 =	vld [tilespmem:s16+$0x18F90]  }
0x4f4: {  	v3 =	vld [tilespmem:s16+$0x19F90];
	_ =	sdelay $0x1  }
0x4f5: {  	v0 =	vmul.f32 $8.000000000e+00, v0;
	_ =	sdelay $0x1  }
0x4f6: {  	v0 =	vadd.f32 v1, v0;
	_ =	sdelay $0x1  }
0x4f7: {  	[tilespmem:s16+$0x1CF80] =	vst v0  }
0x4f8: {  	v0 =	vld.idx.msk [tilespmem:v2+s1+$0x0], $0xffff  }
0x4f9: {  	v1 =	vld.idx.msk [tilespmem:v3+s31+$0x0], $0xffff  }
0x4fa: {  	v2 =	vld [tilespmem:s16+$0x18FA0]  }
0x4fb: {  	v3 =	vld [tilespmem:s16+$0x19FA0];
	_ =	sdelay $0x1  }
0x4fc: {  	v0 =	vmul.f32 $8.000000000e+00, v0;
	_ =	sdelay $0x1  }
0x4fd: {  	v0 =	vadd.f32 v1, v0;
	_ =	sdelay $0x1  }
0x4fe: {  	[tilespmem:s16+$0x1CF90] =	vst v0  }
0x4ff: {  	v0 =	vld.idx.msk [tilespmem:v2+s1+$0x0], $0xffff  }
0x500: {  	v1 =	vld.idx.msk [tilespmem:v3+s31+$0x0], $0xffff  }
0x501: {  	v2 =	vld [tilespmem:s16+$0x18FB0];
	_ =	sdelay $0x1  }
0x502: {  	v3 =	vld [tilespmem:s16+$0x19FB0]  }
0x503: {  	v0 =	vmul.f32 $8.000000000e+00, v0;
	_ =	sdelay $0x1  }
0x504: {  	v0 =	vadd.f32 v1, v0;
	_ =	sdelay $0x1  }
0x505: {  	[tilespmem:s16+$0x1CFA0] =	vst v0  }
0x506: {  	v0 =	vld.idx.msk [tilespmem:v2+s1+$0x0], $0xffff;
	_ =	sdelay $0x1  }
0x507: {  	v1 =	vld.idx.msk [tilespmem:v3+s31+$0x0], $0xffff;
	_ =	sdelay $0x2  }
0x508: {  	v0 =	vmul.f32 $8.000000000e+00, v0;
	_ =	sdelay $0x1  }
0x509: {  	v0 =	vadd.f32 v1, v0  }
0x50a: {  	s25 =	rddreg [dreg:$0x1f]  }
0x50b: {  	s15 =	simm.s32 $0x1CF80;
	[tilespmem:s16+$0x1CFB0] =	vst v0;
	s16 =	sld [smem:$0x7ED]  }
0x50c: {  	[hbm4b:s25+s29] =	stream.strided.scatter [tilespmem:s15], [sflag:$0x3], $0x800, s30, s29, $0x38;
	[tilespmem:$0x1FF80] =	vst v63  }
0x50d: {  	s25 =	simm.s32 $0x1D780  }
0x50e: {  	[hbm4b:s16+s29] =	stream.strided.scatter [tilespmem:s25], [sflag:$0x3], $0x800, s30, s29, $0x38;
	[tilespmem:$0x1FF80] =	vst v63  }
0x50f: {  	_ =	swait.ge [sflag:s6], $0x1000  }
0x510: {  	[sflag:s6] =	ssyncset.done $0x0  }
0x511: {  	[sflag:s6] =	ssyncadd.s32 $0xFFFFF000  }
0x512: {  	_ =	swait.ge [sflag:s6], $0x1000  }
0x513: {  	[sflag:s6] =	ssyncset.done $0x0  }
0x514: {  	[sflag:s6] =	ssyncadd.s32 $0xFFFFF000  }
0x515: {  	[tilespmem:s23], [sflag:$0x2] =	stream.linear.gather [spmem:s11], $0x1000, $0x38;
	[tilespmem:$0x1FF80] =	vst v63  }
0x516: {  	_ = 	snop  }
0x517: {  	[tilespmem:s24], [sflag:$0x2] =	stream.linear.gather [spmem:s12], $0x1000, $0x38;
	[tilespmem:$0x1FF80] =	vst v63  }
0x518: {  	_ =	swait.ge [sflag:s5], $0x800  }
0x519: {  	[sflag:s5] =	ssyncset.done $0x0  }
0x51a: {  	[sflag:s5] =	ssyncadd.s32 $0xFFFFF800  }
0x51b: {  	_ =	swait.ge [sflag:s5], $0x800  }
0x51c: {  	[sflag:s5] =	ssyncset.done $0x0  }
0x51d: {  	s14 =	simm.s32 $0x0;
	[sflag:s5] =	ssyncadd.s32 $0xFFFFF800  }
0x51e: {  	v0 =	vld [tilespmem:s14+$0x1AF80];
	_ =	sdelay $0x1  }
0x51f: {  	v1 =	vld [tilespmem:s14+$0x1BF80];
	_ =	sdelay $0x5  }
0x520: {  	v0 =	vld.idx.msk [tilespmem:v0+s1+$0x0], $0xffff  }
0x521: {  	v2 =	vld [tilespmem:s14+$0x1AF90]  }
0x522: {  	v1 =	vld.idx.msk [tilespmem:v1+s31+$0x0], $0xffff  }
0x523: {  	v3 =	vld [tilespmem:s14+$0x1BF90];
	_ =	sdelay $0x1  }
0x524: {  	v0 =	vmul.f32 $8.000000000e+00, v0;
	_ =	sdelay $0x1  }
0x525: {  	v0 =	vadd.f32 v1, v0;
	_ =	sdelay $0x1  }
0x526: {  	[tilespmem:s14+$0x1DF80] =	vst v0  }
0x527: {  	v0 =	vld.idx.msk [tilespmem:v2+s1+$0x0], $0xffff  }
0x528: {  	v1 =	vld.idx.msk [tilespmem:v3+s31+$0x0], $0xffff  }
0x529: {  	v2 =	vld [tilespmem:s14+$0x1AFA0]  }
0x52a: {  	v3 =	vld [tilespmem:s14+$0x1BFA0];
	_ =	sdelay $0x1  }
0x52b: {  	v0 =	vmul.f32 $8.000000000e+00, v0;
	_ =	sdelay $0x1  }
0x52c: {  	v0 =	vadd.f32 v1, v0;
	_ =	sdelay $0x1  }
0x52d: {  	[tilespmem:s14+$0x1DF90] =	vst v0  }
0x52e: {  	v0 =	vld.idx.msk [tilespmem:v2+s1+$0x0], $0xffff  }
0x52f: {  	v1 =	vld.idx.msk [tilespmem:v3+s31+$0x0], $0xffff  }
0x530: {  	v2 =	vld [tilespmem:s14+$0x1AFB0]  }
0x531: {  	v3 =	vld [tilespmem:s14+$0x1BFB0];
	_ =	sdelay $0x1  }
0x532: {  	v0 =	vmul.f32 $8.000000000e+00, v0;
	_ =	sdelay $0x1  }
0x533: {  	v0 =	vadd.f32 v1, v0;
	_ =	sdelay $0x1  }
0x534: {  	[tilespmem:s14+$0x1DFA0] =	vst v0  }
0x535: {  	v1 =	vld.idx.msk [tilespmem:v2+s1+$0x0], $0xffff  }
0x536: {  	s15 =	simm.s32 $0x200;
	s16 =	simm.s32 $0x40;
	v0 =	vld.idx.msk [tilespmem:v3+s31+$0x0], $0xffff  }
.LBB2_26:
0x537: {  	p0 =	sne.s32 s15, $0x3F00;
	v2 =	vld [tilespmem:s16+$0x1AF80]  }
0x538: {  	v3 =	vld [tilespmem:s16+$0x1BF80];
	_ =	sdelay $0x1  }
0x539: {  	v1 =	vmul.f32 $8.000000000e+00, v1;
	_ =	sdelay $0x1  }
0x53a: {  	v0 =	vadd.f32 v0, v1;
	_ =	sdelay $0x1  }
0x53b: {  	[tilespmem:s14+$0x1DFB0] =	vst v0;
	s14 =	smov.u32 s16  }
0x53c: {  	v0 =	vld.idx.msk [tilespmem:v2+s1+$0x0], $0xffff  }
0x53d: {  	v1 =	vld.idx.msk [tilespmem:v3+s31+$0x0], $0xffff;
	_ =	sdelay $0x1  }
0x53e: {  	v2 =	vld [tilespmem:s14+$0x1AF90];
	_ =	sdelay $0x1  }
0x53f: {  	v3 =	vld [tilespmem:s14+$0x1BF90]  }
0x540: {  	v0 =	vmul.f32 $8.000000000e+00, v0;
	_ =	sdelay $0x1  }
0x541: {  	v0 =	vadd.f32 v1, v0;
	_ =	sdelay $0x1  }
0x542: {  	[tilespmem:s14+$0x1DF80] =	vst v0  }
0x543: {  	v0 =	vld.idx.msk [tilespmem:v2+s1+$0x0], $0xffff;
	_ =	sdelay $0x1  }
0x544: {  	v1 =	vld.idx.msk [tilespmem:v3+s31+$0x0], $0xffff  }
0x545: {  	v2 =	vld [tilespmem:s14+$0x1AFA0];
	_ =	sdelay $0x1  }
0x546: {  	v3 =	vld [tilespmem:s14+$0x1BFA0]  }
0x547: {  	v0 =	vmul.f32 $8.000000000e+00, v0;
	_ =	sdelay $0x1  }
0x548: {  	v0 =	vadd.f32 v1, v0;
	_ =	sdelay $0x1  }
0x549: {  	[tilespmem:s14+$0x1DF90] =	vst v0  }
0x54a: {  	v0 =	vld.idx.msk [tilespmem:v2+s1+$0x0], $0xffff;
	_ =	sdelay $0x1  }
0x54b: {  	v1 =	vld.idx.msk [tilespmem:v3+s31+$0x0], $0xffff  }
0x54c: {  	v2 =	vld [tilespmem:s14+$0x1AFB0]  }
0x54d: {  	v3 =	vld [tilespmem:s14+$0x1BFB0];
	_ =	sdelay $0x1  }
0x54e: {  	v0 =	vmul.f32 $8.000000000e+00, v0;
	_ =	sdelay $0x1  }
0x54f: {  	v0 =	vadd.f32 v1, v0  }
.Ltmp12:
0x550: {  	(pc) =	sbr.rel @p0 .LBB2_26-.Ltmp12, $4  }
0x551: {  	[tilespmem:s14+$0x1DFA0] =	vst v0  }
0x552: {  	v1 =	vld.idx.msk [tilespmem:v2+s1+$0x0], $0xffff  }
0x553: {  	v0 =	vld.idx.msk [tilespmem:v3+s31+$0x0], $0xffff  }
0x554: {  	s16 =	sshra.s32 s15, $0x2;
	s15 =	sadd.s32 $0x100, s15  }
0x555: {  	v2 =	vld [tilespmem:s16+$0x1AF80]  }
0x556: {  	v3 =	vld [tilespmem:s16+$0x1BF80];
	_ =	sdelay $0x1  }
0x557: {  	v1 =	vmul.f32 $8.000000000e+00, v1;
	_ =	sdelay $0x1  }
0x558: {  	v0 =	vadd.f32 v0, v1;
	_ =	sdelay $0x1  }
0x559: {  	[tilespmem:s14+$0x1DFB0] =	vst v0  }
0x55a: {  	v0 =	vld.idx.msk [tilespmem:v2+s1+$0x0], $0xffff  }
0x55b: {  	v1 =	vld.idx.msk [tilespmem:v3+s31+$0x0], $0xffff  }
0x55c: {  	v2 =	vld [tilespmem:s16+$0x1AF90]  }
0x55d: {  	v3 =	vld [tilespmem:s16+$0x1BF90];
	_ =	sdelay $0x1  }
0x55e: {  	v0 =	vmul.f32 $8.000000000e+00, v0;
	_ =	sdelay $0x1  }
0x55f: {  	v0 =	vadd.f32 v1, v0;
	_ =	sdelay $0x1  }
0x560: {  	[tilespmem:s16+$0x1DF80] =	vst v0  }
0x561: {  	v0 =	vld.idx.msk [tilespmem:v2+s1+$0x0], $0xffff  }
0x562: {  	v1 =	vld.idx.msk [tilespmem:v3+s31+$0x0], $0xffff  }
0x563: {  	v2 =	vld [tilespmem:s16+$0x1AFA0]  }
0x564: {  	v3 =	vld [tilespmem:s16+$0x1BFA0];
	_ =	sdelay $0x1  }
0x565: {  	v0 =	vmul.f32 $8.000000000e+00, v0;
	_ =	sdelay $0x1  }
0x566: {  	v0 =	vadd.f32 v1, v0;
	_ =	sdelay $0x1  }
0x567: {  	[tilespmem:s16+$0x1DF90] =	vst v0  }
0x568: {  	v0 =	vld.idx.msk [tilespmem:v2+s1+$0x0], $0xffff  }
0x569: {  	v1 =	vld.idx.msk [tilespmem:v3+s31+$0x0], $0xffff  }
0x56a: {  	v2 =	vld [tilespmem:s16+$0x1AFB0];
	_ =	sdelay $0x1  }
0x56b: {  	v3 =	vld [tilespmem:s16+$0x1BFB0]  }
0x56c: {  	v0 =	vmul.f32 $8.000000000e+00, v0;
	_ =	sdelay $0x1  }
0x56d: {  	v0 =	vadd.f32 v1, v0;
	_ =	sdelay $0x1  }
0x56e: {  	[tilespmem:s16+$0x1DFA0] =	vst v0  }
0x56f: {  	v0 =	vld.idx.msk [tilespmem:v2+s1+$0x0], $0xffff;
	_ =	sdelay $0x1  }
0x570: {  	v1 =	vld.idx.msk [tilespmem:v3+s31+$0x0], $0xffff;
	_ =	sdelay $0x2  }
0x571: {  	v0 =	vmul.f32 $8.000000000e+00, v0;
	_ =	sdelay $0x1  }
0x572: {  	s25 =	sld [smem:$0x7EE];
	v0 =	vadd.f32 v1, v0;
	_ =	sdelay $0x1  }
0x573: {  	s15 =	simm.s32 $0x1DF80;
	[tilespmem:s16+$0x1DFB0] =	vst v0;
	s16 =	sld [smem:$0x7EF]  }
0x574: {  	[hbm4b:s25+s29] =	stream.strided.scatter [tilespmem:s15], [sflag:$0x3], $0x800, s30, s29, $0x38;
	[tilespmem:$0x1FF80] =	vst v63  }
0x575: {  	s25 =	simm.s32 $0x1E780  }
0x576: {  	[hbm4b:s16+s29] =	stream.strided.scatter [tilespmem:s25], [sflag:$0x3], $0x800, s30, s29, $0x38;
	[tilespmem:$0x1FF80] =	vst v63  }
0x577: {  	_ =	swait.ge [sflag:s6], $0x1000  }
0x578: {  	[sflag:s6] =	ssyncset.done $0x0  }
0x579: {  	[sflag:s6] =	ssyncadd.s32 $0xFFFFF000  }
0x57a: {  	_ =	swait.ge [sflag:s6], $0x1000  }
0x57b: {  	[sflag:s6] =	ssyncset.done $0x0  }
0x57c: {  	[sflag:s6] =	ssyncadd.s32 $0xFFFFF000  }
0x57d: {  	[tilespmem:s26], [sflag:$0x2] =	stream.linear.gather [spmem:s13], $0x1000, $0x38;
	[tilespmem:$0x1FF80] =	vst v63  }
0x57e: {  	_ = 	snop  }
0x57f: {  	[tilespmem:s28], [sflag:$0x2] =	stream.linear.gather [spmem:s2], $0x1000, $0x38;
	[tilespmem:$0x1FF80] =	vst v63  }
0x580: {  	_ =	swait.ge [sflag:s5], $0x800  }
0x581: {  	[sflag:s5] =	ssyncset.done $0x0  }
0x582: {  	[sflag:s5] =	ssyncadd.s32 $0xFFFFF800  }
0x583: {  	_ =	swait.ge [sflag:s5], $0x800  }
0x584: {  	[sflag:s5] =	ssyncset.done $0x0  }
0x585: {  	s14 =	simm.s32 $0x0;
	[sflag:s5] =	ssyncadd.s32 $0xFFFFF800  }
0x586: {  	v0 =	vld [tilespmem:s14+$0x18F80];
	_ =	sdelay $0x1  }
0x587: {  	v1 =	vld [tilespmem:s14+$0x19F80];
	_ =	sdelay $0x5  }
0x588: {  	v0 =	vld.idx.msk [tilespmem:v0+s1+$0x0], $0xffff  }
0x589: {  	v2 =	vld [tilespmem:s14+$0x18F90]  }
0x58a: {  	v1 =	vld.idx.msk [tilespmem:v1+s31+$0x0], $0xffff  }
0x58b: {  	v3 =	vld [tilespmem:s14+$0x19F90];
	_ =	sdelay $0x1  }
0x58c: {  	v0 =	vmul.f32 $8.000000000e+00, v0;
	_ =	sdelay $0x1  }
0x58d: {  	v0 =	vadd.f32 v1, v0;
	_ =	sdelay $0x1  }
0x58e: {  	[tilespmem:s14+$0x1CF80] =	vst v0  }
0x58f: {  	v0 =	vld.idx.msk [tilespmem:v2+s1+$0x0], $0xffff  }
0x590: {  	v1 =	vld.idx.msk [tilespmem:v3+s31+$0x0], $0xffff  }
0x591: {  	v2 =	vld [tilespmem:s14+$0x18FA0]  }
0x592: {  	v3 =	vld [tilespmem:s14+$0x19FA0];
	_ =	sdelay $0x1  }
0x593: {  	v0 =	vmul.f32 $8.000000000e+00, v0;
	_ =	sdelay $0x1  }
0x594: {  	v0 =	vadd.f32 v1, v0;
	_ =	sdelay $0x1  }
0x595: {  	[tilespmem:s14+$0x1CF90] =	vst v0  }
0x596: {  	v0 =	vld.idx.msk [tilespmem:v2+s1+$0x0], $0xffff  }
0x597: {  	v1 =	vld.idx.msk [tilespmem:v3+s31+$0x0], $0xffff  }
0x598: {  	v2 =	vld [tilespmem:s14+$0x18FB0]  }
0x599: {  	v3 =	vld [tilespmem:s14+$0x19FB0];
	_ =	sdelay $0x1  }
0x59a: {  	v0 =	vmul.f32 $8.000000000e+00, v0;
	_ =	sdelay $0x1  }
0x59b: {  	v0 =	vadd.f32 v1, v0;
	_ =	sdelay $0x1  }
0x59c: {  	[tilespmem:s14+$0x1CFA0] =	vst v0  }
0x59d: {  	v1 =	vld.idx.msk [tilespmem:v2+s1+$0x0], $0xffff  }
0x59e: {  	s15 =	simm.s32 $0x200;
	s16 =	simm.s32 $0x40;
	v0 =	vld.idx.msk [tilespmem:v3+s31+$0x0], $0xffff  }
.LBB2_28:
0x59f: {  	p0 =	sne.s32 s15, $0x3F00;
	v2 =	vld [tilespmem:s16+$0x18F80]  }
0x5a0: {  	v3 =	vld [tilespmem:s16+$0x19F80];
	_ =	sdelay $0x1  }
0x5a1: {  	v1 =	vmul.f32 $8.000000000e+00, v1;
	_ =	sdelay $0x1  }
0x5a2: {  	v0 =	vadd.f32 v0, v1;
	_ =	sdelay $0x1  }
0x5a3: {  	[tilespmem:s14+$0x1CFB0] =	vst v0;
	s14 =	smov.u32 s16  }
0x5a4: {  	v0 =	vld.idx.msk [tilespmem:v2+s1+$0x0], $0xffff  }
0x5a5: {  	v1 =	vld.idx.msk [tilespmem:v3+s31+$0x0], $0xffff;
	_ =	sdelay $0x1  }
0x5a6: {  	v2 =	vld [tilespmem:s14+$0x18F90];
	_ =	sdelay $0x1  }
0x5a7: {  	v3 =	vld [tilespmem:s14+$0x19F90]  }
0x5a8: {  	v0 =	vmul.f32 $8.000000000e+00, v0;
	_ =	sdelay $0x1  }
0x5a9: {  	v0 =	vadd.f32 v1, v0;
	_ =	sdelay $0x1  }
0x5aa: {  	[tilespmem:s14+$0x1CF80] =	vst v0  }
0x5ab: {  	v0 =	vld.idx.msk [tilespmem:v2+s1+$0x0], $0xffff;
	_ =	sdelay $0x1  }
0x5ac: {  	v1 =	vld.idx.msk [tilespmem:v3+s31+$0x0], $0xffff  }
0x5ad: {  	v2 =	vld [tilespmem:s14+$0x18FA0];
	_ =	sdelay $0x1  }
0x5ae: {  	v3 =	vld [tilespmem:s14+$0x19FA0]  }
0x5af: {  	v0 =	vmul.f32 $8.000000000e+00, v0;
	_ =	sdelay $0x1  }
0x5b0: {  	v0 =	vadd.f32 v1, v0;
	_ =	sdelay $0x1  }
0x5b1: {  	[tilespmem:s14+$0x1CF90] =	vst v0  }
0x5b2: {  	v0 =	vld.idx.msk [tilespmem:v2+s1+$0x0], $0xffff;
	_ =	sdelay $0x1  }
0x5b3: {  	v1 =	vld.idx.msk [tilespmem:v3+s31+$0x0], $0xffff  }
0x5b4: {  	v2 =	vld [tilespmem:s14+$0x18FB0]  }
0x5b5: {  	v3 =	vld [tilespmem:s14+$0x19FB0];
	_ =	sdelay $0x1  }
0x5b6: {  	v0 =	vmul.f32 $8.000000000e+00, v0;
	_ =	sdelay $0x1  }
0x5b7: {  	v0 =	vadd.f32 v1, v0  }
.Ltmp13:
0x5b8: {  	(pc) =	sbr.rel @p0 .LBB2_28-.Ltmp13, $4  }
0x5b9: {  	[tilespmem:s14+$0x1CFA0] =	vst v0  }
0x5ba: {  	v1 =	vld.idx.msk [tilespmem:v2+s1+$0x0], $0xffff  }
0x5bb: {  	v0 =	vld.idx.msk [tilespmem:v3+s31+$0x0], $0xffff  }
0x5bc: {  	s16 =	sshra.s32 s15, $0x2;
	s15 =	sadd.s32 $0x100, s15  }
0x5bd: {  	v2 =	vld [tilespmem:s16+$0x18F80]  }
0x5be: {  	v3 =	vld [tilespmem:s16+$0x19F80];
	_ =	sdelay $0x1  }
0x5bf: {  	v1 =	vmul.f32 $8.000000000e+00, v1;
	_ =	sdelay $0x1  }
0x5c0: {  	v0 =	vadd.f32 v0, v1;
	_ =	sdelay $0x1  }
0x5c1: {  	[tilespmem:s14+$0x1CFB0] =	vst v0  }
0x5c2: {  	v0 =	vld.idx.msk [tilespmem:v2+s1+$0x0], $0xffff  }
0x5c3: {  	v1 =	vld.idx.msk [tilespmem:v3+s31+$0x0], $0xffff  }
0x5c4: {  	v2 =	vld [tilespmem:s16+$0x18F90]  }
0x5c5: {  	v3 =	vld [tilespmem:s16+$0x19F90];
	_ =	sdelay $0x1  }
0x5c6: {  	v0 =	vmul.f32 $8.000000000e+00, v0;
	_ =	sdelay $0x1  }
0x5c7: {  	v0 =	vadd.f32 v1, v0;
	_ =	sdelay $0x1  }
0x5c8: {  	[tilespmem:s16+$0x1CF80] =	vst v0  }
0x5c9: {  	v0 =	vld.idx.msk [tilespmem:v2+s1+$0x0], $0xffff  }
0x5ca: {  	v1 =	vld.idx.msk [tilespmem:v3+s31+$0x0], $0xffff  }
0x5cb: {  	v2 =	vld [tilespmem:s16+$0x18FA0]  }
0x5cc: {  	v3 =	vld [tilespmem:s16+$0x19FA0];
	_ =	sdelay $0x1  }
0x5cd: {  	v0 =	vmul.f32 $8.000000000e+00, v0;
	_ =	sdelay $0x1  }
0x5ce: {  	v0 =	vadd.f32 v1, v0;
	_ =	sdelay $0x1  }
0x5cf: {  	[tilespmem:s16+$0x1CF90] =	vst v0  }
0x5d0: {  	v0 =	vld.idx.msk [tilespmem:v2+s1+$0x0], $0xffff  }
0x5d1: {  	v1 =	vld.idx.msk [tilespmem:v3+s31+$0x0], $0xffff  }
0x5d2: {  	v2 =	vld [tilespmem:s16+$0x18FB0];
	_ =	sdelay $0x1  }
0x5d3: {  	v3 =	vld [tilespmem:s16+$0x19FB0]  }
0x5d4: {  	v0 =	vmul.f32 $8.000000000e+00, v0;
	_ =	sdelay $0x1  }
0x5d5: {  	v0 =	vadd.f32 v1, v0;
	_ =	sdelay $0x1  }
0x5d6: {  	[tilespmem:s16+$0x1CFA0] =	vst v0  }
0x5d7: {  	v0 =	vld.idx.msk [tilespmem:v2+s1+$0x0], $0xffff;
	_ =	sdelay $0x1  }
0x5d8: {  	v1 =	vld.idx.msk [tilespmem:v3+s31+$0x0], $0xffff;
	_ =	sdelay $0x2  }
0x5d9: {  	v0 =	vmul.f32 $8.000000000e+00, v0;
	_ =	sdelay $0x1  }
0x5da: {  	s25 =	sld [smem:$0x7F0];
	v0 =	vadd.f32 v1, v0;
	_ =	sdelay $0x1  }
0x5db: {  	s15 =	simm.s32 $0x1CF80;
	[tilespmem:s16+$0x1CFB0] =	vst v0;
	s16 =	sld [smem:$0x7F1]  }
0x5dc: {  	[hbm4b:s25+s29] =	stream.strided.scatter [tilespmem:s15], [sflag:$0x3], $0x800, s30, s29, $0x38;
	[tilespmem:$0x1FF80] =	vst v63  }
0x5dd: {  	s25 =	simm.s32 $0x1D780  }
0x5de: {  	[hbm4b:s16+s29] =	stream.strided.scatter [tilespmem:s25], [sflag:$0x3], $0x800, s30, s29, $0x38;
	[tilespmem:$0x1FF80] =	vst v63  }
0x5df: {  	_ =	swait.ge [sflag:s6], $0x1000  }
0x5e0: {  	[sflag:s6] =	ssyncset.done $0x0  }
0x5e1: {  	[sflag:s6] =	ssyncadd.s32 $0xFFFFF000  }
0x5e2: {  	_ =	swait.ge [sflag:s6], $0x1000  }
0x5e3: {  	[sflag:s6] =	ssyncset.done $0x0  }
0x5e4: {  	[sflag:s6] =	ssyncadd.s32 $0xFFFFF000  }
0x5e5: {  	[tilespmem:s23], [sflag:$0x2] =	stream.linear.gather [spmem:s0], $0x1000, $0x38;
	[tilespmem:$0x1FF80] =	vst v63  }
0x5e6: {  	_ = 	snop  }
0x5e7: {  	[tilespmem:s24], [sflag:$0x2] =	stream.linear.gather [spmem:s3], $0x1000, $0x38;
	[tilespmem:$0x1FF80] =	vst v63  }
0x5e8: {  	_ =	swait.ge [sflag:s5], $0x800  }
0x5e9: {  	[sflag:s5] =	ssyncset.done $0x0  }
0x5ea: {  	[sflag:s5] =	ssyncadd.s32 $0xFFFFF800  }
0x5eb: {  	_ =	swait.ge [sflag:s5], $0x800  }
0x5ec: {  	[sflag:s5] =	ssyncset.done $0x0  }
0x5ed: {  	s14 =	simm.s32 $0x0;
	[sflag:s5] =	ssyncadd.s32 $0xFFFFF800  }
0x5ee: {  	v0 =	vld [tilespmem:s14+$0x1AF80];
	_ =	sdelay $0x1  }
0x5ef: {  	v1 =	vld [tilespmem:s14+$0x1BF80];
	_ =	sdelay $0x5  }
0x5f0: {  	v0 =	vld.idx.msk [tilespmem:v0+s1+$0x0], $0xffff  }
0x5f1: {  	v2 =	vld [tilespmem:s14+$0x1AF90]  }
0x5f2: {  	v1 =	vld.idx.msk [tilespmem:v1+s31+$0x0], $0xffff  }
0x5f3: {  	v3 =	vld [tilespmem:s14+$0x1BF90];
	_ =	sdelay $0x1  }
0x5f4: {  	v0 =	vmul.f32 $8.000000000e+00, v0;
	_ =	sdelay $0x1  }
0x5f5: {  	v0 =	vadd.f32 v1, v0;
	_ =	sdelay $0x1  }
0x5f6: {  	[tilespmem:s14+$0x1DF80] =	vst v0  }
0x5f7: {  	v0 =	vld.idx.msk [tilespmem:v2+s1+$0x0], $0xffff  }
0x5f8: {  	v1 =	vld.idx.msk [tilespmem:v3+s31+$0x0], $0xffff  }
0x5f9: {  	v2 =	vld [tilespmem:s14+$0x1AFA0]  }
0x5fa: {  	v3 =	vld [tilespmem:s14+$0x1BFA0];
	_ =	sdelay $0x1  }
0x5fb: {  	v0 =	vmul.f32 $8.000000000e+00, v0;
	_ =	sdelay $0x1  }
0x5fc: {  	v0 =	vadd.f32 v1, v0;
	_ =	sdelay $0x1  }
0x5fd: {  	[tilespmem:s14+$0x1DF90] =	vst v0  }
0x5fe: {  	v0 =	vld.idx.msk [tilespmem:v2+s1+$0x0], $0xffff  }
0x5ff: {  	v1 =	vld.idx.msk [tilespmem:v3+s31+$0x0], $0xffff  }
0x600: {  	v2 =	vld [tilespmem:s14+$0x1AFB0]  }
0x601: {  	v3 =	vld [tilespmem:s14+$0x1BFB0];
	_ =	sdelay $0x1  }
0x602: {  	v0 =	vmul.f32 $8.000000000e+00, v0;
	_ =	sdelay $0x1  }
0x603: {  	v0 =	vadd.f32 v1, v0;
	_ =	sdelay $0x1  }
0x604: {  	[tilespmem:s14+$0x1DFA0] =	vst v0  }
0x605: {  	v1 =	vld.idx.msk [tilespmem:v2+s1+$0x0], $0xffff  }
0x606: {  	s15 =	simm.s32 $0x200;
	s16 =	simm.s32 $0x40;
	v0 =	vld.idx.msk [tilespmem:v3+s31+$0x0], $0xffff  }
.LBB2_30:
0x607: {  	p0 =	sne.s32 s15, $0x3F00;
	v2 =	vld [tilespmem:s16+$0x1AF80]  }
0x608: {  	v3 =	vld [tilespmem:s16+$0x1BF80];
	_ =	sdelay $0x1  }
0x609: {  	v1 =	vmul.f32 $8.000000000e+00, v1;
	_ =	sdelay $0x1  }
0x60a: {  	v0 =	vadd.f32 v0, v1;
	_ =	sdelay $0x1  }
0x60b: {  	[tilespmem:s14+$0x1DFB0] =	vst v0;
	s14 =	smov.u32 s16  }
0x60c: {  	v0 =	vld.idx.msk [tilespmem:v2+s1+$0x0], $0xffff  }
0x60d: {  	v1 =	vld.idx.msk [tilespmem:v3+s31+$0x0], $0xffff;
	_ =	sdelay $0x1  }
0x60e: {  	v2 =	vld [tilespmem:s14+$0x1AF90];
	_ =	sdelay $0x1  }
0x60f: {  	v3 =	vld [tilespmem:s14+$0x1BF90]  }
0x610: {  	v0 =	vmul.f32 $8.000000000e+00, v0;
	_ =	sdelay $0x1  }
0x611: {  	v0 =	vadd.f32 v1, v0;
	_ =	sdelay $0x1  }
0x612: {  	[tilespmem:s14+$0x1DF80] =	vst v0  }
0x613: {  	v0 =	vld.idx.msk [tilespmem:v2+s1+$0x0], $0xffff;
	_ =	sdelay $0x1  }
0x614: {  	v1 =	vld.idx.msk [tilespmem:v3+s31+$0x0], $0xffff  }
0x615: {  	v2 =	vld [tilespmem:s14+$0x1AFA0];
	_ =	sdelay $0x1  }
0x616: {  	v3 =	vld [tilespmem:s14+$0x1BFA0]  }
0x617: {  	v0 =	vmul.f32 $8.000000000e+00, v0;
	_ =	sdelay $0x1  }
0x618: {  	v0 =	vadd.f32 v1, v0;
	_ =	sdelay $0x1  }
0x619: {  	[tilespmem:s14+$0x1DF90] =	vst v0  }
0x61a: {  	v0 =	vld.idx.msk [tilespmem:v2+s1+$0x0], $0xffff;
	_ =	sdelay $0x1  }
0x61b: {  	v1 =	vld.idx.msk [tilespmem:v3+s31+$0x0], $0xffff  }
0x61c: {  	v2 =	vld [tilespmem:s14+$0x1AFB0]  }
0x61d: {  	v3 =	vld [tilespmem:s14+$0x1BFB0];
	_ =	sdelay $0x1  }
0x61e: {  	v0 =	vmul.f32 $8.000000000e+00, v0;
	_ =	sdelay $0x1  }
0x61f: {  	v0 =	vadd.f32 v1, v0  }
.Ltmp14:
0x620: {  	(pc) =	sbr.rel @p0 .LBB2_30-.Ltmp14, $4  }
0x621: {  	[tilespmem:s14+$0x1DFA0] =	vst v0  }
0x622: {  	v1 =	vld.idx.msk [tilespmem:v2+s1+$0x0], $0xffff  }
0x623: {  	v0 =	vld.idx.msk [tilespmem:v3+s31+$0x0], $0xffff  }
0x624: {  	s16 =	sshra.s32 s15, $0x2;
	s15 =	sadd.s32 $0x100, s15  }
0x625: {  	v2 =	vld [tilespmem:s16+$0x1AF80]  }
0x626: {  	v3 =	vld [tilespmem:s16+$0x1BF80];
	_ =	sdelay $0x1  }
0x627: {  	v1 =	vmul.f32 $8.000000000e+00, v1;
	_ =	sdelay $0x1  }
0x628: {  	v0 =	vadd.f32 v0, v1;
	_ =	sdelay $0x1  }
0x629: {  	[tilespmem:s14+$0x1DFB0] =	vst v0  }
0x62a: {  	v0 =	vld.idx.msk [tilespmem:v2+s1+$0x0], $0xffff  }
0x62b: {  	v1 =	vld.idx.msk [tilespmem:v3+s31+$0x0], $0xffff  }
0x62c: {  	v2 =	vld [tilespmem:s16+$0x1AF90]  }
0x62d: {  	v3 =	vld [tilespmem:s16+$0x1BF90];
	_ =	sdelay $0x1  }
0x62e: {  	v0 =	vmul.f32 $8.000000000e+00, v0;
	_ =	sdelay $0x1  }
0x62f: {  	v0 =	vadd.f32 v1, v0;
	_ =	sdelay $0x1  }
0x630: {  	[tilespmem:s16+$0x1DF80] =	vst v0  }
0x631: {  	v0 =	vld.idx.msk [tilespmem:v2+s1+$0x0], $0xffff  }
0x632: {  	v1 =	vld.idx.msk [tilespmem:v3+s31+$0x0], $0xffff  }
0x633: {  	v2 =	vld [tilespmem:s16+$0x1AFA0]  }
0x634: {  	v3 =	vld [tilespmem:s16+$0x1BFA0];
	_ =	sdelay $0x1  }
0x635: {  	v0 =	vmul.f32 $8.000000000e+00, v0;
	_ =	sdelay $0x1  }
0x636: {  	v0 =	vadd.f32 v1, v0;
	_ =	sdelay $0x1  }
0x637: {  	[tilespmem:s16+$0x1DF90] =	vst v0  }
0x638: {  	v0 =	vld.idx.msk [tilespmem:v2+s1+$0x0], $0xffff  }
0x639: {  	v1 =	vld.idx.msk [tilespmem:v3+s31+$0x0], $0xffff  }
0x63a: {  	v2 =	vld [tilespmem:s16+$0x1AFB0];
	_ =	sdelay $0x1  }
0x63b: {  	v3 =	vld [tilespmem:s16+$0x1BFB0]  }
0x63c: {  	v0 =	vmul.f32 $8.000000000e+00, v0;
	_ =	sdelay $0x1  }
0x63d: {  	v0 =	vadd.f32 v1, v0;
	_ =	sdelay $0x1  }
0x63e: {  	[tilespmem:s16+$0x1DFA0] =	vst v0  }
0x63f: {  	v0 =	vld.idx.msk [tilespmem:v2+s1+$0x0], $0xffff;
	_ =	sdelay $0x1  }
0x640: {  	v1 =	vld.idx.msk [tilespmem:v3+s31+$0x0], $0xffff;
	_ =	sdelay $0x2  }
0x641: {  	v0 =	vmul.f32 $8.000000000e+00, v0;
	_ =	sdelay $0x1  }
0x642: {  	v0 =	vadd.f32 v1, v0;
	_ =	sdelay $0x1  }
0x643: {  	[tilespmem:s16+$0x1DFB0] =	vst v0;
	s16 =	sld [smem:$0x7F2];
	_ =	sdelay $0x1  }
0x644: {  	s15 =	simm.s32 $0x1DF80;
	s24 =	sld [smem:$0x7F3]  }
0x645: {  	[hbm4b:s16+s29] =	stream.strided.scatter [tilespmem:s15], [sflag:$0x3], $0x800, s30, s29, $0x38;
	[tilespmem:$0x1FF80] =	vst v63  }
0x646: {  	s25 =	simm.s32 $0x1E780  }
0x647: {  	[hbm4b:s24+s29] =	stream.strided.scatter [tilespmem:s25], [sflag:$0x3], $0x800, s30, s29, $0x38;
	[tilespmem:$0x1FF80] =	vst v63  }
0x648: {  	_ =	swait.ge [sflag:s6], $0x1000  }
0x649: {  	[sflag:s6] =	ssyncset.done $0x0  }
0x64a: {  	[sflag:s6] =	ssyncadd.s32 $0xFFFFF000  }
0x64b: {  	_ =	swait.ge [sflag:s6], $0x1000  }
0x64c: {  	[sflag:s6] =	ssyncset.done $0x0  }
0x64d: {  	[sflag:s6] =	ssyncadd.s32 $0xFFFFF000  }
0x64e: {  	[tilespmem:s26], [sflag:$0x2] =	stream.linear.gather [spmem:s22], $0x1000, $0x38;
	[tilespmem:$0x1FF80] =	vst v63  }
0x64f: {  	_ = 	snop  }
0x650: {  	[tilespmem:s28], [sflag:$0x2] =	stream.linear.gather [spmem:s4], $0x1000, $0x38;
	[tilespmem:$0x1FF80] =	vst v63  }
0x651: {  	_ =	swait.ge [sflag:s5], $0x800  }
0x652: {  	[sflag:s5] =	ssyncset.done $0x0  }
0x653: {  	[sflag:s5] =	ssyncadd.s32 $0xFFFFF800  }
0x654: {  	_ =	swait.ge [sflag:s5], $0x800  }
0x655: {  	[sflag:s5] =	ssyncset.done $0x0  }
0x656: {  	s14 =	simm.s32 $0x0;
	[sflag:s5] =	ssyncadd.s32 $0xFFFFF800  }
0x657: {  	v0 =	vld [tilespmem:s14+$0x18F80];
	_ =	sdelay $0x1  }
0x658: {  	v1 =	vld [tilespmem:s14+$0x19F80];
	_ =	sdelay $0x5  }
0x659: {  	v0 =	vld.idx.msk [tilespmem:v0+s1+$0x0], $0xffff  }
0x65a: {  	v2 =	vld [tilespmem:s14+$0x18F90]  }
0x65b: {  	v1 =	vld.idx.msk [tilespmem:v1+s31+$0x0], $0xffff  }
0x65c: {  	v3 =	vld [tilespmem:s14+$0x19F90];
	_ =	sdelay $0x1  }
0x65d: {  	v0 =	vmul.f32 $8.000000000e+00, v0;
	_ =	sdelay $0x1  }
0x65e: {  	v0 =	vadd.f32 v1, v0;
	_ =	sdelay $0x1  }
0x65f: {  	[tilespmem:s14+$0x1CF80] =	vst v0  }
0x660: {  	v0 =	vld.idx.msk [tilespmem:v2+s1+$0x0], $0xffff  }
0x661: {  	v1 =	vld.idx.msk [tilespmem:v3+s31+$0x0], $0xffff  }
0x662: {  	v2 =	vld [tilespmem:s14+$0x18FA0]  }
0x663: {  	v3 =	vld [tilespmem:s14+$0x19FA0];
	_ =	sdelay $0x1  }
0x664: {  	v0 =	vmul.f32 $8.000000000e+00, v0;
	_ =	sdelay $0x1  }
0x665: {  	v0 =	vadd.f32 v1, v0;
	_ =	sdelay $0x1  }
0x666: {  	[tilespmem:s14+$0x1CF90] =	vst v0  }
0x667: {  	v0 =	vld.idx.msk [tilespmem:v2+s1+$0x0], $0xffff  }
0x668: {  	v1 =	vld.idx.msk [tilespmem:v3+s31+$0x0], $0xffff  }
0x669: {  	v2 =	vld [tilespmem:s14+$0x18FB0]  }
0x66a: {  	v3 =	vld [tilespmem:s14+$0x19FB0];
	_ =	sdelay $0x1  }
0x66b: {  	v0 =	vmul.f32 $8.000000000e+00, v0;
	_ =	sdelay $0x1  }
0x66c: {  	v0 =	vadd.f32 v1, v0;
	_ =	sdelay $0x1  }
0x66d: {  	[tilespmem:s14+$0x1CFA0] =	vst v0  }
0x66e: {  	v1 =	vld.idx.msk [tilespmem:v2+s1+$0x0], $0xffff  }
0x66f: {  	s16 =	simm.s32 $0x40;
	s15 =	simm.s32 $0x200;
	v0 =	vld.idx.msk [tilespmem:v3+s31+$0x0], $0xffff  }
.LBB2_32:
0x670: {  	p0 =	sne.s32 s15, $0x3F00;
	v2 =	vld [tilespmem:s16+$0x18F80]  }
0x671: {  	v3 =	vld [tilespmem:s16+$0x19F80];
	_ =	sdelay $0x1  }
0x672: {  	v1 =	vmul.f32 $8.000000000e+00, v1;
	_ =	sdelay $0x1  }
0x673: {  	v0 =	vadd.f32 v0, v1;
	_ =	sdelay $0x1  }
0x674: {  	[tilespmem:s14+$0x1CFB0] =	vst v0;
	s14 =	smov.u32 s16  }
0x675: {  	v0 =	vld.idx.msk [tilespmem:v2+s1+$0x0], $0xffff  }
0x676: {  	v1 =	vld.idx.msk [tilespmem:v3+s31+$0x0], $0xffff;
	_ =	sdelay $0x1  }
0x677: {  	v2 =	vld [tilespmem:s14+$0x18F90];
	_ =	sdelay $0x1  }
0x678: {  	v3 =	vld [tilespmem:s14+$0x19F90]  }
0x679: {  	v0 =	vmul.f32 $8.000000000e+00, v0;
	_ =	sdelay $0x1  }
0x67a: {  	v0 =	vadd.f32 v1, v0;
	_ =	sdelay $0x1  }
0x67b: {  	[tilespmem:s14+$0x1CF80] =	vst v0  }
0x67c: {  	v0 =	vld.idx.msk [tilespmem:v2+s1+$0x0], $0xffff;
	_ =	sdelay $0x1  }
0x67d: {  	v1 =	vld.idx.msk [tilespmem:v3+s31+$0x0], $0xffff  }
0x67e: {  	v2 =	vld [tilespmem:s14+$0x18FA0];
	_ =	sdelay $0x1  }
0x67f: {  	v3 =	vld [tilespmem:s14+$0x19FA0]  }
0x680: {  	v0 =	vmul.f32 $8.000000000e+00, v0;
	_ =	sdelay $0x1  }
0x681: {  	v0 =	vadd.f32 v1, v0;
	_ =	sdelay $0x1  }
0x682: {  	[tilespmem:s14+$0x1CF90] =	vst v0  }
0x683: {  	v0 =	vld.idx.msk [tilespmem:v2+s1+$0x0], $0xffff;
	_ =	sdelay $0x1  }
0x684: {  	v1 =	vld.idx.msk [tilespmem:v3+s31+$0x0], $0xffff  }
0x685: {  	v2 =	vld [tilespmem:s14+$0x18FB0]  }
0x686: {  	v3 =	vld [tilespmem:s14+$0x19FB0];
	_ =	sdelay $0x1  }
0x687: {  	v0 =	vmul.f32 $8.000000000e+00, v0;
	_ =	sdelay $0x1  }
0x688: {  	v0 =	vadd.f32 v1, v0  }
.Ltmp15:
0x689: {  	(pc) =	sbr.rel @p0 .LBB2_32-.Ltmp15, $4  }
0x68a: {  	[tilespmem:s14+$0x1CFA0] =	vst v0  }
0x68b: {  	v1 =	vld.idx.msk [tilespmem:v2+s1+$0x0], $0xffff  }
0x68c: {  	v0 =	vld.idx.msk [tilespmem:v3+s31+$0x0], $0xffff  }
0x68d: {  	s16 =	sshra.s32 s15, $0x2;
	s15 =	sadd.s32 $0x100, s15  }
0x68e: {  	v2 =	vld [tilespmem:s16+$0x18F80]  }
0x68f: {  	v3 =	vld [tilespmem:s16+$0x19F80];
	_ =	sdelay $0x1  }
0x690: {  	v1 =	vmul.f32 $8.000000000e+00, v1;
	_ =	sdelay $0x1  }
0x691: {  	v0 =	vadd.f32 v0, v1;
	_ =	sdelay $0x1  }
0x692: {  	[tilespmem:s14+$0x1CFB0] =	vst v0  }
0x693: {  	v0 =	vld.idx.msk [tilespmem:v2+s1+$0x0], $0xffff  }
0x694: {  	v1 =	vld.idx.msk [tilespmem:v3+s31+$0x0], $0xffff  }
0x695: {  	v2 =	vld [tilespmem:s16+$0x18F90]  }
0x696: {  	v3 =	vld [tilespmem:s16+$0x19F90];
	_ =	sdelay $0x1  }
0x697: {  	v0 =	vmul.f32 $8.000000000e+00, v0;
	_ =	sdelay $0x1  }
0x698: {  	v0 =	vadd.f32 v1, v0;
	_ =	sdelay $0x1  }
0x699: {  	[tilespmem:s16+$0x1CF80] =	vst v0  }
0x69a: {  	v0 =	vld.idx.msk [tilespmem:v2+s1+$0x0], $0xffff  }
0x69b: {  	v1 =	vld.idx.msk [tilespmem:v3+s31+$0x0], $0xffff  }
0x69c: {  	v2 =	vld [tilespmem:s16+$0x18FA0]  }
0x69d: {  	v3 =	vld [tilespmem:s16+$0x19FA0];
	_ =	sdelay $0x1  }
0x69e: {  	v0 =	vmul.f32 $8.000000000e+00, v0;
	_ =	sdelay $0x1  }
0x69f: {  	v0 =	vadd.f32 v1, v0;
	_ =	sdelay $0x1  }
0x6a0: {  	[tilespmem:s16+$0x1CF90] =	vst v0  }
0x6a1: {  	v0 =	vld.idx.msk [tilespmem:v2+s1+$0x0], $0xffff  }
0x6a2: {  	v1 =	vld.idx.msk [tilespmem:v3+s31+$0x0], $0xffff  }
0x6a3: {  	v2 =	vld [tilespmem:s16+$0x18FB0];
	_ =	sdelay $0x1  }
0x6a4: {  	v3 =	vld [tilespmem:s16+$0x19FB0]  }
0x6a5: {  	v0 =	vmul.f32 $8.000000000e+00, v0;
	_ =	sdelay $0x1  }
0x6a6: {  	v0 =	vadd.f32 v1, v0;
	_ =	sdelay $0x1  }
0x6a7: {  	[tilespmem:s16+$0x1CFA0] =	vst v0  }
0x6a8: {  	v0 =	vld.idx.msk [tilespmem:v2+s1+$0x0], $0xffff;
	_ =	sdelay $0x1  }
0x6a9: {  	v1 =	vld.idx.msk [tilespmem:v3+s31+$0x0], $0xffff;
	_ =	sdelay $0x2  }
0x6aa: {  	v0 =	vmul.f32 $8.000000000e+00, v0;
	_ =	sdelay $0x1  }
0x6ab: {  	s25 =	sld [smem:$0x7F4];
	v0 =	vadd.f32 v1, v0;
	_ =	sdelay $0x1  }
0x6ac: {  	s15 =	simm.s32 $0x1CF80;
	s26 =	sld [smem:$0x7F5];
	[tilespmem:s16+$0x1CFB0] =	vst v0  }
0x6ad: {  	[hbm4b:s25+s29] =	stream.strided.scatter [tilespmem:s15], [sflag:$0x3], $0x800, s30, s29, $0x38;
	[tilespmem:$0x1FF80] =	vst v63  }
0x6ae: {  	s28 =	simm.s32 $0x1D780  }
0x6af: {  	[hbm4b:s26+s29] =	stream.strided.scatter [tilespmem:s28], [sflag:$0x3], $0x800, s30, s29, $0x38;
	[tilespmem:$0x1FF80] =	vst v63  }
0x6b0: {  	_ =	swait.ge [sflag:s6], $0x1000  }
0x6b1: {  	[sflag:s6] =	ssyncset.done $0x0  }
0x6b2: {  	[sflag:s6] =	ssyncadd.s32 $0xFFFFF000  }
0x6b3: {  	_ =	swait.ge [sflag:s6], $0x1000  }
0x6b4: {  	[sflag:s6] =	ssyncset.done $0x0  }
0x6b5: {  	[sflag:s6] =	ssyncadd.s32 $0xFFFFF000  }
0x6b6: {  	_ =	swait.ge [sflag:s5], $0x800  }
0x6b7: {  	[sflag:s5] =	ssyncset.done $0x0  }
0x6b8: {  	[sflag:s5] =	ssyncadd.s32 $0xFFFFF800  }
0x6b9: {  	_ =	swait.ge [sflag:s5], $0x800  }
0x6ba: {  	[sflag:s5] =	ssyncset.done $0x0  }
0x6bb: {  	s14 =	simm.s32 $0x0;
	[sflag:s5] =	ssyncadd.s32 $0xFFFFF800  }
0x6bc: {  	v0 =	vld [tilespmem:s14+$0x1AF80];
	_ =	sdelay $0x1  }
0x6bd: {  	v1 =	vld [tilespmem:s14+$0x1BF80];
	_ =	sdelay $0x5  }
0x6be: {  	v0 =	vld.idx.msk [tilespmem:v0+s1+$0x0], $0xffff  }
0x6bf: {  	v2 =	vld [tilespmem:s14+$0x1AF90]  }
0x6c0: {  	v1 =	vld.idx.msk [tilespmem:v1+s31+$0x0], $0xffff  }
0x6c1: {  	v3 =	vld [tilespmem:s14+$0x1BF90];
	_ =	sdelay $0x1  }
0x6c2: {  	v0 =	vmul.f32 $8.000000000e+00, v0;
	_ =	sdelay $0x1  }
0x6c3: {  	v0 =	vadd.f32 v1, v0;
	_ =	sdelay $0x1  }
0x6c4: {  	[tilespmem:s14+$0x1DF80] =	vst v0  }
0x6c5: {  	v0 =	vld.idx.msk [tilespmem:v2+s1+$0x0], $0xffff  }
0x6c6: {  	v1 =	vld.idx.msk [tilespmem:v3+s31+$0x0], $0xffff  }
0x6c7: {  	v2 =	vld [tilespmem:s14+$0x1AFA0]  }
0x6c8: {  	v3 =	vld [tilespmem:s14+$0x1BFA0];
	_ =	sdelay $0x1  }
0x6c9: {  	v0 =	vmul.f32 $8.000000000e+00, v0;
	_ =	sdelay $0x1  }
0x6ca: {  	v0 =	vadd.f32 v1, v0;
	_ =	sdelay $0x1  }
0x6cb: {  	[tilespmem:s14+$0x1DF90] =	vst v0  }
0x6cc: {  	v0 =	vld.idx.msk [tilespmem:v2+s1+$0x0], $0xffff  }
0x6cd: {  	v1 =	vld.idx.msk [tilespmem:v3+s31+$0x0], $0xffff  }
0x6ce: {  	v2 =	vld [tilespmem:s14+$0x1AFB0]  }
0x6cf: {  	v3 =	vld [tilespmem:s14+$0x1BFB0];
	_ =	sdelay $0x1  }
0x6d0: {  	v0 =	vmul.f32 $8.000000000e+00, v0;
	_ =	sdelay $0x1  }
0x6d1: {  	v0 =	vadd.f32 v1, v0;
	_ =	sdelay $0x1  }
0x6d2: {  	[tilespmem:s14+$0x1DFA0] =	vst v0  }
0x6d3: {  	v1 =	vld.idx.msk [tilespmem:v2+s1+$0x0], $0xffff  }
0x6d4: {  	s16 =	simm.s32 $0x40;
	s15 =	simm.s32 $0x200;
	v0 =	vld.idx.msk [tilespmem:v3+s31+$0x0], $0xffff  }
.LBB2_34:
0x6d5: {  	p0 =	sne.s32 s15, $0x3F00;
	v2 =	vld [tilespmem:s16+$0x1AF80]  }
0x6d6: {  	v3 =	vld [tilespmem:s16+$0x1BF80];
	_ =	sdelay $0x1  }
0x6d7: {  	v1 =	vmul.f32 $8.000000000e+00, v1;
	_ =	sdelay $0x1  }
0x6d8: {  	v0 =	vadd.f32 v0, v1;
	_ =	sdelay $0x1  }
0x6d9: {  	[tilespmem:s14+$0x1DFB0] =	vst v0;
	s14 =	smov.u32 s16  }
0x6da: {  	v0 =	vld.idx.msk [tilespmem:v2+s1+$0x0], $0xffff  }
0x6db: {  	v1 =	vld.idx.msk [tilespmem:v3+s31+$0x0], $0xffff;
	_ =	sdelay $0x1  }
0x6dc: {  	v2 =	vld [tilespmem:s14+$0x1AF90];
	_ =	sdelay $0x1  }
0x6dd: {  	v3 =	vld [tilespmem:s14+$0x1BF90]  }
0x6de: {  	v0 =	vmul.f32 $8.000000000e+00, v0;
	_ =	sdelay $0x1  }
0x6df: {  	v0 =	vadd.f32 v1, v0;
	_ =	sdelay $0x1  }
0x6e0: {  	[tilespmem:s14+$0x1DF80] =	vst v0  }
0x6e1: {  	v0 =	vld.idx.msk [tilespmem:v2+s1+$0x0], $0xffff;
	_ =	sdelay $0x1  }
0x6e2: {  	v1 =	vld.idx.msk [tilespmem:v3+s31+$0x0], $0xffff  }
0x6e3: {  	v2 =	vld [tilespmem:s14+$0x1AFA0];
	_ =	sdelay $0x1  }
0x6e4: {  	v3 =	vld [tilespmem:s14+$0x1BFA0]  }
0x6e5: {  	v0 =	vmul.f32 $8.000000000e+00, v0;
	_ =	sdelay $0x1  }
0x6e6: {  	v0 =	vadd.f32 v1, v0;
	_ =	sdelay $0x1  }
0x6e7: {  	[tilespmem:s14+$0x1DF90] =	vst v0  }
0x6e8: {  	v0 =	vld.idx.msk [tilespmem:v2+s1+$0x0], $0xffff;
	_ =	sdelay $0x1  }
0x6e9: {  	v1 =	vld.idx.msk [tilespmem:v3+s31+$0x0], $0xffff  }
0x6ea: {  	v2 =	vld [tilespmem:s14+$0x1AFB0]  }
0x6eb: {  	v3 =	vld [tilespmem:s14+$0x1BFB0];
	_ =	sdelay $0x1  }
0x6ec: {  	v0 =	vmul.f32 $8.000000000e+00, v0;
	_ =	sdelay $0x1  }
0x6ed: {  	v0 =	vadd.f32 v1, v0  }
.Ltmp16:
0x6ee: {  	(pc) =	sbr.rel @p0 .LBB2_34-.Ltmp16, $4  }
0x6ef: {  	[tilespmem:s14+$0x1DFA0] =	vst v0  }
0x6f0: {  	v1 =	vld.idx.msk [tilespmem:v2+s1+$0x0], $0xffff  }
0x6f1: {  	v0 =	vld.idx.msk [tilespmem:v3+s31+$0x0], $0xffff  }
0x6f2: {  	s16 =	sshra.s32 s15, $0x2;
	s15 =	sadd.s32 $0x100, s15  }
0x6f3: {  	v2 =	vld [tilespmem:s16+$0x1AF80];
	_ =	sdelay $0x1  }
0x6f4: {  	v3 =	vld [tilespmem:s16+$0x1BF80]  }
0x6f5: {  	v1 =	vmul.f32 $8.000000000e+00, v1;
	_ =	sdelay $0x1  }
0x6f6: {  	v0 =	vadd.f32 v0, v1;
	_ =	sdelay $0x1  }
0x6f7: {  	[tilespmem:s14+$0x1DFB0] =	vst v0  }
0x6f8: {  	v0 =	vld.idx.msk [tilespmem:v2+s1+$0x0], $0xffff  }
0x6f9: {  	v55 =	vld [tilespmem:s16+$0x1AF90]  }
0x6fa: {  	v54 =	vld.idx.msk [tilespmem:v3+s31+$0x0], $0xffff;
	_ =	sdelay $0x1  }
0x6fb: {  	v56 =	vld [tilespmem:s16+$0x1BF90]  }
0x6fc: {  	v0 =	vmul.f32 $8.000000000e+00, v0;
	_ =	sdelay $0x1  }
0x6fd: {  	v0 =	vadd.f32 v54, v0;
	_ =	sdelay $0x1  }
0x6fe: {  	[tilespmem:s16+$0x1DF80] =	vst v0  }
0x6ff: {  	v0 =	vld.idx.msk [tilespmem:v55+s1+$0x0], $0xffff  }
0x700: {  	v58 =	vld [tilespmem:s16+$0x1AFA0]  }
0x701: {  	v57 =	vld.idx.msk [tilespmem:v56+s31+$0x0], $0xffff;
	_ =	sdelay $0x1  }
0x702: {  	v59 =	vld [tilespmem:s16+$0x1BFA0]  }
0x703: {  	v0 =	vmul.f32 $8.000000000e+00, v0;
	_ =	sdelay $0x1  }
0x704: {  	v0 =	vadd.f32 v57, v0;
	_ =	sdelay $0x1  }
0x705: {  	[tilespmem:s16+$0x1DF90] =	vst v0  }
0x706: {  	v0 =	vld.idx.msk [tilespmem:v58+s1+$0x0], $0xffff  }
0x707: {  	v61 =	vld [tilespmem:s16+$0x1AFB0]  }
0x708: {  	v60 =	vld.idx.msk [tilespmem:v59+s31+$0x0], $0xffff;
	_ =	sdelay $0x1  }
0x709: {  	v62 =	vld [tilespmem:s16+$0x1BFB0]  }
0x70a: {  	v0 =	vmul.f32 $8.000000000e+00, v0;
	_ =	sdelay $0x1  }
0x70b: {  	v0 =	vadd.f32 v60, v0;
	_ =	sdelay $0x1  }
0x70c: {  	[tilespmem:s16+$0x1DFA0] =	vst v0  }
0x70d: {  	v0 =	vld.idx.msk [tilespmem:v61+s1+$0x0], $0xffff;
	_ =	sdelay $0x1  }
0x70e: {  	v63 =	vld.idx.msk [tilespmem:v62+s31+$0x0], $0xffff;
	_ =	sdelay $0x2  }
0x70f: {  	v0 =	vmul.f32 $8.000000000e+00, v0;
	_ =	sdelay $0x1  }
0x710: {  	s24 =	sld [smem:$0x7F7];
	v0 =	vadd.f32 v63, v0;
	_ =	sdelay $0x1  }
0x711: {  	s15 =	simm.s32 $0x1DF80;
	s25 =	sld [smem:$0x7F8];
	[tilespmem:s16+$0x1DFB0] =	vst v0  }
0x712: {  	[hbm4b:s24+s29] =	stream.strided.scatter [tilespmem:s15], [sflag:$0x3], $0x800, s30, s29, $0x38;
	[tilespmem:$0x1FF80] =	vst v63  }
0x713: {  	s26 =	simm.s32 $0x1E780  }
0x714: {  	[hbm4b:s25+s29] =	stream.strided.scatter [tilespmem:s26], [sflag:$0x3], $0x800, s30, s29, $0x38;
	[tilespmem:$0x1FF80] =	vst v63  }
0x715: {  	_ =	swait.ge [sflag:s5], $0x800  }
0x716: {  	[sflag:s5] =	ssyncset.done $0x0  }
0x717: {  	[sflag:s5] =	ssyncadd.s32 $0xFFFFF800  }
0x718: {  	_ =	swait.ge [sflag:s5], $0x800  }
0x719: {  	[sflag:s5] =	ssyncset.done $0x0  }
0x71a: {  	[sflag:s5] =	ssyncadd.s32 $0xFFFFF800  }
0x71b: {  	_ =	swait.ge [sflag:s5], $0x800  }
0x71c: {  	[sflag:s5] =	ssyncset.done $0x0  }
0x71d: {  	[sflag:s5] =	ssyncadd.s32 $0xFFFFF800  }
0x71e: {  	_ =	swait.ge [sflag:s5], $0x800  }
0x71f: {  	s28 =	sld [smem:$0x7FB];
	_ =	sdelay $0x1  }
0x720: {  	s7 =	sadd.s32 $0x1, s7  }
0x721: {  	p0 =	sne.s32 s7, s28  }
.Ltmp17:
0x722: {  	_ = 	snop;
	(pc) =	sbr.rel @p0 .LBB2_1-.Ltmp17, $3  }
0x723: {  	_ =	sdelay $0x1  }
0x724: {  	[sflag:s5] =	ssyncset.done $0x0  }
0x725: {  	[sflag:s5] =	ssyncadd.s32 $0xFFFFF800  }
0x726: {  	_ =	sfence.sel $0x180000  }
0x727: {  	[bflag:$0x0] =	sbarrier.arrive $0xFFFF  }
0x728: {  	_ =	strace $0x90000047  }
0x729: {  	s0 =	stileid.u32;
	[bflag:$0x2] =	sbarrier.arrive $0xFFFF  }
0x72a: {  	p0 =	sne.s32 s0, $0x0;
	s0 =	rddreg [dreg:$0x6]  }
0x72b: {  	s0 =	sadd.s32 @!p0 $0x100000, s0  }
0x72c: {  	[sflag:s0] =	ssyncadd.tile.s32 @!p0 $0x1;
	_ =	shalt  }
.Lfunc_end2:
_tile_overlayer_lowered:
.L_overlay_start_2:
0x72d: {  	(tag) =	ssettag $0x2  }
0x72e: {  	s0 =	rddreg [dreg:$0x0];
	s2 =	stileid.u32  }
0x72f: {  	s1 =	rddreg [dreg:$0x1];
	p0 =	sne.s32 s2, $0x0  }
0x730: {  	s3 =	rddreg [dreg:$0x2];
	[bflag:$0x3] =	sbarrier.arrive $0xFFFF;
	s2 =	simm.s32 @!p0 $0x1C04  }
0x731: {  	[timem:s3], [sflag:s2] =	dma.local @!p0 [hbm:s0], s1  }
0x732: {  	s0 =	simm.s32 @!p0 $0x4  }
0x733: {  	_ =	swait.ge @!p0 [sflag:s0], s1  }
0x734: {  	s1 =	ssub.s32 @!p0 $0x0, s1;
	[sflag:s0] =	ssyncset.done @!p0 $0x0  }
0x735: {  	[sflag:s0] =	ssyncadd.s32 @!p0 s1  }
0x736: {  	[bflag:$0x3] =	sbarrier.arrive $0xFFFF  }
0x737: {  	_ =	shalt  }

</sc_bundles>
